<compile_context>
chip_gen: v7x
topology: tpu7x:2x2x1
jax: 0.10.2.dev20260603
libtpu: 0.0.44.dev20260713+nightly
codegen_flags: <defaults>
</compile_context>

<pallas_src>
import jax
import jax.numpy as jnp
from jax import lax
from jax.experimental import pallas as pl
from jax.experimental.pallas import tpu as pltpu, tpu_sc as plsc

_NUM_FIELDS = 26
_VOCAB = 1000000
_BATCH = 16384
_DENSE = 13

_PADV = 1001472
_NW = 32
_RPW = _BATCH // _NW
_CHUNK = 128
_NG = _NUM_FIELDS * _RPW // _CHUNK
_NCH = _RPW // 16


def _body(table_hbm, idx_hbm, xd_hbm, wv_hbm, wnv_hbm, bias_hbm, out_hbm,
          idx_v, vals_v, xd_v, wv_v, wnv_v, bias_v, out_v, acc_v, sem):
    wid = lax.axis_index("s") * 2 + lax.axis_index("c")
    base = wid * _RPW

    pltpu.sync_copy(idx_hbm.at[wid], idx_v)
    pltpu.sync_copy(xd_hbm.at[wid], xd_v)
    pltpu.sync_copy(wv_hbm, wv_v)
    pltpu.sync_copy(wnv_hbm, wnv_v)
    pltpu.sync_copy(bias_hbm, bias_v)

    def fire(g, _):
        pltpu.async_copy(table_hbm.at[idx_v.at[g]], vals_v.at[g], sem)
        return 0

    lax.fori_loop(0, _NG, fire, 0, unroll=False)

    for c in range(_NCH):
        def dbody(d, acc):
            x = xd_v[d, pl.ds(c * 16, 16)]
            return acc + wnv_v[d, :] * x

        acc_v[pl.ds(c * 16, 16)] = lax.fori_loop(
            0, _DENSE, dbody, bias_v[0, :], unroll=False)

    def drain(f, _):
        for _j in range(4):
            pltpu.make_async_copy(table_hbm.at[idx_v.at[0]], vals_v.at[0],
                                  sem).wait()
        w = wv_v[f, :]
        for j in range(4):
            for k in range(8):
                o = j * 128 + k * 16
                acc_v[pl.ds(o, 16)] = (acc_v[pl.ds(o, 16)]
                                       + w * vals_v[4 * f + j,
                                                    pl.ds(k * 16, 16)])
        return 0

    lax.fori_loop(0, _NUM_FIELDS, drain, 0, unroll=False)

    for c in range(_NCH):
        acc = acc_v[pl.ds(c * 16, 16)]
        out_v[pl.ds(c * 16, 16)] = 1.0 / (1.0 + jnp.exp(-acc))

    pltpu.sync_copy(out_v, out_hbm.at[pl.ds(base, _RPW)])


def kernel(X_sparse, X_dense, tables, W_cate, b_cate, W_nume, b_nume):
    flat_idx = X_sparse + (jnp.arange(_NUM_FIELDS, dtype=jnp.int32) * _PADV)
    idx_prep = (flat_idx.T.reshape(_NUM_FIELDS, _NW, _RPW)
                .transpose(1, 0, 2).reshape(_NW, _NG, _CHUNK))
    xd_prep = (X_dense.T.reshape(_DENSE, _NW, _RPW)
               .transpose(1, 0, 2))
    table_2d = jnp.pad(tables, ((0, 0), (0, _PADV - _VOCAB), (0, 0))
                       ).reshape(_NUM_FIELDS * _PADV)
    wv = jnp.broadcast_to(W_cate[0][:, None], (_NUM_FIELDS, 16))
    wnv = jnp.broadcast_to(W_nume[0][:, None], (_DENSE, 16))
    bias = jnp.broadcast_to((b_cate + b_nume)[:, None], (1, 16))

    mesh = plsc.VectorSubcoreMesh(core_axis_name="c", subcore_axis_name="s")
    out = pl.kernel(
        _body,
        out_type=jax.ShapeDtypeStruct((_BATCH,), jnp.float32),
        mesh=mesh,
        scratch_types=[
            pltpu.VMEM((_NG, _CHUNK), jnp.int32),
            pltpu.VMEM((_NG, _CHUNK), jnp.float32),
            pltpu.VMEM((_DENSE, _RPW), jnp.float32),
            pltpu.VMEM((_NUM_FIELDS, 16), jnp.float32),
            pltpu.VMEM((_DENSE, 16), jnp.float32),
            pltpu.VMEM((1, 16), jnp.float32),
            pltpu.VMEM((_RPW,), jnp.float32),
            pltpu.VMEM((_RPW,), jnp.float32),
            pltpu.SemaphoreType.DMA,
        ],
    )(table_2d, idx_prep, xd_prep, wv, wnv, bias)
    return out.reshape(_BATCH, 1)

# --- scband reference (transcript-rebuilt; emitter-appended) ---
"""Pipeline reference for scband-logistic-regression-36155034697928 (READ-ONLY COPY).

The authoritative reference and input builder live on the scoring server;
editing this copy changes nothing except your own understanding.
"""

import jax, jax.numpy as jnp
import numpy as np

NUM_FIELDS = 26
VOCAB = 1000000
BATCH = 16384
DENSE = 13


def setup_inputs(seed: int = 0) -> dict:
    key = jax.random.key(seed)
    ks = jax.random.split(key, 7)
    X_sparse = jax.random.randint(ks[0], (BATCH, NUM_FIELDS), 0, VOCAB, dtype=jnp.int64 if jax.config.jax_enable_x64 else jnp.int32).astype(jnp.int32)
    X_dense = jax.random.normal(ks[1], (BATCH, DENSE), dtype=jnp.float32)
    # stacked per-field embedding tables, each [VOCAB, 1] (all vocabs equal)
    tables = jax.random.normal(ks[2], (NUM_FIELDS, VOCAB, 1), dtype=jnp.float32) * 0.01
    W_cate = jax.random.normal(ks[3], (1, NUM_FIELDS), dtype=jnp.float32) * (1.0 / np.sqrt(NUM_FIELDS))
    b_cate = jax.random.normal(ks[4], (1,), dtype=jnp.float32) * 0.01
    W_nume = jax.random.normal(ks[5], (1, DENSE), dtype=jnp.float32) * (1.0 / np.sqrt(DENSE))
    b_nume = jax.random.normal(ks[6], (1,), dtype=jnp.float32) * 0.01
    return {"X_sparse": X_sparse, "X_dense": X_dense, "tables": tables,
            "W_cate": W_cate, "b_cate": b_cate, "W_nume": W_nume, "b_nume": b_nume}


def reference(X_sparse, X_dense, tables, W_cate, b_cate, W_nume, b_nume):
    # per-field embedding lookup: tables[i][X_sparse[:, i]] -> scalar per (row, field)
    field_idx = jnp.arange(NUM_FIELDS)[None, :]            # [1, F]
    cate_emb = tables[field_idx, X_sparse, 0]              # [B, F]
    x_cate = cate_emb @ W_cate.T + b_cate                  # [B, 1]
    x_nume = X_dense @ W_nume.T + b_nume                   # [B, 1]
    x = x_cate + x_nume
    return jax.nn.sigmoid(x)

if __name__ == "__main__":
    import jax
    _d = setup_inputs()
    print(jax.jit(kernel)(*tuple(_d.values())))

</pallas_src>

<mosaic_0001>
#map = affine_map<(d0, d1) -> (0)>
#map1 = affine_map<(d0, d1) -> (0, 0, 0)>
#map2 = affine_map<(d0, d1) -> (0, 0)>
module attributes {stable_mosaic.version = 14 : i64} {
  func.func @_body(%arg0: i32, %arg1: i32, %arg2: memref<26038272xf32, #tpu.memory_space<hbm>>, %arg3: memref<32x104x128xi32, #tpu.memory_space<hbm>>, %arg4: memref<32x13x512xf32, #tpu.memory_space<hbm>>, %arg5: memref<26x16xf32, #tpu.memory_space<hbm>>, %arg6: memref<13x16xf32, #tpu.memory_space<hbm>>, %arg7: memref<1x16xf32, #tpu.memory_space<hbm>>, %arg8: memref<16384xf32, #tpu.memory_space<hbm>>, %arg9: memref<104x128xi32, #tpu.memory_space<vmem>>, %arg10: memref<104x128xf32, #tpu.memory_space<vmem>>, %arg11: memref<13x512xf32, #tpu.memory_space<vmem>>, %arg12: memref<26x16xf32, #tpu.memory_space<vmem>>, %arg13: memref<13x16xf32, #tpu.memory_space<vmem>>, %arg14: memref<1x16xf32, #tpu.memory_space<vmem>>, %arg15: memref<512xf32, #tpu.memory_space<vmem>>, %arg16: memref<512xf32, #tpu.memory_space<vmem>>, %arg17: memref<!tpu.dma_semaphore, #tpu.memory_space<semaphore_mem>>) attributes {dimension_semantics = [#tpu.dimension_semantics<core_parallel>, #tpu.dimension_semantics<subcore_parallel>], iteration_bounds = array<i64: 2, 16>, scalar_prefetch = 0 : i64, scratch_operands = 9 : i64, tpu.core_type = #tpu.core_type<sc_vector_subcore>, window_params = [{transform_indices = #map}, {transform_indices = #map1}, {transform_indices = #map1}, {transform_indices = #map2}, {transform_indices = #map2}, {transform_indices = #map2}, {transform_indices = #map}]} {
    %mul3A = arith.constant 2 : i32
    %mul3A_0 = arith.muli %arg1, %mul3A : i32
    %add3A = arith.addi %mul3A_0, %arg0 : i32
    %mul3A_1 = arith.constant 512 : i32
    %mul3A_2 = arith.muli %add3A, %mul3A_1 : i32
    "tpu.region"() ({
      %run_scoped3A = tpu.sem_alloc : memref<!tpu.dma_semaphore, #tpu.memory_space<semaphore_mem>>
      %dma_start3A = arith.constant 0 : i32
      %dma_start3A_1035 = arith.constant 0 : i32
      %dma_start3A_1036 = tpu.memref_slice %arg3[%add3A, %dma_start3A, %dma_start3A_1035] : memref<32x104x128xi32, #tpu.memory_space<hbm>> -> memref<1x104x128xi32, #tpu.memory_space<hbm>>
      %dma_start3A_1037 = tpu.memref_squeeze %dma_start3A_1036 : memref<1x104x128xi32, #tpu.memory_space<hbm>> -> memref<104x128xi32, #tpu.memory_space<hbm>>
      %dma_start3A_1038 = arith.constant 0 : i32
      %dma_start3A_1039 = arith.constant 0 : i32
      %dma_start3A_1040 = tpu.memref_slice %arg3[%add3A, %dma_start3A_1038, %dma_start3A_1039] : memref<32x104x128xi32, #tpu.memory_space<hbm>> -> memref<1x104x128xi32, #tpu.memory_space<hbm>>
      %dma_start3A_1041 = tpu.memref_squeeze %dma_start3A_1040 : memref<1x104x128xi32, #tpu.memory_space<hbm>> -> memref<104x128xi32, #tpu.memory_space<hbm>>
      tpu.enqueue_dma source(%dma_start3A_1041 : memref<104x128xi32, #tpu.memory_space<hbm>>) target(%arg9 : memref<104x128xi32, #tpu.memory_space<vmem>>) target_semaphore(%run_scoped3A : memref<!tpu.dma_semaphore, #tpu.memory_space<semaphore_mem>>)
      %dma_wait3A = arith.constant 0 : i32
      %dma_wait3A_1042 = arith.constant 0 : i32
      %dma_wait3A_1043 = tpu.memref_slice %arg3[%add3A, %dma_wait3A, %dma_wait3A_1042] : memref<32x104x128xi32, #tpu.memory_space<hbm>> -> memref<1x104x128xi32, #tpu.memory_space<hbm>>
      %dma_wait3A_1044 = tpu.memref_squeeze %dma_wait3A_1043 : memref<1x104x128xi32, #tpu.memory_space<hbm>> -> memref<104x128xi32, #tpu.memory_space<hbm>>
      %dma_wait3A_1045 = arith.constant 0 : i32
      %dma_wait3A_1046 = arith.constant 0 : i32
      %dma_wait3A_1047 = tpu.memref_slice %arg3[%add3A, %dma_wait3A_1045, %dma_wait3A_1046] : memref<32x104x128xi32, #tpu.memory_space<hbm>> -> memref<1x104x128xi32, #tpu.memory_space<hbm>>
      %dma_wait3A_1048 = tpu.memref_squeeze %dma_wait3A_1047 : memref<1x104x128xi32, #tpu.memory_space<hbm>> -> memref<104x128xi32, #tpu.memory_space<hbm>>
      tpu.wait_dma2 semaphore(%run_scoped3A : memref<!tpu.dma_semaphore, #tpu.memory_space<semaphore_mem>>) src(%dma_wait3A_1048 : memref<104x128xi32, #tpu.memory_space<hbm>>) dst(%arg9 : memref<104x128xi32, #tpu.memory_space<vmem>>)
      tpu.yield
    }) : () -> ()
    "tpu.region"() ({
      %run_scoped3A = tpu.sem_alloc : memref<!tpu.dma_semaphore, #tpu.memory_space<semaphore_mem>>
      %dma_start3A = arith.constant 0 : i32
      %dma_start3A_1035 = arith.constant 0 : i32
      %dma_start3A_1036 = tpu.memref_slice %arg4[%add3A, %dma_start3A, %dma_start3A_1035] : memref<32x13x512xf32, #tpu.memory_space<hbm>> -> memref<1x13x512xf32, #tpu.memory_space<hbm>>
      %dma_start3A_1037 = tpu.memref_squeeze %dma_start3A_1036 : memref<1x13x512xf32, #tpu.memory_space<hbm>> -> memref<13x512xf32, #tpu.memory_space<hbm>>
      %dma_start3A_1038 = arith.constant 0 : i32
      %dma_start3A_1039 = arith.constant 0 : i32
      %dma_start3A_1040 = tpu.memref_slice %arg4[%add3A, %dma_start3A_1038, %dma_start3A_1039] : memref<32x13x512xf32, #tpu.memory_space<hbm>> -> memref<1x13x512xf32, #tpu.memory_space<hbm>>
      %dma_start3A_1041 = tpu.memref_squeeze %dma_start3A_1040 : memref<1x13x512xf32, #tpu.memory_space<hbm>> -> memref<13x512xf32, #tpu.memory_space<hbm>>
      tpu.enqueue_dma source(%dma_start3A_1041 : memref<13x512xf32, #tpu.memory_space<hbm>>) target(%arg11 : memref<13x512xf32, #tpu.memory_space<vmem>>) target_semaphore(%run_scoped3A : memref<!tpu.dma_semaphore, #tpu.memory_space<semaphore_mem>>)
      %dma_wait3A = arith.constant 0 : i32
      %dma_wait3A_1042 = arith.constant 0 : i32
      %dma_wait3A_1043 = tpu.memref_slice %arg4[%add3A, %dma_wait3A, %dma_wait3A_1042] : memref<32x13x512xf32, #tpu.memory_space<hbm>> -> memref<1x13x512xf32, #tpu.memory_space<hbm>>
      %dma_wait3A_1044 = tpu.memref_squeeze %dma_wait3A_1043 : memref<1x13x512xf32, #tpu.memory_space<hbm>> -> memref<13x512xf32, #tpu.memory_space<hbm>>
      %dma_wait3A_1045 = arith.constant 0 : i32
      %dma_wait3A_1046 = arith.constant 0 : i32
      %dma_wait3A_1047 = tpu.memref_slice %arg4[%add3A, %dma_wait3A_1045, %dma_wait3A_1046] : memref<32x13x512xf32, #tpu.memory_space<hbm>> -> memref<1x13x512xf32, #tpu.memory_space<hbm>>
      %dma_wait3A_1048 = tpu.memref_squeeze %dma_wait3A_1047 : memref<1x13x512xf32, #tpu.memory_space<hbm>> -> memref<13x512xf32, #tpu.memory_space<hbm>>
      tpu.wait_dma2 semaphore(%run_scoped3A : memref<!tpu.dma_semaphore, #tpu.memory_space<semaphore_mem>>) src(%dma_wait3A_1048 : memref<13x512xf32, #tpu.memory_space<hbm>>) dst(%arg11 : memref<13x512xf32, #tpu.memory_space<vmem>>)
      tpu.yield
    }) : () -> ()
    "tpu.region"() ({
      %run_scoped3A = tpu.sem_alloc : memref<!tpu.dma_semaphore, #tpu.memory_space<semaphore_mem>>
      tpu.enqueue_dma source(%arg5 : memref<26x16xf32, #tpu.memory_space<hbm>>) target(%arg12 : memref<26x16xf32, #tpu.memory_space<vmem>>) target_semaphore(%run_scoped3A : memref<!tpu.dma_semaphore, #tpu.memory_space<semaphore_mem>>)
      tpu.wait_dma2 semaphore(%run_scoped3A : memref<!tpu.dma_semaphore, #tpu.memory_space<semaphore_mem>>) src(%arg5 : memref<26x16xf32, #tpu.memory_space<hbm>>) dst(%arg12 : memref<26x16xf32, #tpu.memory_space<vmem>>)
      tpu.yield
    }) : () -> ()
    "tpu.region"() ({
      %run_scoped3A = tpu.sem_alloc : memref<!tpu.dma_semaphore, #tpu.memory_space<semaphore_mem>>
      tpu.enqueue_dma source(%arg6 : memref<13x16xf32, #tpu.memory_space<hbm>>) target(%arg13 : memref<13x16xf32, #tpu.memory_space<vmem>>) target_semaphore(%run_scoped3A : memref<!tpu.dma_semaphore, #tpu.memory_space<semaphore_mem>>)
      tpu.wait_dma2 semaphore(%run_scoped3A : memref<!tpu.dma_semaphore, #tpu.memory_space<semaphore_mem>>) src(%arg6 : memref<13x16xf32, #tpu.memory_space<hbm>>) dst(%arg13 : memref<13x16xf32, #tpu.memory_space<vmem>>)
      tpu.yield
    }) : () -> ()
    "tpu.region"() ({
      %run_scoped3A = tpu.sem_alloc : memref<!tpu.dma_semaphore, #tpu.memory_space<semaphore_mem>>
      tpu.enqueue_dma source(%arg7 : memref<1x16xf32, #tpu.memory_space<hbm>>) target(%arg14 : memref<1x16xf32, #tpu.memory_space<vmem>>) target_semaphore(%run_scoped3A : memref<!tpu.dma_semaphore, #tpu.memory_space<semaphore_mem>>)
      tpu.wait_dma2 semaphore(%run_scoped3A : memref<!tpu.dma_semaphore, #tpu.memory_space<semaphore_mem>>) src(%arg7 : memref<1x16xf32, #tpu.memory_space<hbm>>) dst(%arg14 : memref<1x16xf32, #tpu.memory_space<vmem>>)
      tpu.yield
    }) : () -> ()
    %scan3A = arith.constant 0 : i32
    %scan3A_3 = arith.constant 0 : i32
    %scan3A_4 = arith.constant 104 : i32
    %scan3A_5 = arith.addi %scan3A_3, %scan3A_4 : i32
    %scan3A_6 = arith.constant 1 : i32
    %scan3A_7 = scf.for %scan3A_1035 = %scan3A_3 to %scan3A_5 step %scan3A_6 iter_args(%scan3A_1036 = %scan3A) -> (i32)  : i32 {
      %dma_start3A = arith.constant 0 : i32
      %dma_start3A_1037 = tpu.memref_slice %arg10[%scan3A_1035, %dma_start3A] : memref<104x128xf32, #tpu.memory_space<vmem>> -> memref<1x128xf32, #tpu.memory_space<vmem>>
      %dma_start3A_1038 = tpu.memref_squeeze %dma_start3A_1037 : memref<1x128xf32, #tpu.memory_space<vmem>> -> memref<128xf32, #tpu.memory_space<vmem>>
      %dma_start3A_1039 = arith.constant 0 : i32
      %dma_start3A_1040 = tpu.memref_slice %arg9[%scan3A_1035, %dma_start3A_1039] : memref<104x128xi32, #tpu.memory_space<vmem>> -> memref<1x128xi32, #tpu.memory_space<vmem>>
      %dma_start3A_1041 = tpu.memref_squeeze %dma_start3A_1040 : memref<1x128xi32, #tpu.memory_space<vmem>> -> memref<128xi32, #tpu.memory_space<vmem>>
      %dma_start3A_1042 = arith.constant 0 : i32
      %dma_start3A_1043 = tpu.memref_slice %arg2[%dma_start3A_1042] : memref<26038272xf32, #tpu.memory_space<hbm>> -> memref<26038272xf32, #tpu.memory_space<hbm>>
      tpu.enqueue_indirect_dma source(%dma_start3A_1043 : memref<26038272xf32, #tpu.memory_space<hbm>>) target(%dma_start3A_1038 : memref<128xf32, #tpu.memory_space<vmem>>) offsets(%dma_start3A_1041 : memref<128xi32, #tpu.memory_space<vmem>>) semaphore(%arg17 : memref<!tpu.dma_semaphore, #tpu.memory_space<semaphore_mem>>)
      %scan3A_1044 = arith.constant 0 : i32
      scf.yield %scan3A_1044 : i32
    }
    %scan3A_8 = arith.constant 104 : i32
    %get3A = arith.constant 0 : i32
    %get3A_9 = arith.index_cast %get3A : i32 to index
    %get3A_10 = arith.constant 0 : index
    %get3A_11 = tpu.vector_load %arg14[%get3A_9, %get3A_10] {strides = array<i32>} : memref<1x16xf32, #tpu.memory_space<vmem>>, vector<1x16xf32>,
    %get3A_12 = vector.shape_cast %get3A_11 : vector<1x16xf32> to vector<16xf32>
    %scan3A_13 = arith.constant 0 : i32
    %scan3A_14 = arith.constant 13 : i32
    %scan3A_15 = arith.addi %scan3A_13, %scan3A_14 : i32
    %scan3A_16 = arith.constant 1 : i32
    %scan3A_17 = scf.for %scan3A_1035 = %scan3A_13 to %scan3A_15 step %scan3A_16 iter_args(%scan3A_1036 = %get3A_12) -> (vector<16xf32>)  : i32 {
      %get3A_1037 = arith.index_cast %scan3A_1035 : i32 to index
      %get3A_1038 = arith.constant 0 : index
      %get3A_1039 = tpu.vector_load %arg11[%get3A_1037, %get3A_1038] {strides = array<i32>} : memref<13x512xf32, #tpu.memory_space<vmem>>, vector<1x16xf32>,
      %get3A_1040 = vector.shape_cast %get3A_1039 : vector<1x16xf32> to vector<16xf32>
      %get3A_1041 = arith.index_cast %scan3A_1035 : i32 to index
      %get3A_1042 = arith.constant 0 : index
      %get3A_1043 = tpu.vector_load %arg13[%get3A_1041, %get3A_1042] {strides = array<i32>} : memref<13x16xf32, #tpu.memory_space<vmem>>, vector<1x16xf32>,
      %get3A_1044 = vector.shape_cast %get3A_1043 : vector<1x16xf32> to vector<16xf32>
      %mul3A_1045 = arith.mulf %get3A_1044, %get3A_1040 : vector<16xf32>
      %add3A_1046 = arith.addf %scan3A_1036, %mul3A_1045 : vector<16xf32>
      scf.yield %add3A_1046 : vector<16xf32>
    }
    %scan3A_18 = arith.constant 13 : i32
    %swap3A = arith.constant 0 : index
    %swap3A_19 = tpu.vector_load %arg16[%swap3A] {strides = array<i32>} : memref<512xf32, #tpu.memory_space<vmem>>, vector<16xf32>,
    %swap3A_20 = vector.shape_cast %swap3A_19 : vector<16xf32> to vector<16xf32>
    %swap3A_21 = vector.shape_cast %scan3A_17 : vector<16xf32> to vector<16xf32>
    tpu.vector_store %arg16[%swap3A], %swap3A_21 {strides = array<i32>} : memref<512xf32, #tpu.memory_space<vmem>>, vector<16xf32>,
    %get3A_22 = arith.constant 0 : i32
    %get3A_23 = arith.index_cast %get3A_22 : i32 to index
    %get3A_24 = arith.constant 0 : index
    %get3A_25 = tpu.vector_load %arg14[%get3A_23, %get3A_24] {strides = array<i32>} : memref<1x16xf32, #tpu.memory_space<vmem>>, vector<1x16xf32>,
    %get3A_26 = vector.shape_cast %get3A_25 : vector<1x16xf32> to vector<16xf32>
    %scan3A_27 = arith.constant 0 : i32
    %scan3A_28 = arith.constant 13 : i32
    %scan3A_29 = arith.addi %scan3A_27, %scan3A_28 : i32
    %scan3A_30 = arith.constant 1 : i32
    %scan3A_31 = scf.for %scan3A_1035 = %scan3A_27 to %scan3A_29 step %scan3A_30 iter_args(%scan3A_1036 = %get3A_26) -> (vector<16xf32>)  : i32 {
      %get3A_1037 = arith.index_cast %scan3A_1035 : i32 to index
      %get3A_1038 = arith.constant 16 : index
      %get3A_1039 = tpu.vector_load %arg11[%get3A_1037, %get3A_1038] {strides = array<i32>} : memref<13x512xf32, #tpu.memory_space<vmem>>, vector<1x16xf32>,
      %get3A_1040 = vector.shape_cast %get3A_1039 : vector<1x16xf32> to vector<16xf32>
      %get3A_1041 = arith.index_cast %scan3A_1035 : i32 to index
      %get3A_1042 = arith.constant 0 : index
      %get3A_1043 = tpu.vector_load %arg13[%get3A_1041, %get3A_1042] {strides = array<i32>} : memref<13x16xf32, #tpu.memory_space<vmem>>, vector<1x16xf32>,
      %get3A_1044 = vector.shape_cast %get3A_1043 : vector<1x16xf32> to vector<16xf32>
      %mul3A_1045 = arith.mulf %get3A_1044, %get3A_1040 : vector<16xf32>
      %add3A_1046 = arith.addf %scan3A_1036, %mul3A_1045 : vector<16xf32>
      scf.yield %add3A_1046 : vector<16xf32>
    }
    %scan3A_32 = arith.constant 13 : i32
    %swap3A_33 = arith.constant 16 : index
    %swap3A_34 = tpu.vector_load %arg16[%swap3A_33] {strides = array<i32>} : memref<512xf32, #tpu.memory_space<vmem>>, vector<16xf32>,
    %swap3A_35 = vector.shape_cast %swap3A_34 : vector<16xf32> to vector<16xf32>
    %swap3A_36 = vector.shape_cast %scan3A_31 : vector<16xf32> to vector<16xf32>
    tpu.vector_store %arg16[%swap3A_33], %swap3A_36 {strides = array<i32>} : memref<512xf32, #tpu.memory_space<vmem>>, vector<16xf32>,
    %get3A_37 = arith.constant 0 : i32
    %get3A_38 = arith.index_cast %get3A_37 : i32 to index
    %get3A_39 = arith.constant 0 : index
    %get3A_40 = tpu.vector_load %arg14[%get3A_38, %get3A_39] {strides = array<i32>} : memref<1x16xf32, #tpu.memory_space<vmem>>, vector<1x16xf32>,
    %get3A_41 = vector.shape_cast %get3A_40 : vector<1x16xf32> to vector<16xf32>
    %scan3A_42 = arith.constant 0 : i32
    %scan3A_43 = arith.constant 13 : i32
    %scan3A_44 = arith.addi %scan3A_42, %scan3A_43 : i32
    %scan3A_45 = arith.constant 1 : i32
    %scan3A_46 = scf.for %scan3A_1035 = %scan3A_42 to %scan3A_44 step %scan3A_45 iter_args(%scan3A_1036 = %get3A_41) -> (vector<16xf32>)  : i32 {
      %get3A_1037 = arith.index_cast %scan3A_1035 : i32 to index
      %get3A_1038 = arith.constant 32 : index
      %get3A_1039 = tpu.vector_load %arg11[%get3A_1037, %get3A_1038] {strides = array<i32>} : memref<13x512xf32, #tpu.memory_space<vmem>>, vector<1x16xf32>,
      %get3A_1040 = vector.shape_cast %get3A_1039 : vector<1x16xf32> to vector<16xf32>
      %get3A_1041 = arith.index_cast %scan3A_1035 : i32 to index
      %get3A_1042 = arith.constant 0 : index
      %get3A_1043 = tpu.vector_load %arg13[%get3A_1041, %get3A_1042] {strides = array<i32>} : memref<13x16xf32, #tpu.memory_space<vmem>>, vector<1x16xf32>,
      %get3A_1044 = vector.shape_cast %get3A_1043 : vector<1x16xf32> to vector<16xf32>
      %mul3A_1045 = arith.mulf %get3A_1044, %get3A_1040 : vector<16xf32>
      %add3A_1046 = arith.addf %scan3A_1036, %mul3A_1045 : vector<16xf32>
      scf.yield %add3A_1046 : vector<16xf32>
    }
    %scan3A_47 = arith.constant 13 : i32
    %swap3A_48 = arith.constant 32 : index
    %swap3A_49 = tpu.vector_load %arg16[%swap3A_48] {strides = array<i32>} : memref<512xf32, #tpu.memory_space<vmem>>, vector<16xf32>,
    %swap3A_50 = vector.shape_cast %swap3A_49 : vector<16xf32> to vector<16xf32>
    %swap3A_51 = vector.shape_cast %scan3A_46 : vector<16xf32> to vector<16xf32>
    tpu.vector_store %arg16[%swap3A_48], %swap3A_51 {strides = array<i32>} : memref<512xf32, #tpu.memory_space<vmem>>, vector<16xf32>,
    %get3A_52 = arith.constant 0 : i32
    %get3A_53 = arith.index_cast %get3A_52 : i32 to index
    %get3A_54 = arith.constant 0 : index
    %get3A_55 = tpu.vector_load %arg14[%get3A_53, %get3A_54] {strides = array<i32>} : memref<1x16xf32, #tpu.memory_space<vmem>>, vector<1x16xf32>,
    %get3A_56 = vector.shape_cast %get3A_55 : vector<1x16xf32> to vector<16xf32>
    %scan3A_57 = arith.constant 0 : i32
    %scan3A_58 = arith.constant 13 : i32
    %scan3A_59 = arith.addi %scan3A_57, %scan3A_58 : i32
    %scan3A_60 = arith.constant 1 : i32
    %scan3A_61 = scf.for %scan3A_1035 = %scan3A_57 to %scan3A_59 step %scan3A_60 iter_args(%scan3A_1036 = %get3A_56) -> (vector<16xf32>)  : i32 {
      %get3A_1037 = arith.index_cast %scan3A_1035 : i32 to index
      %get3A_1038 = arith.constant 48 : index
      %get3A_1039 = tpu.vector_load %arg11[%get3A_1037, %get3A_1038] {strides = array<i32>} : memref<13x512xf32, #tpu.memory_space<vmem>>, vector<1x16xf32>,
      %get3A_1040 = vector.shape_cast %get3A_1039 : vector<1x16xf32> to vector<16xf32>
      %get3A_1041 = arith.index_cast %scan3A_1035 : i32 to index
      %get3A_1042 = arith.constant 0 : index
      %get3A_1043 = tpu.vector_load %arg13[%get3A_1041, %get3A_1042] {strides = array<i32>} : memref<13x16xf32, #tpu.memory_space<vmem>>, vector<1x16xf32>,
      %get3A_1044 = vector.shape_cast %get3A_1043 : vector<1x16xf32> to vector<16xf32>
      %mul3A_1045 = arith.mulf %get3A_1044, %get3A_1040 : vector<16xf32>
      %add3A_1046 = arith.addf %scan3A_1036, %mul3A_1045 : vector<16xf32>
      scf.yield %add3A_1046 : vector<16xf32>
    }
    %scan3A_62 = arith.constant 13 : i32
    %swap3A_63 = arith.constant 48 : index
    %swap3A_64 = tpu.vector_load %arg16[%swap3A_63] {strides = array<i32>} : memref<512xf32, #tpu.memory_space<vmem>>, vector<16xf32>,
    %swap3A_65 = vector.shape_cast %swap3A_64 : vector<16xf32> to vector<16xf32>
    %swap3A_66 = vector.shape_cast %scan3A_61 : vector<16xf32> to vector<16xf32>
    tpu.vector_store %arg16[%swap3A_63], %swap3A_66 {strides = array<i32>} : memref<512xf32, #tpu.memory_space<vmem>>, vector<16xf32>,
    %get3A_67 = arith.constant 0 : i32
    %get3A_68 = arith.index_cast %get3A_67 : i32 to index
    %get3A_69 = arith.constant 0 : index
    %get3A_70 = tpu.vector_load %arg14[%get3A_68, %get3A_69] {strides = array<i32>} : memref<1x16xf32, #tpu.memory_space<vmem>>, vector<1x16xf32>,
    %get3A_71 = vector.shape_cast %get3A_70 : vector<1x16xf32> to vector<16xf32>
    %scan3A_72 = arith.constant 0 : i32
    %scan3A_73 = arith.constant 13 : i32
    %scan3A_74 = arith.addi %scan3A_72, %scan3A_73 : i32
    %scan3A_75 = arith.constant 1 : i32
    %scan3A_76 = scf.for %scan3A_1035 = %scan3A_72 to %scan3A_74 step %scan3A_75 iter_args(%scan3A_1036 = %get3A_71) -> (vector<16xf32>)  : i32 {
      %get3A_1037 = arith.index_cast %scan3A_1035 : i32 to index
      %get3A_1038 = arith.constant 64 : index
      %get3A_1039 = tpu.vector_load %arg11[%get3A_1037, %get3A_1038] {strides = array<i32>} : memref<13x512xf32, #tpu.memory_space<vmem>>, vector<1x16xf32>,
      %get3A_1040 = vector.shape_cast %get3A_1039 : vector<1x16xf32> to vector<16xf32>
      %get3A_1041 = arith.index_cast %scan3A_1035 : i32 to index
      %get3A_1042 = arith.constant 0 : index
      %get3A_1043 = tpu.vector_load %arg13[%get3A_1041, %get3A_1042] {strides = array<i32>} : memref<13x16xf32, #tpu.memory_space<vmem>>, vector<1x16xf32>,
      %get3A_1044 = vector.shape_cast %get3A_1043 : vector<1x16xf32> to vector<16xf32>
      %mul3A_1045 = arith.mulf %get3A_1044, %get3A_1040 : vector<16xf32>
      %add3A_1046 = arith.addf %scan3A_1036, %mul3A_1045 : vector<16xf32>
      scf.yield %add3A_1046 : vector<16xf32>
    }
    %scan3A_77 = arith.constant 13 : i32
    %swap3A_78 = arith.constant 64 : index
    %swap3A_79 = tpu.vector_load %arg16[%swap3A_78] {strides = array<i32>} : memref<512xf32, #tpu.memory_space<vmem>>, vector<16xf32>,
    %swap3A_80 = vector.shape_cast %swap3A_79 : vector<16xf32> to vector<16xf32>
    %swap3A_81 = vector.shape_cast %scan3A_76 : vector<16xf32> to vector<16xf32>
    tpu.vector_store %arg16[%swap3A_78], %swap3A_81 {strides = array<i32>} : memref<512xf32, #tpu.memory_space<vmem>>, vector<16xf32>,
    %get3A_82 = arith.constant 0 : i32
    %get3A_83 = arith.index_cast %get3A_82 : i32 to index
    %get3A_84 = arith.constant 0 : index
    %get3A_85 = tpu.vector_load %arg14[%get3A_83, %get3A_84] {strides = array<i32>} : memref<1x16xf32, #tpu.memory_space<vmem>>, vector<1x16xf32>,
    %get3A_86 = vector.shape_cast %get3A_85 : vector<1x16xf32> to vector<16xf32>
    %scan3A_87 = arith.constant 0 : i32
    %scan3A_88 = arith.constant 13 : i32
    %scan3A_89 = arith.addi %scan3A_87, %scan3A_88 : i32
    %scan3A_90 = arith.constant 1 : i32
    %scan3A_91 = scf.for %scan3A_1035 = %scan3A_87 to %scan3A_89 step %scan3A_90 iter_args(%scan3A_1036 = %get3A_86) -> (vector<16xf32>)  : i32 {
      %get3A_1037 = arith.index_cast %scan3A_1035 : i32 to index
      %get3A_1038 = arith.constant 80 : index
      %get3A_1039 = tpu.vector_load %arg11[%get3A_1037, %get3A_1038] {strides = array<i32>} : memref<13x512xf32, #tpu.memory_space<vmem>>, vector<1x16xf32>,
      %get3A_1040 = vector.shape_cast %get3A_1039 : vector<1x16xf32> to vector<16xf32>
      %get3A_1041 = arith.index_cast %scan3A_1035 : i32 to index
      %get3A_1042 = arith.constant 0 : index
      %get3A_1043 = tpu.vector_load %arg13[%get3A_1041, %get3A_1042] {strides = array<i32>} : memref<13x16xf32, #tpu.memory_space<vmem>>, vector<1x16xf32>,
      %get3A_1044 = vector.shape_cast %get3A_1043 : vector<1x16xf32> to vector<16xf32>
      %mul3A_1045 = arith.mulf %get3A_1044, %get3A_1040 : vector<16xf32>
      %add3A_1046 = arith.addf %scan3A_1036, %mul3A_1045 : vector<16xf32>
      scf.yield %add3A_1046 : vector<16xf32>
    }
    %scan3A_92 = arith.constant 13 : i32
    %swap3A_93 = arith.constant 80 : index
    %swap3A_94 = tpu.vector_load %arg16[%swap3A_93] {strides = array<i32>} : memref<512xf32, #tpu.memory_space<vmem>>, vector<16xf32>,
    %swap3A_95 = vector.shape_cast %swap3A_94 : vector<16xf32> to vector<16xf32>
    %swap3A_96 = vector.shape_cast %scan3A_91 : vector<16xf32> to vector<16xf32>
    tpu.vector_store %arg16[%swap3A_93], %swap3A_96 {strides = array<i32>} : memref<512xf32, #tpu.memory_space<vmem>>, vector<16xf32>,
    %get3A_97 = arith.constant 0 : i32
    %get3A_98 = arith.index_cast %get3A_97 : i32 to index
    %get3A_99 = arith.constant 0 : index
    %get3A_100 = tpu.vector_load %arg14[%get3A_98, %get3A_99] {strides = array<i32>} : memref<1x16xf32, #tpu.memory_space<vmem>>, vector<1x16xf32>,
    %get3A_101 = vector.shape_cast %get3A_100 : vector<1x16xf32> to vector<16xf32>
    %scan3A_102 = arith.constant 0 : i32
    %scan3A_103 = arith.constant 13 : i32
    %scan3A_104 = arith.addi %scan3A_102, %scan3A_103 : i32
    %scan3A_105 = arith.constant 1 : i32
    %scan3A_106 = scf.for %scan3A_1035 = %scan3A_102 to %scan3A_104 step %scan3A_105 iter_args(%scan3A_1036 = %get3A_101) -> (vector<16xf32>)  : i32 {
      %get3A_1037 = arith.index_cast %scan3A_1035 : i32 to index
      %get3A_1038 = arith.constant 96 : index
      %get3A_1039 = tpu.vector_load %arg11[%get3A_1037, %get3A_1038] {strides = array<i32>} : memref<13x512xf32, #tpu.memory_space<vmem>>, vector<1x16xf32>,
      %get3A_1040 = vector.shape_cast %get3A_1039 : vector<1x16xf32> to vector<16xf32>
      %get3A_1041 = arith.index_cast %scan3A_1035 : i32 to index
      %get3A_1042 = arith.constant 0 : index
      %get3A_1043 = tpu.vector_load %arg13[%get3A_1041, %get3A_1042] {strides = array<i32>} : memref<13x16xf32, #tpu.memory_space<vmem>>, vector<1x16xf32>,
      %get3A_1044 = vector.shape_cast %get3A_1043 : vector<1x16xf32> to vector<16xf32>
      %mul3A_1045 = arith.mulf %get3A_1044, %get3A_1040 : vector<16xf32>
      %add3A_1046 = arith.addf %scan3A_1036, %mul3A_1045 : vector<16xf32>
      scf.yield %add3A_1046 : vector<16xf32>
    }
    %scan3A_107 = arith.constant 13 : i32
    %swap3A_108 = arith.constant 96 : index
    %swap3A_109 = tpu.vector_load %arg16[%swap3A_108] {strides = array<i32>} : memref<512xf32, #tpu.memory_space<vmem>>, vector<16xf32>,
    %swap3A_110 = vector.shape_cast %swap3A_109 : vector<16xf32> to vector<16xf32>
    %swap3A_111 = vector.shape_cast %scan3A_106 : vector<16xf32> to vector<16xf32>
    tpu.vector_store %arg16[%swap3A_108], %swap3A_111 {strides = array<i32>} : memref<512xf32, #tpu.memory_space<vmem>>, vector<16xf32>,
    %get3A_112 = arith.constant 0 : i32
    %get3A_113 = arith.index_cast %get3A_112 : i32 to index
    %get3A_114 = arith.constant 0 : index
    %get3A_115 = tpu.vector_load %arg14[%get3A_113, %get3A_114] {strides = array<i32>} : memref<1x16xf32, #tpu.memory_space<vmem>>, vector<1x16xf32>,
    %get3A_116 = vector.shape_cast %get3A_115 : vector<1x16xf32> to vector<16xf32>
    %scan3A_117 = arith.constant 0 : i32
    %scan3A_118 = arith.constant 13 : i32
    %scan3A_119 = arith.addi %scan3A_117, %scan3A_118 : i32
    %scan3A_120 = arith.constant 1 : i32
    %scan3A_121 = scf.for %scan3A_1035 = %scan3A_117 to %scan3A_119 step %scan3A_120 iter_args(%scan3A_1036 = %get3A_116) -> (vector<16xf32>)  : i32 {
      %get3A_1037 = arith.index_cast %scan3A_1035 : i32 to index
      %get3A_1038 = arith.constant 112 : index
      %get3A_1039 = tpu.vector_load %arg11[%get3A_1037, %get3A_1038] {strides = array<i32>} : memref<13x512xf32, #tpu.memory_space<vmem>>, vector<1x16xf32>,
      %get3A_1040 = vector.shape_cast %get3A_1039 : vector<1x16xf32> to vector<16xf32>
      %get3A_1041 = arith.index_cast %scan3A_1035 : i32 to index
      %get3A_1042 = arith.constant 0 : index
      %get3A_1043 = tpu.vector_load %arg13[%get3A_1041, %get3A_1042] {strides = array<i32>} : memref<13x16xf32, #tpu.memory_space<vmem>>, vector<1x16xf32>,
      %get3A_1044 = vector.shape_cast %get3A_1043 : vector<1x16xf32> to vector<16xf32>
      %mul3A_1045 = arith.mulf %get3A_1044, %get3A_1040 : vector<16xf32>
      %add3A_1046 = arith.addf %scan3A_1036, %mul3A_1045 : vector<16xf32>
      scf.yield %add3A_1046 : vector<16xf32>
    }
    %scan3A_122 = arith.constant 13 : i32
    %swap3A_123 = arith.constant 112 : index
    %swap3A_124 = tpu.vector_load %arg16[%swap3A_123] {strides = array<i32>} : memref<512xf32, #tpu.memory_space<vmem>>, vector<16xf32>,
    %swap3A_125 = vector.shape_cast %swap3A_124 : vector<16xf32> to vector<16xf32>
    %swap3A_126 = vector.shape_cast %scan3A_121 : vector<16xf32> to vector<16xf32>
    tpu.vector_store %arg16[%swap3A_123], %swap3A_126 {strides = array<i32>} : memref<512xf32, #tpu.memory_space<vmem>>, vector<16xf32>,
    %get3A_127 = arith.constant 0 : i32
    %get3A_128 = arith.index_cast %get3A_127 : i32 to index
    %get3A_129 = arith.constant 0 : index
    %get3A_130 = tpu.vector_load %arg14[%get3A_128, %get3A_129] {strides = array<i32>} : memref<1x16xf32, #tpu.memory_space<vmem>>, vector<1x16xf32>,
    %get3A_131 = vector.shape_cast %get3A_130 : vector<1x16xf32> to vector<16xf32>
    %scan3A_132 = arith.constant 0 : i32
    %scan3A_133 = arith.constant 13 : i32
    %scan3A_134 = arith.addi %scan3A_132, %scan3A_133 : i32
    %scan3A_135 = arith.constant 1 : i32
    %scan3A_136 = scf.for %scan3A_1035 = %scan3A_132 to %scan3A_134 step %scan3A_135 iter_args(%scan3A_1036 = %get3A_131) -> (vector<16xf32>)  : i32 {
      %get3A_1037 = arith.index_cast %scan3A_1035 : i32 to index
      %get3A_1038 = arith.constant 128 : index
      %get3A_1039 = tpu.vector_load %arg11[%get3A_1037, %get3A_1038] {strides = array<i32>} : memref<13x512xf32, #tpu.memory_space<vmem>>, vector<1x16xf32>,
      %get3A_1040 = vector.shape_cast %get3A_1039 : vector<1x16xf32> to vector<16xf32>
      %get3A_1041 = arith.index_cast %scan3A_1035 : i32 to index
      %get3A_1042 = arith.constant 0 : index
      %get3A_1043 = tpu.vector_load %arg13[%get3A_1041, %get3A_1042] {strides = array<i32>} : memref<13x16xf32, #tpu.memory_space<vmem>>, vector<1x16xf32>,
      %get3A_1044 = vector.shape_cast %get3A_1043 : vector<1x16xf32> to vector<16xf32>
      %mul3A_1045 = arith.mulf %get3A_1044, %get3A_1040 : vector<16xf32>
      %add3A_1046 = arith.addf %scan3A_1036, %mul3A_1045 : vector<16xf32>
      scf.yield %add3A_1046 : vector<16xf32>
    }
    %scan3A_137 = arith.constant 13 : i32
    %swap3A_138 = arith.constant 128 : index
    %swap3A_139 = tpu.vector_load %arg16[%swap3A_138] {strides = array<i32>} : memref<512xf32, #tpu.memory_space<vmem>>, vector<16xf32>,
    %swap3A_140 = vector.shape_cast %swap3A_139 : vector<16xf32> to vector<16xf32>
    %swap3A_141 = vector.shape_cast %scan3A_136 : vector<16xf32> to vector<16xf32>
    tpu.vector_store %arg16[%swap3A_138], %swap3A_141 {strides = array<i32>} : memref<512xf32, #tpu.memory_space<vmem>>, vector<16xf32>,
    %get3A_142 = arith.constant 0 : i32
    %get3A_143 = arith.index_cast %get3A_142 : i32 to index
    %get3A_144 = arith.constant 0 : index
    %get3A_145 = tpu.vector_load %arg14[%get3A_143, %get3A_144] {strides = array<i32>} : memref<1x16xf32, #tpu.memory_space<vmem>>, vector<1x16xf32>,
    %get3A_146 = vector.shape_cast %get3A_145 : vector<1x16xf32> to vector<16xf32>
    %scan3A_147 = arith.constant 0 : i32
    %scan3A_148 = arith.constant 13 : i32
    %scan3A_149 = arith.addi %scan3A_147, %scan3A_148 : i32
    %scan3A_150 = arith.constant 1 : i32
    %scan3A_151 = scf.for %scan3A_1035 = %scan3A_147 to %scan3A_149 step %scan3A_150 iter_args(%scan3A_1036 = %get3A_146) -> (vector<16xf32>)  : i32 {
      %get3A_1037 = arith.index_cast %scan3A_1035 : i32 to index
      %get3A_1038 = arith.constant 144 : index
      %get3A_1039 = tpu.vector_load %arg11[%get3A_1037, %get3A_1038] {strides = array<i32>} : memref<13x512xf32, #tpu.memory_space<vmem>>, vector<1x16xf32>,
      %get3A_1040 = vector.shape_cast %get3A_1039 : vector<1x16xf32> to vector<16xf32>
      %get3A_1041 = arith.index_cast %scan3A_1035 : i32 to index
      %get3A_1042 = arith.constant 0 : index
      %get3A_1043 = tpu.vector_load %arg13[%get3A_1041, %get3A_1042] {strides = array<i32>} : memref<13x16xf32, #tpu.memory_space<vmem>>, vector<1x16xf32>,
      %get3A_1044 = vector.shape_cast %get3A_1043 : vector<1x16xf32> to vector<16xf32>
      %mul3A_1045 = arith.mulf %get3A_1044, %get3A_1040 : vector<16xf32>
      %add3A_1046 = arith.addf %scan3A_1036, %mul3A_1045 : vector<16xf32>
      scf.yield %add3A_1046 : vector<16xf32>
    }
    %scan3A_152 = arith.constant 13 : i32
    %swap3A_153 = arith.constant 144 : index
    %swap3A_154 = tpu.vector_load %arg16[%swap3A_153] {strides = array<i32>} : memref<512xf32, #tpu.memory_space<vmem>>, vector<16xf32>,
    %swap3A_155 = vector.shape_cast %swap3A_154 : vector<16xf32> to vector<16xf32>
    %swap3A_156 = vector.shape_cast %scan3A_151 : vector<16xf32> to vector<16xf32>
    tpu.vector_store %arg16[%swap3A_153], %swap3A_156 {strides = array<i32>} : memref<512xf32, #tpu.memory_space<vmem>>, vector<16xf32>,
    %get3A_157 = arith.constant 0 : i32
    %get3A_158 = arith.index_cast %get3A_157 : i32 to index
    %get3A_159 = arith.constant 0 : index
    %get3A_160 = tpu.vector_load %arg14[%get3A_158, %get3A_159] {strides = array<i32>} : memref<1x16xf32, #tpu.memory_space<vmem>>, vector<1x16xf32>,
    %get3A_161 = vector.shape_cast %get3A_160 : vector<1x16xf32> to vector<16xf32>
    %scan3A_162 = arith.constant 0 : i32
    %scan3A_163 = arith.constant 13 : i32
    %scan3A_164 = arith.addi %scan3A_162, %scan3A_163 : i32
    %scan3A_165 = arith.constant 1 : i32
    %scan3A_166 = scf.for %scan3A_1035 = %scan3A_162 to %scan3A_164 step %scan3A_165 iter_args(%scan3A_1036 = %get3A_161) -> (vector<16xf32>)  : i32 {
      %get3A_1037 = arith.index_cast %scan3A_1035 : i32 to index
      %get3A_1038 = arith.constant 160 : index
      %get3A_1039 = tpu.vector_load %arg11[%get3A_1037, %get3A_1038] {strides = array<i32>} : memref<13x512xf32, #tpu.memory_space<vmem>>, vector<1x16xf32>,
      %get3A_1040 = vector.shape_cast %get3A_1039 : vector<1x16xf32> to vector<16xf32>
      %get3A_1041 = arith.index_cast %scan3A_1035 : i32 to index
      %get3A_1042 = arith.constant 0 : index
      %get3A_1043 = tpu.vector_load %arg13[%get3A_1041, %get3A_1042] {strides = array<i32>} : memref<13x16xf32, #tpu.memory_space<vmem>>, vector<1x16xf32>,
      %get3A_1044 = vector.shape_cast %get3A_1043 : vector<1x16xf32> to vector<16xf32>
      %mul3A_1045 = arith.mulf %get3A_1044, %get3A_1040 : vector<16xf32>
      %add3A_1046 = arith.addf %scan3A_1036, %mul3A_1045 : vector<16xf32>
      scf.yield %add3A_1046 : vector<16xf32>
    }
    %scan3A_167 = arith.constant 13 : i32
    %swap3A_168 = arith.constant 160 : index
    %swap3A_169 = tpu.vector_load %arg16[%swap3A_168] {strides = array<i32>} : memref<512xf32, #tpu.memory_space<vmem>>, vector<16xf32>,
    %swap3A_170 = vector.shape_cast %swap3A_169 : vector<16xf32> to vector<16xf32>
    %swap3A_171 = vector.shape_cast %scan3A_166 : vector<16xf32> to vector<16xf32>
    tpu.vector_store %arg16[%swap3A_168], %swap3A_171 {strides = array<i32>} : memref<512xf32, #tpu.memory_space<vmem>>, vector<16xf32>,
    %get3A_172 = arith.constant 0 : i32
    %get3A_173 = arith.index_cast %get3A_172 : i32 to index
    %get3A_174 = arith.constant 0 : index
    %get3A_175 = tpu.vector_load %arg14[%get3A_173, %get3A_174] {strides = array<i32>} : memref<1x16xf32, #tpu.memory_space<vmem>>, vector<1x16xf32>,
    %get3A_176 = vector.shape_cast %get3A_175 : vector<1x16xf32> to vector<16xf32>
    %scan3A_177 = arith.constant 0 : i32
    %scan3A_178 = arith.constant 13 : i32
    %scan3A_179 = arith.addi %scan3A_177, %scan3A_178 : i32
    %scan3A_180 = arith.constant 1 : i32
    %scan3A_181 = scf.for %scan3A_1035 = %scan3A_177 to %scan3A_179 step %scan3A_180 iter_args(%scan3A_1036 = %get3A_176) -> (vector<16xf32>)  : i32 {
      %get3A_1037 = arith.index_cast %scan3A_1035 : i32 to index
      %get3A_1038 = arith.constant 176 : index
      %get3A_1039 = tpu.vector_load %arg11[%get3A_1037, %get3A_1038] {strides = array<i32>} : memref<13x512xf32, #tpu.memory_space<vmem>>, vector<1x16xf32>,
      %get3A_1040 = vector.shape_cast %get3A_1039 : vector<1x16xf32> to vector<16xf32>
      %get3A_1041 = arith.index_cast %scan3A_1035 : i32 to index
      %get3A_1042 = arith.constant 0 : index
      %get3A_1043 = tpu.vector_load %arg13[%get3A_1041, %get3A_1042] {strides = array<i32>} : memref<13x16xf32, #tpu.memory_space<vmem>>, vector<1x16xf32>,
      %get3A_1044 = vector.shape_cast %get3A_1043 : vector<1x16xf32> to vector<16xf32>
      %mul3A_1045 = arith.mulf %get3A_1044, %get3A_1040 : vector<16xf32>
      %add3A_1046 = arith.addf %scan3A_1036, %mul3A_1045 : vector<16xf32>
      scf.yield %add3A_1046 : vector<16xf32>
    }
    %scan3A_182 = arith.constant 13 : i32
    %swap3A_183 = arith.constant 176 : index
    %swap3A_184 = tpu.vector_load %arg16[%swap3A_183] {strides = array<i32>} : memref<512xf32, #tpu.memory_space<vmem>>, vector<16xf32>,
    %swap3A_185 = vector.shape_cast %swap3A_184 : vector<16xf32> to vector<16xf32>
    %swap3A_186 = vector.shape_cast %scan3A_181 : vector<16xf32> to vector<16xf32>
    tpu.vector_store %arg16[%swap3A_183], %swap3A_186 {strides = array<i32>} : memref<512xf32, #tpu.memory_space<vmem>>, vector<16xf32>,
    %get3A_187 = arith.constant 0 : i32
    %get3A_188 = arith.index_cast %get3A_187 : i32 to index
    %get3A_189 = arith.constant 0 : index
    %get3A_190 = tpu.vector_load %arg14[%get3A_188, %get3A_189] {strides = array<i32>} : memref<1x16xf32, #tpu.memory_space<vmem>>, vector<1x16xf32>,
    %get3A_191 = vector.shape_cast %get3A_190 : vector<1x16xf32> to vector<16xf32>
    %scan3A_192 = arith.constant 0 : i32
    %scan3A_193 = arith.constant 13 : i32
    %scan3A_194 = arith.addi %scan3A_192, %scan3A_193 : i32
    %scan3A_195 = arith.constant 1 : i32
    %scan3A_196 = scf.for %scan3A_1035 = %scan3A_192 to %scan3A_194 step %scan3A_195 iter_args(%scan3A_1036 = %get3A_191) -> (vector<16xf32>)  : i32 {
      %get3A_1037 = arith.index_cast %scan3A_1035 : i32 to index
      %get3A_1038 = arith.constant 192 : index
      %get3A_1039 = tpu.vector_load %arg11[%get3A_1037, %get3A_1038] {strides = array<i32>} : memref<13x512xf32, #tpu.memory_space<vmem>>, vector<1x16xf32>,
      %get3A_1040 = vector.shape_cast %get3A_1039 : vector<1x16xf32> to vector<16xf32>
      %get3A_1041 = arith.index_cast %scan3A_1035 : i32 to index
      %get3A_1042 = arith.constant 0 : index
      %get3A_1043 = tpu.vector_load %arg13[%get3A_1041, %get3A_1042] {strides = array<i32>} : memref<13x16xf32, #tpu.memory_space<vmem>>, vector<1x16xf32>,
      %get3A_1044 = vector.shape_cast %get3A_1043 : vector<1x16xf32> to vector<16xf32>
      %mul3A_1045 = arith.mulf %get3A_1044, %get3A_1040 : vector<16xf32>
      %add3A_1046 = arith.addf %scan3A_1036, %mul3A_1045 : vector<16xf32>
      scf.yield %add3A_1046 : vector<16xf32>
    }
    %scan3A_197 = arith.constant 13 : i32
    %swap3A_198 = arith.constant 192 : index
    %swap3A_199 = tpu.vector_load %arg16[%swap3A_198] {strides = array<i32>} : memref<512xf32, #tpu.memory_space<vmem>>, vector<16xf32>,
    %swap3A_200 = vector.shape_cast %swap3A_199 : vector<16xf32> to vector<16xf32>
    %swap3A_201 = vector.shape_cast %scan3A_196 : vector<16xf32> to vector<16xf32>
    tpu.vector_store %arg16[%swap3A_198], %swap3A_201 {strides = array<i32>} : memref<512xf32, #tpu.memory_space<vmem>>, vector<16xf32>,
    %get3A_202 = arith.constant 0 : i32
    %get3A_203 = arith.index_cast %get3A_202 : i32 to index
    %get3A_204 = arith.constant 0 : index
    %get3A_205 = tpu.vector_load %arg14[%get3A_203, %get3A_204] {strides = array<i32>} : memref<1x16xf32, #tpu.memory_space<vmem>>, vector<1x16xf32>,
    %get3A_206 = vector.shape_cast %get3A_205 : vector<1x16xf32> to vector<16xf32>
    %scan3A_207 = arith.constant 0 : i32
    %scan3A_208 = arith.constant 13 : i32
    %scan3A_209 = arith.addi %scan3A_207, %scan3A_208 : i32
    %scan3A_210 = arith.constant 1 : i32
    %scan3A_211 = scf.for %scan3A_1035 = %scan3A_207 to %scan3A_209 step %scan3A_210 iter_args(%scan3A_1036 = %get3A_206) -> (vector<16xf32>)  : i32 {
      %get3A_1037 = arith.index_cast %scan3A_1035 : i32 to index
      %get3A_1038 = arith.constant 208 : index
      %get3A_1039 = tpu.vector_load %arg11[%get3A_1037, %get3A_1038] {strides = array<i32>} : memref<13x512xf32, #tpu.memory_space<vmem>>, vector<1x16xf32>,
      %get3A_1040 = vector.shape_cast %get3A_1039 : vector<1x16xf32> to vector<16xf32>
      %get3A_1041 = arith.index_cast %scan3A_1035 : i32 to index
      %get3A_1042 = arith.constant 0 : index
      %get3A_1043 = tpu.vector_load %arg13[%get3A_1041, %get3A_1042] {strides = array<i32>} : memref<13x16xf32, #tpu.memory_space<vmem>>, vector<1x16xf32>,
      %get3A_1044 = vector.shape_cast %get3A_1043 : vector<1x16xf32> to vector<16xf32>
      %mul3A_1045 = arith.mulf %get3A_1044, %get3A_1040 : vector<16xf32>
      %add3A_1046 = arith.addf %scan3A_1036, %mul3A_1045 : vector<16xf32>
      scf.yield %add3A_1046 : vector<16xf32>
    }
    %scan3A_212 = arith.constant 13 : i32
    %swap3A_213 = arith.constant 208 : index
    %swap3A_214 = tpu.vector_load %arg16[%swap3A_213] {strides = array<i32>} : memref<512xf32, #tpu.memory_space<vmem>>, vector<16xf32>,
    %swap3A_215 = vector.shape_cast %swap3A_214 : vector<16xf32> to vector<16xf32>
    %swap3A_216 = vector.shape_cast %scan3A_211 : vector<16xf32> to vector<16xf32>
    tpu.vector_store %arg16[%swap3A_213], %swap3A_216 {strides = array<i32>} : memref<512xf32, #tpu.memory_space<vmem>>, vector<16xf32>,
    %get3A_217 = arith.constant 0 : i32
    %get3A_218 = arith.index_cast %get3A_217 : i32 to index
    %get3A_219 = arith.constant 0 : index
    %get3A_220 = tpu.vector_load %arg14[%get3A_218, %get3A_219] {strides = array<i32>} : memref<1x16xf32, #tpu.memory_space<vmem>>, vector<1x16xf32>,
    %get3A_221 = vector.shape_cast %get3A_220 : vector<1x16xf32> to vector<16xf32>
    %scan3A_222 = arith.constant 0 : i32
    %scan3A_223 = arith.constant 13 : i32
    %scan3A_224 = arith.addi %scan3A_222, %scan3A_223 : i32
    %scan3A_225 = arith.constant 1 : i32
    %scan3A_226 = scf.for %scan3A_1035 = %scan3A_222 to %scan3A_224 step %scan3A_225 iter_args(%scan3A_1036 = %get3A_221) -> (vector<16xf32>)  : i32 {
      %get3A_1037 = arith.index_cast %scan3A_1035 : i32 to index
      %get3A_1038 = arith.constant 224 : index
      %get3A_1039 = tpu.vector_load %arg11[%get3A_1037, %get3A_1038] {strides = array<i32>} : memref<13x512xf32, #tpu.memory_space<vmem>>, vector<1x16xf32>,
      %get3A_1040 = vector.shape_cast %get3A_1039 : vector<1x16xf32> to vector<16xf32>
      %get3A_1041 = arith.index_cast %scan3A_1035 : i32 to index
      %get3A_1042 = arith.constant 0 : index
      %get3A_1043 = tpu.vector_load %arg13[%get3A_1041, %get3A_1042] {strides = array<i32>} : memref<13x16xf32, #tpu.memory_space<vmem>>, vector<1x16xf32>,
      %get3A_1044 = vector.shape_cast %get3A_1043 : vector<1x16xf32> to vector<16xf32>
      %mul3A_1045 = arith.mulf %get3A_1044, %get3A_1040 : vector<16xf32>
      %add3A_1046 = arith.addf %scan3A_1036, %mul3A_1045 : vector<16xf32>
      scf.yield %add3A_1046 : vector<16xf32>
    }
    %scan3A_227 = arith.constant 13 : i32
    %swap3A_228 = arith.constant 224 : index
    %swap3A_229 = tpu.vector_load %arg16[%swap3A_228] {strides = array<i32>} : memref<512xf32, #tpu.memory_space<vmem>>, vector<16xf32>,
    %swap3A_230 = vector.shape_cast %swap3A_229 : vector<16xf32> to vector<16xf32>
    %swap3A_231 = vector.shape_cast %scan3A_226 : vector<16xf32> to vector<16xf32>
    tpu.vector_store %arg16[%swap3A_228], %swap3A_231 {strides = array<i32>} : memref<512xf32, #tpu.memory_space<vmem>>, vector<16xf32>,
    %get3A_232 = arith.constant 0 : i32
    %get3A_233 = arith.index_cast %get3A_232 : i32 to index
    %get3A_234 = arith.constant 0 : index
    %get3A_235 = tpu.vector_load %arg14[%get3A_233, %get3A_234] {strides = array<i32>} : memref<1x16xf32, #tpu.memory_space<vmem>>, vector<1x16xf32>,
    %get3A_236 = vector.shape_cast %get3A_235 : vector<1x16xf32> to vector<16xf32>
    %scan3A_237 = arith.constant 0 : i32
    %scan3A_238 = arith.constant 13 : i32
    %scan3A_239 = arith.addi %scan3A_237, %scan3A_238 : i32
    %scan3A_240 = arith.constant 1 : i32
    %scan3A_241 = scf.for %scan3A_1035 = %scan3A_237 to %scan3A_239 step %scan3A_240 iter_args(%scan3A_1036 = %get3A_236) -> (vector<16xf32>)  : i32 {
      %get3A_1037 = arith.index_cast %scan3A_1035 : i32 to index
      %get3A_1038 = arith.constant 240 : index
      %get3A_1039 = tpu.vector_load %arg11[%get3A_1037, %get3A_1038] {strides = array<i32>} : memref<13x512xf32, #tpu.memory_space<vmem>>, vector<1x16xf32>,
      %get3A_1040 = vector.shape_cast %get3A_1039 : vector<1x16xf32> to vector<16xf32>
      %get3A_1041 = arith.index_cast %scan3A_1035 : i32 to index
      %get3A_1042 = arith.constant 0 : index
      %get3A_1043 = tpu.vector_load %arg13[%get3A_1041, %get3A_1042] {strides = array<i32>} : memref<13x16xf32, #tpu.memory_space<vmem>>, vector<1x16xf32>,
      %get3A_1044 = vector.shape_cast %get3A_1043 : vector<1x16xf32> to vector<16xf32>
      %mul3A_1045 = arith.mulf %get3A_1044, %get3A_1040 : vector<16xf32>
      %add3A_1046 = arith.addf %scan3A_1036, %mul3A_1045 : vector<16xf32>
      scf.yield %add3A_1046 : vector<16xf32>
    }
    %scan3A_242 = arith.constant 13 : i32
    %swap3A_243 = arith.constant 240 : index
    %swap3A_244 = tpu.vector_load %arg16[%swap3A_243] {strides = array<i32>} : memref<512xf32, #tpu.memory_space<vmem>>, vector<16xf32>,
    %swap3A_245 = vector.shape_cast %swap3A_244 : vector<16xf32> to vector<16xf32>
    %swap3A_246 = vector.shape_cast %scan3A_241 : vector<16xf32> to vector<16xf32>
    tpu.vector_store %arg16[%swap3A_243], %swap3A_246 {strides = array<i32>} : memref<512xf32, #tpu.memory_space<vmem>>, vector<16xf32>,
    %get3A_247 = arith.constant 0 : i32
    %get3A_248 = arith.index_cast %get3A_247 : i32 to index
    %get3A_249 = arith.constant 0 : index
    %get3A_250 = tpu.vector_load %arg14[%get3A_248, %get3A_249] {strides = array<i32>} : memref<1x16xf32, #tpu.memory_space<vmem>>, vector<1x16xf32>,
    %get3A_251 = vector.shape_cast %get3A_250 : vector<1x16xf32> to vector<16xf32>
    %scan3A_252 = arith.constant 0 : i32
    %scan3A_253 = arith.constant 13 : i32
    %scan3A_254 = arith.addi %scan3A_252, %scan3A_253 : i32
    %scan3A_255 = arith.constant 1 : i32
    %scan3A_256 = scf.for %scan3A_1035 = %scan3A_252 to %scan3A_254 step %scan3A_255 iter_args(%scan3A_1036 = %get3A_251) -> (vector<16xf32>)  : i32 {
      %get3A_1037 = arith.index_cast %scan3A_1035 : i32 to index
      %get3A_1038 = arith.constant 256 : index
      %get3A_1039 = tpu.vector_load %arg11[%get3A_1037, %get3A_1038] {strides = array<i32>} : memref<13x512xf32, #tpu.memory_space<vmem>>, vector<1x16xf32>,
      %get3A_1040 = vector.shape_cast %get3A_1039 : vector<1x16xf32> to vector<16xf32>
      %get3A_1041 = arith.index_cast %scan3A_1035 : i32 to index
      %get3A_1042 = arith.constant 0 : index
      %get3A_1043 = tpu.vector_load %arg13[%get3A_1041, %get3A_1042] {strides = array<i32>} : memref<13x16xf32, #tpu.memory_space<vmem>>, vector<1x16xf32>,
      %get3A_1044 = vector.shape_cast %get3A_1043 : vector<1x16xf32> to vector<16xf32>
      %mul3A_1045 = arith.mulf %get3A_1044, %get3A_1040 : vector<16xf32>
      %add3A_1046 = arith.addf %scan3A_1036, %mul3A_1045 : vector<16xf32>
      scf.yield %add3A_1046 : vector<16xf32>
    }
    %scan3A_257 = arith.constant 13 : i32
    %swap3A_258 = arith.constant 256 : index
    %swap3A_259 = tpu.vector_load %arg16[%swap3A_258] {strides = array<i32>} : memref<512xf32, #tpu.memory_space<vmem>>, vector<16xf32>,
    %swap3A_260 = vector.shape_cast %swap3A_259 : vector<16xf32> to vector<16xf32>
    %swap3A_261 = vector.shape_cast %scan3A_256 : vector<16xf32> to vector<16xf32>
    tpu.vector_store %arg16[%swap3A_258], %swap3A_261 {strides = array<i32>} : memref<512xf32, #tpu.memory_space<vmem>>, vector<16xf32>,
    %get3A_262 = arith.constant 0 : i32
    %get3A_263 = arith.index_cast %get3A_262 : i32 to index
    %get3A_264 = arith.constant 0 : index
    %get3A_265 = tpu.vector_load %arg14[%get3A_263, %get3A_264] {strides = array<i32>} : memref<1x16xf32, #tpu.memory_space<vmem>>, vector<1x16xf32>,
    %get3A_266 = vector.shape_cast %get3A_265 : vector<1x16xf32> to vector<16xf32>
    %scan3A_267 = arith.constant 0 : i32
    %scan3A_268 = arith.constant 13 : i32
    %scan3A_269 = arith.addi %scan3A_267, %scan3A_268 : i32
    %scan3A_270 = arith.constant 1 : i32
    %scan3A_271 = scf.for %scan3A_1035 = %scan3A_267 to %scan3A_269 step %scan3A_270 iter_args(%scan3A_1036 = %get3A_266) -> (vector<16xf32>)  : i32 {
      %get3A_1037 = arith.index_cast %scan3A_1035 : i32 to index
      %get3A_1038 = arith.constant 272 : index
      %get3A_1039 = tpu.vector_load %arg11[%get3A_1037, %get3A_1038] {strides = array<i32>} : memref<13x512xf32, #tpu.memory_space<vmem>>, vector<1x16xf32>,
      %get3A_1040 = vector.shape_cast %get3A_1039 : vector<1x16xf32> to vector<16xf32>
      %get3A_1041 = arith.index_cast %scan3A_1035 : i32 to index
      %get3A_1042 = arith.constant 0 : index
      %get3A_1043 = tpu.vector_load %arg13[%get3A_1041, %get3A_1042] {strides = array<i32>} : memref<13x16xf32, #tpu.memory_space<vmem>>, vector<1x16xf32>,
      %get3A_1044 = vector.shape_cast %get3A_1043 : vector<1x16xf32> to vector<16xf32>
      %mul3A_1045 = arith.mulf %get3A_1044, %get3A_1040 : vector<16xf32>
      %add3A_1046 = arith.addf %scan3A_1036, %mul3A_1045 : vector<16xf32>
      scf.yield %add3A_1046 : vector<16xf32>
    }
    %scan3A_272 = arith.constant 13 : i32
    %swap3A_273 = arith.constant 272 : index
    %swap3A_274 = tpu.vector_load %arg16[%swap3A_273] {strides = array<i32>} : memref<512xf32, #tpu.memory_space<vmem>>, vector<16xf32>,
    %swap3A_275 = vector.shape_cast %swap3A_274 : vector<16xf32> to vector<16xf32>
    %swap3A_276 = vector.shape_cast %scan3A_271 : vector<16xf32> to vector<16xf32>
    tpu.vector_store %arg16[%swap3A_273], %swap3A_276 {strides = array<i32>} : memref<512xf32, #tpu.memory_space<vmem>>, vector<16xf32>,
    %get3A_277 = arith.constant 0 : i32
    %get3A_278 = arith.index_cast %get3A_277 : i32 to index
    %get3A_279 = arith.constant 0 : index
    %get3A_280 = tpu.vector_load %arg14[%get3A_278, %get3A_279] {strides = array<i32>} : memref<1x16xf32, #tpu.memory_space<vmem>>, vector<1x16xf32>,
    %get3A_281 = vector.shape_cast %get3A_280 : vector<1x16xf32> to vector<16xf32>
    %scan3A_282 = arith.constant 0 : i32
    %scan3A_283 = arith.constant 13 : i32
    %scan3A_284 = arith.addi %scan3A_282, %scan3A_283 : i32
    %scan3A_285 = arith.constant 1 : i32
    %scan3A_286 = scf.for %scan3A_1035 = %scan3A_282 to %scan3A_284 step %scan3A_285 iter_args(%scan3A_1036 = %get3A_281) -> (vector<16xf32>)  : i32 {
      %get3A_1037 = arith.index_cast %scan3A_1035 : i32 to index
      %get3A_1038 = arith.constant 288 : index
      %get3A_1039 = tpu.vector_load %arg11[%get3A_1037, %get3A_1038] {strides = array<i32>} : memref<13x512xf32, #tpu.memory_space<vmem>>, vector<1x16xf32>,
      %get3A_1040 = vector.shape_cast %get3A_1039 : vector<1x16xf32> to vector<16xf32>
      %get3A_1041 = arith.index_cast %scan3A_1035 : i32 to index
      %get3A_1042 = arith.constant 0 : index
      %get3A_1043 = tpu.vector_load %arg13[%get3A_1041, %get3A_1042] {strides = array<i32>} : memref<13x16xf32, #tpu.memory_space<vmem>>, vector<1x16xf32>,
      %get3A_1044 = vector.shape_cast %get3A_1043 : vector<1x16xf32> to vector<16xf32>
      %mul3A_1045 = arith.mulf %get3A_1044, %get3A_1040 : vector<16xf32>
      %add3A_1046 = arith.addf %scan3A_1036, %mul3A_1045 : vector<16xf32>
      scf.yield %add3A_1046 : vector<16xf32>
    }
    %scan3A_287 = arith.constant 13 : i32
    %swap3A_288 = arith.constant 288 : index
    %swap3A_289 = tpu.vector_load %arg16[%swap3A_288] {strides = array<i32>} : memref<512xf32, #tpu.memory_space<vmem>>, vector<16xf32>,
    %swap3A_290 = vector.shape_cast %swap3A_289 : vector<16xf32> to vector<16xf32>
    %swap3A_291 = vector.shape_cast %scan3A_286 : vector<16xf32> to vector<16xf32>
    tpu.vector_store %arg16[%swap3A_288], %swap3A_291 {strides = array<i32>} : memref<512xf32, #tpu.memory_space<vmem>>, vector<16xf32>,
    %get3A_292 = arith.constant 0 : i32
    %get3A_293 = arith.index_cast %get3A_292 : i32 to index
    %get3A_294 = arith.constant 0 : index
    %get3A_295 = tpu.vector_load %arg14[%get3A_293, %get3A_294] {strides = array<i32>} : memref<1x16xf32, #tpu.memory_space<vmem>>, vector<1x16xf32>,
    %get3A_296 = vector.shape_cast %get3A_295 : vector<1x16xf32> to vector<16xf32>
    %scan3A_297 = arith.constant 0 : i32
    %scan3A_298 = arith.constant 13 : i32
    %scan3A_299 = arith.addi %scan3A_297, %scan3A_298 : i32
    %scan3A_300 = arith.constant 1 : i32
    %scan3A_301 = scf.for %scan3A_1035 = %scan3A_297 to %scan3A_299 step %scan3A_300 iter_args(%scan3A_1036 = %get3A_296) -> (vector<16xf32>)  : i32 {
      %get3A_1037 = arith.index_cast %scan3A_1035 : i32 to index
      %get3A_1038 = arith.constant 304 : index
      %get3A_1039 = tpu.vector_load %arg11[%get3A_1037, %get3A_1038] {strides = array<i32>} : memref<13x512xf32, #tpu.memory_space<vmem>>, vector<1x16xf32>,
      %get3A_1040 = vector.shape_cast %get3A_1039 : vector<1x16xf32> to vector<16xf32>
      %get3A_1041 = arith.index_cast %scan3A_1035 : i32 to index
      %get3A_1042 = arith.constant 0 : index
      %get3A_1043 = tpu.vector_load %arg13[%get3A_1041, %get3A_1042] {strides = array<i32>} : memref<13x16xf32, #tpu.memory_space<vmem>>, vector<1x16xf32>,
      %get3A_1044 = vector.shape_cast %get3A_1043 : vector<1x16xf32> to vector<16xf32>
      %mul3A_1045 = arith.mulf %get3A_1044, %get3A_1040 : vector<16xf32>
      %add3A_1046 = arith.addf %scan3A_1036, %mul3A_1045 : vector<16xf32>
      scf.yield %add3A_1046 : vector<16xf32>
    }
    %scan3A_302 = arith.constant 13 : i32
    %swap3A_303 = arith.constant 304 : index
    %swap3A_304 = tpu.vector_load %arg16[%swap3A_303] {strides = array<i32>} : memref<512xf32, #tpu.memory_space<vmem>>, vector<16xf32>,
    %swap3A_305 = vector.shape_cast %swap3A_304 : vector<16xf32> to vector<16xf32>
    %swap3A_306 = vector.shape_cast %scan3A_301 : vector<16xf32> to vector<16xf32>
    tpu.vector_store %arg16[%swap3A_303], %swap3A_306 {strides = array<i32>} : memref<512xf32, #tpu.memory_space<vmem>>, vector<16xf32>,
    %get3A_307 = arith.constant 0 : i32
    %get3A_308 = arith.index_cast %get3A_307 : i32 to index
    %get3A_309 = arith.constant 0 : index
    %get3A_310 = tpu.vector_load %arg14[%get3A_308, %get3A_309] {strides = array<i32>} : memref<1x16xf32, #tpu.memory_space<vmem>>, vector<1x16xf32>,
    %get3A_311 = vector.shape_cast %get3A_310 : vector<1x16xf32> to vector<16xf32>
    %scan3A_312 = arith.constant 0 : i32
    %scan3A_313 = arith.constant 13 : i32
    %scan3A_314 = arith.addi %scan3A_312, %scan3A_313 : i32
    %scan3A_315 = arith.constant 1 : i32
    %scan3A_316 = scf.for %scan3A_1035 = %scan3A_312 to %scan3A_314 step %scan3A_315 iter_args(%scan3A_1036 = %get3A_311) -> (vector<16xf32>)  : i32 {
      %get3A_1037 = arith.index_cast %scan3A_1035 : i32 to index
      %get3A_1038 = arith.constant 320 : index
      %get3A_1039 = tpu.vector_load %arg11[%get3A_1037, %get3A_1038] {strides = array<i32>} : memref<13x512xf32, #tpu.memory_space<vmem>>, vector<1x16xf32>,
      %get3A_1040 = vector.shape_cast %get3A_1039 : vector<1x16xf32> to vector<16xf32>
      %get3A_1041 = arith.index_cast %scan3A_1035 : i32 to index
      %get3A_1042 = arith.constant 0 : index
      %get3A_1043 = tpu.vector_load %arg13[%get3A_1041, %get3A_1042] {strides = array<i32>} : memref<13x16xf32, #tpu.memory_space<vmem>>, vector<1x16xf32>,
      %get3A_1044 = vector.shape_cast %get3A_1043 : vector<1x16xf32> to vector<16xf32>
      %mul3A_1045 = arith.mulf %get3A_1044, %get3A_1040 : vector<16xf32>
      %add3A_1046 = arith.addf %scan3A_1036, %mul3A_1045 : vector<16xf32>
      scf.yield %add3A_1046 : vector<16xf32>
    }
    %scan3A_317 = arith.constant 13 : i32
    %swap3A_318 = arith.constant 320 : index
    %swap3A_319 = tpu.vector_load %arg16[%swap3A_318] {strides = array<i32>} : memref<512xf32, #tpu.memory_space<vmem>>, vector<16xf32>,
    %swap3A_320 = vector.shape_cast %swap3A_319 : vector<16xf32> to vector<16xf32>
    %swap3A_321 = vector.shape_cast %scan3A_316 : vector<16xf32> to vector<16xf32>
    tpu.vector_store %arg16[%swap3A_318], %swap3A_321 {strides = array<i32>} : memref<512xf32, #tpu.memory_space<vmem>>, vector<16xf32>,
    %get3A_322 = arith.constant 0 : i32
    %get3A_323 = arith.index_cast %get3A_322 : i32 to index
    %get3A_324 = arith.constant 0 : index
    %get3A_325 = tpu.vector_load %arg14[%get3A_323, %get3A_324] {strides = array<i32>} : memref<1x16xf32, #tpu.memory_space<vmem>>, vector<1x16xf32>,
    %get3A_326 = vector.shape_cast %get3A_325 : vector<1x16xf32> to vector<16xf32>
    %scan3A_327 = arith.constant 0 : i32
    %scan3A_328 = arith.constant 13 : i32
    %scan3A_329 = arith.addi %scan3A_327, %scan3A_328 : i32
    %scan3A_330 = arith.constant 1 : i32
    %scan3A_331 = scf.for %scan3A_1035 = %scan3A_327 to %scan3A_329 step %scan3A_330 iter_args(%scan3A_1036 = %get3A_326) -> (vector<16xf32>)  : i32 {
      %get3A_1037 = arith.index_cast %scan3A_1035 : i32 to index
      %get3A_1038 = arith.constant 336 : index
      %get3A_1039 = tpu.vector_load %arg11[%get3A_1037, %get3A_1038] {strides = array<i32>} : memref<13x512xf32, #tpu.memory_space<vmem>>, vector<1x16xf32>,
      %get3A_1040 = vector.shape_cast %get3A_1039 : vector<1x16xf32> to vector<16xf32>
      %get3A_1041 = arith.index_cast %scan3A_1035 : i32 to index
      %get3A_1042 = arith.constant 0 : index
      %get3A_1043 = tpu.vector_load %arg13[%get3A_1041, %get3A_1042] {strides = array<i32>} : memref<13x16xf32, #tpu.memory_space<vmem>>, vector<1x16xf32>,
      %get3A_1044 = vector.shape_cast %get3A_1043 : vector<1x16xf32> to vector<16xf32>
      %mul3A_1045 = arith.mulf %get3A_1044, %get3A_1040 : vector<16xf32>
      %add3A_1046 = arith.addf %scan3A_1036, %mul3A_1045 : vector<16xf32>
      scf.yield %add3A_1046 : vector<16xf32>
    }
    %scan3A_332 = arith.constant 13 : i32
    %swap3A_333 = arith.constant 336 : index
    %swap3A_334 = tpu.vector_load %arg16[%swap3A_333] {strides = array<i32>} : memref<512xf32, #tpu.memory_space<vmem>>, vector<16xf32>,
    %swap3A_335 = vector.shape_cast %swap3A_334 : vector<16xf32> to vector<16xf32>
    %swap3A_336 = vector.shape_cast %scan3A_331 : vector<16xf32> to vector<16xf32>
    tpu.vector_store %arg16[%swap3A_333], %swap3A_336 {strides = array<i32>} : memref<512xf32, #tpu.memory_space<vmem>>, vector<16xf32>,
    %get3A_337 = arith.constant 0 : i32
    %get3A_338 = arith.index_cast %get3A_337 : i32 to index
    %get3A_339 = arith.constant 0 : index
    %get3A_340 = tpu.vector_load %arg14[%get3A_338, %get3A_339] {strides = array<i32>} : memref<1x16xf32, #tpu.memory_space<vmem>>, vector<1x16xf32>,
    %get3A_341 = vector.shape_cast %get3A_340 : vector<1x16xf32> to vector<16xf32>
    %scan3A_342 = arith.constant 0 : i32
    %scan3A_343 = arith.constant 13 : i32
    %scan3A_344 = arith.addi %scan3A_342, %scan3A_343 : i32
    %scan3A_345 = arith.constant 1 : i32
    %scan3A_346 = scf.for %scan3A_1035 = %scan3A_342 to %scan3A_344 step %scan3A_345 iter_args(%scan3A_1036 = %get3A_341) -> (vector<16xf32>)  : i32 {
      %get3A_1037 = arith.index_cast %scan3A_1035 : i32 to index
      %get3A_1038 = arith.constant 352 : index
      %get3A_1039 = tpu.vector_load %arg11[%get3A_1037, %get3A_1038] {strides = array<i32>} : memref<13x512xf32, #tpu.memory_space<vmem>>, vector<1x16xf32>,
      %get3A_1040 = vector.shape_cast %get3A_1039 : vector<1x16xf32> to vector<16xf32>
      %get3A_1041 = arith.index_cast %scan3A_1035 : i32 to index
      %get3A_1042 = arith.constant 0 : index
      %get3A_1043 = tpu.vector_load %arg13[%get3A_1041, %get3A_1042] {strides = array<i32>} : memref<13x16xf32, #tpu.memory_space<vmem>>, vector<1x16xf32>,
      %get3A_1044 = vector.shape_cast %get3A_1043 : vector<1x16xf32> to vector<16xf32>
      %mul3A_1045 = arith.mulf %get3A_1044, %get3A_1040 : vector<16xf32>
      %add3A_1046 = arith.addf %scan3A_1036, %mul3A_1045 : vector<16xf32>
      scf.yield %add3A_1046 : vector<16xf32>
    }
    %scan3A_347 = arith.constant 13 : i32
    %swap3A_348 = arith.constant 352 : index
    %swap3A_349 = tpu.vector_load %arg16[%swap3A_348] {strides = array<i32>} : memref<512xf32, #tpu.memory_space<vmem>>, vector<16xf32>,
    %swap3A_350 = vector.shape_cast %swap3A_349 : vector<16xf32> to vector<16xf32>
    %swap3A_351 = vector.shape_cast %scan3A_346 : vector<16xf32> to vector<16xf32>
    tpu.vector_store %arg16[%swap3A_348], %swap3A_351 {strides = array<i32>} : memref<512xf32, #tpu.memory_space<vmem>>, vector<16xf32>,
    %get3A_352 = arith.constant 0 : i32
    %get3A_353 = arith.index_cast %get3A_352 : i32 to index
    %get3A_354 = arith.constant 0 : index
    %get3A_355 = tpu.vector_load %arg14[%get3A_353, %get3A_354] {strides = array<i32>} : memref<1x16xf32, #tpu.memory_space<vmem>>, vector<1x16xf32>,
    %get3A_356 = vector.shape_cast %get3A_355 : vector<1x16xf32> to vector<16xf32>
    %scan3A_357 = arith.constant 0 : i32
    %scan3A_358 = arith.constant 13 : i32
    %scan3A_359 = arith.addi %scan3A_357, %scan3A_358 : i32
    %scan3A_360 = arith.constant 1 : i32
    %scan3A_361 = scf.for %scan3A_1035 = %scan3A_357 to %scan3A_359 step %scan3A_360 iter_args(%scan3A_1036 = %get3A_356) -> (vector<16xf32>)  : i32 {
      %get3A_1037 = arith.index_cast %scan3A_1035 : i32 to index
      %get3A_1038 = arith.constant 368 : index
      %get3A_1039 = tpu.vector_load %arg11[%get3A_1037, %get3A_1038] {strides = array<i32>} : memref<13x512xf32, #tpu.memory_space<vmem>>, vector<1x16xf32>,
      %get3A_1040 = vector.shape_cast %get3A_1039 : vector<1x16xf32> to vector<16xf32>
      %get3A_1041 = arith.index_cast %scan3A_1035 : i32 to index
      %get3A_1042 = arith.constant 0 : index
      %get3A_1043 = tpu.vector_load %arg13[%get3A_1041, %get3A_1042] {strides = array<i32>} : memref<13x16xf32, #tpu.memory_space<vmem>>, vector<1x16xf32>,
      %get3A_1044 = vector.shape_cast %get3A_1043 : vector<1x16xf32> to vector<16xf32>
      %mul3A_1045 = arith.mulf %get3A_1044, %get3A_1040 : vector<16xf32>
      %add3A_1046 = arith.addf %scan3A_1036, %mul3A_1045 : vector<16xf32>
      scf.yield %add3A_1046 : vector<16xf32>
    }
    %scan3A_362 = arith.constant 13 : i32
    %swap3A_363 = arith.constant 368 : index
    %swap3A_364 = tpu.vector_load %arg16[%swap3A_363] {strides = array<i32>} : memref<512xf32, #tpu.memory_space<vmem>>, vector<16xf32>,
    %swap3A_365 = vector.shape_cast %swap3A_364 : vector<16xf32> to vector<16xf32>
    %swap3A_366 = vector.shape_cast %scan3A_361 : vector<16xf32> to vector<16xf32>
    tpu.vector_store %arg16[%swap3A_363], %swap3A_366 {strides = array<i32>} : memref<512xf32, #tpu.memory_space<vmem>>, vector<16xf32>,
    %get3A_367 = arith.constant 0 : i32
    %get3A_368 = arith.index_cast %get3A_367 : i32 to index
    %get3A_369 = arith.constant 0 : index
    %get3A_370 = tpu.vector_load %arg14[%get3A_368, %get3A_369] {strides = array<i32>} : memref<1x16xf32, #tpu.memory_space<vmem>>, vector<1x16xf32>,
    %get3A_371 = vector.shape_cast %get3A_370 : vector<1x16xf32> to vector<16xf32>
    %scan3A_372 = arith.constant 0 : i32
    %scan3A_373 = arith.constant 13 : i32
    %scan3A_374 = arith.addi %scan3A_372, %scan3A_373 : i32
    %scan3A_375 = arith.constant 1 : i32
    %scan3A_376 = scf.for %scan3A_1035 = %scan3A_372 to %scan3A_374 step %scan3A_375 iter_args(%scan3A_1036 = %get3A_371) -> (vector<16xf32>)  : i32 {
      %get3A_1037 = arith.index_cast %scan3A_1035 : i32 to index
      %get3A_1038 = arith.constant 384 : index
      %get3A_1039 = tpu.vector_load %arg11[%get3A_1037, %get3A_1038] {strides = array<i32>} : memref<13x512xf32, #tpu.memory_space<vmem>>, vector<1x16xf32>,
      %get3A_1040 = vector.shape_cast %get3A_1039 : vector<1x16xf32> to vector<16xf32>
      %get3A_1041 = arith.index_cast %scan3A_1035 : i32 to index
      %get3A_1042 = arith.constant 0 : index
      %get3A_1043 = tpu.vector_load %arg13[%get3A_1041, %get3A_1042] {strides = array<i32>} : memref<13x16xf32, #tpu.memory_space<vmem>>, vector<1x16xf32>,
      %get3A_1044 = vector.shape_cast %get3A_1043 : vector<1x16xf32> to vector<16xf32>
      %mul3A_1045 = arith.mulf %get3A_1044, %get3A_1040 : vector<16xf32>
      %add3A_1046 = arith.addf %scan3A_1036, %mul3A_1045 : vector<16xf32>
      scf.yield %add3A_1046 : vector<16xf32>
    }
    %scan3A_377 = arith.constant 13 : i32
    %swap3A_378 = arith.constant 384 : index
    %swap3A_379 = tpu.vector_load %arg16[%swap3A_378] {strides = array<i32>} : memref<512xf32, #tpu.memory_space<vmem>>, vector<16xf32>,
    %swap3A_380 = vector.shape_cast %swap3A_379 : vector<16xf32> to vector<16xf32>
    %swap3A_381 = vector.shape_cast %scan3A_376 : vector<16xf32> to vector<16xf32>
    tpu.vector_store %arg16[%swap3A_378], %swap3A_381 {strides = array<i32>} : memref<512xf32, #tpu.memory_space<vmem>>, vector<16xf32>,
    %get3A_382 = arith.constant 0 : i32
    %get3A_383 = arith.index_cast %get3A_382 : i32 to index
    %get3A_384 = arith.constant 0 : index
    %get3A_385 = tpu.vector_load %arg14[%get3A_383, %get3A_384] {strides = array<i32>} : memref<1x16xf32, #tpu.memory_space<vmem>>, vector<1x16xf32>,
    %get3A_386 = vector.shape_cast %get3A_385 : vector<1x16xf32> to vector<16xf32>
    %scan3A_387 = arith.constant 0 : i32
    %scan3A_388 = arith.constant 13 : i32
    %scan3A_389 = arith.addi %scan3A_387, %scan3A_388 : i32
    %scan3A_390 = arith.constant 1 : i32
    %scan3A_391 = scf.for %scan3A_1035 = %scan3A_387 to %scan3A_389 step %scan3A_390 iter_args(%scan3A_1036 = %get3A_386) -> (vector<16xf32>)  : i32 {
      %get3A_1037 = arith.index_cast %scan3A_1035 : i32 to index
      %get3A_1038 = arith.constant 400 : index
      %get3A_1039 = tpu.vector_load %arg11[%get3A_1037, %get3A_1038] {strides = array<i32>} : memref<13x512xf32, #tpu.memory_space<vmem>>, vector<1x16xf32>,
      %get3A_1040 = vector.shape_cast %get3A_1039 : vector<1x16xf32> to vector<16xf32>
      %get3A_1041 = arith.index_cast %scan3A_1035 : i32 to index
      %get3A_1042 = arith.constant 0 : index
      %get3A_1043 = tpu.vector_load %arg13[%get3A_1041, %get3A_1042] {strides = array<i32>} : memref<13x16xf32, #tpu.memory_space<vmem>>, vector<1x16xf32>,
      %get3A_1044 = vector.shape_cast %get3A_1043 : vector<1x16xf32> to vector<16xf32>
      %mul3A_1045 = arith.mulf %get3A_1044, %get3A_1040 : vector<16xf32>
      %add3A_1046 = arith.addf %scan3A_1036, %mul3A_1045 : vector<16xf32>
      scf.yield %add3A_1046 : vector<16xf32>
    }
    %scan3A_392 = arith.constant 13 : i32
    %swap3A_393 = arith.constant 400 : index
    %swap3A_394 = tpu.vector_load %arg16[%swap3A_393] {strides = array<i32>} : memref<512xf32, #tpu.memory_space<vmem>>, vector<16xf32>,
    %swap3A_395 = vector.shape_cast %swap3A_394 : vector<16xf32> to vector<16xf32>
    %swap3A_396 = vector.shape_cast %scan3A_391 : vector<16xf32> to vector<16xf32>
    tpu.vector_store %arg16[%swap3A_393], %swap3A_396 {strides = array<i32>} : memref<512xf32, #tpu.memory_space<vmem>>, vector<16xf32>,
    %get3A_397 = arith.constant 0 : i32
    %get3A_398 = arith.index_cast %get3A_397 : i32 to index
    %get3A_399 = arith.constant 0 : index
    %get3A_400 = tpu.vector_load %arg14[%get3A_398, %get3A_399] {strides = array<i32>} : memref<1x16xf32, #tpu.memory_space<vmem>>, vector<1x16xf32>,
    %get3A_401 = vector.shape_cast %get3A_400 : vector<1x16xf32> to vector<16xf32>
    %scan3A_402 = arith.constant 0 : i32
    %scan3A_403 = arith.constant 13 : i32
    %scan3A_404 = arith.addi %scan3A_402, %scan3A_403 : i32
    %scan3A_405 = arith.constant 1 : i32
    %scan3A_406 = scf.for %scan3A_1035 = %scan3A_402 to %scan3A_404 step %scan3A_405 iter_args(%scan3A_1036 = %get3A_401) -> (vector<16xf32>)  : i32 {
      %get3A_1037 = arith.index_cast %scan3A_1035 : i32 to index
      %get3A_1038 = arith.constant 416 : index
      %get3A_1039 = tpu.vector_load %arg11[%get3A_1037, %get3A_1038] {strides = array<i32>} : memref<13x512xf32, #tpu.memory_space<vmem>>, vector<1x16xf32>,
      %get3A_1040 = vector.shape_cast %get3A_1039 : vector<1x16xf32> to vector<16xf32>
      %get3A_1041 = arith.index_cast %scan3A_1035 : i32 to index
      %get3A_1042 = arith.constant 0 : index
      %get3A_1043 = tpu.vector_load %arg13[%get3A_1041, %get3A_1042] {strides = array<i32>} : memref<13x16xf32, #tpu.memory_space<vmem>>, vector<1x16xf32>,
      %get3A_1044 = vector.shape_cast %get3A_1043 : vector<1x16xf32> to vector<16xf32>
      %mul3A_1045 = arith.mulf %get3A_1044, %get3A_1040 : vector<16xf32>
      %add3A_1046 = arith.addf %scan3A_1036, %mul3A_1045 : vector<16xf32>
      scf.yield %add3A_1046 : vector<16xf32>
    }
    %scan3A_407 = arith.constant 13 : i32
    %swap3A_408 = arith.constant 416 : index
    %swap3A_409 = tpu.vector_load %arg16[%swap3A_408] {strides = array<i32>} : memref<512xf32, #tpu.memory_space<vmem>>, vector<16xf32>,
    %swap3A_410 = vector.shape_cast %swap3A_409 : vector<16xf32> to vector<16xf32>
    %swap3A_411 = vector.shape_cast %scan3A_406 : vector<16xf32> to vector<16xf32>
    tpu.vector_store %arg16[%swap3A_408], %swap3A_411 {strides = array<i32>} : memref<512xf32, #tpu.memory_space<vmem>>, vector<16xf32>,
    %get3A_412 = arith.constant 0 : i32
    %get3A_413 = arith.index_cast %get3A_412 : i32 to index
    %get3A_414 = arith.constant 0 : index
    %get3A_415 = tpu.vector_load %arg14[%get3A_413, %get3A_414] {strides = array<i32>} : memref<1x16xf32, #tpu.memory_space<vmem>>, vector<1x16xf32>,
    %get3A_416 = vector.shape_cast %get3A_415 : vector<1x16xf32> to vector<16xf32>
    %scan3A_417 = arith.constant 0 : i32
    %scan3A_418 = arith.constant 13 : i32
    %scan3A_419 = arith.addi %scan3A_417, %scan3A_418 : i32
    %scan3A_420 = arith.constant 1 : i32
    %scan3A_421 = scf.for %scan3A_1035 = %scan3A_417 to %scan3A_419 step %scan3A_420 iter_args(%scan3A_1036 = %get3A_416) -> (vector<16xf32>)  : i32 {
      %get3A_1037 = arith.index_cast %scan3A_1035 : i32 to index
      %get3A_1038 = arith.constant 432 : index
      %get3A_1039 = tpu.vector_load %arg11[%get3A_1037, %get3A_1038] {strides = array<i32>} : memref<13x512xf32, #tpu.memory_space<vmem>>, vector<1x16xf32>,
      %get3A_1040 = vector.shape_cast %get3A_1039 : vector<1x16xf32> to vector<16xf32>
      %get3A_1041 = arith.index_cast %scan3A_1035 : i32 to index
      %get3A_1042 = arith.constant 0 : index
      %get3A_1043 = tpu.vector_load %arg13[%get3A_1041, %get3A_1042] {strides = array<i32>} : memref<13x16xf32, #tpu.memory_space<vmem>>, vector<1x16xf32>,
      %get3A_1044 = vector.shape_cast %get3A_1043 : vector<1x16xf32> to vector<16xf32>
      %mul3A_1045 = arith.mulf %get3A_1044, %get3A_1040 : vector<16xf32>
      %add3A_1046 = arith.addf %scan3A_1036, %mul3A_1045 : vector<16xf32>
      scf.yield %add3A_1046 : vector<16xf32>
    }
    %scan3A_422 = arith.constant 13 : i32
    %swap3A_423 = arith.constant 432 : index
    %swap3A_424 = tpu.vector_load %arg16[%swap3A_423] {strides = array<i32>} : memref<512xf32, #tpu.memory_space<vmem>>, vector<16xf32>,
    %swap3A_425 = vector.shape_cast %swap3A_424 : vector<16xf32> to vector<16xf32>
    %swap3A_426 = vector.shape_cast %scan3A_421 : vector<16xf32> to vector<16xf32>
    tpu.vector_store %arg16[%swap3A_423], %swap3A_426 {strides = array<i32>} : memref<512xf32, #tpu.memory_space<vmem>>, vector<16xf32>,
    %get3A_427 = arith.constant 0 : i32
    %get3A_428 = arith.index_cast %get3A_427 : i32 to index
    %get3A_429 = arith.constant 0 : index
    %get3A_430 = tpu.vector_load %arg14[%get3A_428, %get3A_429] {strides = array<i32>} : memref<1x16xf32, #tpu.memory_space<vmem>>, vector<1x16xf32>,
    %get3A_431 = vector.shape_cast %get3A_430 : vector<1x16xf32> to vector<16xf32>
    %scan3A_432 = arith.constant 0 : i32
    %scan3A_433 = arith.constant 13 : i32
    %scan3A_434 = arith.addi %scan3A_432, %scan3A_433 : i32
    %scan3A_435 = arith.constant 1 : i32
    %scan3A_436 = scf.for %scan3A_1035 = %scan3A_432 to %scan3A_434 step %scan3A_435 iter_args(%scan3A_1036 = %get3A_431) -> (vector<16xf32>)  : i32 {
      %get3A_1037 = arith.index_cast %scan3A_1035 : i32 to index
      %get3A_1038 = arith.constant 448 : index
      %get3A_1039 = tpu.vector_load %arg11[%get3A_1037, %get3A_1038] {strides = array<i32>} : memref<13x512xf32, #tpu.memory_space<vmem>>, vector<1x16xf32>,
      %get3A_1040 = vector.shape_cast %get3A_1039 : vector<1x16xf32> to vector<16xf32>
      %get3A_1041 = arith.index_cast %scan3A_1035 : i32 to index
      %get3A_1042 = arith.constant 0 : index
      %get3A_1043 = tpu.vector_load %arg13[%get3A_1041, %get3A_1042] {strides = array<i32>} : memref<13x16xf32, #tpu.memory_space<vmem>>, vector<1x16xf32>,
      %get3A_1044 = vector.shape_cast %get3A_1043 : vector<1x16xf32> to vector<16xf32>
      %mul3A_1045 = arith.mulf %get3A_1044, %get3A_1040 : vector<16xf32>
      %add3A_1046 = arith.addf %scan3A_1036, %mul3A_1045 : vector<16xf32>
      scf.yield %add3A_1046 : vector<16xf32>
    }
    %scan3A_437 = arith.constant 13 : i32
    %swap3A_438 = arith.constant 448 : index
    %swap3A_439 = tpu.vector_load %arg16[%swap3A_438] {strides = array<i32>} : memref<512xf32, #tpu.memory_space<vmem>>, vector<16xf32>,
    %swap3A_440 = vector.shape_cast %swap3A_439 : vector<16xf32> to vector<16xf32>
    %swap3A_441 = vector.shape_cast %scan3A_436 : vector<16xf32> to vector<16xf32>
    tpu.vector_store %arg16[%swap3A_438], %swap3A_441 {strides = array<i32>} : memref<512xf32, #tpu.memory_space<vmem>>, vector<16xf32>,
    %get3A_442 = arith.constant 0 : i32
    %get3A_443 = arith.index_cast %get3A_442 : i32 to index
    %get3A_444 = arith.constant 0 : index
    %get3A_445 = tpu.vector_load %arg14[%get3A_443, %get3A_444] {strides = array<i32>} : memref<1x16xf32, #tpu.memory_space<vmem>>, vector<1x16xf32>,
    %get3A_446 = vector.shape_cast %get3A_445 : vector<1x16xf32> to vector<16xf32>
    %scan3A_447 = arith.constant 0 : i32
    %scan3A_448 = arith.constant 13 : i32
    %scan3A_449 = arith.addi %scan3A_447, %scan3A_448 : i32
    %scan3A_450 = arith.constant 1 : i32
    %scan3A_451 = scf.for %scan3A_1035 = %scan3A_447 to %scan3A_449 step %scan3A_450 iter_args(%scan3A_1036 = %get3A_446) -> (vector<16xf32>)  : i32 {
      %get3A_1037 = arith.index_cast %scan3A_1035 : i32 to index
      %get3A_1038 = arith.constant 464 : index
      %get3A_1039 = tpu.vector_load %arg11[%get3A_1037, %get3A_1038] {strides = array<i32>} : memref<13x512xf32, #tpu.memory_space<vmem>>, vector<1x16xf32>,
      %get3A_1040 = vector.shape_cast %get3A_1039 : vector<1x16xf32> to vector<16xf32>
      %get3A_1041 = arith.index_cast %scan3A_1035 : i32 to index
      %get3A_1042 = arith.constant 0 : index
      %get3A_1043 = tpu.vector_load %arg13[%get3A_1041, %get3A_1042] {strides = array<i32>} : memref<13x16xf32, #tpu.memory_space<vmem>>, vector<1x16xf32>,
      %get3A_1044 = vector.shape_cast %get3A_1043 : vector<1x16xf32> to vector<16xf32>
      %mul3A_1045 = arith.mulf %get3A_1044, %get3A_1040 : vector<16xf32>
      %add3A_1046 = arith.addf %scan3A_1036, %mul3A_1045 : vector<16xf32>
      scf.yield %add3A_1046 : vector<16xf32>
    }
    %scan3A_452 = arith.constant 13 : i32
    %swap3A_453 = arith.constant 464 : index
    %swap3A_454 = tpu.vector_load %arg16[%swap3A_453] {strides = array<i32>} : memref<512xf32, #tpu.memory_space<vmem>>, vector<16xf32>,
    %swap3A_455 = vector.shape_cast %swap3A_454 : vector<16xf32> to vector<16xf32>
    %swap3A_456 = vector.shape_cast %scan3A_451 : vector<16xf32> to vector<16xf32>
    tpu.vector_store %arg16[%swap3A_453], %swap3A_456 {strides = array<i32>} : memref<512xf32, #tpu.memory_space<vmem>>, vector<16xf32>,
    %get3A_457 = arith.constant 0 : i32
    %get3A_458 = arith.index_cast %get3A_457 : i32 to index
    %get3A_459 = arith.constant 0 : index
    %get3A_460 = tpu.vector_load %arg14[%get3A_458, %get3A_459] {strides = array<i32>} : memref<1x16xf32, #tpu.memory_space<vmem>>, vector<1x16xf32>,
    %get3A_461 = vector.shape_cast %get3A_460 : vector<1x16xf32> to vector<16xf32>
    %scan3A_462 = arith.constant 0 : i32
    %scan3A_463 = arith.constant 13 : i32
    %scan3A_464 = arith.addi %scan3A_462, %scan3A_463 : i32
    %scan3A_465 = arith.constant 1 : i32
    %scan3A_466 = scf.for %scan3A_1035 = %scan3A_462 to %scan3A_464 step %scan3A_465 iter_args(%scan3A_1036 = %get3A_461) -> (vector<16xf32>)  : i32 {
      %get3A_1037 = arith.index_cast %scan3A_1035 : i32 to index
      %get3A_1038 = arith.constant 480 : index
      %get3A_1039 = tpu.vector_load %arg11[%get3A_1037, %get3A_1038] {strides = array<i32>} : memref<13x512xf32, #tpu.memory_space<vmem>>, vector<1x16xf32>,
      %get3A_1040 = vector.shape_cast %get3A_1039 : vector<1x16xf32> to vector<16xf32>
      %get3A_1041 = arith.index_cast %scan3A_1035 : i32 to index
      %get3A_1042 = arith.constant 0 : index
      %get3A_1043 = tpu.vector_load %arg13[%get3A_1041, %get3A_1042] {strides = array<i32>} : memref<13x16xf32, #tpu.memory_space<vmem>>, vector<1x16xf32>,
      %get3A_1044 = vector.shape_cast %get3A_1043 : vector<1x16xf32> to vector<16xf32>
      %mul3A_1045 = arith.mulf %get3A_1044, %get3A_1040 : vector<16xf32>
      %add3A_1046 = arith.addf %scan3A_1036, %mul3A_1045 : vector<16xf32>
      scf.yield %add3A_1046 : vector<16xf32>
    }
    %scan3A_467 = arith.constant 13 : i32
    %swap3A_468 = arith.constant 480 : index
    %swap3A_469 = tpu.vector_load %arg16[%swap3A_468] {strides = array<i32>} : memref<512xf32, #tpu.memory_space<vmem>>, vector<16xf32>,
    %swap3A_470 = vector.shape_cast %swap3A_469 : vector<16xf32> to vector<16xf32>
    %swap3A_471 = vector.shape_cast %scan3A_466 : vector<16xf32> to vector<16xf32>
    tpu.vector_store %arg16[%swap3A_468], %swap3A_471 {strides = array<i32>} : memref<512xf32, #tpu.memory_space<vmem>>, vector<16xf32>,
    %get3A_472 = arith.constant 0 : i32
    %get3A_473 = arith.index_cast %get3A_472 : i32 to index
    %get3A_474 = arith.constant 0 : index
    %get3A_475 = tpu.vector_load %arg14[%get3A_473, %get3A_474] {strides = array<i32>} : memref<1x16xf32, #tpu.memory_space<vmem>>, vector<1x16xf32>,
    %get3A_476 = vector.shape_cast %get3A_475 : vector<1x16xf32> to vector<16xf32>
    %scan3A_477 = arith.constant 0 : i32
    %scan3A_478 = arith.constant 13 : i32
    %scan3A_479 = arith.addi %scan3A_477, %scan3A_478 : i32
    %scan3A_480 = arith.constant 1 : i32
    %scan3A_481 = scf.for %scan3A_1035 = %scan3A_477 to %scan3A_479 step %scan3A_480 iter_args(%scan3A_1036 = %get3A_476) -> (vector<16xf32>)  : i32 {
      %get3A_1037 = arith.index_cast %scan3A_1035 : i32 to index
      %get3A_1038 = arith.constant 496 : index
      %get3A_1039 = tpu.vector_load %arg11[%get3A_1037, %get3A_1038] {strides = array<i32>} : memref<13x512xf32, #tpu.memory_space<vmem>>, vector<1x16xf32>,
      %get3A_1040 = vector.shape_cast %get3A_1039 : vector<1x16xf32> to vector<16xf32>
      %get3A_1041 = arith.index_cast %scan3A_1035 : i32 to index
      %get3A_1042 = arith.constant 0 : index
      %get3A_1043 = tpu.vector_load %arg13[%get3A_1041, %get3A_1042] {strides = array<i32>} : memref<13x16xf32, #tpu.memory_space<vmem>>, vector<1x16xf32>,
      %get3A_1044 = vector.shape_cast %get3A_1043 : vector<1x16xf32> to vector<16xf32>
      %mul3A_1045 = arith.mulf %get3A_1044, %get3A_1040 : vector<16xf32>
      %add3A_1046 = arith.addf %scan3A_1036, %mul3A_1045 : vector<16xf32>
      scf.yield %add3A_1046 : vector<16xf32>
    }
    %scan3A_482 = arith.constant 13 : i32
    %swap3A_483 = arith.constant 496 : index
    %swap3A_484 = tpu.vector_load %arg16[%swap3A_483] {strides = array<i32>} : memref<512xf32, #tpu.memory_space<vmem>>, vector<16xf32>,
    %swap3A_485 = vector.shape_cast %swap3A_484 : vector<16xf32> to vector<16xf32>
    %swap3A_486 = vector.shape_cast %scan3A_481 : vector<16xf32> to vector<16xf32>
    tpu.vector_store %arg16[%swap3A_483], %swap3A_486 {strides = array<i32>} : memref<512xf32, #tpu.memory_space<vmem>>, vector<16xf32>,
    %scan3A_487 = arith.constant 0 : i32
    %scan3A_488 = arith.constant 0 : i32
    %scan3A_489 = arith.constant 26 : i32
    %scan3A_490 = arith.addi %scan3A_488, %scan3A_489 : i32
    %scan3A_491 = arith.constant 1 : i32
    %scan3A_492 = scf.for %scan3A_1035 = %scan3A_488 to %scan3A_490 step %scan3A_491 iter_args(%scan3A_1036 = %scan3A_487) -> (i32)  : i32 {
      %dma_wait3A = arith.constant 0 : i32
      %dma_wait3A_1037 = arith.constant 0 : i32
      %dma_wait3A_1038 = arith.constant 0 : i32
      %dma_wait3A_1039 = tpu.memref_slice %arg10[%dma_wait3A_1037, %dma_wait3A_1038] : memref<104x128xf32, #tpu.memory_space<vmem>> -> memref<1x128xf32, #tpu.memory_space<vmem>>
      %dma_wait3A_1040 = tpu.memref_squeeze %dma_wait3A_1039 : memref<1x128xf32, #tpu.memory_space<vmem>> -> memref<128xf32, #tpu.memory_space<vmem>>
      %dma_wait3A_1041 = arith.constant 0 : i32
      %dma_wait3A_1042 = tpu.memref_slice %arg9[%dma_wait3A, %dma_wait3A_1041] : memref<104x128xi32, #tpu.memory_space<vmem>> -> memref<1x128xi32, #tpu.memory_space<vmem>>
      %dma_wait3A_1043 = tpu.memref_squeeze %dma_wait3A_1042 : memref<1x128xi32, #tpu.memory_space<vmem>> -> memref<128xi32, #tpu.memory_space<vmem>>
      %dma_wait3A_1044 = arith.constant 0 : i32
      %dma_wait3A_1045 = tpu.memref_slice %arg2[%dma_wait3A_1044] : memref<26038272xf32, #tpu.memory_space<hbm>> -> memref<26038272xf32, #tpu.memory_space<hbm>>
      tpu.wait_indirect_dma semaphore(%arg17 : memref<!tpu.dma_semaphore, #tpu.memory_space<semaphore_mem>>) src(%dma_wait3A_1045 : memref<26038272xf32, #tpu.memory_space<hbm>>) dst(%dma_wait3A_1040 : memref<128xf32, #tpu.memory_space<vmem>>)
      %dma_wait3A_1046 = arith.constant 0 : i32
      %dma_wait3A_1047 = arith.constant 0 : i32
      %dma_wait3A_1048 = arith.constant 0 : i32
      %dma_wait3A_1049 = tpu.memref_slice %arg10[%dma_wait3A_1047, %dma_wait3A_1048] : memref<104x128xf32, #tpu.memory_space<vmem>> -> memref<1x128xf32, #tpu.memory_space<vmem>>
      %dma_wait3A_1050 = tpu.memref_squeeze %dma_wait3A_1049 : memref<1x128xf32, #tpu.memory_space<vmem>> -> memref<128xf32, #tpu.memory_space<vmem>>
      %dma_wait3A_1051 = arith.constant 0 : i32
      %dma_wait3A_1052 = tpu.memref_slice %arg9[%dma_wait3A_1046, %dma_wait3A_1051] : memref<104x128xi32, #tpu.memory_space<vmem>> -> memref<1x128xi32, #tpu.memory_space<vmem>>
      %dma_wait3A_1053 = tpu.memref_squeeze %dma_wait3A_1052 : memref<1x128xi32, #tpu.memory_space<vmem>> -> memref<128xi32, #tpu.memory_space<vmem>>
      %dma_wait3A_1054 = arith.constant 0 : i32
      %dma_wait3A_1055 = tpu.memref_slice %arg2[%dma_wait3A_1054] : memref<26038272xf32, #tpu.memory_space<hbm>> -> memref<26038272xf32, #tpu.memory_space<hbm>>
      tpu.wait_indirect_dma semaphore(%arg17 : memref<!tpu.dma_semaphore, #tpu.memory_space<semaphore_mem>>) src(%dma_wait3A_1055 : memref<26038272xf32, #tpu.memory_space<hbm>>) dst(%dma_wait3A_1050 : memref<128xf32, #tpu.memory_space<vmem>>)
      %dma_wait3A_1056 = arith.constant 0 : i32
      %dma_wait3A_1057 = arith.constant 0 : i32
      %dma_wait3A_1058 = arith.constant 0 : i32
      %dma_wait3A_1059 = tpu.memref_slice %arg10[%dma_wait3A_1057, %dma_wait3A_1058] : memref<104x128xf32, #tpu.memory_space<vmem>> -> memref<1x128xf32, #tpu.memory_space<vmem>>
      %dma_wait3A_1060 = tpu.memref_squeeze %dma_wait3A_1059 : memref<1x128xf32, #tpu.memory_space<vmem>> -> memref<128xf32, #tpu.memory_space<vmem>>
      %dma_wait3A_1061 = arith.constant 0 : i32
      %dma_wait3A_1062 = tpu.memref_slice %arg9[%dma_wait3A_1056, %dma_wait3A_1061] : memref<104x128xi32, #tpu.memory_space<vmem>> -> memref<1x128xi32, #tpu.memory_space<vmem>>
      %dma_wait3A_1063 = tpu.memref_squeeze %dma_wait3A_1062 : memref<1x128xi32, #tpu.memory_space<vmem>> -> memref<128xi32, #tpu.memory_space<vmem>>
      %dma_wait3A_1064 = arith.constant 0 : i32
      %dma_wait3A_1065 = tpu.memref_slice %arg2[%dma_wait3A_1064] : memref<26038272xf32, #tpu.memory_space<hbm>> -> memref<26038272xf32, #tpu.memory_space<hbm>>
      tpu.wait_indirect_dma semaphore(%arg17 : memref<!tpu.dma_semaphore, #tpu.memory_space<semaphore_mem>>) src(%dma_wait3A_1065 : memref<26038272xf32, #tpu.memory_space<hbm>>) dst(%dma_wait3A_1060 : memref<128xf32, #tpu.memory_space<vmem>>)
      %dma_wait3A_1066 = arith.constant 0 : i32
      %dma_wait3A_1067 = arith.constant 0 : i32
      %dma_wait3A_1068 = arith.constant 0 : i32
      %dma_wait3A_1069 = tpu.memref_slice %arg10[%dma_wait3A_1067, %dma_wait3A_1068] : memref<104x128xf32, #tpu.memory_space<vmem>> -> memref<1x128xf32, #tpu.memory_space<vmem>>
      %dma_wait3A_1070 = tpu.memref_squeeze %dma_wait3A_1069 : memref<1x128xf32, #tpu.memory_space<vmem>> -> memref<128xf32, #tpu.memory_space<vmem>>
      %dma_wait3A_1071 = arith.constant 0 : i32
      %dma_wait3A_1072 = tpu.memref_slice %arg9[%dma_wait3A_1066, %dma_wait3A_1071] : memref<104x128xi32, #tpu.memory_space<vmem>> -> memref<1x128xi32, #tpu.memory_space<vmem>>
      %dma_wait3A_1073 = tpu.memref_squeeze %dma_wait3A_1072 : memref<1x128xi32, #tpu.memory_space<vmem>> -> memref<128xi32, #tpu.memory_space<vmem>>
      %dma_wait3A_1074 = arith.constant 0 : i32
      %dma_wait3A_1075 = tpu.memref_slice %arg2[%dma_wait3A_1074] : memref<26038272xf32, #tpu.memory_space<hbm>> -> memref<26038272xf32, #tpu.memory_space<hbm>>
      tpu.wait_indirect_dma semaphore(%arg17 : memref<!tpu.dma_semaphore, #tpu.memory_space<semaphore_mem>>) src(%dma_wait3A_1075 : memref<26038272xf32, #tpu.memory_space<hbm>>) dst(%dma_wait3A_1070 : memref<128xf32, #tpu.memory_space<vmem>>)
      %get3A_1076 = arith.index_cast %scan3A_1035 : i32 to index
      %get3A_1077 = arith.constant 0 : index
      %get3A_1078 = tpu.vector_load %arg12[%get3A_1076, %get3A_1077] {strides = array<i32>} : memref<26x16xf32, #tpu.memory_space<vmem>>, vector<1x16xf32>,
      %get3A_1079 = vector.shape_cast %get3A_1078 : vector<1x16xf32> to vector<16xf32>
      %get3A_1080 = arith.constant 0 : index
      %get3A_1081 = tpu.vector_load %arg16[%get3A_1080] {strides = array<i32>} : memref<512xf32, #tpu.memory_space<vmem>>, vector<16xf32>,
      %get3A_1082 = vector.shape_cast %get3A_1081 : vector<16xf32> to vector<16xf32>
      %mul3A_1083 = arith.constant 4 : i32
      %mul3A_1084 = arith.muli %mul3A_1083, %scan3A_1035 : i32
      %add3A_1085 = arith.constant 0 : i32
      %add3A_1086 = arith.addi %mul3A_1084, %add3A_1085 : i32
      %get3A_1087 = arith.index_cast %add3A_1086 : i32 to index
      %get3A_1088 = arith.constant 0 : index
      %get3A_1089 = tpu.vector_load %arg10[%get3A_1087, %get3A_1088] {strides = array<i32>} : memref<104x128xf32, #tpu.memory_space<vmem>>, vector<1x16xf32>,
      %get3A_1090 = vector.shape_cast %get3A_1089 : vector<1x16xf32> to vector<16xf32>
      %mul3A_1091 = arith.mulf %get3A_1079, %get3A_1090 : vector<16xf32>
      %add3A_1092 = arith.addf %get3A_1082, %mul3A_1091 : vector<16xf32>
      %swap3A_1093 = arith.constant 0 : index
      %swap3A_1094 = tpu.vector_load %arg16[%swap3A_1093] {strides = array<i32>} : memref<512xf32, #tpu.memory_space<vmem>>, vector<16xf32>,
      %swap3A_1095 = vector.shape_cast %swap3A_1094 : vector<16xf32> to vector<16xf32>
      %swap3A_1096 = vector.shape_cast %add3A_1092 : vector<16xf32> to vector<16xf32>
      tpu.vector_store %arg16[%swap3A_1093], %swap3A_1096 {strides = array<i32>} : memref<512xf32, #tpu.memory_space<vmem>>, vector<16xf32>,
      %get3A_1097 = arith.constant 16 : index
      %get3A_1098 = tpu.vector_load %arg16[%get3A_1097] {strides = array<i32>} : memref<512xf32, #tpu.memory_space<vmem>>, vector<16xf32>,
      %get3A_1099 = vector.shape_cast %get3A_1098 : vector<16xf32> to vector<16xf32>
      %mul3A_1100 = arith.constant 4 : i32
      %mul3A_1101 = arith.muli %mul3A_1100, %scan3A_1035 : i32
      %add3A_1102 = arith.constant 0 : i32
      %add3A_1103 = arith.addi %mul3A_1101, %add3A_1102 : i32
      %get3A_1104 = arith.index_cast %add3A_1103 : i32 to index
      %get3A_1105 = arith.constant 16 : index
      %get3A_1106 = tpu.vector_load %arg10[%get3A_1104, %get3A_1105] {strides = array<i32>} : memref<104x128xf32, #tpu.memory_space<vmem>>, vector<1x16xf32>,
      %get3A_1107 = vector.shape_cast %get3A_1106 : vector<1x16xf32> to vector<16xf32>
      %mul3A_1108 = arith.mulf %get3A_1079, %get3A_1107 : vector<16xf32>
      %add3A_1109 = arith.addf %get3A_1099, %mul3A_1108 : vector<16xf32>
      %swap3A_1110 = arith.constant 16 : index
      %swap3A_1111 = tpu.vector_load %arg16[%swap3A_1110] {strides = array<i32>} : memref<512xf32, #tpu.memory_space<vmem>>, vector<16xf32>,
      %swap3A_1112 = vector.shape_cast %swap3A_1111 : vector<16xf32> to vector<16xf32>
      %swap3A_1113 = vector.shape_cast %add3A_1109 : vector<16xf32> to vector<16xf32>
      tpu.vector_store %arg16[%swap3A_1110], %swap3A_1113 {strides = array<i32>} : memref<512xf32, #tpu.memory_space<vmem>>, vector<16xf32>,
      %get3A_1114 = arith.constant 32 : index
      %get3A_1115 = tpu.vector_load %arg16[%get3A_1114] {strides = array<i32>} : memref<512xf32, #tpu.memory_space<vmem>>, vector<16xf32>,
      %get3A_1116 = vector.shape_cast %get3A_1115 : vector<16xf32> to vector<16xf32>
      %mul3A_1117 = arith.constant 4 : i32
      %mul3A_1118 = arith.muli %mul3A_1117, %scan3A_1035 : i32
      %add3A_1119 = arith.constant 0 : i32
      %add3A_1120 = arith.addi %mul3A_1118, %add3A_1119 : i32
      %get3A_1121 = arith.index_cast %add3A_1120 : i32 to index
      %get3A_1122 = arith.constant 32 : index
      %get3A_1123 = tpu.vector_load %arg10[%get3A_1121, %get3A_1122] {strides = array<i32>} : memref<104x128xf32, #tpu.memory_space<vmem>>, vector<1x16xf32>,
      %get3A_1124 = vector.shape_cast %get3A_1123 : vector<1x16xf32> to vector<16xf32>
      %mul3A_1125 = arith.mulf %get3A_1079, %get3A_1124 : vector<16xf32>
      %add3A_1126 = arith.addf %get3A_1116, %mul3A_1125 : vector<16xf32>
      %swap3A_1127 = arith.constant 32 : index
      %swap3A_1128 = tpu.vector_load %arg16[%swap3A_1127] {strides = array<i32>} : memref<512xf32, #tpu.memory_space<vmem>>, vector<16xf32>,
      %swap3A_1129 = vector.shape_cast %swap3A_1128 : vector<16xf32> to vector<16xf32>
      %swap3A_1130 = vector.shape_cast %add3A_1126 : vector<16xf32> to vector<16xf32>
      tpu.vector_store %arg16[%swap3A_1127], %swap3A_1130 {strides = array<i32>} : memref<512xf32, #tpu.memory_space<vmem>>, vector<16xf32>,
      %get3A_1131 = arith.constant 48 : index
      %get3A_1132 = tpu.vector_load %arg16[%get3A_1131] {strides = array<i32>} : memref<512xf32, #tpu.memory_space<vmem>>, vector<16xf32>,
      %get3A_1133 = vector.shape_cast %get3A_1132 : vector<16xf32> to vector<16xf32>
      %mul3A_1134 = arith.constant 4 : i32
      %mul3A_1135 = arith.muli %mul3A_1134, %scan3A_1035 : i32
      %add3A_1136 = arith.constant 0 : i32
      %add3A_1137 = arith.addi %mul3A_1135, %add3A_1136 : i32
      %get3A_1138 = arith.index_cast %add3A_1137 : i32 to index
      %get3A_1139 = arith.constant 48 : index
      %get3A_1140 = tpu.vector_load %arg10[%get3A_1138, %get3A_1139] {strides = array<i32>} : memref<104x128xf32, #tpu.memory_space<vmem>>, vector<1x16xf32>,
      %get3A_1141 = vector.shape_cast %get3A_1140 : vector<1x16xf32> to vector<16xf32>
      %mul3A_1142 = arith.mulf %get3A_1079, %get3A_1141 : vector<16xf32>
      %add3A_1143 = arith.addf %get3A_1133, %mul3A_1142 : vector<16xf32>
      %swap3A_1144 = arith.constant 48 : index
      %swap3A_1145 = tpu.vector_load %arg16[%swap3A_1144] {strides = array<i32>} : memref<512xf32, #tpu.memory_space<vmem>>, vector<16xf32>,
      %swap3A_1146 = vector.shape_cast %swap3A_1145 : vector<16xf32> to vector<16xf32>
      %swap3A_1147 = vector.shape_cast %add3A_1143 : vector<16xf32> to vector<16xf32>
      tpu.vector_store %arg16[%swap3A_1144], %swap3A_1147 {strides = array<i32>} : memref<512xf32, #tpu.memory_space<vmem>>, vector<16xf32>,
      %get3A_1148 = arith.constant 64 : index
      %get3A_1149 = tpu.vector_load %arg16[%get3A_1148] {strides = array<i32>} : memref<512xf32, #tpu.memory_space<vmem>>, vector<16xf32>,
      %get3A_1150 = vector.shape_cast %get3A_1149 : vector<16xf32> to vector<16xf32>
      %mul3A_1151 = arith.constant 4 : i32
      %mul3A_1152 = arith.muli %mul3A_1151, %scan3A_1035 : i32
      %add3A_1153 = arith.constant 0 : i32
      %add3A_1154 = arith.addi %mul3A_1152, %add3A_1153 : i32
      %get3A_1155 = arith.index_cast %add3A_1154 : i32 to index
      %get3A_1156 = arith.constant 64 : index
      %get3A_1157 = tpu.vector_load %arg10[%get3A_1155, %get3A_1156] {strides = array<i32>} : memref<104x128xf32, #tpu.memory_space<vmem>>, vector<1x16xf32>,
      %get3A_1158 = vector.shape_cast %get3A_1157 : vector<1x16xf32> to vector<16xf32>
      %mul3A_1159 = arith.mulf %get3A_1079, %get3A_1158 : vector<16xf32>
      %add3A_1160 = arith.addf %get3A_1150, %mul3A_1159 : vector<16xf32>
      %swap3A_1161 = arith.constant 64 : index
      %swap3A_1162 = tpu.vector_load %arg16[%swap3A_1161] {strides = array<i32>} : memref<512xf32, #tpu.memory_space<vmem>>, vector<16xf32>,
      %swap3A_1163 = vector.shape_cast %swap3A_1162 : vector<16xf32> to vector<16xf32>
      %swap3A_1164 = vector.shape_cast %add3A_1160 : vector<16xf32> to vector<16xf32>
      tpu.vector_store %arg16[%swap3A_1161], %swap3A_1164 {strides = array<i32>} : memref<512xf32, #tpu.memory_space<vmem>>, vector<16xf32>,
      %get3A_1165 = arith.constant 80 : index
      %get3A_1166 = tpu.vector_load %arg16[%get3A_1165] {strides = array<i32>} : memref<512xf32, #tpu.memory_space<vmem>>, vector<16xf32>,
      %get3A_1167 = vector.shape_cast %get3A_1166 : vector<16xf32> to vector<16xf32>
      %mul3A_1168 = arith.constant 4 : i32
      %mul3A_1169 = arith.muli %mul3A_1168, %scan3A_1035 : i32
      %add3A_1170 = arith.constant 0 : i32
      %add3A_1171 = arith.addi %mul3A_1169, %add3A_1170 : i32
      %get3A_1172 = arith.index_cast %add3A_1171 : i32 to index
      %get3A_1173 = arith.constant 80 : index
      %get3A_1174 = tpu.vector_load %arg10[%get3A_1172, %get3A_1173] {strides = array<i32>} : memref<104x128xf32, #tpu.memory_space<vmem>>, vector<1x16xf32>,
      %get3A_1175 = vector.shape_cast %get3A_1174 : vector<1x16xf32> to vector<16xf32>
      %mul3A_1176 = arith.mulf %get3A_1079, %get3A_1175 : vector<16xf32>
      %add3A_1177 = arith.addf %get3A_1167, %mul3A_1176 : vector<16xf32>
      %swap3A_1178 = arith.constant 80 : index
      %swap3A_1179 = tpu.vector_load %arg16[%swap3A_1178] {strides = array<i32>} : memref<512xf32, #tpu.memory_space<vmem>>, vector<16xf32>,
      %swap3A_1180 = vector.shape_cast %swap3A_1179 : vector<16xf32> to vector<16xf32>
      %swap3A_1181 = vector.shape_cast %add3A_1177 : vector<16xf32> to vector<16xf32>
      tpu.vector_store %arg16[%swap3A_1178], %swap3A_1181 {strides = array<i32>} : memref<512xf32, #tpu.memory_space<vmem>>, vector<16xf32>,
      %get3A_1182 = arith.constant 96 : index
      %get3A_1183 = tpu.vector_load %arg16[%get3A_1182] {strides = array<i32>} : memref<512xf32, #tpu.memory_space<vmem>>, vector<16xf32>,
      %get3A_1184 = vector.shape_cast %get3A_1183 : vector<16xf32> to vector<16xf32>
      %mul3A_1185 = arith.constant 4 : i32
      %mul3A_1186 = arith.muli %mul3A_1185, %scan3A_1035 : i32
      %add3A_1187 = arith.constant 0 : i32
      %add3A_1188 = arith.addi %mul3A_1186, %add3A_1187 : i32
      %get3A_1189 = arith.index_cast %add3A_1188 : i32 to index
      %get3A_1190 = arith.constant 96 : index
      %get3A_1191 = tpu.vector_load %arg10[%get3A_1189, %get3A_1190] {strides = array<i32>} : memref<104x128xf32, #tpu.memory_space<vmem>>, vector<1x16xf32>,
      %get3A_1192 = vector.shape_cast %get3A_1191 : vector<1x16xf32> to vector<16xf32>
      %mul3A_1193 = arith.mulf %get3A_1079, %get3A_1192 : vector<16xf32>
      %add3A_1194 = arith.addf %get3A_1184, %mul3A_1193 : vector<16xf32>
      %swap3A_1195 = arith.constant 96 : index
      %swap3A_1196 = tpu.vector_load %arg16[%swap3A_1195] {strides = array<i32>} : memref<512xf32, #tpu.memory_space<vmem>>, vector<16xf32>,
      %swap3A_1197 = vector.shape_cast %swap3A_1196 : vector<16xf32> to vector<16xf32>
      %swap3A_1198 = vector.shape_cast %add3A_1194 : vector<16xf32> to vector<16xf32>
      tpu.vector_store %arg16[%swap3A_1195], %swap3A_1198 {strides = array<i32>} : memref<512xf32, #tpu.memory_space<vmem>>, vector<16xf32>,
      %get3A_1199 = arith.constant 112 : index
      %get3A_1200 = tpu.vector_load %arg16[%get3A_1199] {strides = array<i32>} : memref<512xf32, #tpu.memory_space<vmem>>, vector<16xf32>,
      %get3A_1201 = vector.shape_cast %get3A_1200 : vector<16xf32> to vector<16xf32>
      %mul3A_1202 = arith.constant 4 : i32
      %mul3A_1203 = arith.muli %mul3A_1202, %scan3A_1035 : i32
      %add3A_1204 = arith.constant 0 : i32
      %add3A_1205 = arith.addi %mul3A_1203, %add3A_1204 : i32
      %get3A_1206 = arith.index_cast %add3A_1205 : i32 to index
      %get3A_1207 = arith.constant 112 : index
      %get3A_1208 = tpu.vector_load %arg10[%get3A_1206, %get3A_1207] {strides = array<i32>} : memref<104x128xf32, #tpu.memory_space<vmem>>, vector<1x16xf32>,
      %get3A_1209 = vector.shape_cast %get3A_1208 : vector<1x16xf32> to vector<16xf32>
      %mul3A_1210 = arith.mulf %get3A_1079, %get3A_1209 : vector<16xf32>
      %add3A_1211 = arith.addf %get3A_1201, %mul3A_1210 : vector<16xf32>
      %swap3A_1212 = arith.constant 112 : index
      %swap3A_1213 = tpu.vector_load %arg16[%swap3A_1212] {strides = array<i32>} : memref<512xf32, #tpu.memory_space<vmem>>, vector<16xf32>,
      %swap3A_1214 = vector.shape_cast %swap3A_1213 : vector<16xf32> to vector<16xf32>
      %swap3A_1215 = vector.shape_cast %add3A_1211 : vector<16xf32> to vector<16xf32>
      tpu.vector_store %arg16[%swap3A_1212], %swap3A_1215 {strides = array<i32>} : memref<512xf32, #tpu.memory_space<vmem>>, vector<16xf32>,
      %get3A_1216 = arith.constant 128 : index
      %get3A_1217 = tpu.vector_load %arg16[%get3A_1216] {strides = array<i32>} : memref<512xf32, #tpu.memory_space<vmem>>, vector<16xf32>,
      %get3A_1218 = vector.shape_cast %get3A_1217 : vector<16xf32> to vector<16xf32>
      %mul3A_1219 = arith.constant 4 : i32
      %mul3A_1220 = arith.muli %mul3A_1219, %scan3A_1035 : i32
      %add3A_1221 = arith.constant 1 : i32
      %add3A_1222 = arith.addi %mul3A_1220, %add3A_1221 : i32
      %get3A_1223 = arith.index_cast %add3A_1222 : i32 to index
      %get3A_1224 = arith.constant 0 : index
      %get3A_1225 = tpu.vector_load %arg10[%get3A_1223, %get3A_1224] {strides = array<i32>} : memref<104x128xf32, #tpu.memory_space<vmem>>, vector<1x16xf32>,
      %get3A_1226 = vector.shape_cast %get3A_1225 : vector<1x16xf32> to vector<16xf32>
      %mul3A_1227 = arith.mulf %get3A_1079, %get3A_1226 : vector<16xf32>
      %add3A_1228 = arith.addf %get3A_1218, %mul3A_1227 : vector<16xf32>
      %swap3A_1229 = arith.constant 128 : index
      %swap3A_1230 = tpu.vector_load %arg16[%swap3A_1229] {strides = array<i32>} : memref<512xf32, #tpu.memory_space<vmem>>, vector<16xf32>,
      %swap3A_1231 = vector.shape_cast %swap3A_1230 : vector<16xf32> to vector<16xf32>
      %swap3A_1232 = vector.shape_cast %add3A_1228 : vector<16xf32> to vector<16xf32>
      tpu.vector_store %arg16[%swap3A_1229], %swap3A_1232 {strides = array<i32>} : memref<512xf32, #tpu.memory_space<vmem>>, vector<16xf32>,
      %get3A_1233 = arith.constant 144 : index
      %get3A_1234 = tpu.vector_load %arg16[%get3A_1233] {strides = array<i32>} : memref<512xf32, #tpu.memory_space<vmem>>, vector<16xf32>,
      %get3A_1235 = vector.shape_cast %get3A_1234 : vector<16xf32> to vector<16xf32>
      %mul3A_1236 = arith.constant 4 : i32
      %mul3A_1237 = arith.muli %mul3A_1236, %scan3A_1035 : i32
      %add3A_1238 = arith.constant 1 : i32
      %add3A_1239 = arith.addi %mul3A_1237, %add3A_1238 : i32
      %get3A_1240 = arith.index_cast %add3A_1239 : i32 to index
      %get3A_1241 = arith.constant 16 : index
      %get3A_1242 = tpu.vector_load %arg10[%get3A_1240, %get3A_1241] {strides = array<i32>} : memref<104x128xf32, #tpu.memory_space<vmem>>, vector<1x16xf32>,
      %get3A_1243 = vector.shape_cast %get3A_1242 : vector<1x16xf32> to vector<16xf32>
      %mul3A_1244 = arith.mulf %get3A_1079, %get3A_1243 : vector<16xf32>
      %add3A_1245 = arith.addf %get3A_1235, %mul3A_1244 : vector<16xf32>
      %swap3A_1246 = arith.constant 144 : index
      %swap3A_1247 = tpu.vector_load %arg16[%swap3A_1246] {strides = array<i32>} : memref<512xf32, #tpu.memory_space<vmem>>, vector<16xf32>,
      %swap3A_1248 = vector.shape_cast %swap3A_1247 : vector<16xf32> to vector<16xf32>
      %swap3A_1249 = vector.shape_cast %add3A_1245 : vector<16xf32> to vector<16xf32>
      tpu.vector_store %arg16[%swap3A_1246], %swap3A_1249 {strides = array<i32>} : memref<512xf32, #tpu.memory_space<vmem>>, vector<16xf32>,
      %get3A_1250 = arith.constant 160 : index
      %get3A_1251 = tpu.vector_load %arg16[%get3A_1250] {strides = array<i32>} : memref<512xf32, #tpu.memory_space<vmem>>, vector<16xf32>,
      %get3A_1252 = vector.shape_cast %get3A_1251 : vector<16xf32> to vector<16xf32>
      %mul3A_1253 = arith.constant 4 : i32
      %mul3A_1254 = arith.muli %mul3A_1253, %scan3A_1035 : i32
      %add3A_1255 = arith.constant 1 : i32
      %add3A_1256 = arith.addi %mul3A_1254, %add3A_1255 : i32
      %get3A_1257 = arith.index_cast %add3A_1256 : i32 to index
      %get3A_1258 = arith.constant 32 : index
      %get3A_1259 = tpu.vector_load %arg10[%get3A_1257, %get3A_1258] {strides = array<i32>} : memref<104x128xf32, #tpu.memory_space<vmem>>, vector<1x16xf32>,
      %get3A_1260 = vector.shape_cast %get3A_1259 : vector<1x16xf32> to vector<16xf32>
      %mul3A_1261 = arith.mulf %get3A_1079, %get3A_1260 : vector<16xf32>
      %add3A_1262 = arith.addf %get3A_1252, %mul3A_1261 : vector<16xf32>
      %swap3A_1263 = arith.constant 160 : index
      %swap3A_1264 = tpu.vector_load %arg16[%swap3A_1263] {strides = array<i32>} : memref<512xf32, #tpu.memory_space<vmem>>, vector<16xf32>,
      %swap3A_1265 = vector.shape_cast %swap3A_1264 : vector<16xf32> to vector<16xf32>
      %swap3A_1266 = vector.shape_cast %add3A_1262 : vector<16xf32> to vector<16xf32>
      tpu.vector_store %arg16[%swap3A_1263], %swap3A_1266 {strides = array<i32>} : memref<512xf32, #tpu.memory_space<vmem>>, vector<16xf32>,
      %get3A_1267 = arith.constant 176 : index
      %get3A_1268 = tpu.vector_load %arg16[%get3A_1267] {strides = array<i32>} : memref<512xf32, #tpu.memory_space<vmem>>, vector<16xf32>,
      %get3A_1269 = vector.shape_cast %get3A_1268 : vector<16xf32> to vector<16xf32>
      %mul3A_1270 = arith.constant 4 : i32
      %mul3A_1271 = arith.muli %mul3A_1270, %scan3A_1035 : i32
      %add3A_1272 = arith.constant 1 : i32
      %add3A_1273 = arith.addi %mul3A_1271, %add3A_1272 : i32
      %get3A_1274 = arith.index_cast %add3A_1273 : i32 to index
      %get3A_1275 = arith.constant 48 : index
      %get3A_1276 = tpu.vector_load %arg10[%get3A_1274, %get3A_1275] {strides = array<i32>} : memref<104x128xf32, #tpu.memory_space<vmem>>, vector<1x16xf32>,
      %get3A_1277 = vector.shape_cast %get3A_1276 : vector<1x16xf32> to vector<16xf32>
      %mul3A_1278 = arith.mulf %get3A_1079, %get3A_1277 : vector<16xf32>
      %add3A_1279 = arith.addf %get3A_1269, %mul3A_1278 : vector<16xf32>
      %swap3A_1280 = arith.constant 176 : index
      %swap3A_1281 = tpu.vector_load %arg16[%swap3A_1280] {strides = array<i32>} : memref<512xf32, #tpu.memory_space<vmem>>, vector<16xf32>,
      %swap3A_1282 = vector.shape_cast %swap3A_1281 : vector<16xf32> to vector<16xf32>
      %swap3A_1283 = vector.shape_cast %add3A_1279 : vector<16xf32> to vector<16xf32>
      tpu.vector_store %arg16[%swap3A_1280], %swap3A_1283 {strides = array<i32>} : memref<512xf32, #tpu.memory_space<vmem>>, vector<16xf32>,
      %get3A_1284 = arith.constant 192 : index
      %get3A_1285 = tpu.vector_load %arg16[%get3A_1284] {strides = array<i32>} : memref<512xf32, #tpu.memory_space<vmem>>, vector<16xf32>,
      %get3A_1286 = vector.shape_cast %get3A_1285 : vector<16xf32> to vector<16xf32>
      %mul3A_1287 = arith.constant 4 : i32
      %mul3A_1288 = arith.muli %mul3A_1287, %scan3A_1035 : i32
      %add3A_1289 = arith.constant 1 : i32
      %add3A_1290 = arith.addi %mul3A_1288, %add3A_1289 : i32
      %get3A_1291 = arith.index_cast %add3A_1290 : i32 to index
      %get3A_1292 = arith.constant 64 : index
      %get3A_1293 = tpu.vector_load %arg10[%get3A_1291, %get3A_1292] {strides = array<i32>} : memref<104x128xf32, #tpu.memory_space<vmem>>, vector<1x16xf32>,
      %get3A_1294 = vector.shape_cast %get3A_1293 : vector<1x16xf32> to vector<16xf32>
      %mul3A_1295 = arith.mulf %get3A_1079, %get3A_1294 : vector<16xf32>
      %add3A_1296 = arith.addf %get3A_1286, %mul3A_1295 : vector<16xf32>
      %swap3A_1297 = arith.constant 192 : index
      %swap3A_1298 = tpu.vector_load %arg16[%swap3A_1297] {strides = array<i32>} : memref<512xf32, #tpu.memory_space<vmem>>, vector<16xf32>,
      %swap3A_1299 = vector.shape_cast %swap3A_1298 : vector<16xf32> to vector<16xf32>
      %swap3A_1300 = vector.shape_cast %add3A_1296 : vector<16xf32> to vector<16xf32>
      tpu.vector_store %arg16[%swap3A_1297], %swap3A_1300 {strides = array<i32>} : memref<512xf32, #tpu.memory_space<vmem>>, vector<16xf32>,
      %get3A_1301 = arith.constant 208 : index
      %get3A_1302 = tpu.vector_load %arg16[%get3A_1301] {strides = array<i32>} : memref<512xf32, #tpu.memory_space<vmem>>, vector<16xf32>,
      %get3A_1303 = vector.shape_cast %get3A_1302 : vector<16xf32> to vector<16xf32>
      %mul3A_1304 = arith.constant 4 : i32
      %mul3A_1305 = arith.muli %mul3A_1304, %scan3A_1035 : i32
      %add3A_1306 = arith.constant 1 : i32
      %add3A_1307 = arith.addi %mul3A_1305, %add3A_1306 : i32
      %get3A_1308 = arith.index_cast %add3A_1307 : i32 to index
      %get3A_1309 = arith.constant 80 : index
      %get3A_1310 = tpu.vector_load %arg10[%get3A_1308, %get3A_1309] {strides = array<i32>} : memref<104x128xf32, #tpu.memory_space<vmem>>, vector<1x16xf32>,
      %get3A_1311 = vector.shape_cast %get3A_1310 : vector<1x16xf32> to vector<16xf32>
      %mul3A_1312 = arith.mulf %get3A_1079, %get3A_1311 : vector<16xf32>
      %add3A_1313 = arith.addf %get3A_1303, %mul3A_1312 : vector<16xf32>
      %swap3A_1314 = arith.constant 208 : index
      %swap3A_1315 = tpu.vector_load %arg16[%swap3A_1314] {strides = array<i32>} : memref<512xf32, #tpu.memory_space<vmem>>, vector<16xf32>,
      %swap3A_1316 = vector.shape_cast %swap3A_1315 : vector<16xf32> to vector<16xf32>
      %swap3A_1317 = vector.shape_cast %add3A_1313 : vector<16xf32> to vector<16xf32>
      tpu.vector_store %arg16[%swap3A_1314], %swap3A_1317 {strides = array<i32>} : memref<512xf32, #tpu.memory_space<vmem>>, vector<16xf32>,
      %get3A_1318 = arith.constant 224 : index
      %get3A_1319 = tpu.vector_load %arg16[%get3A_1318] {strides = array<i32>} : memref<512xf32, #tpu.memory_space<vmem>>, vector<16xf32>,
      %get3A_1320 = vector.shape_cast %get3A_1319 : vector<16xf32> to vector<16xf32>
      %mul3A_1321 = arith.constant 4 : i32
      %mul3A_1322 = arith.muli %mul3A_1321, %scan3A_1035 : i32
      %add3A_1323 = arith.constant 1 : i32
      %add3A_1324 = arith.addi %mul3A_1322, %add3A_1323 : i32
      %get3A_1325 = arith.index_cast %add3A_1324 : i32 to index
      %get3A_1326 = arith.constant 96 : index
      %get3A_1327 = tpu.vector_load %arg10[%get3A_1325, %get3A_1326] {strides = array<i32>} : memref<104x128xf32, #tpu.memory_space<vmem>>, vector<1x16xf32>,
      %get3A_1328 = vector.shape_cast %get3A_1327 : vector<1x16xf32> to vector<16xf32>
      %mul3A_1329 = arith.mulf %get3A_1079, %get3A_1328 : vector<16xf32>
      %add3A_1330 = arith.addf %get3A_1320, %mul3A_1329 : vector<16xf32>
      %swap3A_1331 = arith.constant 224 : index
      %swap3A_1332 = tpu.vector_load %arg16[%swap3A_1331] {strides = array<i32>} : memref<512xf32, #tpu.memory_space<vmem>>, vector<16xf32>,
      %swap3A_1333 = vector.shape_cast %swap3A_1332 : vector<16xf32> to vector<16xf32>
      %swap3A_1334 = vector.shape_cast %add3A_1330 : vector<16xf32> to vector<16xf32>
      tpu.vector_store %arg16[%swap3A_1331], %swap3A_1334 {strides = array<i32>} : memref<512xf32, #tpu.memory_space<vmem>>, vector<16xf32>,
      %get3A_1335 = arith.constant 240 : index
      %get3A_1336 = tpu.vector_load %arg16[%get3A_1335] {strides = array<i32>} : memref<512xf32, #tpu.memory_space<vmem>>, vector<16xf32>,
      %get3A_1337 = vector.shape_cast %get3A_1336 : vector<16xf32> to vector<16xf32>
      %mul3A_1338 = arith.constant 4 : i32
      %mul3A_1339 = arith.muli %mul3A_1338, %scan3A_1035 : i32
      %add3A_1340 = arith.constant 1 : i32
      %add3A_1341 = arith.addi %mul3A_1339, %add3A_1340 : i32
      %get3A_1342 = arith.index_cast %add3A_1341 : i32 to index
      %get3A_1343 = arith.constant 112 : index
      %get3A_1344 = tpu.vector_load %arg10[%get3A_1342, %get3A_1343] {strides = array<i32>} : memref<104x128xf32, #tpu.memory_space<vmem>>, vector<1x16xf32>,
      %get3A_1345 = vector.shape_cast %get3A_1344 : vector<1x16xf32> to vector<16xf32>
      %mul3A_1346 = arith.mulf %get3A_1079, %get3A_1345 : vector<16xf32>
      %add3A_1347 = arith.addf %get3A_1337, %mul3A_1346 : vector<16xf32>
      %swap3A_1348 = arith.constant 240 : index
      %swap3A_1349 = tpu.vector_load %arg16[%swap3A_1348] {strides = array<i32>} : memref<512xf32, #tpu.memory_space<vmem>>, vector<16xf32>,
      %swap3A_1350 = vector.shape_cast %swap3A_1349 : vector<16xf32> to vector<16xf32>
      %swap3A_1351 = vector.shape_cast %add3A_1347 : vector<16xf32> to vector<16xf32>
      tpu.vector_store %arg16[%swap3A_1348], %swap3A_1351 {strides = array<i32>} : memref<512xf32, #tpu.memory_space<vmem>>, vector<16xf32>,
      %get3A_1352 = arith.constant 256 : index
      %get3A_1353 = tpu.vector_load %arg16[%get3A_1352] {strides = array<i32>} : memref<512xf32, #tpu.memory_space<vmem>>, vector<16xf32>,
      %get3A_1354 = vector.shape_cast %get3A_1353 : vector<16xf32> to vector<16xf32>
      %mul3A_1355 = arith.constant 4 : i32
      %mul3A_1356 = arith.muli %mul3A_1355, %scan3A_1035 : i32
      %add3A_1357 = arith.constant 2 : i32
      %add3A_1358 = arith.addi %mul3A_1356, %add3A_1357 : i32
      %get3A_1359 = arith.index_cast %add3A_1358 : i32 to index
      %get3A_1360 = arith.constant 0 : index
      %get3A_1361 = tpu.vector_load %arg10[%get3A_1359, %get3A_1360] {strides = array<i32>} : memref<104x128xf32, #tpu.memory_space<vmem>>, vector<1x16xf32>,
      %get3A_1362 = vector.shape_cast %get3A_1361 : vector<1x16xf32> to vector<16xf32>
      %mul3A_1363 = arith.mulf %get3A_1079, %get3A_1362 : vector<16xf32>
      %add3A_1364 = arith.addf %get3A_1354, %mul3A_1363 : vector<16xf32>
      %swap3A_1365 = arith.constant 256 : index
      %swap3A_1366 = tpu.vector_load %arg16[%swap3A_1365] {strides = array<i32>} : memref<512xf32, #tpu.memory_space<vmem>>, vector<16xf32>,
      %swap3A_1367 = vector.shape_cast %swap3A_1366 : vector<16xf32> to vector<16xf32>
      %swap3A_1368 = vector.shape_cast %add3A_1364 : vector<16xf32> to vector<16xf32>
      tpu.vector_store %arg16[%swap3A_1365], %swap3A_1368 {strides = array<i32>} : memref<512xf32, #tpu.memory_space<vmem>>, vector<16xf32>,
      %get3A_1369 = arith.constant 272 : index
      %get3A_1370 = tpu.vector_load %arg16[%get3A_1369] {strides = array<i32>} : memref<512xf32, #tpu.memory_space<vmem>>, vector<16xf32>,
      %get3A_1371 = vector.shape_cast %get3A_1370 : vector<16xf32> to vector<16xf32>
      %mul3A_1372 = arith.constant 4 : i32
      %mul3A_1373 = arith.muli %mul3A_1372, %scan3A_1035 : i32
      %add3A_1374 = arith.constant 2 : i32
      %add3A_1375 = arith.addi %mul3A_1373, %add3A_1374 : i32
      %get3A_1376 = arith.index_cast %add3A_1375 : i32 to index
      %get3A_1377 = arith.constant 16 : index
      %get3A_1378 = tpu.vector_load %arg10[%get3A_1376, %get3A_1377] {strides = array<i32>} : memref<104x128xf32, #tpu.memory_space<vmem>>, vector<1x16xf32>,
      %get3A_1379 = vector.shape_cast %get3A_1378 : vector<1x16xf32> to vector<16xf32>
      %mul3A_1380 = arith.mulf %get3A_1079, %get3A_1379 : vector<16xf32>
      %add3A_1381 = arith.addf %get3A_1371, %mul3A_1380 : vector<16xf32>
      %swap3A_1382 = arith.constant 272 : index
      %swap3A_1383 = tpu.vector_load %arg16[%swap3A_1382] {strides = array<i32>} : memref<512xf32, #tpu.memory_space<vmem>>, vector<16xf32>,
      %swap3A_1384 = vector.shape_cast %swap3A_1383 : vector<16xf32> to vector<16xf32>
      %swap3A_1385 = vector.shape_cast %add3A_1381 : vector<16xf32> to vector<16xf32>
      tpu.vector_store %arg16[%swap3A_1382], %swap3A_1385 {strides = array<i32>} : memref<512xf32, #tpu.memory_space<vmem>>, vector<16xf32>,
      %get3A_1386 = arith.constant 288 : index
      %get3A_1387 = tpu.vector_load %arg16[%get3A_1386] {strides = array<i32>} : memref<512xf32, #tpu.memory_space<vmem>>, vector<16xf32>,
      %get3A_1388 = vector.shape_cast %get3A_1387 : vector<16xf32> to vector<16xf32>
      %mul3A_1389 = arith.constant 4 : i32
      %mul3A_1390 = arith.muli %mul3A_1389, %scan3A_1035 : i32
      %add3A_1391 = arith.constant 2 : i32
      %add3A_1392 = arith.addi %mul3A_1390, %add3A_1391 : i32
      %get3A_1393 = arith.index_cast %add3A_1392 : i32 to index
      %get3A_1394 = arith.constant 32 : index
      %get3A_1395 = tpu.vector_load %arg10[%get3A_1393, %get3A_1394] {strides = array<i32>} : memref<104x128xf32, #tpu.memory_space<vmem>>, vector<1x16xf32>,
      %get3A_1396 = vector.shape_cast %get3A_1395 : vector<1x16xf32> to vector<16xf32>
      %mul3A_1397 = arith.mulf %get3A_1079, %get3A_1396 : vector<16xf32>
      %add3A_1398 = arith.addf %get3A_1388, %mul3A_1397 : vector<16xf32>
      %swap3A_1399 = arith.constant 288 : index
      %swap3A_1400 = tpu.vector_load %arg16[%swap3A_1399] {strides = array<i32>} : memref<512xf32, #tpu.memory_space<vmem>>, vector<16xf32>,
      %swap3A_1401 = vector.shape_cast %swap3A_1400 : vector<16xf32> to vector<16xf32>
      %swap3A_1402 = vector.shape_cast %add3A_1398 : vector<16xf32> to vector<16xf32>
      tpu.vector_store %arg16[%swap3A_1399], %swap3A_1402 {strides = array<i32>} : memref<512xf32, #tpu.memory_space<vmem>>, vector<16xf32>,
      %get3A_1403 = arith.constant 304 : index
      %get3A_1404 = tpu.vector_load %arg16[%get3A_1403] {strides = array<i32>} : memref<512xf32, #tpu.memory_space<vmem>>, vector<16xf32>,
      %get3A_1405 = vector.shape_cast %get3A_1404 : vector<16xf32> to vector<16xf32>
      %mul3A_1406 = arith.constant 4 : i32
      %mul3A_1407 = arith.muli %mul3A_1406, %scan3A_1035 : i32
      %add3A_1408 = arith.constant 2 : i32
      %add3A_1409 = arith.addi %mul3A_1407, %add3A_1408 : i32
      %get3A_1410 = arith.index_cast %add3A_1409 : i32 to index
      %get3A_1411 = arith.constant 48 : index
      %get3A_1412 = tpu.vector_load %arg10[%get3A_1410, %get3A_1411] {strides = array<i32>} : memref<104x128xf32, #tpu.memory_space<vmem>>, vector<1x16xf32>,
      %get3A_1413 = vector.shape_cast %get3A_1412 : vector<1x16xf32> to vector<16xf32>
      %mul3A_1414 = arith.mulf %get3A_1079, %get3A_1413 : vector<16xf32>
      %add3A_1415 = arith.addf %get3A_1405, %mul3A_1414 : vector<16xf32>
      %swap3A_1416 = arith.constant 304 : index
      %swap3A_1417 = tpu.vector_load %arg16[%swap3A_1416] {strides = array<i32>} : memref<512xf32, #tpu.memory_space<vmem>>, vector<16xf32>,
      %swap3A_1418 = vector.shape_cast %swap3A_1417 : vector<16xf32> to vector<16xf32>
      %swap3A_1419 = vector.shape_cast %add3A_1415 : vector<16xf32> to vector<16xf32>
      tpu.vector_store %arg16[%swap3A_1416], %swap3A_1419 {strides = array<i32>} : memref<512xf32, #tpu.memory_space<vmem>>, vector<16xf32>,
      %get3A_1420 = arith.constant 320 : index
      %get3A_1421 = tpu.vector_load %arg16[%get3A_1420] {strides = array<i32>} : memref<512xf32, #tpu.memory_space<vmem>>, vector<16xf32>,
      %get3A_1422 = vector.shape_cast %get3A_1421 : vector<16xf32> to vector<16xf32>
      %mul3A_1423 = arith.constant 4 : i32
      %mul3A_1424 = arith.muli %mul3A_1423, %scan3A_1035 : i32
      %add3A_1425 = arith.constant 2 : i32
      %add3A_1426 = arith.addi %mul3A_1424, %add3A_1425 : i32
      %get3A_1427 = arith.index_cast %add3A_1426 : i32 to index
      %get3A_1428 = arith.constant 64 : index
      %get3A_1429 = tpu.vector_load %arg10[%get3A_1427, %get3A_1428] {strides = array<i32>} : memref<104x128xf32, #tpu.memory_space<vmem>>, vector<1x16xf32>,
      %get3A_1430 = vector.shape_cast %get3A_1429 : vector<1x16xf32> to vector<16xf32>
      %mul3A_1431 = arith.mulf %get3A_1079, %get3A_1430 : vector<16xf32>
      %add3A_1432 = arith.addf %get3A_1422, %mul3A_1431 : vector<16xf32>
      %swap3A_1433 = arith.constant 320 : index
      %swap3A_1434 = tpu.vector_load %arg16[%swap3A_1433] {strides = array<i32>} : memref<512xf32, #tpu.memory_space<vmem>>, vector<16xf32>,
      %swap3A_1435 = vector.shape_cast %swap3A_1434 : vector<16xf32> to vector<16xf32>
      %swap3A_1436 = vector.shape_cast %add3A_1432 : vector<16xf32> to vector<16xf32>
      tpu.vector_store %arg16[%swap3A_1433], %swap3A_1436 {strides = array<i32>} : memref<512xf32, #tpu.memory_space<vmem>>, vector<16xf32>,
      %get3A_1437 = arith.constant 336 : index
      %get3A_1438 = tpu.vector_load %arg16[%get3A_1437] {strides = array<i32>} : memref<512xf32, #tpu.memory_space<vmem>>, vector<16xf32>,
      %get3A_1439 = vector.shape_cast %get3A_1438 : vector<16xf32> to vector<16xf32>
      %mul3A_1440 = arith.constant 4 : i32
      %mul3A_1441 = arith.muli %mul3A_1440, %scan3A_1035 : i32
      %add3A_1442 = arith.constant 2 : i32
      %add3A_1443 = arith.addi %mul3A_1441, %add3A_1442 : i32
      %get3A_1444 = arith.index_cast %add3A_1443 : i32 to index
      %get3A_1445 = arith.constant 80 : index
      %get3A_1446 = tpu.vector_load %arg10[%get3A_1444, %get3A_1445] {strides = array<i32>} : memref<104x128xf32, #tpu.memory_space<vmem>>, vector<1x16xf32>,
      %get3A_1447 = vector.shape_cast %get3A_1446 : vector<1x16xf32> to vector<16xf32>
      %mul3A_1448 = arith.mulf %get3A_1079, %get3A_1447 : vector<16xf32>
      %add3A_1449 = arith.addf %get3A_1439, %mul3A_1448 : vector<16xf32>
      %swap3A_1450 = arith.constant 336 : index
      %swap3A_1451 = tpu.vector_load %arg16[%swap3A_1450] {strides = array<i32>} : memref<512xf32, #tpu.memory_space<vmem>>, vector<16xf32>,
      %swap3A_1452 = vector.shape_cast %swap3A_1451 : vector<16xf32> to vector<16xf32>
      %swap3A_1453 = vector.shape_cast %add3A_1449 : vector<16xf32> to vector<16xf32>
      tpu.vector_store %arg16[%swap3A_1450], %swap3A_1453 {strides = array<i32>} : memref<512xf32, #tpu.memory_space<vmem>>, vector<16xf32>,
      %get3A_1454 = arith.constant 352 : index
      %get3A_1455 = tpu.vector_load %arg16[%get3A_1454] {strides = array<i32>} : memref<512xf32, #tpu.memory_space<vmem>>, vector<16xf32>,
      %get3A_1456 = vector.shape_cast %get3A_1455 : vector<16xf32> to vector<16xf32>
      %mul3A_1457 = arith.constant 4 : i32
      %mul3A_1458 = arith.muli %mul3A_1457, %scan3A_1035 : i32
      %add3A_1459 = arith.constant 2 : i32
      %add3A_1460 = arith.addi %mul3A_1458, %add3A_1459 : i32
      %get3A_1461 = arith.index_cast %add3A_1460 : i32 to index
      %get3A_1462 = arith.constant 96 : index
      %get3A_1463 = tpu.vector_load %arg10[%get3A_1461, %get3A_1462] {strides = array<i32>} : memref<104x128xf32, #tpu.memory_space<vmem>>, vector<1x16xf32>,
      %get3A_1464 = vector.shape_cast %get3A_1463 : vector<1x16xf32> to vector<16xf32>
      %mul3A_1465 = arith.mulf %get3A_1079, %get3A_1464 : vector<16xf32>
      %add3A_1466 = arith.addf %get3A_1456, %mul3A_1465 : vector<16xf32>
      %swap3A_1467 = arith.constant 352 : index
      %swap3A_1468 = tpu.vector_load %arg16[%swap3A_1467] {strides = array<i32>} : memref<512xf32, #tpu.memory_space<vmem>>, vector<16xf32>,
      %swap3A_1469 = vector.shape_cast %swap3A_1468 : vector<16xf32> to vector<16xf32>
      %swap3A_1470 = vector.shape_cast %add3A_1466 : vector<16xf32> to vector<16xf32>
      tpu.vector_store %arg16[%swap3A_1467], %swap3A_1470 {strides = array<i32>} : memref<512xf32, #tpu.memory_space<vmem>>, vector<16xf32>,
      %get3A_1471 = arith.constant 368 : index
      %get3A_1472 = tpu.vector_load %arg16[%get3A_1471] {strides = array<i32>} : memref<512xf32, #tpu.memory_space<vmem>>, vector<16xf32>,
      %get3A_1473 = vector.shape_cast %get3A_1472 : vector<16xf32> to vector<16xf32>
      %mul3A_1474 = arith.constant 4 : i32
      %mul3A_1475 = arith.muli %mul3A_1474, %scan3A_1035 : i32
      %add3A_1476 = arith.constant 2 : i32
      %add3A_1477 = arith.addi %mul3A_1475, %add3A_1476 : i32
      %get3A_1478 = arith.index_cast %add3A_1477 : i32 to index
      %get3A_1479 = arith.constant 112 : index
      %get3A_1480 = tpu.vector_load %arg10[%get3A_1478, %get3A_1479] {strides = array<i32>} : memref<104x128xf32, #tpu.memory_space<vmem>>, vector<1x16xf32>,
      %get3A_1481 = vector.shape_cast %get3A_1480 : vector<1x16xf32> to vector<16xf32>
      %mul3A_1482 = arith.mulf %get3A_1079, %get3A_1481 : vector<16xf32>
      %add3A_1483 = arith.addf %get3A_1473, %mul3A_1482 : vector<16xf32>
      %swap3A_1484 = arith.constant 368 : index
      %swap3A_1485 = tpu.vector_load %arg16[%swap3A_1484] {strides = array<i32>} : memref<512xf32, #tpu.memory_space<vmem>>, vector<16xf32>,
      %swap3A_1486 = vector.shape_cast %swap3A_1485 : vector<16xf32> to vector<16xf32>
      %swap3A_1487 = vector.shape_cast %add3A_1483 : vector<16xf32> to vector<16xf32>
      tpu.vector_store %arg16[%swap3A_1484], %swap3A_1487 {strides = array<i32>} : memref<512xf32, #tpu.memory_space<vmem>>, vector<16xf32>,
      %get3A_1488 = arith.constant 384 : index
      %get3A_1489 = tpu.vector_load %arg16[%get3A_1488] {strides = array<i32>} : memref<512xf32, #tpu.memory_space<vmem>>, vector<16xf32>,
      %get3A_1490 = vector.shape_cast %get3A_1489 : vector<16xf32> to vector<16xf32>
      %mul3A_1491 = arith.constant 4 : i32
      %mul3A_1492 = arith.muli %mul3A_1491, %scan3A_1035 : i32
      %add3A_1493 = arith.constant 3 : i32
      %add3A_1494 = arith.addi %mul3A_1492, %add3A_1493 : i32
      %get3A_1495 = arith.index_cast %add3A_1494 : i32 to index
      %get3A_1496 = arith.constant 0 : index
      %get3A_1497 = tpu.vector_load %arg10[%get3A_1495, %get3A_1496] {strides = array<i32>} : memref<104x128xf32, #tpu.memory_space<vmem>>, vector<1x16xf32>,
      %get3A_1498 = vector.shape_cast %get3A_1497 : vector<1x16xf32> to vector<16xf32>
      %mul3A_1499 = arith.mulf %get3A_1079, %get3A_1498 : vector<16xf32>
      %add3A_1500 = arith.addf %get3A_1490, %mul3A_1499 : vector<16xf32>
      %swap3A_1501 = arith.constant 384 : index
      %swap3A_1502 = tpu.vector_load %arg16[%swap3A_1501] {strides = array<i32>} : memref<512xf32, #tpu.memory_space<vmem>>, vector<16xf32>,
      %swap3A_1503 = vector.shape_cast %swap3A_1502 : vector<16xf32> to vector<16xf32>
      %swap3A_1504 = vector.shape_cast %add3A_1500 : vector<16xf32> to vector<16xf32>
      tpu.vector_store %arg16[%swap3A_1501], %swap3A_1504 {strides = array<i32>} : memref<512xf32, #tpu.memory_space<vmem>>, vector<16xf32>,
      %get3A_1505 = arith.constant 400 : index
      %get3A_1506 = tpu.vector_load %arg16[%get3A_1505] {strides = array<i32>} : memref<512xf32, #tpu.memory_space<vmem>>, vector<16xf32>,
      %get3A_1507 = vector.shape_cast %get3A_1506 : vector<16xf32> to vector<16xf32>
      %mul3A_1508 = arith.constant 4 : i32
      %mul3A_1509 = arith.muli %mul3A_1508, %scan3A_1035 : i32
      %add3A_1510 = arith.constant 3 : i32
      %add3A_1511 = arith.addi %mul3A_1509, %add3A_1510 : i32
      %get3A_1512 = arith.index_cast %add3A_1511 : i32 to index
      %get3A_1513 = arith.constant 16 : index
      %get3A_1514 = tpu.vector_load %arg10[%get3A_1512, %get3A_1513] {strides = array<i32>} : memref<104x128xf32, #tpu.memory_space<vmem>>, vector<1x16xf32>,
      %get3A_1515 = vector.shape_cast %get3A_1514 : vector<1x16xf32> to vector<16xf32>
      %mul3A_1516 = arith.mulf %get3A_1079, %get3A_1515 : vector<16xf32>
      %add3A_1517 = arith.addf %get3A_1507, %mul3A_1516 : vector<16xf32>
      %swap3A_1518 = arith.constant 400 : index
      %swap3A_1519 = tpu.vector_load %arg16[%swap3A_1518] {strides = array<i32>} : memref<512xf32, #tpu.memory_space<vmem>>, vector<16xf32>,
      %swap3A_1520 = vector.shape_cast %swap3A_1519 : vector<16xf32> to vector<16xf32>
      %swap3A_1521 = vector.shape_cast %add3A_1517 : vector<16xf32> to vector<16xf32>
      tpu.vector_store %arg16[%swap3A_1518], %swap3A_1521 {strides = array<i32>} : memref<512xf32, #tpu.memory_space<vmem>>, vector<16xf32>,
      %get3A_1522 = arith.constant 416 : index
      %get3A_1523 = tpu.vector_load %arg16[%get3A_1522] {strides = array<i32>} : memref<512xf32, #tpu.memory_space<vmem>>, vector<16xf32>,
      %get3A_1524 = vector.shape_cast %get3A_1523 : vector<16xf32> to vector<16xf32>
      %mul3A_1525 = arith.constant 4 : i32
      %mul3A_1526 = arith.muli %mul3A_1525, %scan3A_1035 : i32
      %add3A_1527 = arith.constant 3 : i32
      %add3A_1528 = arith.addi %mul3A_1526, %add3A_1527 : i32
      %get3A_1529 = arith.index_cast %add3A_1528 : i32 to index
      %get3A_1530 = arith.constant 32 : index
      %get3A_1531 = tpu.vector_load %arg10[%get3A_1529, %get3A_1530] {strides = array<i32>} : memref<104x128xf32, #tpu.memory_space<vmem>>, vector<1x16xf32>,
      %get3A_1532 = vector.shape_cast %get3A_1531 : vector<1x16xf32> to vector<16xf32>
      %mul3A_1533 = arith.mulf %get3A_1079, %get3A_1532 : vector<16xf32>
      %add3A_1534 = arith.addf %get3A_1524, %mul3A_1533 : vector<16xf32>
      %swap3A_1535 = arith.constant 416 : index
      %swap3A_1536 = tpu.vector_load %arg16[%swap3A_1535] {strides = array<i32>} : memref<512xf32, #tpu.memory_space<vmem>>, vector<16xf32>,
      %swap3A_1537 = vector.shape_cast %swap3A_1536 : vector<16xf32> to vector<16xf32>
      %swap3A_1538 = vector.shape_cast %add3A_1534 : vector<16xf32> to vector<16xf32>
      tpu.vector_store %arg16[%swap3A_1535], %swap3A_1538 {strides = array<i32>} : memref<512xf32, #tpu.memory_space<vmem>>, vector<16xf32>,
      %get3A_1539 = arith.constant 432 : index
      %get3A_1540 = tpu.vector_load %arg16[%get3A_1539] {strides = array<i32>} : memref<512xf32, #tpu.memory_space<vmem>>, vector<16xf32>,
      %get3A_1541 = vector.shape_cast %get3A_1540 : vector<16xf32> to vector<16xf32>
      %mul3A_1542 = arith.constant 4 : i32
      %mul3A_1543 = arith.muli %mul3A_1542, %scan3A_1035 : i32
      %add3A_1544 = arith.constant 3 : i32
      %add3A_1545 = arith.addi %mul3A_1543, %add3A_1544 : i32
      %get3A_1546 = arith.index_cast %add3A_1545 : i32 to index
      %get3A_1547 = arith.constant 48 : index
      %get3A_1548 = tpu.vector_load %arg10[%get3A_1546, %get3A_1547] {strides = array<i32>} : memref<104x128xf32, #tpu.memory_space<vmem>>, vector<1x16xf32>,
      %get3A_1549 = vector.shape_cast %get3A_1548 : vector<1x16xf32> to vector<16xf32>
      %mul3A_1550 = arith.mulf %get3A_1079, %get3A_1549 : vector<16xf32>
      %add3A_1551 = arith.addf %get3A_1541, %mul3A_1550 : vector<16xf32>
      %swap3A_1552 = arith.constant 432 : index
      %swap3A_1553 = tpu.vector_load %arg16[%swap3A_1552] {strides = array<i32>} : memref<512xf32, #tpu.memory_space<vmem>>, vector<16xf32>,
      %swap3A_1554 = vector.shape_cast %swap3A_1553 : vector<16xf32> to vector<16xf32>
      %swap3A_1555 = vector.shape_cast %add3A_1551 : vector<16xf32> to vector<16xf32>
      tpu.vector_store %arg16[%swap3A_1552], %swap3A_1555 {strides = array<i32>} : memref<512xf32, #tpu.memory_space<vmem>>, vector<16xf32>,
      %get3A_1556 = arith.constant 448 : index
      %get3A_1557 = tpu.vector_load %arg16[%get3A_1556] {strides = array<i32>} : memref<512xf32, #tpu.memory_space<vmem>>, vector<16xf32>,
      %get3A_1558 = vector.shape_cast %get3A_1557 : vector<16xf32> to vector<16xf32>
      %mul3A_1559 = arith.constant 4 : i32
      %mul3A_1560 = arith.muli %mul3A_1559, %scan3A_1035 : i32
      %add3A_1561 = arith.constant 3 : i32
      %add3A_1562 = arith.addi %mul3A_1560, %add3A_1561 : i32
      %get3A_1563 = arith.index_cast %add3A_1562 : i32 to index
      %get3A_1564 = arith.constant 64 : index
      %get3A_1565 = tpu.vector_load %arg10[%get3A_1563, %get3A_1564] {strides = array<i32>} : memref<104x128xf32, #tpu.memory_space<vmem>>, vector<1x16xf32>,
      %get3A_1566 = vector.shape_cast %get3A_1565 : vector<1x16xf32> to vector<16xf32>
      %mul3A_1567 = arith.mulf %get3A_1079, %get3A_1566 : vector<16xf32>
      %add3A_1568 = arith.addf %get3A_1558, %mul3A_1567 : vector<16xf32>
      %swap3A_1569 = arith.constant 448 : index
      %swap3A_1570 = tpu.vector_load %arg16[%swap3A_1569] {strides = array<i32>} : memref<512xf32, #tpu.memory_space<vmem>>, vector<16xf32>,
      %swap3A_1571 = vector.shape_cast %swap3A_1570 : vector<16xf32> to vector<16xf32>
      %swap3A_1572 = vector.shape_cast %add3A_1568 : vector<16xf32> to vector<16xf32>
      tpu.vector_store %arg16[%swap3A_1569], %swap3A_1572 {strides = array<i32>} : memref<512xf32, #tpu.memory_space<vmem>>, vector<16xf32>,
      %get3A_1573 = arith.constant 464 : index
      %get3A_1574 = tpu.vector_load %arg16[%get3A_1573] {strides = array<i32>} : memref<512xf32, #tpu.memory_space<vmem>>, vector<16xf32>,
      %get3A_1575 = vector.shape_cast %get3A_1574 : vector<16xf32> to vector<16xf32>
      %mul3A_1576 = arith.constant 4 : i32
      %mul3A_1577 = arith.muli %mul3A_1576, %scan3A_1035 : i32
      %add3A_1578 = arith.constant 3 : i32
      %add3A_1579 = arith.addi %mul3A_1577, %add3A_1578 : i32
      %get3A_1580 = arith.index_cast %add3A_1579 : i32 to index
      %get3A_1581 = arith.constant 80 : index
      %get3A_1582 = tpu.vector_load %arg10[%get3A_1580, %get3A_1581] {strides = array<i32>} : memref<104x128xf32, #tpu.memory_space<vmem>>, vector<1x16xf32>,
      %get3A_1583 = vector.shape_cast %get3A_1582 : vector<1x16xf32> to vector<16xf32>
      %mul3A_1584 = arith.mulf %get3A_1079, %get3A_1583 : vector<16xf32>
      %add3A_1585 = arith.addf %get3A_1575, %mul3A_1584 : vector<16xf32>
      %swap3A_1586 = arith.constant 464 : index
      %swap3A_1587 = tpu.vector_load %arg16[%swap3A_1586] {strides = array<i32>} : memref<512xf32, #tpu.memory_space<vmem>>, vector<16xf32>,
      %swap3A_1588 = vector.shape_cast %swap3A_1587 : vector<16xf32> to vector<16xf32>
      %swap3A_1589 = vector.shape_cast %add3A_1585 : vector<16xf32> to vector<16xf32>
      tpu.vector_store %arg16[%swap3A_1586], %swap3A_1589 {strides = array<i32>} : memref<512xf32, #tpu.memory_space<vmem>>, vector<16xf32>,
      %get3A_1590 = arith.constant 480 : index
      %get3A_1591 = tpu.vector_load %arg16[%get3A_1590] {strides = array<i32>} : memref<512xf32, #tpu.memory_space<vmem>>, vector<16xf32>,
      %get3A_1592 = vector.shape_cast %get3A_1591 : vector<16xf32> to vector<16xf32>
      %mul3A_1593 = arith.constant 4 : i32
      %mul3A_1594 = arith.muli %mul3A_1593, %scan3A_1035 : i32
      %add3A_1595 = arith.constant 3 : i32
      %add3A_1596 = arith.addi %mul3A_1594, %add3A_1595 : i32
      %get3A_1597 = arith.index_cast %add3A_1596 : i32 to index
      %get3A_1598 = arith.constant 96 : index
      %get3A_1599 = tpu.vector_load %arg10[%get3A_1597, %get3A_1598] {strides = array<i32>} : memref<104x128xf32, #tpu.memory_space<vmem>>, vector<1x16xf32>,
      %get3A_1600 = vector.shape_cast %get3A_1599 : vector<1x16xf32> to vector<16xf32>
      %mul3A_1601 = arith.mulf %get3A_1079, %get3A_1600 : vector<16xf32>
      %add3A_1602 = arith.addf %get3A_1592, %mul3A_1601 : vector<16xf32>
      %swap3A_1603 = arith.constant 480 : index
      %swap3A_1604 = tpu.vector_load %arg16[%swap3A_1603] {strides = array<i32>} : memref<512xf32, #tpu.memory_space<vmem>>, vector<16xf32>,
      %swap3A_1605 = vector.shape_cast %swap3A_1604 : vector<16xf32> to vector<16xf32>
      %swap3A_1606 = vector.shape_cast %add3A_1602 : vector<16xf32> to vector<16xf32>
      tpu.vector_store %arg16[%swap3A_1603], %swap3A_1606 {strides = array<i32>} : memref<512xf32, #tpu.memory_space<vmem>>, vector<16xf32>,
      %get3A_1607 = arith.constant 496 : index
      %get3A_1608 = tpu.vector_load %arg16[%get3A_1607] {strides = array<i32>} : memref<512xf32, #tpu.memory_space<vmem>>, vector<16xf32>,
      %get3A_1609 = vector.shape_cast %get3A_1608 : vector<16xf32> to vector<16xf32>
      %mul3A_1610 = arith.constant 4 : i32
      %mul3A_1611 = arith.muli %mul3A_1610, %scan3A_1035 : i32
      %add3A_1612 = arith.constant 3 : i32
      %add3A_1613 = arith.addi %mul3A_1611, %add3A_1612 : i32
      %get3A_1614 = arith.index_cast %add3A_1613 : i32 to index
      %get3A_1615 = arith.constant 112 : index
      %get3A_1616 = tpu.vector_load %arg10[%get3A_1614, %get3A_1615] {strides = array<i32>} : memref<104x128xf32, #tpu.memory_space<vmem>>, vector<1x16xf32>,
      %get3A_1617 = vector.shape_cast %get3A_1616 : vector<1x16xf32> to vector<16xf32>
      %mul3A_1618 = arith.mulf %get3A_1079, %get3A_1617 : vector<16xf32>
      %add3A_1619 = arith.addf %get3A_1609, %mul3A_1618 : vector<16xf32>
      %swap3A_1620 = arith.constant 496 : index
      %swap3A_1621 = tpu.vector_load %arg16[%swap3A_1620] {strides = array<i32>} : memref<512xf32, #tpu.memory_space<vmem>>, vector<16xf32>,
      %swap3A_1622 = vector.shape_cast %swap3A_1621 : vector<16xf32> to vector<16xf32>
      %swap3A_1623 = vector.shape_cast %add3A_1619 : vector<16xf32> to vector<16xf32>
      tpu.vector_store %arg16[%swap3A_1620], %swap3A_1623 {strides = array<i32>} : memref<512xf32, #tpu.memory_space<vmem>>, vector<16xf32>,
      %scan3A_1624 = arith.constant 0 : i32
      scf.yield %scan3A_1624 : i32
    }
    %scan3A_493 = arith.constant 26 : i32
    %get3A_494 = arith.constant 0 : index
    %get3A_495 = tpu.vector_load %arg16[%get3A_494] {strides = array<i32>} : memref<512xf32, #tpu.memory_space<vmem>>, vector<16xf32>,
    %get3A_496 = vector.shape_cast %get3A_495 : vector<16xf32> to vector<16xf32>
    %neg3A = arith.constant 0.000000e+00 : f32
    %neg3A_497 = vector.broadcast %neg3A : f32 to vector<16xf32>
    %neg3A_498 = arith.subf %neg3A_497, %get3A_496 : vector<16xf32>
    %exp3A = math.exp %neg3A_498 : vector<16xf32>
    %add3A_499 = arith.constant 1.000000e+00 : f32
    %add3A_500 = vector.broadcast %add3A_499 : f32 to vector<16xf32>
    %add3A_501 = arith.addf %add3A_500, %exp3A : vector<16xf32>
    %div3A = arith.constant 1.000000e+00 : f32
    %div3A_502 = vector.broadcast %div3A : f32 to vector<16xf32>
    %div3A_503 = arith.divf %div3A_502, %add3A_501 : vector<16xf32>
    %swap3A_504 = arith.constant 0 : index
    %swap3A_505 = tpu.vector_load %arg15[%swap3A_504] {strides = array<i32>} : memref<512xf32, #tpu.memory_space<vmem>>, vector<16xf32>,
    %swap3A_506 = vector.shape_cast %swap3A_505 : vector<16xf32> to vector<16xf32>
    %swap3A_507 = vector.shape_cast %div3A_503 : vector<16xf32> to vector<16xf32>
    tpu.vector_store %arg15[%swap3A_504], %swap3A_507 {strides = array<i32>} : memref<512xf32, #tpu.memory_space<vmem>>, vector<16xf32>,
    %get3A_508 = arith.constant 16 : index
    %get3A_509 = tpu.vector_load %arg16[%get3A_508] {strides = array<i32>} : memref<512xf32, #tpu.memory_space<vmem>>, vector<16xf32>,
    %get3A_510 = vector.shape_cast %get3A_509 : vector<16xf32> to vector<16xf32>
    %neg3A_511 = arith.constant 0.000000e+00 : f32
    %neg3A_512 = vector.broadcast %neg3A_511 : f32 to vector<16xf32>
    %neg3A_513 = arith.subf %neg3A_512, %get3A_510 : vector<16xf32>
    %exp3A_514 = math.exp %neg3A_513 : vector<16xf32>
    %add3A_515 = arith.constant 1.000000e+00 : f32
    %add3A_516 = vector.broadcast %add3A_515 : f32 to vector<16xf32>
    %add3A_517 = arith.addf %add3A_516, %exp3A_514 : vector<16xf32>
    %div3A_518 = arith.constant 1.000000e+00 : f32
    %div3A_519 = vector.broadcast %div3A_518 : f32 to vector<16xf32>
    %div3A_520 = arith.divf %div3A_519, %add3A_517 : vector<16xf32>
    %swap3A_521 = arith.constant 16 : index
    %swap3A_522 = tpu.vector_load %arg15[%swap3A_521] {strides = array<i32>} : memref<512xf32, #tpu.memory_space<vmem>>, vector<16xf32>,
    %swap3A_523 = vector.shape_cast %swap3A_522 : vector<16xf32> to vector<16xf32>
    %swap3A_524 = vector.shape_cast %div3A_520 : vector<16xf32> to vector<16xf32>
    tpu.vector_store %arg15[%swap3A_521], %swap3A_524 {strides = array<i32>} : memref<512xf32, #tpu.memory_space<vmem>>, vector<16xf32>,
    %get3A_525 = arith.constant 32 : index
    %get3A_526 = tpu.vector_load %arg16[%get3A_525] {strides = array<i32>} : memref<512xf32, #tpu.memory_space<vmem>>, vector<16xf32>,
    %get3A_527 = vector.shape_cast %get3A_526 : vector<16xf32> to vector<16xf32>
    %neg3A_528 = arith.constant 0.000000e+00 : f32
    %neg3A_529 = vector.broadcast %neg3A_528 : f32 to vector<16xf32>
    %neg3A_530 = arith.subf %neg3A_529, %get3A_527 : vector<16xf32>
    %exp3A_531 = math.exp %neg3A_530 : vector<16xf32>
    %add3A_532 = arith.constant 1.000000e+00 : f32
    %add3A_533 = vector.broadcast %add3A_532 : f32 to vector<16xf32>
    %add3A_534 = arith.addf %add3A_533, %exp3A_531 : vector<16xf32>
    %div3A_535 = arith.constant 1.000000e+00 : f32
    %div3A_536 = vector.broadcast %div3A_535 : f32 to vector<16xf32>
    %div3A_537 = arith.divf %div3A_536, %add3A_534 : vector<16xf32>
    %swap3A_538 = arith.constant 32 : index
    %swap3A_539 = tpu.vector_load %arg15[%swap3A_538] {strides = array<i32>} : memref<512xf32, #tpu.memory_space<vmem>>, vector<16xf32>,
    %swap3A_540 = vector.shape_cast %swap3A_539 : vector<16xf32> to vector<16xf32>
    %swap3A_541 = vector.shape_cast %div3A_537 : vector<16xf32> to vector<16xf32>
    tpu.vector_store %arg15[%swap3A_538], %swap3A_541 {strides = array<i32>} : memref<512xf32, #tpu.memory_space<vmem>>, vector<16xf32>,
    %get3A_542 = arith.constant 48 : index
    %get3A_543 = tpu.vector_load %arg16[%get3A_542] {strides = array<i32>} : memref<512xf32, #tpu.memory_space<vmem>>, vector<16xf32>,
    %get3A_544 = vector.shape_cast %get3A_543 : vector<16xf32> to vector<16xf32>
    %neg3A_545 = arith.constant 0.000000e+00 : f32
    %neg3A_546 = vector.broadcast %neg3A_545 : f32 to vector<16xf32>
    %neg3A_547 = arith.subf %neg3A_546, %get3A_544 : vector<16xf32>
    %exp3A_548 = math.exp %neg3A_547 : vector<16xf32>
    %add3A_549 = arith.constant 1.000000e+00 : f32
    %add3A_550 = vector.broadcast %add3A_549 : f32 to vector<16xf32>
    %add3A_551 = arith.addf %add3A_550, %exp3A_548 : vector<16xf32>
    %div3A_552 = arith.constant 1.000000e+00 : f32
    %div3A_553 = vector.broadcast %div3A_552 : f32 to vector<16xf32>
    %div3A_554 = arith.divf %div3A_553, %add3A_551 : vector<16xf32>
    %swap3A_555 = arith.constant 48 : index
    %swap3A_556 = tpu.vector_load %arg15[%swap3A_555] {strides = array<i32>} : memref<512xf32, #tpu.memory_space<vmem>>, vector<16xf32>,
    %swap3A_557 = vector.shape_cast %swap3A_556 : vector<16xf32> to vector<16xf32>
    %swap3A_558 = vector.shape_cast %div3A_554 : vector<16xf32> to vector<16xf32>
    tpu.vector_store %arg15[%swap3A_555], %swap3A_558 {strides = array<i32>} : memref<512xf32, #tpu.memory_space<vmem>>, vector<16xf32>,
    %get3A_559 = arith.constant 64 : index
    %get3A_560 = tpu.vector_load %arg16[%get3A_559] {strides = array<i32>} : memref<512xf32, #tpu.memory_space<vmem>>, vector<16xf32>,
    %get3A_561 = vector.shape_cast %get3A_560 : vector<16xf32> to vector<16xf32>
    %neg3A_562 = arith.constant 0.000000e+00 : f32
    %neg3A_563 = vector.broadcast %neg3A_562 : f32 to vector<16xf32>
    %neg3A_564 = arith.subf %neg3A_563, %get3A_561 : vector<16xf32>
    %exp3A_565 = math.exp %neg3A_564 : vector<16xf32>
    %add3A_566 = arith.constant 1.000000e+00 : f32
    %add3A_567 = vector.broadcast %add3A_566 : f32 to vector<16xf32>
    %add3A_568 = arith.addf %add3A_567, %exp3A_565 : vector<16xf32>
    %div3A_569 = arith.constant 1.000000e+00 : f32
    %div3A_570 = vector.broadcast %div3A_569 : f32 to vector<16xf32>
    %div3A_571 = arith.divf %div3A_570, %add3A_568 : vector<16xf32>
    %swap3A_572 = arith.constant 64 : index
    %swap3A_573 = tpu.vector_load %arg15[%swap3A_572] {strides = array<i32>} : memref<512xf32, #tpu.memory_space<vmem>>, vector<16xf32>,
    %swap3A_574 = vector.shape_cast %swap3A_573 : vector<16xf32> to vector<16xf32>
    %swap3A_575 = vector.shape_cast %div3A_571 : vector<16xf32> to vector<16xf32>
    tpu.vector_store %arg15[%swap3A_572], %swap3A_575 {strides = array<i32>} : memref<512xf32, #tpu.memory_space<vmem>>, vector<16xf32>,
    %get3A_576 = arith.constant 80 : index
    %get3A_577 = tpu.vector_load %arg16[%get3A_576] {strides = array<i32>} : memref<512xf32, #tpu.memory_space<vmem>>, vector<16xf32>,
    %get3A_578 = vector.shape_cast %get3A_577 : vector<16xf32> to vector<16xf32>
    %neg3A_579 = arith.constant 0.000000e+00 : f32
    %neg3A_580 = vector.broadcast %neg3A_579 : f32 to vector<16xf32>
    %neg3A_581 = arith.subf %neg3A_580, %get3A_578 : vector<16xf32>
    %exp3A_582 = math.exp %neg3A_581 : vector<16xf32>
    %add3A_583 = arith.constant 1.000000e+00 : f32
    %add3A_584 = vector.broadcast %add3A_583 : f32 to vector<16xf32>
    %add3A_585 = arith.addf %add3A_584, %exp3A_582 : vector<16xf32>
    %div3A_586 = arith.constant 1.000000e+00 : f32
    %div3A_587 = vector.broadcast %div3A_586 : f32 to vector<16xf32>
    %div3A_588 = arith.divf %div3A_587, %add3A_585 : vector<16xf32>
    %swap3A_589 = arith.constant 80 : index
    %swap3A_590 = tpu.vector_load %arg15[%swap3A_589] {strides = array<i32>} : memref<512xf32, #tpu.memory_space<vmem>>, vector<16xf32>,
    %swap3A_591 = vector.shape_cast %swap3A_590 : vector<16xf32> to vector<16xf32>
    %swap3A_592 = vector.shape_cast %div3A_588 : vector<16xf32> to vector<16xf32>
    tpu.vector_store %arg15[%swap3A_589], %swap3A_592 {strides = array<i32>} : memref<512xf32, #tpu.memory_space<vmem>>, vector<16xf32>,
    %get3A_593 = arith.constant 96 : index
    %get3A_594 = tpu.vector_load %arg16[%get3A_593] {strides = array<i32>} : memref<512xf32, #tpu.memory_space<vmem>>, vector<16xf32>,
    %get3A_595 = vector.shape_cast %get3A_594 : vector<16xf32> to vector<16xf32>
    %neg3A_596 = arith.constant 0.000000e+00 : f32
    %neg3A_597 = vector.broadcast %neg3A_596 : f32 to vector<16xf32>
    %neg3A_598 = arith.subf %neg3A_597, %get3A_595 : vector<16xf32>
    %exp3A_599 = math.exp %neg3A_598 : vector<16xf32>
    %add3A_600 = arith.constant 1.000000e+00 : f32
    %add3A_601 = vector.broadcast %add3A_600 : f32 to vector<16xf32>
    %add3A_602 = arith.addf %add3A_601, %exp3A_599 : vector<16xf32>
    %div3A_603 = arith.constant 1.000000e+00 : f32
    %div3A_604 = vector.broadcast %div3A_603 : f32 to vector<16xf32>
    %div3A_605 = arith.divf %div3A_604, %add3A_602 : vector<16xf32>
    %swap3A_606 = arith.constant 96 : index
    %swap3A_607 = tpu.vector_load %arg15[%swap3A_606] {strides = array<i32>} : memref<512xf32, #tpu.memory_space<vmem>>, vector<16xf32>,
    %swap3A_608 = vector.shape_cast %swap3A_607 : vector<16xf32> to vector<16xf32>
    %swap3A_609 = vector.shape_cast %div3A_605 : vector<16xf32> to vector<16xf32>
    tpu.vector_store %arg15[%swap3A_606], %swap3A_609 {strides = array<i32>} : memref<512xf32, #tpu.memory_space<vmem>>, vector<16xf32>,
    %get3A_610 = arith.constant 112 : index
    %get3A_611 = tpu.vector_load %arg16[%get3A_610] {strides = array<i32>} : memref<512xf32, #tpu.memory_space<vmem>>, vector<16xf32>,
    %get3A_612 = vector.shape_cast %get3A_611 : vector<16xf32> to vector<16xf32>
    %neg3A_613 = arith.constant 0.000000e+00 : f32
    %neg3A_614 = vector.broadcast %neg3A_613 : f32 to vector<16xf32>
    %neg3A_615 = arith.subf %neg3A_614, %get3A_612 : vector<16xf32>
    %exp3A_616 = math.exp %neg3A_615 : vector<16xf32>
    %add3A_617 = arith.constant 1.000000e+00 : f32
    %add3A_618 = vector.broadcast %add3A_617 : f32 to vector<16xf32>
    %add3A_619 = arith.addf %add3A_618, %exp3A_616 : vector<16xf32>
    %div3A_620 = arith.constant 1.000000e+00 : f32
    %div3A_621 = vector.broadcast %div3A_620 : f32 to vector<16xf32>
    %div3A_622 = arith.divf %div3A_621, %add3A_619 : vector<16xf32>
    %swap3A_623 = arith.constant 112 : index
    %swap3A_624 = tpu.vector_load %arg15[%swap3A_623] {strides = array<i32>} : memref<512xf32, #tpu.memory_space<vmem>>, vector<16xf32>,
    %swap3A_625 = vector.shape_cast %swap3A_624 : vector<16xf32> to vector<16xf32>
    %swap3A_626 = vector.shape_cast %div3A_622 : vector<16xf32> to vector<16xf32>
    tpu.vector_store %arg15[%swap3A_623], %swap3A_626 {strides = array<i32>} : memref<512xf32, #tpu.memory_space<vmem>>, vector<16xf32>,
    %get3A_627 = arith.constant 128 : index
    %get3A_628 = tpu.vector_load %arg16[%get3A_627] {strides = array<i32>} : memref<512xf32, #tpu.memory_space<vmem>>, vector<16xf32>,
    %get3A_629 = vector.shape_cast %get3A_628 : vector<16xf32> to vector<16xf32>
    %neg3A_630 = arith.constant 0.000000e+00 : f32
    %neg3A_631 = vector.broadcast %neg3A_630 : f32 to vector<16xf32>
    %neg3A_632 = arith.subf %neg3A_631, %get3A_629 : vector<16xf32>
    %exp3A_633 = math.exp %neg3A_632 : vector<16xf32>
    %add3A_634 = arith.constant 1.000000e+00 : f32
    %add3A_635 = vector.broadcast %add3A_634 : f32 to vector<16xf32>
    %add3A_636 = arith.addf %add3A_635, %exp3A_633 : vector<16xf32>
    %div3A_637 = arith.constant 1.000000e+00 : f32
    %div3A_638 = vector.broadcast %div3A_637 : f32 to vector<16xf32>
    %div3A_639 = arith.divf %div3A_638, %add3A_636 : vector<16xf32>
    %swap3A_640 = arith.constant 128 : index
    %swap3A_641 = tpu.vector_load %arg15[%swap3A_640] {strides = array<i32>} : memref<512xf32, #tpu.memory_space<vmem>>, vector<16xf32>,
    %swap3A_642 = vector.shape_cast %swap3A_641 : vector<16xf32> to vector<16xf32>
    %swap3A_643 = vector.shape_cast %div3A_639 : vector<16xf32> to vector<16xf32>
    tpu.vector_store %arg15[%swap3A_640], %swap3A_643 {strides = array<i32>} : memref<512xf32, #tpu.memory_space<vmem>>, vector<16xf32>,
    %get3A_644 = arith.constant 144 : index
    %get3A_645 = tpu.vector_load %arg16[%get3A_644] {strides = array<i32>} : memref<512xf32, #tpu.memory_space<vmem>>, vector<16xf32>,
    %get3A_646 = vector.shape_cast %get3A_645 : vector<16xf32> to vector<16xf32>
    %neg3A_647 = arith.constant 0.000000e+00 : f32
    %neg3A_648 = vector.broadcast %neg3A_647 : f32 to vector<16xf32>
    %neg3A_649 = arith.subf %neg3A_648, %get3A_646 : vector<16xf32>
    %exp3A_650 = math.exp %neg3A_649 : vector<16xf32>
    %add3A_651 = arith.constant 1.000000e+00 : f32
    %add3A_652 = vector.broadcast %add3A_651 : f32 to vector<16xf32>
    %add3A_653 = arith.addf %add3A_652, %exp3A_650 : vector<16xf32>
    %div3A_654 = arith.constant 1.000000e+00 : f32
    %div3A_655 = vector.broadcast %div3A_654 : f32 to vector<16xf32>
    %div3A_656 = arith.divf %div3A_655, %add3A_653 : vector<16xf32>
    %swap3A_657 = arith.constant 144 : index
    %swap3A_658 = tpu.vector_load %arg15[%swap3A_657] {strides = array<i32>} : memref<512xf32, #tpu.memory_space<vmem>>, vector<16xf32>,
    %swap3A_659 = vector.shape_cast %swap3A_658 : vector<16xf32> to vector<16xf32>
    %swap3A_660 = vector.shape_cast %div3A_656 : vector<16xf32> to vector<16xf32>
    tpu.vector_store %arg15[%swap3A_657], %swap3A_660 {strides = array<i32>} : memref<512xf32, #tpu.memory_space<vmem>>, vector<16xf32>,
    %get3A_661 = arith.constant 160 : index
    %get3A_662 = tpu.vector_load %arg16[%get3A_661] {strides = array<i32>} : memref<512xf32, #tpu.memory_space<vmem>>, vector<16xf32>,
    %get3A_663 = vector.shape_cast %get3A_662 : vector<16xf32> to vector<16xf32>
    %neg3A_664 = arith.constant 0.000000e+00 : f32
    %neg3A_665 = vector.broadcast %neg3A_664 : f32 to vector<16xf32>
    %neg3A_666 = arith.subf %neg3A_665, %get3A_663 : vector<16xf32>
    %exp3A_667 = math.exp %neg3A_666 : vector<16xf32>
    %add3A_668 = arith.constant 1.000000e+00 : f32
    %add3A_669 = vector.broadcast %add3A_668 : f32 to vector<16xf32>
    %add3A_670 = arith.addf %add3A_669, %exp3A_667 : vector<16xf32>
    %div3A_671 = arith.constant 1.000000e+00 : f32
    %div3A_672 = vector.broadcast %div3A_671 : f32 to vector<16xf32>
    %div3A_673 = arith.divf %div3A_672, %add3A_670 : vector<16xf32>
    %swap3A_674 = arith.constant 160 : index
    %swap3A_675 = tpu.vector_load %arg15[%swap3A_674] {strides = array<i32>} : memref<512xf32, #tpu.memory_space<vmem>>, vector<16xf32>,
    %swap3A_676 = vector.shape_cast %swap3A_675 : vector<16xf32> to vector<16xf32>
    %swap3A_677 = vector.shape_cast %div3A_673 : vector<16xf32> to vector<16xf32>
    tpu.vector_store %arg15[%swap3A_674], %swap3A_677 {strides = array<i32>} : memref<512xf32, #tpu.memory_space<vmem>>, vector<16xf32>,
    %get3A_678 = arith.constant 176 : index
    %get3A_679 = tpu.vector_load %arg16[%get3A_678] {strides = array<i32>} : memref<512xf32, #tpu.memory_space<vmem>>, vector<16xf32>,
    %get3A_680 = vector.shape_cast %get3A_679 : vector<16xf32> to vector<16xf32>
    %neg3A_681 = arith.constant 0.000000e+00 : f32
    %neg3A_682 = vector.broadcast %neg3A_681 : f32 to vector<16xf32>
    %neg3A_683 = arith.subf %neg3A_682, %get3A_680 : vector<16xf32>
    %exp3A_684 = math.exp %neg3A_683 : vector<16xf32>
    %add3A_685 = arith.constant 1.000000e+00 : f32
    %add3A_686 = vector.broadcast %add3A_685 : f32 to vector<16xf32>
    %add3A_687 = arith.addf %add3A_686, %exp3A_684 : vector<16xf32>
    %div3A_688 = arith.constant 1.000000e+00 : f32
    %div3A_689 = vector.broadcast %div3A_688 : f32 to vector<16xf32>
    %div3A_690 = arith.divf %div3A_689, %add3A_687 : vector<16xf32>
    %swap3A_691 = arith.constant 176 : index
    %swap3A_692 = tpu.vector_load %arg15[%swap3A_691] {strides = array<i32>} : memref<512xf32, #tpu.memory_space<vmem>>, vector<16xf32>,
    %swap3A_693 = vector.shape_cast %swap3A_692 : vector<16xf32> to vector<16xf32>
    %swap3A_694 = vector.shape_cast %div3A_690 : vector<16xf32> to vector<16xf32>
    tpu.vector_store %arg15[%swap3A_691], %swap3A_694 {strides = array<i32>} : memref<512xf32, #tpu.memory_space<vmem>>, vector<16xf32>,
    %get3A_695 = arith.constant 192 : index
    %get3A_696 = tpu.vector_load %arg16[%get3A_695] {strides = array<i32>} : memref<512xf32, #tpu.memory_space<vmem>>, vector<16xf32>,
    %get3A_697 = vector.shape_cast %get3A_696 : vector<16xf32> to vector<16xf32>
    %neg3A_698 = arith.constant 0.000000e+00 : f32
    %neg3A_699 = vector.broadcast %neg3A_698 : f32 to vector<16xf32>
    %neg3A_700 = arith.subf %neg3A_699, %get3A_697 : vector<16xf32>
    %exp3A_701 = math.exp %neg3A_700 : vector<16xf32>
    %add3A_702 = arith.constant 1.000000e+00 : f32
    %add3A_703 = vector.broadcast %add3A_702 : f32 to vector<16xf32>
    %add3A_704 = arith.addf %add3A_703, %exp3A_701 : vector<16xf32>
    %div3A_705 = arith.constant 1.000000e+00 : f32
    %div3A_706 = vector.broadcast %div3A_705 : f32 to vector<16xf32>
    %div3A_707 = arith.divf %div3A_706, %add3A_704 : vector<16xf32>
    %swap3A_708 = arith.constant 192 : index
    %swap3A_709 = tpu.vector_load %arg15[%swap3A_708] {strides = array<i32>} : memref<512xf32, #tpu.memory_space<vmem>>, vector<16xf32>,
    %swap3A_710 = vector.shape_cast %swap3A_709 : vector<16xf32> to vector<16xf32>
    %swap3A_711 = vector.shape_cast %div3A_707 : vector<16xf32> to vector<16xf32>
    tpu.vector_store %arg15[%swap3A_708], %swap3A_711 {strides = array<i32>} : memref<512xf32, #tpu.memory_space<vmem>>, vector<16xf32>,
    %get3A_712 = arith.constant 208 : index
    %get3A_713 = tpu.vector_load %arg16[%get3A_712] {strides = array<i32>} : memref<512xf32, #tpu.memory_space<vmem>>, vector<16xf32>,
    %get3A_714 = vector.shape_cast %get3A_713 : vector<16xf32> to vector<16xf32>
    %neg3A_715 = arith.constant 0.000000e+00 : f32
    %neg3A_716 = vector.broadcast %neg3A_715 : f32 to vector<16xf32>
    %neg3A_717 = arith.subf %neg3A_716, %get3A_714 : vector<16xf32>
    %exp3A_718 = math.exp %neg3A_717 : vector<16xf32>
    %add3A_719 = arith.constant 1.000000e+00 : f32
    %add3A_720 = vector.broadcast %add3A_719 : f32 to vector<16xf32>
    %add3A_721 = arith.addf %add3A_720, %exp3A_718 : vector<16xf32>
    %div3A_722 = arith.constant 1.000000e+00 : f32
    %div3A_723 = vector.broadcast %div3A_722 : f32 to vector<16xf32>
    %div3A_724 = arith.divf %div3A_723, %add3A_721 : vector<16xf32>
    %swap3A_725 = arith.constant 208 : index
    %swap3A_726 = tpu.vector_load %arg15[%swap3A_725] {strides = array<i32>} : memref<512xf32, #tpu.memory_space<vmem>>, vector<16xf32>,
    %swap3A_727 = vector.shape_cast %swap3A_726 : vector<16xf32> to vector<16xf32>
    %swap3A_728 = vector.shape_cast %div3A_724 : vector<16xf32> to vector<16xf32>
    tpu.vector_store %arg15[%swap3A_725], %swap3A_728 {strides = array<i32>} : memref<512xf32, #tpu.memory_space<vmem>>, vector<16xf32>,
    %get3A_729 = arith.constant 224 : index
    %get3A_730 = tpu.vector_load %arg16[%get3A_729] {strides = array<i32>} : memref<512xf32, #tpu.memory_space<vmem>>, vector<16xf32>,
    %get3A_731 = vector.shape_cast %get3A_730 : vector<16xf32> to vector<16xf32>
    %neg3A_732 = arith.constant 0.000000e+00 : f32
    %neg3A_733 = vector.broadcast %neg3A_732 : f32 to vector<16xf32>
    %neg3A_734 = arith.subf %neg3A_733, %get3A_731 : vector<16xf32>
    %exp3A_735 = math.exp %neg3A_734 : vector<16xf32>
    %add3A_736 = arith.constant 1.000000e+00 : f32
    %add3A_737 = vector.broadcast %add3A_736 : f32 to vector<16xf32>
    %add3A_738 = arith.addf %add3A_737, %exp3A_735 : vector<16xf32>
    %div3A_739 = arith.constant 1.000000e+00 : f32
    %div3A_740 = vector.broadcast %div3A_739 : f32 to vector<16xf32>
    %div3A_741 = arith.divf %div3A_740, %add3A_738 : vector<16xf32>
    %swap3A_742 = arith.constant 224 : index
    %swap3A_743 = tpu.vector_load %arg15[%swap3A_742] {strides = array<i32>} : memref<512xf32, #tpu.memory_space<vmem>>, vector<16xf32>,
    %swap3A_744 = vector.shape_cast %swap3A_743 : vector<16xf32> to vector<16xf32>
    %swap3A_745 = vector.shape_cast %div3A_741 : vector<16xf32> to vector<16xf32>
    tpu.vector_store %arg15[%swap3A_742], %swap3A_745 {strides = array<i32>} : memref<512xf32, #tpu.memory_space<vmem>>, vector<16xf32>,
    %get3A_746 = arith.constant 240 : index
    %get3A_747 = tpu.vector_load %arg16[%get3A_746] {strides = array<i32>} : memref<512xf32, #tpu.memory_space<vmem>>, vector<16xf32>,
    %get3A_748 = vector.shape_cast %get3A_747 : vector<16xf32> to vector<16xf32>
    %neg3A_749 = arith.constant 0.000000e+00 : f32
    %neg3A_750 = vector.broadcast %neg3A_749 : f32 to vector<16xf32>
    %neg3A_751 = arith.subf %neg3A_750, %get3A_748 : vector<16xf32>
    %exp3A_752 = math.exp %neg3A_751 : vector<16xf32>
    %add3A_753 = arith.constant 1.000000e+00 : f32
    %add3A_754 = vector.broadcast %add3A_753 : f32 to vector<16xf32>
    %add3A_755 = arith.addf %add3A_754, %exp3A_752 : vector<16xf32>
    %div3A_756 = arith.constant 1.000000e+00 : f32
    %div3A_757 = vector.broadcast %div3A_756 : f32 to vector<16xf32>
    %div3A_758 = arith.divf %div3A_757, %add3A_755 : vector<16xf32>
    %swap3A_759 = arith.constant 240 : index
    %swap3A_760 = tpu.vector_load %arg15[%swap3A_759] {strides = array<i32>} : memref<512xf32, #tpu.memory_space<vmem>>, vector<16xf32>,
    %swap3A_761 = vector.shape_cast %swap3A_760 : vector<16xf32> to vector<16xf32>
    %swap3A_762 = vector.shape_cast %div3A_758 : vector<16xf32> to vector<16xf32>
    tpu.vector_store %arg15[%swap3A_759], %swap3A_762 {strides = array<i32>} : memref<512xf32, #tpu.memory_space<vmem>>, vector<16xf32>,
    %get3A_763 = arith.constant 256 : index
    %get3A_764 = tpu.vector_load %arg16[%get3A_763] {strides = array<i32>} : memref<512xf32, #tpu.memory_space<vmem>>, vector<16xf32>,
    %get3A_765 = vector.shape_cast %get3A_764 : vector<16xf32> to vector<16xf32>
    %neg3A_766 = arith.constant 0.000000e+00 : f32
    %neg3A_767 = vector.broadcast %neg3A_766 : f32 to vector<16xf32>
    %neg3A_768 = arith.subf %neg3A_767, %get3A_765 : vector<16xf32>
    %exp3A_769 = math.exp %neg3A_768 : vector<16xf32>
    %add3A_770 = arith.constant 1.000000e+00 : f32
    %add3A_771 = vector.broadcast %add3A_770 : f32 to vector<16xf32>
    %add3A_772 = arith.addf %add3A_771, %exp3A_769 : vector<16xf32>
    %div3A_773 = arith.constant 1.000000e+00 : f32
    %div3A_774 = vector.broadcast %div3A_773 : f32 to vector<16xf32>
    %div3A_775 = arith.divf %div3A_774, %add3A_772 : vector<16xf32>
    %swap3A_776 = arith.constant 256 : index
    %swap3A_777 = tpu.vector_load %arg15[%swap3A_776] {strides = array<i32>} : memref<512xf32, #tpu.memory_space<vmem>>, vector<16xf32>,
    %swap3A_778 = vector.shape_cast %swap3A_777 : vector<16xf32> to vector<16xf32>
    %swap3A_779 = vector.shape_cast %div3A_775 : vector<16xf32> to vector<16xf32>
    tpu.vector_store %arg15[%swap3A_776], %swap3A_779 {strides = array<i32>} : memref<512xf32, #tpu.memory_space<vmem>>, vector<16xf32>,
    %get3A_780 = arith.constant 272 : index
    %get3A_781 = tpu.vector_load %arg16[%get3A_780] {strides = array<i32>} : memref<512xf32, #tpu.memory_space<vmem>>, vector<16xf32>,
    %get3A_782 = vector.shape_cast %get3A_781 : vector<16xf32> to vector<16xf32>
    %neg3A_783 = arith.constant 0.000000e+00 : f32
    %neg3A_784 = vector.broadcast %neg3A_783 : f32 to vector<16xf32>
    %neg3A_785 = arith.subf %neg3A_784, %get3A_782 : vector<16xf32>
    %exp3A_786 = math.exp %neg3A_785 : vector<16xf32>
    %add3A_787 = arith.constant 1.000000e+00 : f32
    %add3A_788 = vector.broadcast %add3A_787 : f32 to vector<16xf32>
    %add3A_789 = arith.addf %add3A_788, %exp3A_786 : vector<16xf32>
    %div3A_790 = arith.constant 1.000000e+00 : f32
    %div3A_791 = vector.broadcast %div3A_790 : f32 to vector<16xf32>
    %div3A_792 = arith.divf %div3A_791, %add3A_789 : vector<16xf32>
    %swap3A_793 = arith.constant 272 : index
    %swap3A_794 = tpu.vector_load %arg15[%swap3A_793] {strides = array<i32>} : memref<512xf32, #tpu.memory_space<vmem>>, vector<16xf32>,
    %swap3A_795 = vector.shape_cast %swap3A_794 : vector<16xf32> to vector<16xf32>
    %swap3A_796 = vector.shape_cast %div3A_792 : vector<16xf32> to vector<16xf32>
    tpu.vector_store %arg15[%swap3A_793], %swap3A_796 {strides = array<i32>} : memref<512xf32, #tpu.memory_space<vmem>>, vector<16xf32>,
    %get3A_797 = arith.constant 288 : index
    %get3A_798 = tpu.vector_load %arg16[%get3A_797] {strides = array<i32>} : memref<512xf32, #tpu.memory_space<vmem>>, vector<16xf32>,
    %get3A_799 = vector.shape_cast %get3A_798 : vector<16xf32> to vector<16xf32>
    %neg3A_800 = arith.constant 0.000000e+00 : f32
    %neg3A_801 = vector.broadcast %neg3A_800 : f32 to vector<16xf32>
    %neg3A_802 = arith.subf %neg3A_801, %get3A_799 : vector<16xf32>
    %exp3A_803 = math.exp %neg3A_802 : vector<16xf32>
    %add3A_804 = arith.constant 1.000000e+00 : f32
    %add3A_805 = vector.broadcast %add3A_804 : f32 to vector<16xf32>
    %add3A_806 = arith.addf %add3A_805, %exp3A_803 : vector<16xf32>
    %div3A_807 = arith.constant 1.000000e+00 : f32
    %div3A_808 = vector.broadcast %div3A_807 : f32 to vector<16xf32>
    %div3A_809 = arith.divf %div3A_808, %add3A_806 : vector<16xf32>
    %swap3A_810 = arith.constant 288 : index
    %swap3A_811 = tpu.vector_load %arg15[%swap3A_810] {strides = array<i32>} : memref<512xf32, #tpu.memory_space<vmem>>, vector<16xf32>,
    %swap3A_812 = vector.shape_cast %swap3A_811 : vector<16xf32> to vector<16xf32>
    %swap3A_813 = vector.shape_cast %div3A_809 : vector<16xf32> to vector<16xf32>
    tpu.vector_store %arg15[%swap3A_810], %swap3A_813 {strides = array<i32>} : memref<512xf32, #tpu.memory_space<vmem>>, vector<16xf32>,
    %get3A_814 = arith.constant 304 : index
    %get3A_815 = tpu.vector_load %arg16[%get3A_814] {strides = array<i32>} : memref<512xf32, #tpu.memory_space<vmem>>, vector<16xf32>,
    %get3A_816 = vector.shape_cast %get3A_815 : vector<16xf32> to vector<16xf32>
    %neg3A_817 = arith.constant 0.000000e+00 : f32
    %neg3A_818 = vector.broadcast %neg3A_817 : f32 to vector<16xf32>
    %neg3A_819 = arith.subf %neg3A_818, %get3A_816 : vector<16xf32>
    %exp3A_820 = math.exp %neg3A_819 : vector<16xf32>
    %add3A_821 = arith.constant 1.000000e+00 : f32
    %add3A_822 = vector.broadcast %add3A_821 : f32 to vector<16xf32>
    %add3A_823 = arith.addf %add3A_822, %exp3A_820 : vector<16xf32>
    %div3A_824 = arith.constant 1.000000e+00 : f32
    %div3A_825 = vector.broadcast %div3A_824 : f32 to vector<16xf32>
    %div3A_826 = arith.divf %div3A_825, %add3A_823 : vector<16xf32>
    %swap3A_827 = arith.constant 304 : index
    %swap3A_828 = tpu.vector_load %arg15[%swap3A_827] {strides = array<i32>} : memref<512xf32, #tpu.memory_space<vmem>>, vector<16xf32>,
    %swap3A_829 = vector.shape_cast %swap3A_828 : vector<16xf32> to vector<16xf32>
    %swap3A_830 = vector.shape_cast %div3A_826 : vector<16xf32> to vector<16xf32>
    tpu.vector_store %arg15[%swap3A_827], %swap3A_830 {strides = array<i32>} : memref<512xf32, #tpu.memory_space<vmem>>, vector<16xf32>,
    %get3A_831 = arith.constant 320 : index
    %get3A_832 = tpu.vector_load %arg16[%get3A_831] {strides = array<i32>} : memref<512xf32, #tpu.memory_space<vmem>>, vector<16xf32>,
    %get3A_833 = vector.shape_cast %get3A_832 : vector<16xf32> to vector<16xf32>
    %neg3A_834 = arith.constant 0.000000e+00 : f32
    %neg3A_835 = vector.broadcast %neg3A_834 : f32 to vector<16xf32>
    %neg3A_836 = arith.subf %neg3A_835, %get3A_833 : vector<16xf32>
    %exp3A_837 = math.exp %neg3A_836 : vector<16xf32>
    %add3A_838 = arith.constant 1.000000e+00 : f32
    %add3A_839 = vector.broadcast %add3A_838 : f32 to vector<16xf32>
    %add3A_840 = arith.addf %add3A_839, %exp3A_837 : vector<16xf32>
    %div3A_841 = arith.constant 1.000000e+00 : f32
    %div3A_842 = vector.broadcast %div3A_841 : f32 to vector<16xf32>
    %div3A_843 = arith.divf %div3A_842, %add3A_840 : vector<16xf32>
    %swap3A_844 = arith.constant 320 : index
    %swap3A_845 = tpu.vector_load %arg15[%swap3A_844] {strides = array<i32>} : memref<512xf32, #tpu.memory_space<vmem>>, vector<16xf32>,
    %swap3A_846 = vector.shape_cast %swap3A_845 : vector<16xf32> to vector<16xf32>
    %swap3A_847 = vector.shape_cast %div3A_843 : vector<16xf32> to vector<16xf32>
    tpu.vector_store %arg15[%swap3A_844], %swap3A_847 {strides = array<i32>} : memref<512xf32, #tpu.memory_space<vmem>>, vector<16xf32>,
    %get3A_848 = arith.constant 336 : index
    %get3A_849 = tpu.vector_load %arg16[%get3A_848] {strides = array<i32>} : memref<512xf32, #tpu.memory_space<vmem>>, vector<16xf32>,
    %get3A_850 = vector.shape_cast %get3A_849 : vector<16xf32> to vector<16xf32>
    %neg3A_851 = arith.constant 0.000000e+00 : f32
    %neg3A_852 = vector.broadcast %neg3A_851 : f32 to vector<16xf32>
    %neg3A_853 = arith.subf %neg3A_852, %get3A_850 : vector<16xf32>
    %exp3A_854 = math.exp %neg3A_853 : vector<16xf32>
    %add3A_855 = arith.constant 1.000000e+00 : f32
    %add3A_856 = vector.broadcast %add3A_855 : f32 to vector<16xf32>
    %add3A_857 = arith.addf %add3A_856, %exp3A_854 : vector<16xf32>
    %div3A_858 = arith.constant 1.000000e+00 : f32
    %div3A_859 = vector.broadcast %div3A_858 : f32 to vector<16xf32>
    %div3A_860 = arith.divf %div3A_859, %add3A_857 : vector<16xf32>
    %swap3A_861 = arith.constant 336 : index
    %swap3A_862 = tpu.vector_load %arg15[%swap3A_861] {strides = array<i32>} : memref<512xf32, #tpu.memory_space<vmem>>, vector<16xf32>,
    %swap3A_863 = vector.shape_cast %swap3A_862 : vector<16xf32> to vector<16xf32>
    %swap3A_864 = vector.shape_cast %div3A_860 : vector<16xf32> to vector<16xf32>
    tpu.vector_store %arg15[%swap3A_861], %swap3A_864 {strides = array<i32>} : memref<512xf32, #tpu.memory_space<vmem>>, vector<16xf32>,
    %get3A_865 = arith.constant 352 : index
    %get3A_866 = tpu.vector_load %arg16[%get3A_865] {strides = array<i32>} : memref<512xf32, #tpu.memory_space<vmem>>, vector<16xf32>,
    %get3A_867 = vector.shape_cast %get3A_866 : vector<16xf32> to vector<16xf32>
    %neg3A_868 = arith.constant 0.000000e+00 : f32
    %neg3A_869 = vector.broadcast %neg3A_868 : f32 to vector<16xf32>
    %neg3A_870 = arith.subf %neg3A_869, %get3A_867 : vector<16xf32>
    %exp3A_871 = math.exp %neg3A_870 : vector<16xf32>
    %add3A_872 = arith.constant 1.000000e+00 : f32
    %add3A_873 = vector.broadcast %add3A_872 : f32 to vector<16xf32>
    %add3A_874 = arith.addf %add3A_873, %exp3A_871 : vector<16xf32>
    %div3A_875 = arith.constant 1.000000e+00 : f32
    %div3A_876 = vector.broadcast %div3A_875 : f32 to vector<16xf32>
    %div3A_877 = arith.divf %div3A_876, %add3A_874 : vector<16xf32>
    %swap3A_878 = arith.constant 352 : index
    %swap3A_879 = tpu.vector_load %arg15[%swap3A_878] {strides = array<i32>} : memref<512xf32, #tpu.memory_space<vmem>>, vector<16xf32>,
    %swap3A_880 = vector.shape_cast %swap3A_879 : vector<16xf32> to vector<16xf32>
    %swap3A_881 = vector.shape_cast %div3A_877 : vector<16xf32> to vector<16xf32>
    tpu.vector_store %arg15[%swap3A_878], %swap3A_881 {strides = array<i32>} : memref<512xf32, #tpu.memory_space<vmem>>, vector<16xf32>,
    %get3A_882 = arith.constant 368 : index
    %get3A_883 = tpu.vector_load %arg16[%get3A_882] {strides = array<i32>} : memref<512xf32, #tpu.memory_space<vmem>>, vector<16xf32>,
    %get3A_884 = vector.shape_cast %get3A_883 : vector<16xf32> to vector<16xf32>
    %neg3A_885 = arith.constant 0.000000e+00 : f32
    %neg3A_886 = vector.broadcast %neg3A_885 : f32 to vector<16xf32>
    %neg3A_887 = arith.subf %neg3A_886, %get3A_884 : vector<16xf32>
    %exp3A_888 = math.exp %neg3A_887 : vector<16xf32>
    %add3A_889 = arith.constant 1.000000e+00 : f32
    %add3A_890 = vector.broadcast %add3A_889 : f32 to vector<16xf32>
    %add3A_891 = arith.addf %add3A_890, %exp3A_888 : vector<16xf32>
    %div3A_892 = arith.constant 1.000000e+00 : f32
    %div3A_893 = vector.broadcast %div3A_892 : f32 to vector<16xf32>
    %div3A_894 = arith.divf %div3A_893, %add3A_891 : vector<16xf32>
    %swap3A_895 = arith.constant 368 : index
    %swap3A_896 = tpu.vector_load %arg15[%swap3A_895] {strides = array<i32>} : memref<512xf32, #tpu.memory_space<vmem>>, vector<16xf32>,
    %swap3A_897 = vector.shape_cast %swap3A_896 : vector<16xf32> to vector<16xf32>
    %swap3A_898 = vector.shape_cast %div3A_894 : vector<16xf32> to vector<16xf32>
    tpu.vector_store %arg15[%swap3A_895], %swap3A_898 {strides = array<i32>} : memref<512xf32, #tpu.memory_space<vmem>>, vector<16xf32>,
    %get3A_899 = arith.constant 384 : index
    %get3A_900 = tpu.vector_load %arg16[%get3A_899] {strides = array<i32>} : memref<512xf32, #tpu.memory_space<vmem>>, vector<16xf32>,
    %get3A_901 = vector.shape_cast %get3A_900 : vector<16xf32> to vector<16xf32>
    %neg3A_902 = arith.constant 0.000000e+00 : f32
    %neg3A_903 = vector.broadcast %neg3A_902 : f32 to vector<16xf32>
    %neg3A_904 = arith.subf %neg3A_903, %get3A_901 : vector<16xf32>
    %exp3A_905 = math.exp %neg3A_904 : vector<16xf32>
    %add3A_906 = arith.constant 1.000000e+00 : f32
    %add3A_907 = vector.broadcast %add3A_906 : f32 to vector<16xf32>
    %add3A_908 = arith.addf %add3A_907, %exp3A_905 : vector<16xf32>
    %div3A_909 = arith.constant 1.000000e+00 : f32
    %div3A_910 = vector.broadcast %div3A_909 : f32 to vector<16xf32>
    %div3A_911 = arith.divf %div3A_910, %add3A_908 : vector<16xf32>
    %swap3A_912 = arith.constant 384 : index
    %swap3A_913 = tpu.vector_load %arg15[%swap3A_912] {strides = array<i32>} : memref<512xf32, #tpu.memory_space<vmem>>, vector<16xf32>,
    %swap3A_914 = vector.shape_cast %swap3A_913 : vector<16xf32> to vector<16xf32>
    %swap3A_915 = vector.shape_cast %div3A_911 : vector<16xf32> to vector<16xf32>
    tpu.vector_store %arg15[%swap3A_912], %swap3A_915 {strides = array<i32>} : memref<512xf32, #tpu.memory_space<vmem>>, vector<16xf32>,
    %get3A_916 = arith.constant 400 : index
    %get3A_917 = tpu.vector_load %arg16[%get3A_916] {strides = array<i32>} : memref<512xf32, #tpu.memory_space<vmem>>, vector<16xf32>,
    %get3A_918 = vector.shape_cast %get3A_917 : vector<16xf32> to vector<16xf32>
    %neg3A_919 = arith.constant 0.000000e+00 : f32
    %neg3A_920 = vector.broadcast %neg3A_919 : f32 to vector<16xf32>
    %neg3A_921 = arith.subf %neg3A_920, %get3A_918 : vector<16xf32>
    %exp3A_922 = math.exp %neg3A_921 : vector<16xf32>
    %add3A_923 = arith.constant 1.000000e+00 : f32
    %add3A_924 = vector.broadcast %add3A_923 : f32 to vector<16xf32>
    %add3A_925 = arith.addf %add3A_924, %exp3A_922 : vector<16xf32>
    %div3A_926 = arith.constant 1.000000e+00 : f32
    %div3A_927 = vector.broadcast %div3A_926 : f32 to vector<16xf32>
    %div3A_928 = arith.divf %div3A_927, %add3A_925 : vector<16xf32>
    %swap3A_929 = arith.constant 400 : index
    %swap3A_930 = tpu.vector_load %arg15[%swap3A_929] {strides = array<i32>} : memref<512xf32, #tpu.memory_space<vmem>>, vector<16xf32>,
    %swap3A_931 = vector.shape_cast %swap3A_930 : vector<16xf32> to vector<16xf32>
    %swap3A_932 = vector.shape_cast %div3A_928 : vector<16xf32> to vector<16xf32>
    tpu.vector_store %arg15[%swap3A_929], %swap3A_932 {strides = array<i32>} : memref<512xf32, #tpu.memory_space<vmem>>, vector<16xf32>,
    %get3A_933 = arith.constant 416 : index
    %get3A_934 = tpu.vector_load %arg16[%get3A_933] {strides = array<i32>} : memref<512xf32, #tpu.memory_space<vmem>>, vector<16xf32>,
    %get3A_935 = vector.shape_cast %get3A_934 : vector<16xf32> to vector<16xf32>
    %neg3A_936 = arith.constant 0.000000e+00 : f32
    %neg3A_937 = vector.broadcast %neg3A_936 : f32 to vector<16xf32>
    %neg3A_938 = arith.subf %neg3A_937, %get3A_935 : vector<16xf32>
    %exp3A_939 = math.exp %neg3A_938 : vector<16xf32>
    %add3A_940 = arith.constant 1.000000e+00 : f32
    %add3A_941 = vector.broadcast %add3A_940 : f32 to vector<16xf32>
    %add3A_942 = arith.addf %add3A_941, %exp3A_939 : vector<16xf32>
    %div3A_943 = arith.constant 1.000000e+00 : f32
    %div3A_944 = vector.broadcast %div3A_943 : f32 to vector<16xf32>
    %div3A_945 = arith.divf %div3A_944, %add3A_942 : vector<16xf32>
    %swap3A_946 = arith.constant 416 : index
    %swap3A_947 = tpu.vector_load %arg15[%swap3A_946] {strides = array<i32>} : memref<512xf32, #tpu.memory_space<vmem>>, vector<16xf32>,
    %swap3A_948 = vector.shape_cast %swap3A_947 : vector<16xf32> to vector<16xf32>
    %swap3A_949 = vector.shape_cast %div3A_945 : vector<16xf32> to vector<16xf32>
    tpu.vector_store %arg15[%swap3A_946], %swap3A_949 {strides = array<i32>} : memref<512xf32, #tpu.memory_space<vmem>>, vector<16xf32>,
    %get3A_950 = arith.constant 432 : index
    %get3A_951 = tpu.vector_load %arg16[%get3A_950] {strides = array<i32>} : memref<512xf32, #tpu.memory_space<vmem>>, vector<16xf32>,
    %get3A_952 = vector.shape_cast %get3A_951 : vector<16xf32> to vector<16xf32>
    %neg3A_953 = arith.constant 0.000000e+00 : f32
    %neg3A_954 = vector.broadcast %neg3A_953 : f32 to vector<16xf32>
    %neg3A_955 = arith.subf %neg3A_954, %get3A_952 : vector<16xf32>
    %exp3A_956 = math.exp %neg3A_955 : vector<16xf32>
    %add3A_957 = arith.constant 1.000000e+00 : f32
    %add3A_958 = vector.broadcast %add3A_957 : f32 to vector<16xf32>
    %add3A_959 = arith.addf %add3A_958, %exp3A_956 : vector<16xf32>
    %div3A_960 = arith.constant 1.000000e+00 : f32
    %div3A_961 = vector.broadcast %div3A_960 : f32 to vector<16xf32>
    %div3A_962 = arith.divf %div3A_961, %add3A_959 : vector<16xf32>
    %swap3A_963 = arith.constant 432 : index
    %swap3A_964 = tpu.vector_load %arg15[%swap3A_963] {strides = array<i32>} : memref<512xf32, #tpu.memory_space<vmem>>, vector<16xf32>,
    %swap3A_965 = vector.shape_cast %swap3A_964 : vector<16xf32> to vector<16xf32>
    %swap3A_966 = vector.shape_cast %div3A_962 : vector<16xf32> to vector<16xf32>
    tpu.vector_store %arg15[%swap3A_963], %swap3A_966 {strides = array<i32>} : memref<512xf32, #tpu.memory_space<vmem>>, vector<16xf32>,
    %get3A_967 = arith.constant 448 : index
    %get3A_968 = tpu.vector_load %arg16[%get3A_967] {strides = array<i32>} : memref<512xf32, #tpu.memory_space<vmem>>, vector<16xf32>,
    %get3A_969 = vector.shape_cast %get3A_968 : vector<16xf32> to vector<16xf32>
    %neg3A_970 = arith.constant 0.000000e+00 : f32
    %neg3A_971 = vector.broadcast %neg3A_970 : f32 to vector<16xf32>
    %neg3A_972 = arith.subf %neg3A_971, %get3A_969 : vector<16xf32>
    %exp3A_973 = math.exp %neg3A_972 : vector<16xf32>
    %add3A_974 = arith.constant 1.000000e+00 : f32
    %add3A_975 = vector.broadcast %add3A_974 : f32 to vector<16xf32>
    %add3A_976 = arith.addf %add3A_975, %exp3A_973 : vector<16xf32>
    %div3A_977 = arith.constant 1.000000e+00 : f32
    %div3A_978 = vector.broadcast %div3A_977 : f32 to vector<16xf32>
    %div3A_979 = arith.divf %div3A_978, %add3A_976 : vector<16xf32>
    %swap3A_980 = arith.constant 448 : index
    %swap3A_981 = tpu.vector_load %arg15[%swap3A_980] {strides = array<i32>} : memref<512xf32, #tpu.memory_space<vmem>>, vector<16xf32>,
    %swap3A_982 = vector.shape_cast %swap3A_981 : vector<16xf32> to vector<16xf32>
    %swap3A_983 = vector.shape_cast %div3A_979 : vector<16xf32> to vector<16xf32>
    tpu.vector_store %arg15[%swap3A_980], %swap3A_983 {strides = array<i32>} : memref<512xf32, #tpu.memory_space<vmem>>, vector<16xf32>,
    %get3A_984 = arith.constant 464 : index
    %get3A_985 = tpu.vector_load %arg16[%get3A_984] {strides = array<i32>} : memref<512xf32, #tpu.memory_space<vmem>>, vector<16xf32>,
    %get3A_986 = vector.shape_cast %get3A_985 : vector<16xf32> to vector<16xf32>
    %neg3A_987 = arith.constant 0.000000e+00 : f32
    %neg3A_988 = vector.broadcast %neg3A_987 : f32 to vector<16xf32>
    %neg3A_989 = arith.subf %neg3A_988, %get3A_986 : vector<16xf32>
    %exp3A_990 = math.exp %neg3A_989 : vector<16xf32>
    %add3A_991 = arith.constant 1.000000e+00 : f32
    %add3A_992 = vector.broadcast %add3A_991 : f32 to vector<16xf32>
    %add3A_993 = arith.addf %add3A_992, %exp3A_990 : vector<16xf32>
    %div3A_994 = arith.constant 1.000000e+00 : f32
    %div3A_995 = vector.broadcast %div3A_994 : f32 to vector<16xf32>
    %div3A_996 = arith.divf %div3A_995, %add3A_993 : vector<16xf32>
    %swap3A_997 = arith.constant 464 : index
    %swap3A_998 = tpu.vector_load %arg15[%swap3A_997] {strides = array<i32>} : memref<512xf32, #tpu.memory_space<vmem>>, vector<16xf32>,
    %swap3A_999 = vector.shape_cast %swap3A_998 : vector<16xf32> to vector<16xf32>
    %swap3A_1000 = vector.shape_cast %div3A_996 : vector<16xf32> to vector<16xf32>
    tpu.vector_store %arg15[%swap3A_997], %swap3A_1000 {strides = array<i32>} : memref<512xf32, #tpu.memory_space<vmem>>, vector<16xf32>,
    %get3A_1001 = arith.constant 480 : index
    %get3A_1002 = tpu.vector_load %arg16[%get3A_1001] {strides = array<i32>} : memref<512xf32, #tpu.memory_space<vmem>>, vector<16xf32>,
    %get3A_1003 = vector.shape_cast %get3A_1002 : vector<16xf32> to vector<16xf32>
    %neg3A_1004 = arith.constant 0.000000e+00 : f32
    %neg3A_1005 = vector.broadcast %neg3A_1004 : f32 to vector<16xf32>
    %neg3A_1006 = arith.subf %neg3A_1005, %get3A_1003 : vector<16xf32>
    %exp3A_1007 = math.exp %neg3A_1006 : vector<16xf32>
    %add3A_1008 = arith.constant 1.000000e+00 : f32
    %add3A_1009 = vector.broadcast %add3A_1008 : f32 to vector<16xf32>
    %add3A_1010 = arith.addf %add3A_1009, %exp3A_1007 : vector<16xf32>
    %div3A_1011 = arith.constant 1.000000e+00 : f32
    %div3A_1012 = vector.broadcast %div3A_1011 : f32 to vector<16xf32>
    %div3A_1013 = arith.divf %div3A_1012, %add3A_1010 : vector<16xf32>
    %swap3A_1014 = arith.constant 480 : index
    %swap3A_1015 = tpu.vector_load %arg15[%swap3A_1014] {strides = array<i32>} : memref<512xf32, #tpu.memory_space<vmem>>, vector<16xf32>,
    %swap3A_1016 = vector.shape_cast %swap3A_1015 : vector<16xf32> to vector<16xf32>
    %swap3A_1017 = vector.shape_cast %div3A_1013 : vector<16xf32> to vector<16xf32>
    tpu.vector_store %arg15[%swap3A_1014], %swap3A_1017 {strides = array<i32>} : memref<512xf32, #tpu.memory_space<vmem>>, vector<16xf32>,
    %get3A_1018 = arith.constant 496 : index
    %get3A_1019 = tpu.vector_load %arg16[%get3A_1018] {strides = array<i32>} : memref<512xf32, #tpu.memory_space<vmem>>, vector<16xf32>,
    %get3A_1020 = vector.shape_cast %get3A_1019 : vector<16xf32> to vector<16xf32>
    %neg3A_1021 = arith.constant 0.000000e+00 : f32
    %neg3A_1022 = vector.broadcast %neg3A_1021 : f32 to vector<16xf32>
    %neg3A_1023 = arith.subf %neg3A_1022, %get3A_1020 : vector<16xf32>
    %exp3A_1024 = math.exp %neg3A_1023 : vector<16xf32>
    %add3A_1025 = arith.constant 1.000000e+00 : f32
    %add3A_1026 = vector.broadcast %add3A_1025 : f32 to vector<16xf32>
    %add3A_1027 = arith.addf %add3A_1026, %exp3A_1024 : vector<16xf32>
    %div3A_1028 = arith.constant 1.000000e+00 : f32
    %div3A_1029 = vector.broadcast %div3A_1028 : f32 to vector<16xf32>
    %div3A_1030 = arith.divf %div3A_1029, %add3A_1027 : vector<16xf32>
    %swap3A_1031 = arith.constant 496 : index
    %swap3A_1032 = tpu.vector_load %arg15[%swap3A_1031] {strides = array<i32>} : memref<512xf32, #tpu.memory_space<vmem>>, vector<16xf32>,
    %swap3A_1033 = vector.shape_cast %swap3A_1032 : vector<16xf32> to vector<16xf32>
    %swap3A_1034 = vector.shape_cast %div3A_1030 : vector<16xf32> to vector<16xf32>
    tpu.vector_store %arg15[%swap3A_1031], %swap3A_1034 {strides = array<i32>} : memref<512xf32, #tpu.memory_space<vmem>>, vector<16xf32>,
    "tpu.region"() ({
      %run_scoped3A = tpu.sem_alloc : memref<!tpu.dma_semaphore, #tpu.memory_space<semaphore_mem>>
      %dma_start3A = tpu.memref_slice %arg8[%mul3A_2] : memref<16384xf32, #tpu.memory_space<hbm>> -> memref<512xf32, #tpu.memory_space<hbm>>
      %dma_start3A_1035 = tpu.memref_slice %arg8[%mul3A_2] : memref<16384xf32, #tpu.memory_space<hbm>> -> memref<512xf32, #tpu.memory_space<hbm>>
      tpu.enqueue_dma source(%arg15 : memref<512xf32, #tpu.memory_space<vmem>>) target(%dma_start3A_1035 : memref<512xf32, #tpu.memory_space<hbm>>) target_semaphore(%run_scoped3A : memref<!tpu.dma_semaphore, #tpu.memory_space<semaphore_mem>>)
      %dma_wait3A = tpu.memref_slice %arg8[%mul3A_2] : memref<16384xf32, #tpu.memory_space<hbm>> -> memref<512xf32, #tpu.memory_space<hbm>>
      %dma_wait3A_1036 = tpu.memref_slice %arg8[%mul3A_2] : memref<16384xf32, #tpu.memory_space<hbm>> -> memref<512xf32, #tpu.memory_space<hbm>>
      tpu.wait_dma2 semaphore(%run_scoped3A : memref<!tpu.dma_semaphore, #tpu.memory_space<semaphore_mem>>) src(%arg15 : memref<512xf32, #tpu.memory_space<vmem>>) dst(%dma_wait3A_1036 : memref<512xf32, #tpu.memory_space<hbm>>)
      tpu.yield
    }) : () -> ()
    return
  }
}

</mosaic_0001>

<sc_bundles>
// kernel: kernel.3.cloned.1.call-start
scs
__scs_entry_jumppad:
0x0: {  	(pc) =	sbr.rel $0x88, $3  }
0x1: {  	(tag) =	ssettag $0x0;
	lr =	simm.s32 $0x1  }
0x2: {  	[smem:$0x3F9A] =	sst lr;
	_ =	strace $0xD0000000  }
0x3: {  	_ = 	snop  }
0x4: {  	_ = 	snop  }
0x5: {  	_ = 	snop  }
0x6: {  	_ = 	snop  }
0x7: {  	_ = 	snop  }
__scs_overlays_trampoline_lowered:
0x8: {  	[smem:$0x3FA9] =	sst s0  }
0x9: {  	[smem:$0x3FAA] =	sst s1  }
0xa: {  	[smem:$0x3FAB] =	sst s2  }
0xb: {  	[smem:$0x3FAC] =	sst s3  }
0xc: {  	[smem:$0x3FAD] =	sst s4  }
0xd: {  	[smem:$0x3FAE] =	sst s5  }
0xe: {  	[smem:$0x3FAF] =	sst s6  }
0xf: {  	[smem:$0x3FB0] =	sst s7  }
0x10: {  	[smem:$0x3FB1] =	sst s8  }
0x11: {  	[smem:$0x3FB2] =	sst s9;
	s0 =	simm.s32 @!p0 $0x0  }
0x12: {  	s1 =	sld [smem:$0x3F98];
	s0 =	simm.s32 @p0 $0x1  }
0x13: {  	[smem:$0x3FB3] =	sst s0;
	s0 =	simm.s32 @!p1 $0x0  }
0x14: {  	s2 =	sld [smem:$0x3F97];
	s0 =	simm.s32 @p1 $0x1  }
0x15: {  	[smem:$0x3FB4] =	sst s0;
	s0 =	simm.s32 @!p2 $0x0  }
0x16: {  	s3 =	sld [smem:$0x3FDB];
	s0 =	simm.s32 @p2 $0x1  }
0x17: {  	s4 =	simm.s32 $0x1BF5;
	[smem:$0x3FB6] =	sst s0  }
0x18: {  	s0 =	sld [smem:$0x3F99];
	_ =	swait.ge [sflag:s4], $0x0  }
0x19: {  	s7 =	sld [smem:$0x3F9A]  }
0x1a: {  	s8 =	sadd.s32 $0xFFFFE003, lr  }
0x1b: {  	s9 =	sadd.s32 $0xFFFFFEF7, lr;
	s5 =	simm.s32 $0xFFFFFFFF;
	p2 =	slt.u32 s8, $0xFFFFF086  }
0x1c: {  	p1 =	slt.u32 s9, $0xF7A;
	s5 =	simm.s32 @!p2 $0x0  }
0x1d: {  	s5 =	simm.s32 @p1 $0x1;
	p0 =	seq.s32 s7, s2  }
0x1e: {  	s7 =	smul.u32 @!p0 $0xF7A, s2;
	p2 =	seq.s32 @!p0 s5, $0x0  }
0x1f: {  	s9 =	smul.u32 $0xF7A, s1;
	s8 =	simm.s32 @!p0 $0x1BF5;
	p2 =	por !p2, p0  }
0x20: {  	[sflag:s8] =	ssyncset.s32 @!p0 $0xFFFFF086;
	s6 =	sadd.s32 @!p0 s3, s7;
	s7 =	simm.s32 @!p0 $0x108  }
0x21: {  	s3 =	sadd.s32 s3, s9;
	s6 =	sadd.s32 @!p0 $0x88, s6;
	s7 =	simm.s32 @p2 $0x1082  }
0x22: {  	[simem:s7], [sflag:s8] =	dma.local @!p0 [hbm:s6], $0xF7A  }
0x23: {  	s9 =	sor.u32 $0xD0000000, s2;
	s6 =	simm.s32 $0x108;
	_ =	swait.ge @!p0 [sflag:s8], $0x0  }
0x24: {  	s3 =	sadd.s32 $0x88, s3;
	s6 =	simm.s32 @!p1 $0x1082;
	[sflag:s4] =	ssyncset.s32 $0xFFFFF086  }
0x25: {  	[simem:s6], [sflag:s4] =	dma.local [hbm:s3], $0xF7A  }
0x26: {  	[smem:$0x3F9A] =	sst s1;
	(tag) =	ssettag s2;
	_ =	strace s9  }
0x27: {  	s1 =	sld [smem:$0x3FAA]  }
0x28: {  	s2 =	sld [smem:$0x3FAB]  }
0x29: {  	s4 =	sld [smem:$0x3FAD]  }
0x2a: {  	p0 =	seq.s32 s5, $0x0;
	s5 =	sld [smem:$0x3FAE]  }
0x2b: {  	s6 =	sld [smem:$0x3FAF]  }
0x2c: {  	s7 =	sld [smem:$0x3FB0]  }
0x2d: {  	s3 =	simm.s32 $0x108;
	s8 =	sld [smem:$0x3FB1]  }
0x2e: {  	s3 =	simm.s32 @!p0 $0x1082;
	s9 =	sld [smem:$0x3FB2]  }
0x2f: {  	lr =	sadd.s32 s0, s3;
	s0 =	sld [smem:$0x3FA9]  }
0x30: {  	s3 =	sld [smem:$0x3FAC]  }
0x31: {  	[smem:$0x3FB5] =	sst s10  }
0x32: {  	s10 =	sld [smem:$0x3FB3];
	_ =	sdelay $0x3  }
0x33: {  	p0 =	seq.s32 s10, $0x1;
	s10 =	sld [smem:$0x3FB5];
	_ =	sdelay $0x3  }
0x34: {  	[smem:$0x3FB5] =	sst s10  }
0x35: {  	s10 =	sld [smem:$0x3FB4];
	_ =	sdelay $0x3  }
0x36: {  	p1 =	seq.s32 s10, $0x1;
	s10 =	sld [smem:$0x3FB5];
	_ =	sdelay $0x3  }
0x37: {  	[smem:$0x3FB5] =	sst s10  }
0x38: {  	s10 =	sld [smem:$0x3FB6]  }
0x39: {  	_ = 	snop;
	(pc) =	sbr.ind lr, $3  }
0x3a: {  	_ = 	snop  }
0x3b: {  	_ = 	snop  }
0x3c: {  	p2 =	seq.s32 s10, $0x1;
	s10 =	sld [smem:$0x3FB5]  }
0x3d: {  	_ =	shalt  }
0x3e: {  	_ =	shalt  }
0x3f: {  	_ =	shalt  }
0x40: {  	_ =	shalt  }
0x41: {  	_ =	shalt  }
0x42: {  	_ =	shalt  }
0x43: {  	_ =	shalt  }
0x44: {  	_ =	shalt  }
0x45: {  	_ =	shalt  }
0x46: {  	_ =	shalt  }
0x47: {  	_ =	shalt  }
0x48: {  	_ =	shalt  }
0x49: {  	_ =	shalt  }
0x4a: {  	_ =	shalt  }
0x4b: {  	_ =	shalt  }
0x4c: {  	_ =	shalt  }
0x4d: {  	_ =	shalt  }
0x4e: {  	_ =	shalt  }
0x4f: {  	_ =	shalt  }
0x50: {  	_ =	shalt  }
0x51: {  	_ =	shalt  }
0x52: {  	_ =	shalt  }
0x53: {  	_ =	shalt  }
0x54: {  	_ =	shalt  }
0x55: {  	_ =	shalt  }
0x56: {  	_ =	shalt  }
0x57: {  	_ =	shalt  }
0x58: {  	_ =	shalt  }
0x59: {  	_ =	shalt  }
0x5a: {  	_ =	shalt  }
0x5b: {  	_ =	shalt  }
0x5c: {  	_ =	shalt  }
0x5d: {  	_ =	shalt  }
0x5e: {  	_ =	shalt  }
0x5f: {  	_ =	shalt  }
0x60: {  	_ =	shalt  }
0x61: {  	_ =	shalt  }
0x62: {  	_ =	shalt  }
0x63: {  	_ =	shalt  }
0x64: {  	_ =	shalt  }
0x65: {  	_ =	shalt  }
0x66: {  	_ =	shalt  }
0x67: {  	_ =	shalt  }
0x68: {  	_ =	shalt  }
0x69: {  	_ =	shalt  }
0x6a: {  	_ =	shalt  }
0x6b: {  	_ =	shalt  }
0x6c: {  	_ =	shalt  }
0x6d: {  	_ =	shalt  }
0x6e: {  	_ =	shalt  }
0x6f: {  	_ =	shalt  }
0x70: {  	_ =	shalt  }
0x71: {  	_ =	shalt  }
0x72: {  	_ =	shalt  }
0x73: {  	_ =	shalt  }
0x74: {  	_ =	shalt  }
0x75: {  	_ =	shalt  }
0x76: {  	_ =	shalt  }
0x77: {  	_ =	shalt  }
0x78: {  	_ =	shalt  }
0x79: {  	_ =	shalt  }
0x7a: {  	_ =	shalt  }
0x7b: {  	_ =	shalt  }
0x7c: {  	_ =	shalt  }
0x7d: {  	_ =	shalt  }
0x7e: {  	_ =	shalt  }
0x7f: {  	_ =	shalt  }
0x80: {  	_ =	shalt  }
0x81: {  	_ =	shalt  }
0x82: {  	_ =	shalt  }
0x83: {  	_ =	shalt  }
0x84: {  	_ =	shalt  }
0x85: {  	_ =	shalt  }
0x86: {  	_ =	shalt  }
0x87: {  	_ =	shalt  }
.Lfunc_end0:
.L_simem_size_0:
called_computation_lowered:
.L_overlay_start_0:
0x88: {  	s2 =	sld [smem:$0x3FD9]  }
0x89: {  	s3 =	sld [smem:$0x3FFE];
	_ =	sdelay $0x1  }
0x8a: {  	s1 =	srdreg.scid  }
0x8b: {  	s0 =	sand.u32 $0x1, s1  }
0x8c: {  	s17 =	sshll.u32 s0, $0xA;
	s2 =	sadd.s32 s3, s2  }
0x8d: {  	s2 =	sadd.s32 s2, s17  }
0x8e: {  	[smem:$0x3FC1] =	sst s2  }
0x8f: {  	_ = 	snop  }
0x90: {  	s2 =	sld [smem:$0x3FD0];
	(tm) =	ssettm $0x1  }
0x91: {  	s18 =	sld [smem:$0x3FFB];
	_ =	sdelay $0x3  }
0x92: {  	_ =	strace s18  }
0x93: {  	s3 =	sld [smem:$0x3FFC];
	_ =	sdelay $0x3  }
0x94: {  	_ =	strace s3  }
0x95: {  	s3 =	sld [smem:$0x3FFD];
	_ =	sdelay $0x3  }
0x96: {  	_ =	strace s3  }
0x97: {  	_ =	strace $0x8FFFFFFF  }
0x98: {  	s19 =	sld [smem:$0x3FDB];
	_ =	sdelay $0x1  }
0x99: {  	s4 =	simm.s32 $_scs_section_size  }
0x9a: {  	s5 =	simm.s32 $_size__tile_overlayer_lowered;
	s6 =	simm.s32 $_tile_overlayer_lowered  }
0x9b: {  	s22 =	simm.s32 $0x1BFF;
	s21 =	sshll.u32 s6, $0x1;
	s3 =	sadd.s32 s4, s19  }
0x9c: {  	s7 =	simm.s32 $0x0;
	s20 =	sshll.u32 s5, $0x1;
	s5 =	sadd.s32 s21, s3  }
0x9d: {  	[timem:s7], [sflag:s22] =	dma.local [hbm:s5], s20  }
0x9e: {  	_ =	swait.ge [sflag:s22], s20  }
0x9f: {  	s4 =	ssub.s32 $0x0, s20;
	[sflag:s22] =	ssyncset.done $0x0  }
0xa0: {  	[sflag:s22] =	ssyncadd.s32 s4;
	_ =	sdelay $0x1  }
0xa1: {  	s23 =	simm.s32 $0x1B8B  }
0xa2: {  	_ =	swait.ge [sflag:s23], $0x1  }
0xa3: {  	[sflag:s23] =	ssyncset.done $0x0  }
0xa4: {  	s25 =	simm.s32 $0x1B8E;
	s24 =	sld [smem:$0x3FFE];
	[sflag:s23] =	ssyncadd.s32 $0xFFFFFFFF  }
0xa5: {  	s26 =	simm.s32 $execute0_lowered;
	[smem:$0x3FD2] =	sst s25  }
0xa6: {  	s5 =	sshll.u32 s26, $0x1;
	_ =	strace $0x80000046;
	[dreg:$0x1] =	wrdreg $0xFFFFFFFF  }
0xa7: {  	s28 =	simm.s32 $_size_execute0_lowered;
	s3 =	sadd.s32 s3, s5;
	[dreg:$0x0] =	wrdreg $0x0  }
0xa8: {  	s5 =	sshll.u32 s28, $0x1;
	[dreg:$0x2] =	wrdreg s3  }
0xa9: {  	[dreg:$0x3] =	wrdreg s5  }
0xaa: {  	[dreg:$0x4] =	wrdreg $0xC0  }
0xab: {  	_ =	task [dreg:s7], $0x5FFFF  }
0xac: {  	[dreg:$0x1] =	wrdreg $0xFFFFFFFF  }
0xad: {  	[dreg:$0x0] =	wrdreg $0x60  }
0xae: {  	[dreg:$0x2] =	wrdreg s24  }
0xaf: {  	[dreg:$0x3] =	wrdreg s2  }
0xb0: {  	[dreg:$0x4] =	wrdreg $0x9  }
0xb1: {  	_ =	task.clear_ibuf [dreg:s7], $0x5FFFF;
	_ =	strace $0x90000046  }
0xb2: {  	s29 =	simm.s32 $0x9;
	_ =	strace $0x80000048  }
0xb3: {  	_ =	swait.ge [sflag:s29], $0x1  }
0xb4: {  	[sflag:s29] =	ssyncadd.s32 $0xFFFFFFFF  }
0xb5: {  	_ =	strace $0x90000048  }
0xb6: {  	_ =	sfence  }
0xb7: {  	s30 =	sld [smem:$0x0];
	_ =	sdelay $0x2  }
0xb8: {  	s31 =	sshll.u32 s1, $0xD;
	s1 =	sshrl.u32 s1, $0x2  }
0xb9: {  	s3 =	sand.u32 $0x4000, s31;
	s1 =	sadd.s32 s1, s30  }
0xba: {  	s0 =	sor.u32 s3, s0;
	s1 =	sshll.u32 s1, $0x11  }
0xbb: {  	s0 =	sor.u32 s1, s0  }
0xbc: {  	s0 =	sadd.s32 $0x8F2B, s0  }
0xbd: {  	[sflag:s0] =	ssyncadd.remote.s32 $0x1  }
0xbe: {  	_ =	sfence.sel $0xFFFF  }
0xbf: {  	[dreg:$0x0] =	wrdreg $0xFFFFFFFF;
	(pc) =	sbr.abs _section_cstart, $3  }
0xc0: {  	[dreg:$0x1] =	wrdreg $0xFFFFFFFF  }
0xc1: {  	_ =	task.clear_ibuf [dreg:s7], $0x2FFFF;
	_ =	strace $0x9FFFFFFF  }
0xc2: {  	(tm) =	ssettm $0x7FFFFFFF  }
0xc3: {  	_ =	shalt  }
tec
execute0_lowered:
.L_overlay_start_1:
0x0: {  	(tag) =	ssettag $0x1  }
0x1: {  	s6 =	rddreg [dreg:$0x0]  }
0x2: {  	s1 =	srdreg.scid;
	s0 =	stileid.u32  }
0x3: {  	s9 =	rddreg [dreg:$0x1];
	s2 =	simm.s32 $0x0;
	s13 =	simm.s32 $0x8800  }
0x4: {  	s14 =	simm.s32 $0x9800;
	s15 =	simm.s32 $0xA000;
	s16 =	simm.s32 $0x80  }
0x5: {  	s17 =	simm.s32 $0x1;
	s18 =	simm.s32 $0xA080;
	s19 =	simm.s32 $0x0  }
0x6: {  	s5 =	sand.u32 $0x1, s1;
	s3 =	sshll.u32 s0, $0x1;
	[smem:$0x7FF] =	sst s2  }
0x7: {  	s1 =	rddreg [dreg:$0x2];
	s8 =	sor.u32 s5, s3;
	_ =	strace $0x80000047  }
0x8: {  	s3 =	sadd.s32 $0x15A00, s6;
	s11 =	ssub.s32 $0x2, s5;
	s5 =	sadd.s32 $0x330600, s6  }
0x9: {  	s4 =	smul.u32 $0x680, s8;
	s30 =	sshll.u32 s8, $0xA;
	s12 =	sshrl.u32 s11, $0x1  }
0xa: {  	s31 =	sshll.u32 s8, $0x6;
	s10 =	sadd.s32 s30, s6;
	s11 =	ssub.s32 s11, s12  }
0xb: {  	s9 =	sadd.s32 s9, s31;
	s7 =	sadd.s32 s4, s6;
	s4 =	sadd.s32 $0x330800, s6  }
0xc: {  	s12 =	simm.s32 $0x6800;
	s6 =	sadd.s32 $0x330400, s6;
	s8 =	sadd.s32 $0xA00, s10  }
0xd: {  	s10 =	smax.u32 s11, $0x1;
	s11 =	simm.s32 $0x2;
	s7 =	sadd.s32 $0x8A00, s7  }
.LBB2_1:
0xe: {  	[tilespmem:s2], [sflag:$0x2] =	stream.linear.gather [hbm4b:s7+s2], $0x3400, $0x38;
	[tilespmem:$0xA480] =	vst v63  }
0xf: {  	_ =	swait.ge [sflag:s11], $0x3400  }
0x10: {  	[sflag:s11] =	ssyncset.done $0x0  }
0x11: {  	[sflag:s11] =	ssyncadd.s32 $0xFFFFCC00  }
0x12: {  	[tilespmem:s12], [sflag:$0x2] =	stream.linear.gather [hbm4b:s8+s2], $0x2000, $0x38;
	[tilespmem:$0xA480] =	vst v63  }
0x13: {  	_ =	swait.ge [sflag:s11], $0x2000  }
0x14: {  	[sflag:s11] =	ssyncset.done $0x0  }
0x15: {  	[sflag:s11] =	ssyncadd.s32 $0xFFFFE000  }
0x16: {  	[tilespmem:s13], [sflag:$0x2] =	stream.linear.gather [hbm4b:s4+s2], $0xD00, $0x38;
	[tilespmem:$0xA480] =	vst v63  }
0x17: {  	_ =	swait.ge [sflag:s11], $0xD00  }
0x18: {  	[sflag:s11] =	ssyncset.done $0x0  }
0x19: {  	[sflag:s11] =	ssyncadd.s32 $0xFFFFF300  }
0x1a: {  	[tilespmem:s14], [sflag:$0x2] =	stream.linear.gather [hbm4b:s5+s2], $0x680, $0x38;
	[tilespmem:$0xA480] =	vst v63  }
0x1b: {  	_ =	swait.ge [sflag:s11], $0x680  }
0x1c: {  	[sflag:s11] =	ssyncset.done $0x0  }
0x1d: {  	[sflag:s11] =	ssyncadd.s32 $0xFFFFF980  }
0x1e: {  	[tilespmem:s15], [sflag:$0x2] =	stream.linear.gather [hbm4b:s6+s2], $0x80, $0x38;
	[tilespmem:$0xA480] =	vst v63  }
0x1f: {  	_ =	swait.ge [sflag:s11], $0x80  }
0x20: {  	s20 =	simm.s32 $0x200;
	[sflag:s11] =	ssyncset.done $0x0  }
0x21: {  	s21 =	simm.s32 $0x0;
	s22 =	simm.s32 $0x3400;
	[sflag:s11] =	ssyncadd.s32 $0xFFFFFF80  }
.LBB2_2:
0x22: {  	[tilespmem:s22], [sflag:$0x1] =	stream.indirect.gather [hbm4b:s3+s16], $0x1, s21, s16, $0xb8;
	[tilespmem:$0xA480] =	vst v63  }
0x23: {  	s21 =	smov.u32 s20;
	p0 =	sne.s32 s20, $0xCE00  }
.Ltmp0:
0x24: {  	s20 =	sadd.s32 $0x200, s20;
	(pc) =	sbr.rel @p0 .LBB2_2-.Ltmp0, $3  }
0x25: {  	_ =	sdelay $0x1  }
0x26: {  	s21 =	sshra.s32 s21, $0x2  }
0x27: {  	s22 =	sadd.s32 $0x3400, s21  }
0x28: {  	[tilespmem:s22], [sflag:$0x1] =	stream.indirect.gather [hbm4b:s3+s16], $0x1, s21, s16, $0xb8;
	[tilespmem:$0xA480] =	vst v63  }
0x29: {  	v35 =	vld [tilespmem:$0xA000]  }
0x2a: {  	v21 =	vld [tilespmem:$0x6800]  }
0x2b: {  	v18 =	vld [tilespmem:$0x9800]  }
0x2c: {  	v24 =	vld [tilespmem:$0x6880]  }
0x2d: {  	v22 =	vld [tilespmem:$0x9880]  }
0x2e: {  	v34 =	vld [tilespmem:$0x6900]  }
0x2f: {  	v30 =	vld [tilespmem:$0x9900]  }
0x30: {  	v38 =	vld [tilespmem:$0x6980]  }
0x31: {  	v36 =	vld [tilespmem:$0x9980]  }
0x32: {  	v0 =	vld [tilespmem:$0x6B00]  }
0x33: {  	v43 =	vld [tilespmem:$0x6B80]  }
0x34: {  	v44 =	vld [tilespmem:$0x9B80]  }
0x35: {  	v46 =	vld [tilespmem:$0x7800]  }
0x36: {  	v45 =	vld [tilespmem:$0x6A00]  }
0x37: {  	v42 =	vld [tilespmem:$0x9A00];
	[tilespmem:$0x1DCD0] =	vst v0  }
0x38: {  	v54 =	vld [tilespmem:$0x6A80];
	[tilespmem:$0x1DCE0] =	vst v43  }
0x39: {  	v53 =	vld [tilespmem:$0x9A80];
	[tilespmem:$0x1DCF0] =	vst v44  }
0x3a: {  	v62 =	vld [tilespmem:$0x9B00];
	[tilespmem:$0x1DD00] =	vst v46  }
0x3b: {  	v0 =	vld [tilespmem:$0x9C00]  }
0x3c: {  	v60 =	vld [tilespmem:$0x9C00];
	_ =	sdelay $0x4  }
0x3d: {  	[tilespmem:$0x1DD90] =	vst v60;
	v60 =	vld [tilespmem:$0x9E00];
	_ =	sdelay $0x4  }
0x3e: {  	[tilespmem:$0x1E090] =	vst v60;
	v60 =	vld [tilespmem:$0x79B0];
	_ =	sdelay $0x4  }
0x3f: {  	[tilespmem:$0x1E0E0] =	vst v60;
	v60 =	vld [tilespmem:$0x6A40];
	_ =	sdelay $0x4  }
0x40: {  	[tilespmem:$0x1E020] =	vst v60;
	v60 =	vld [tilespmem:$0x6BC0];
	_ =	sdelay $0x4  }
0x41: {  	[tilespmem:$0x1E120] =	vst v60;
	v60 =	vld [tilespmem:$0x7940];
	_ =	sdelay $0x4  }
0x42: {  	[tilespmem:$0x1E270] =	vst v60;
	v60 =	vld [tilespmem:$0x69D0];
	_ =	sdelay $0x4  }
0x43: {  	[tilespmem:$0x1E0A0] =	vst v60;
	v60 =	vld [tilespmem:$0x9980];
	_ =	sdelay $0x4  }
0x44: {  	[tilespmem:$0x1E0B0] =	vst v60;
	v60 =	vld [tilespmem:$0x6A50];
	_ =	sdelay $0x4  }
0x45: {  	[tilespmem:$0x1E100] =	vst v60;
	v60 =	vld [tilespmem:$0x9A00];
	_ =	sdelay $0x4  }
0x46: {  	[tilespmem:$0x1E110] =	vst v60;
	v60 =	vld [tilespmem:$0x6AD0];
	_ =	sdelay $0x4  }
0x47: {  	[tilespmem:$0x1E140] =	vst v60;
	v60 =	vld [tilespmem:$0x9A80];
	_ =	sdelay $0x4  }
0x48: {  	[tilespmem:$0x1E150] =	vst v60;
	v60 =	vld [tilespmem:$0x6B50];
	_ =	sdelay $0x4  }
0x49: {  	[tilespmem:$0x1E1C0] =	vst v60;
	v60 =	vld [tilespmem:$0x9B00];
	_ =	sdelay $0x4  }
0x4a: {  	[tilespmem:$0x1E1D0] =	vst v60;
	v60 =	vld [tilespmem:$0x6BD0];
	_ =	sdelay $0x4  }
0x4b: {  	[tilespmem:$0x1E230] =	vst v60;
	v60 =	vld [tilespmem:$0x9B80];
	_ =	sdelay $0x4  }
0x4c: {  	[tilespmem:$0x1E240] =	vst v60;
	v60 =	vld [tilespmem:$0x7850];
	_ =	sdelay $0x4  }
0x4d: {  	[tilespmem:$0x1E290] =	vst v60;
	v60 =	vld [tilespmem:$0x9C00];
	_ =	sdelay $0x4  }
0x4e: {  	[tilespmem:$0x1E2A0] =	vst v60;
	v60 =	vld [tilespmem:$0x78D0];
	_ =	sdelay $0x4  }
0x4f: {  	[tilespmem:$0x1E330] =	vst v60;
	v60 =	vld [tilespmem:$0x9C80];
	_ =	sdelay $0x4  }
0x50: {  	[tilespmem:$0x1E340] =	vst v60;
	v60 =	vld [tilespmem:$0x7950];
	_ =	sdelay $0x4  }
0x51: {  	[tilespmem:$0x1E3C0] =	vst v60;
	v60 =	vld [tilespmem:$0x9D00];
	_ =	sdelay $0x4  }
0x52: {  	[tilespmem:$0x1E3D0] =	vst v60;
	v60 =	vld [tilespmem:$0x79D0];
	_ =	sdelay $0x4  }
0x53: {  	[tilespmem:$0x1E460] =	vst v60;
	v60 =	vld [tilespmem:$0x9D80];
	_ =	sdelay $0x4  }
0x54: {  	[tilespmem:$0x1E470] =	vst v60;
	v60 =	vld [tilespmem:$0x7A50];
	_ =	sdelay $0x4  }
0x55: {  	[tilespmem:$0x1E520] =	vst v60;
	v60 =	vld [tilespmem:$0x9E00];
	_ =	sdelay $0x4  }
0x56: {  	[tilespmem:$0x1E530] =	vst v60;
	v60 =	vld [tilespmem:$0xA000];
	_ =	sdelay $0x4  }
0x57: {  	[tilespmem:$0x1E1E0] =	vst v60;
	v60 =	vld [tilespmem:$0x6860];
	_ =	sdelay $0x4  }
0x58: {  	[tilespmem:$0x1E180] =	vst v60;
	v60 =	vld [tilespmem:$0x9800];
	_ =	sdelay $0x4  }
0x59: {  	[tilespmem:$0x1E190] =	vst v60;
	v60 =	vld [tilespmem:$0x68E0];
	_ =	sdelay $0x4  }
0x5a: {  	[tilespmem:$0x1E1F0] =	vst v60;
	v60 =	vld [tilespmem:$0x9880];
	_ =	sdelay $0x4  }
0x5b: {  	[tilespmem:$0x1E200] =	vst v60;
	v60 =	vld [tilespmem:$0x6960];
	_ =	sdelay $0x4  }
0x5c: {  	[tilespmem:$0x1E250] =	vst v60;
	v60 =	vld [tilespmem:$0x9900];
	_ =	sdelay $0x4  }
0x5d: {  	[tilespmem:$0x1E260] =	vst v60;
	v60 =	vld [tilespmem:$0x69E0];
	_ =	sdelay $0x4  }
0x5e: {  	[tilespmem:$0x1E2B0] =	vst v60;
	v60 =	vld [tilespmem:$0x9980];
	_ =	sdelay $0x4  }
0x5f: {  	[tilespmem:$0x1E2C0] =	vst v60;
	v60 =	vld [tilespmem:$0x6A60];
	_ =	sdelay $0x4  }
0x60: {  	[tilespmem:$0x1E310] =	vst v60;
	v60 =	vld [tilespmem:$0x9A00];
	_ =	sdelay $0x4  }
0x61: {  	[tilespmem:$0x1E320] =	vst v60;
	v60 =	vld [tilespmem:$0x6AE0];
	_ =	sdelay $0x4  }
0x62: {  	[tilespmem:$0x1E380] =	vst v60;
	v60 =	vld [tilespmem:$0x9A80];
	_ =	sdelay $0x4  }
0x63: {  	[tilespmem:$0x1E390] =	vst v60;
	v60 =	vld [tilespmem:$0x6B60];
	_ =	sdelay $0x4  }
0x64: {  	[tilespmem:$0x1E3E0] =	vst v60;
	v60 =	vld [tilespmem:$0x9B00];
	_ =	sdelay $0x4  }
0x65: {  	[tilespmem:$0x1E3F0] =	vst v60;
	v60 =	vld [tilespmem:$0x6BE0];
	_ =	sdelay $0x4  }
0x66: {  	[tilespmem:$0x1E440] =	vst v60;
	v60 =	vld [tilespmem:$0x9B80];
	_ =	sdelay $0x4  }
0x67: {  	[tilespmem:$0x1E450] =	vst v60;
	v60 =	vld [tilespmem:$0x7860];
	_ =	sdelay $0x4  }
0x68: {  	[tilespmem:$0x1E4A0] =	vst v60;
	v60 =	vld [tilespmem:$0x9C00];
	_ =	sdelay $0x4  }
0x69: {  	[tilespmem:$0x1E4B0] =	vst v60;
	v60 =	vld [tilespmem:$0x78E0];
	_ =	sdelay $0x4  }
0x6a: {  	[tilespmem:$0x1E4E0] =	vst v60;
	v60 =	vld [tilespmem:$0x9C80];
	_ =	sdelay $0x4  }
0x6b: {  	[tilespmem:$0x1E4F0] =	vst v60;
	v60 =	vld [tilespmem:$0x7960];
	_ =	sdelay $0x4  }
0x6c: {  	[tilespmem:$0x1E590] =	vst v60;
	v60 =	vld [tilespmem:$0x9D00];
	_ =	sdelay $0x4  }
0x6d: {  	[tilespmem:$0x1E5A0] =	vst v60;
	v60 =	vld [tilespmem:$0x79E0];
	_ =	sdelay $0x4  }
0x6e: {  	[tilespmem:$0x1E650] =	vst v60;
	v60 =	vld [tilespmem:$0x9D80];
	_ =	sdelay $0x4  }
0x6f: {  	[tilespmem:$0x1E660] =	vst v60;
	v60 =	vld [tilespmem:$0x7A60];
	_ =	sdelay $0x4  }
0x70: {  	[tilespmem:$0x1E780] =	vst v60;
	v60 =	vld [tilespmem:$0x9E00];
	_ =	sdelay $0x4  }
0x71: {  	[tilespmem:$0x1E790] =	vst v60;
	v60 =	vld [tilespmem:$0xA000];
	_ =	sdelay $0x4  }
0x72: {  	[tilespmem:$0x1E350] =	vst v60;
	v60 =	vld [tilespmem:$0x6870];
	_ =	sdelay $0x4  }
0x73: {  	[tilespmem:$0x1E2F0] =	vst v60;
	v60 =	vld [tilespmem:$0x9800];
	_ =	sdelay $0x4  }
0x74: {  	[tilespmem:$0x1E300] =	vst v60;
	v60 =	vld [tilespmem:$0x68F0];
	_ =	sdelay $0x4  }
0x75: {  	[tilespmem:$0x1E360] =	vst v60;
	v60 =	vld [tilespmem:$0x9880];
	_ =	sdelay $0x4  }
0x76: {  	[tilespmem:$0x1E370] =	vst v60;
	v60 =	vld [tilespmem:$0x6970];
	_ =	sdelay $0x4  }
0x77: {  	[tilespmem:$0x1E3A0] =	vst v60;
	v60 =	vld [tilespmem:$0x9900];
	_ =	sdelay $0x4  }
0x78: {  	[tilespmem:$0x1E3B0] =	vst v60;
	v60 =	vld [tilespmem:$0x69F0];
	_ =	sdelay $0x4  }
0x79: {  	[tilespmem:$0x1E420] =	vst v60;
	v60 =	vld [tilespmem:$0x9980];
	_ =	sdelay $0x4  }
0x7a: {  	[tilespmem:$0x1E430] =	vst v60;
	v60 =	vld [tilespmem:$0x6A70];
	_ =	sdelay $0x4  }
0x7b: {  	[tilespmem:$0x1E480] =	vst v60;
	v60 =	vld [tilespmem:$0x9A00];
	_ =	sdelay $0x4  }
0x7c: {  	[tilespmem:$0x1E490] =	vst v60;
	v60 =	vld [tilespmem:$0x6AF0];
	_ =	sdelay $0x4  }
0x7d: {  	[tilespmem:$0x1E4C0] =	vst v60;
	v60 =	vld [tilespmem:$0x9A80];
	_ =	sdelay $0x4  }
0x7e: {  	[tilespmem:$0x1E4D0] =	vst v60;
	v60 =	vld [tilespmem:$0x6B70];
	_ =	sdelay $0x4  }
0x7f: {  	[tilespmem:$0x1E540] =	vst v60;
	v60 =	vld [tilespmem:$0x9B00];
	_ =	sdelay $0x4  }
0x80: {  	[tilespmem:$0x1E550] =	vst v60;
	v60 =	vld [tilespmem:$0x6BF0];
	_ =	sdelay $0x4  }
0x81: {  	[tilespmem:$0x1E5B0] =	vst v60;
	v60 =	vld [tilespmem:$0x9B80];
	_ =	sdelay $0x4  }
0x82: {  	[tilespmem:$0x1E5C0] =	vst v60;
	v60 =	vld [tilespmem:$0x7870];
	_ =	sdelay $0x4  }
0x83: {  	[tilespmem:$0x1E610] =	vst v60;
	v60 =	vld [tilespmem:$0x9C00];
	_ =	sdelay $0x4  }
0x84: {  	[tilespmem:$0x1E620] =	vst v60;
	v60 =	vld [tilespmem:$0x78F0];
	_ =	sdelay $0x4  }
0x85: {  	[tilespmem:$0x1E6C0] =	vst v60;
	v60 =	vld [tilespmem:$0x9C80];
	_ =	sdelay $0x4  }
0x86: {  	[tilespmem:$0x1E6D0] =	vst v60;
	v60 =	vld [tilespmem:$0x7970];
	_ =	sdelay $0x4  }
0x87: {  	[tilespmem:$0x1E740] =	vst v60;
	v60 =	vld [tilespmem:$0x9D00];
	_ =	sdelay $0x4  }
0x88: {  	[tilespmem:$0x1E750] =	vst v60;
	v60 =	vld [tilespmem:$0x79F0];
	_ =	sdelay $0x4  }
0x89: {  	[tilespmem:$0x1E7C0] =	vst v60;
	v60 =	vld [tilespmem:$0x9D80];
	_ =	sdelay $0x4  }
0x8a: {  	[tilespmem:$0x1E7D0] =	vst v60;
	v60 =	vld [tilespmem:$0x7A70];
	_ =	sdelay $0x4  }
0x8b: {  	[tilespmem:$0x1E860] =	vst v60;
	v60 =	vld [tilespmem:$0x9E00];
	_ =	sdelay $0x4  }
0x8c: {  	[tilespmem:$0x1E870] =	vst v60;
	v60 =	vld [tilespmem:$0xA000];
	_ =	sdelay $0x4  }
0x8d: {  	[tilespmem:$0x1E560] =	vst v60;
	v60 =	vld [tilespmem:$0x6C00];
	_ =	sdelay $0x4  }
0x8e: {  	[tilespmem:$0x1E500] =	vst v60;
	v60 =	vld [tilespmem:$0x9800];
	_ =	sdelay $0x1  }
0x8f: {  	v47 =	vld [tilespmem:$0x7880]  }
0x90: {  	v48 =	vld [tilespmem:$0x9C80]  }
0x91: {  	v49 =	vld [tilespmem:$0x7900]  }
0x92: {  	[tilespmem:$0x1E510] =	vst v60;
	v60 =	vld [tilespmem:$0x6C80]  }
0x93: {  	v50 =	vld [tilespmem:$0x9D00]  }
0x94: {  	v51 =	vld [tilespmem:$0x7980]  }
0x95: {  	v52 =	vld [tilespmem:$0x9D80]  }
0x96: {  	v55 =	vld [tilespmem:$0x7A00]  }
0x97: {  	[tilespmem:$0x1E570] =	vst v60;
	v60 =	vld [tilespmem:$0x9880]  }
0x98: {  	v56 =	vld [tilespmem:$0x9E00]  }
0x99: {  	v9 =	vld [tilespmem:$0xA000]  }
0x9a: {  	v3 =	vld [tilespmem:$0x6810]  }
0x9b: {  	v2 =	vld [tilespmem:$0x9800]  }
0x9c: {  	[tilespmem:$0x1E580] =	vst v60;
	v60 =	vld [tilespmem:$0x6D00]  }
0x9d: {  	v6 =	vld [tilespmem:$0x6890]  }
0x9e: {  	v4 =	vld [tilespmem:$0x9880]  }
0x9f: {  	v13 =	vld [tilespmem:$0x6910]  }
0xa0: {  	v12 =	vld [tilespmem:$0x9900]  }
0xa1: {  	[tilespmem:$0x1E5D0] =	vst v60;
	v60 =	vld [tilespmem:$0x9900]  }
0xa2: {  	v19 =	vld [tilespmem:$0x6990]  }
0xa3: {  	v16 =	vld [tilespmem:$0x9980]  }
0xa4: {  	v31 =	vld [tilespmem:$0x6A10]  }
0xa5: {  	v25 =	vld [tilespmem:$0x9A00]  }
0xa6: {  	[tilespmem:$0x1E5E0] =	vst v60;
	v60 =	vld [tilespmem:$0x6D80]  }
0xa7: {  	v39 =	vld [tilespmem:$0x6A90]  }
0xa8: {  	v37 =	vld [tilespmem:$0x9A80]  }
0xa9: {  	v57 =	vld [tilespmem:$0x6B90]  }
0xaa: {  	v58 =	vld [tilespmem:$0x9B80]  }
0xab: {  	[tilespmem:$0x1E630] =	vst v60;
	v60 =	vld [tilespmem:$0x9980]  }
0xac: {  	v59 =	vld [tilespmem:$0x7810]  }
0xad: {  	v61 =	vld [tilespmem:$0x7890]  }
0xae: {  	v63 =	vld [tilespmem:$0x9C80]  }
0xaf: {  	v5 =	vld [tilespmem:$0x7910]  }
0xb0: {  	[tilespmem:$0x1E640] =	vst v60;
	v60 =	vld [tilespmem:$0x6E00]  }
0xb1: {  	v7 =	vld [tilespmem:$0x9D00]  }
0xb2: {  	v8 =	vld [tilespmem:$0x7990]  }
0xb3: {  	v10 =	vld [tilespmem:$0x9D80]  }
0xb4: {  	v11 =	vld [tilespmem:$0x7A10]  }
0xb5: {  	[tilespmem:$0x1E6A0] =	vst v60;
	v60 =	vld [tilespmem:$0x9A00]  }
0xb6: {  	v14 =	vld [tilespmem:$0x9E00]  }
0xb7: {  	v23 =	vld [tilespmem:$0xA000]  }
0xb8: {  	v20 =	vld [tilespmem:$0x68A0]  }
0xb9: {  	v17 =	vld [tilespmem:$0x9880]  }
0xba: {  	[tilespmem:$0x1E6B0] =	vst v60;
	v60 =	vld [tilespmem:$0x6E80]  }
0xbb: {  	v33 =	vld [tilespmem:$0x6920]  }
0xbc: {  	v32 =	vld [tilespmem:$0x9900]  }
0xbd: {  	v46 =	vld [tilespmem:$0x9980]  }
0xbe: {  	v15 =	vld [tilespmem:$0x6A20]  }
0xbf: {  	[tilespmem:$0x1E700] =	vst v60;
	v60 =	vld [tilespmem:$0x9A80]  }
0xc0: {  	v26 =	vld [tilespmem:$0x6AA0]  }
0xc1: {  	v27 =	vld [tilespmem:$0x9A80]  }
0xc2: {  	v28 =	vld [tilespmem:$0x6B20]  }
0xc3: {  	v29 =	vld [tilespmem:$0x9B00]  }
0xc4: {  	[tilespmem:$0x1E710] =	vst v60;
	v60 =	vld [tilespmem:$0x6F00]  }
0xc5: {  	v40 =	vld [tilespmem:$0x6BA0]  }
0xc6: {  	v41 =	vld [tilespmem:$0x9B80]  }
0xc7: {  	v43 =	vld [tilespmem:$0x7820]  }
0xc8: {  	v44 =	vld [tilespmem:$0x9C00]  }
0xc9: {  	[tilespmem:$0x1E760] =	vst v60;
	v60 =	vld [tilespmem:$0x9B00]  }
0xca: {  	v1 =	vld [tilespmem:$0x6830]  }
0xcb: {  	v18 =	vmul.f32 v18, v21;
	v21 =	vld [tilespmem:$0x9D00]  }
0xcc: {  	v54 =	vmul.f32 v53, v54;
	v53 =	vld [tilespmem:$0x9E00]  }
0xcd: {  	v18 =	vadd.f32 v18, v35;
	v35 =	vmul.f32 v22, v24;
	v24 =	vld [tilespmem:$0x6F10]  }
0xce: {  	[tilespmem:$0x1E770] =	vst v60;
	v60 =	vld [tilespmem:$0x6F80]  }
0xcf: {  	v18 =	vadd.f32 v35, v18;
	v35 =	vmul.f32 v30, v34;
	v34 =	vld [tilespmem:$0x9B80]  }
0xd0: {  	v30 =	vmul.f32 v36, v38;
	v38 =	vmul.f32 v42, v45;
	v42 =	vld [tilespmem:$0x9C00]  }
0xd1: {  	v45 =	vld [tilespmem:$0x7C90]  }
0xd2: {  	[tilespmem:$0x1DDB0] =	vst v52;
	v52 =	vld [tilespmem:$0x6B10]  }
0xd3: {  	[tilespmem:$0x1E7E0] =	vst v60;
	v60 =	vld [tilespmem:$0x9B80]  }
0xd4: {  	[tilespmem:$0x1DD50] =	vst v50;
	v50 =	vld [tilespmem:$0x9B00]  }
0xd5: {  	[tilespmem:$0x1DEF0] =	vst v11;
	v11 =	vld [tilespmem:$0x6820]  }
0xd6: {  	[tilespmem:$0x1DEA0] =	vst v10;
	v10 =	vld [tilespmem:$0x9800]  }
0xd7: {  	[tilespmem:$0x1DD40] =	vst v49;
	v49 =	vld [tilespmem:$0x69A0]  }
0xd8: {  	[tilespmem:$0x1E7F0] =	vst v60;
	v60 =	vld [tilespmem:$0x7C00]  }
0xd9: {  	[tilespmem:$0x1DD80] =	vst v59;
	v59 =	vld [tilespmem:$0x9A00]  }
0xda: {  	[tilespmem:$0x1DD20] =	vst v47;
	v47 =	vld [tilespmem:$0x78A0]  }
0xdb: {  	[tilespmem:$0x1DD30] =	vst v48;
	v48 =	vld [tilespmem:$0x9C80]  }
0xdc: {  	[tilespmem:$0x1DDA0] =	vst v51;
	v51 =	vld [tilespmem:$0x7920]  }
0xdd: {  	[tilespmem:$0x1E840] =	vst v60;
	v60 =	vld [tilespmem:$0x9C00]  }
0xde: {  	[tilespmem:$0x1DE50] =	vst v55;
	v55 =	vld [tilespmem:$0x9D00]  }
0xdf: {  	[tilespmem:$0x1DE60] =	vst v56;
	v56 =	vld [tilespmem:$0x79A0]  }
0xe0: {  	[tilespmem:$0x1DD60] =	vst v57;
	v57 =	vld [tilespmem:$0x9D80]  }
0xe1: {  	[tilespmem:$0x1DD70] =	vst v58;
	v58 =	vld [tilespmem:$0x7A20]  }
0xe2: {  	[tilespmem:$0x1E850] =	vst v60;
	v60 =	vld [tilespmem:$0x7C80]  }
0xe3: {  	[tilespmem:$0x1DE90] =	vst v8;
	v8 =	vld [tilespmem:$0xA000]  }
0xe4: {  	[tilespmem:$0x1DD10] =	vst v0;
	v0 =	vld [tilespmem:$0x9800]  }
0xe5: {  	[tilespmem:$0x1DE20] =	vst v7;
	v7 =	vld [tilespmem:$0x68B0]  }
0xe6: {  	[tilespmem:$0x1DE10] =	vst v5;
	v5 =	vld [tilespmem:$0x9880]  }
0xe7: {  	[tilespmem:$0x1E8A0] =	vst v60;
	v60 =	vld [tilespmem:$0x9C80]  }
0xe8: {  	[tilespmem:$0x1DDC0] =	vst v15;
	v15 =	vld [tilespmem:$0x6930]  }
0xe9: {  	[tilespmem:$0x1DF00] =	vst v14;
	v14 =	vld [tilespmem:$0x9900]  }
0xea: {  	[tilespmem:$0x1DE30] =	vst v28;
	v28 =	vld [tilespmem:$0x69B0]  }
0xeb: {  	[tilespmem:$0x1DDF0] =	vst v26;
	v26 =	vld [tilespmem:$0x9980]  }
0xec: {  	[tilespmem:$0x1E8B0] =	vst v60;
	v60 =	vld [tilespmem:$0x7D00]  }
0xed: {  	[tilespmem:$0x1DE70] =	vst v40;
	v40 =	vld [tilespmem:$0x9A00]  }
0xee: {  	[tilespmem:$0x1DE00] =	vst v27;
	v27 =	vld [tilespmem:$0x6B30]  }
0xef: {  	[tilespmem:$0x1DDD0] =	vst v61;
	v61 =	vld [tilespmem:$0x9B00]  }
0xf0: {  	[tilespmem:$0x1DDE0] =	vst v63;
	v63 =	vld [tilespmem:$0x6BB0]  }
0xf1: {  	[tilespmem:$0x1E8F0] =	vst v60;
	v60 =	vld [tilespmem:$0x9D00]  }
0xf2: {  	[tilespmem:$0x1DE80] =	vst v41;
	v41 =	vld [tilespmem:$0x9B80]  }
0xf3: {  	[tilespmem:$0x1DEB0] =	vst v43;
	v43 =	vld [tilespmem:$0x7830]  }
0xf4: {  	[tilespmem:$0x1DEC0] =	vst v44;
	v44 =	vld [tilespmem:$0x9C00]  }
0xf5: {  	[tilespmem:$0x1DE40] =	vst v29;
	v29 =	vld [tilespmem:$0x6850]  }
0xf6: {  	[tilespmem:$0x1E900] =	vst v60;
	v60 =	vld [tilespmem:$0x7D80]  }
0xf7: {  	v18 =	vadd.f32 v35, v18;
	v35 =	vld [tilespmem:$0x7C10]  }
0xf8: {  	v12 =	vmul.f32 v12, v13;
	v13 =	vld [tilespmem:$0x7D10]  }
0xf9: {  	v22 =	vmul.f32 v16, v19;
	v19 =	vld [tilespmem:$0x9800]  }
0xfa: {  	[tilespmem:$0x1E990] =	vst v21;
	v21 =	vld [tilespmem:$0x6CA0]  }
0xfb: {  	[tilespmem:$0x1E940] =	vst v60;
	v60 =	vld [tilespmem:$0x9D80]  }
0xfc: {  	[tilespmem:$0x1E820] =	vst v24;
	v24 =	vld [tilespmem:$0x6F90]  }
0xfd: {  	[tilespmem:$0x1EA20] =	vst v53;
	v53 =	vld [tilespmem:$0x1DDB0]  }
0xfe: {  	v36 =	vadd.f32 v30, v18;
	v18 =	vld [tilespmem:$0x1DCD0]  }
0xff: {  	v2 =	vmul.f32 v2, v3;
	v30 =	vld [tilespmem:$0x1DCE0]  }
0x100: {  	[tilespmem:$0x1E950] =	vst v60;
	v60 =	vld [tilespmem:$0x7E00]  }
0x101: {  	v2 =	vadd.f32 v2, v9;
	v9 =	vld [tilespmem:$0x6E20]  }
0x102: {  	[tilespmem:$0x1E890] =	vst v34;
	v34 =	vld [tilespmem:$0x1DCF0]  }
0x103: {  	[tilespmem:$0x1E8D0] =	vst v42;
	v42 =	vld [tilespmem:$0x1DD00]  }
0x104: {  	[tilespmem:$0x1E910] =	vst v45;
	v45 =	vld [tilespmem:$0x1DD10]  }
0x105: {  	[tilespmem:$0x1E9F0] =	vst v60;
	v60 =	vld [tilespmem:$0x9E00]  }
0x106: {  	v3 =	vadd.f32 v38, v36;
	v38 =	vld [tilespmem:$0x7E10]  }
0x107: {  	v36 =	vmul.f32 v25, v31;
	v25 =	vld [tilespmem:$0xA000]  }
0x108: {  	v31 =	vld [tilespmem:$0x6C20]  }
0x109: {  	[tilespmem:$0x1DF10] =	vst v47;
	v47 =	vld [tilespmem:$0x6A30]  }
0x10a: {  	[tilespmem:$0x1EA00] =	vst v60;
	v60 =	vld [tilespmem:$0xA000]  }
0x10b: {  	[tilespmem:$0x1E080] =	vst v58;
	v58 =	vld [tilespmem:$0x6AB0]  }
0x10c: {  	[tilespmem:$0x1DF70] =	vst v55;
	v55 =	vld [tilespmem:$0x9A80]  }
0x10d: {  	[tilespmem:$0x1DF20] =	vst v48;
	v48 =	vld [tilespmem:$0x78B0]  }
0x10e: {  	[tilespmem:$0x1DF60] =	vst v51;
	v51 =	vld [tilespmem:$0x9C80]  }
0x10f: {  	[tilespmem:$0x1E670] =	vst v60;
	v60 =	vld [tilespmem:$0x6C10]  }
0x110: {  	[tilespmem:$0x1DFC0] =	vst v56;
	v56 =	vld [tilespmem:$0x7930]  }
0x111: {  	[tilespmem:$0x1DFD0] =	vst v57;
	v57 =	vld [tilespmem:$0x9D00]  }
0x112: {  	[tilespmem:$0x1DEE0] =	vst v61;
	v61 =	vld [tilespmem:$0x9D80]  }
0x113: {  	[tilespmem:$0x1DF30] =	vst v63;
	v63 =	vld [tilespmem:$0x7A30]  }
0x114: {  	[tilespmem:$0x1E5F0] =	vst v60;
	v60 =	vld [tilespmem:$0x9800]  }
0x115: {  	[tilespmem:$0x1DF40] =	vst v41;
	v41 =	vld [tilespmem:$0x9E00]  }
0x116: {  	[tilespmem:$0x1DF80] =	vst v43;
	v43 =	vld [tilespmem:$0xA000]  }
0x117: {  	[tilespmem:$0x1DF90] =	vst v44;
	v44 =	vld [tilespmem:$0x6940]  }
0x118: {  	[tilespmem:$0x1DED0] =	vst v27;
	v27 =	vld [tilespmem:$0x9800]  }
0x119: {  	[tilespmem:$0x1E600] =	vst v60;
	v60 =	vld [tilespmem:$0x6C90]  }
0x11a: {  	[tilespmem:$0x1E8C0] =	vst v35;
	v35 =	vld [tilespmem:$0x9D80]  }
0x11b: {  	[tilespmem:$0x1E980] =	vst v13;
	v13 =	vmul.f32 v50, v52;
	v50 =	vld [tilespmem:$0x6DA0]  }
0x11c: {  	v52 =	vld [tilespmem:$0x1DDA0]  }
0x11d: {  	v49 =	vmul.f32 v46, v49;
	v46 =	vld [tilespmem:$0x1DE60]  }
0x11e: {  	[tilespmem:$0x1E680] =	vst v60;
	v60 =	vld [tilespmem:$0x9880]  }
0x11f: {  	[tilespmem:$0x1E880] =	vst v24;
	v24 =	vld [tilespmem:$0x7D90]  }
0x120: {  	v4 =	vmul.f32 v4, v6;
	v3 =	vadd.f32 v54, v3;
	v54 =	vmul.f32 v37, v39;
	v37 =	vld [tilespmem:$0x1DD60]  }
0x121: {  	v39 =	vmul.f32 v32, v33;
	v32 =	vld [tilespmem:$0x9A80]  }
0x122: {  	v2 =	vadd.f32 v4, v2;
	v33 =	vld [tilespmem:$0x1DE10]  }
0x123: {  	[tilespmem:$0x1E690] =	vst v60;
	v60 =	vld [tilespmem:$0x6D10]  }
0x124: {  	v2 =	vadd.f32 v12, v2;
	v6 =	vmul.f32 v62, v18;
	v62 =	vld [tilespmem:$0x1DD30]  }
0x125: {  	v18 =	vld [tilespmem:$0x1DE00]  }
0x126: {  	v2 =	vadd.f32 v22, v2;
	v22 =	vld [tilespmem:$0x6EA0]  }
0x127: {  	[tilespmem:$0x1EA10] =	vst v38;
	v38 =	vld [tilespmem:$0x1DD70]  }
0x128: {  	[tilespmem:$0x1E6E0] =	vst v60;
	v60 =	vld [tilespmem:$0x9900]  }
0x129: {  	v3 =	vadd.f32 v6, v3;
	v6 =	vmul.f32 v34, v30;
	v34 =	vld [tilespmem:$0x9880]  }
0x12a: {  	v30 =	vmul.f32 v17, v20;
	v17 =	vld [tilespmem:$0x1DDF0]  }
0x12b: {  	[tilespmem:$0x1E000] =	vst v48;
	v48 =	vld [tilespmem:$0x6840]  }
0x12c: {  	[tilespmem:$0x1DF50] =	vst v43;
	v43 =	vld [tilespmem:$0x9800]  }
0x12d: {  	[tilespmem:$0x1E6F0] =	vst v60;
	v60 =	vld [tilespmem:$0x6D90]  }
0x12e: {  	[tilespmem:$0x1E1A0] =	vst v63;
	v63 =	vld [tilespmem:$0x68C0]  }
0x12f: {  	[tilespmem:$0x1E0F0] =	vst v61;
	v61 =	vld [tilespmem:$0x9880]  }
0x130: {  	[tilespmem:$0x1E010] =	vst v51;
	v51 =	vld [tilespmem:$0x9900]  }
0x131: {  	[tilespmem:$0x1E040] =	vst v56;
	v56 =	vld [tilespmem:$0x69C0]  }
0x132: {  	[tilespmem:$0x1E720] =	vst v60;
	v60 =	vld [tilespmem:$0x9980]  }
0x133: {  	[tilespmem:$0x1E050] =	vst v57;
	v57 =	vld [tilespmem:$0x9980]  }
0x134: {  	[tilespmem:$0x1E1B0] =	vst v41;
	v41 =	vld [tilespmem:$0x9A00]  }
0x135: {  	[tilespmem:$0x1DFA0] =	vst v44;
	v44 =	vld [tilespmem:$0x6AC0]  }
0x136: {  	[tilespmem:$0x1E9D0] =	vst v35;
	v35 =	vld [tilespmem:$0x1DD40]  }
0x137: {  	[tilespmem:$0x1E730] =	vst v60;
	v60 =	vld [tilespmem:$0x6E10]  }
0x138: {  	v2 =	vadd.f32 v36, v2;
	v36 =	vld [tilespmem:$0x1DD50]  }
0x139: {  	v12 =	vmul.f32 v10, v11;
	v3 =	vadd.f32 v6, v3;
	v6 =	vmul.f32 v45, v42;
	v42 =	vld [tilespmem:$0x1DD80]  }
0x13a: {  	v45 =	vld [tilespmem:$0x1DD90]  }
0x13b: {  	[tilespmem:$0x1E9C0] =	vst v24;
	v24 =	vadd.f32 v12, v23;
	v23 =	vld [tilespmem:$0x9980]  }
0x13c: {  	[tilespmem:$0x1E7A0] =	vst v60;
	v60 =	vld [tilespmem:$0x9A00]  }
0x13d: {  	v12 =	vld [tilespmem:$0x1DDE0]  }
0x13e: {  	v2 =	vadd.f32 v54, v2;
	v54 =	vld [tilespmem:$0x1DDC0]  }
0x13f: {  	v10 =	vmul.f32 v38, v37;
	v37 =	vld [tilespmem:$0x1DE30]  }
0x140: {  	v38 =	vld [tilespmem:$0x1DE40]  }
0x141: {  	[tilespmem:$0x1E7B0] =	vst v60;
	v60 =	vld [tilespmem:$0x6E90]  }
0x142: {  	[tilespmem:$0x1DFB0] =	vst v51;
	v51 =	vld [tilespmem:$0x9A80]  }
0x143: {  	[tilespmem:$0x1DFE0] =	vst v56;
	v56 =	vld [tilespmem:$0x6B40]  }
0x144: {  	[tilespmem:$0x1DFF0] =	vst v57;
	v57 =	vld [tilespmem:$0x9B00]  }
0x145: {  	[tilespmem:$0x1E030] =	vst v41;
	v41 =	vld [tilespmem:$0x9B80]  }
0x146: {  	[tilespmem:$0x1E800] =	vst v60;
	v60 =	vld [tilespmem:$0x9A80]  }
0x147: {  	[tilespmem:$0x1E060] =	vst v44;
	v44 =	vld [tilespmem:$0x7840]  }
0x148: {  	v11 =	vmul.f32 v36, v35;
	v35 =	vld [tilespmem:$0x1DE20]  }
0x149: {  	v0 =	vmul.f32 v0, v1;
	v1 =	vmul.f32 v45, v42;
	v42 =	vld [tilespmem:$0x6F20]  }
0x14a: {  	[tilespmem:$0x1E930] =	vst v9;
	v45 =	vld [tilespmem:$0x1DE50]  }
0x14b: {  	[tilespmem:$0x1E810] =	vst v60;
	v60 =	vld [tilespmem:$0x9B00]  }
0x14c: {  	[tilespmem:$0x1E070] =	vst v51;
	v51 =	vld [tilespmem:$0x9C00]  }
0x14d: {  	[tilespmem:$0x1E0C0] =	vst v56;
	v56 =	vld [tilespmem:$0x78C0]  }
0x14e: {  	[tilespmem:$0x1E0D0] =	vst v57;
	v57 =	vld [tilespmem:$0x9C80]  }
0x14f: {  	[tilespmem:$0x1E130] =	vst v41;
	v41 =	vld [tilespmem:$0x9D00]  }
0x150: {  	[tilespmem:$0x1E830] =	vst v60;
	v60 =	vld [tilespmem:$0x9C80]  }
0x151: {  	[tilespmem:$0x1E160] =	vst v44;
	v44 =	vld [tilespmem:$0x79C0]  }
0x152: {  	[tilespmem:$0x1E170] =	vst v51;
	v51 =	vld [tilespmem:$0x9D80]  }
0x153: {  	[tilespmem:$0x1E210] =	vst v56;
	v56 =	vld [tilespmem:$0x7A40]  }
0x154: {  	[tilespmem:$0x1E220] =	vst v57;
	v57 =	vld [tilespmem:$0x9E00]  }
0x155: {  	[tilespmem:$0x1E920] =	vst v60;
	v60 =	vld [tilespmem:$0x1DD20]  }
0x156: {  	[tilespmem:$0x1E2D0] =	vst v44;
	v44 =	vld [tilespmem:$0x68D0]  }
0x157: {  	[tilespmem:$0x1E280] =	vst v41;
	v41 =	vld [tilespmem:$0x9880]  }
0x158: {  	[tilespmem:$0x1E2E0] =	vst v51;
	v51 =	vld [tilespmem:$0xA000]  }
0x159: {  	[tilespmem:$0x1E410] =	vst v57;
	v57 =	vld [tilespmem:$0x6950]  }
0x15a: {  	v3 =	vadd.f32 v6, v3;
	[tilespmem:$0x1E400] =	vst v56;
	v56 =	vld [tilespmem:$0x9900];
	v6 =	vmul.f32 v62, v60  }
0x15b: {  	[tilespmem:$0x1E8E0] =	vst v50;
	v62 =	vld [tilespmem:$0x9900]  }
0x15c: {  	v0 =	vadd.f32 v0, v8;
	[tilespmem:$0x1E970] =	vst v32;
	v60 =	vld [tilespmem:$0x9A00];
	v3 =	vadd.f32 v6, v3  }
0x15d: {  	v5 =	vmul.f32 v5, v7;
	[tilespmem:$0x1E960] =	vst v22;
	v2 =	vadd.f32 v13, v2;
	v6 =	vadd.f32 v30, v24;
	v24 =	vld [tilespmem:$0x6D20]  }
0x15e: {  	v16 =	vmul.f32 v14, v15;
	[tilespmem:$0x1E9A0] =	vst v42;
	v3 =	vadd.f32 v11, v3;
	v11 =	vld [tilespmem:$0x1DDD0]  }
0x15f: {  	v0 =	vadd.f32 v5, v0;
	v2 =	vadd.f32 v10, v2;
	v10 =	vmul.f32 v53, v52;
	v52 =	vld [tilespmem:$0x9B00]  }
0x160: {  	v53 =	vld [tilespmem:$0x1DE70]  }
0x161: {  	v0 =	vadd.f32 v16, v0;
	v59 =	vmul.f32 v59, v54;
	v30 =	vmul.f32 v26, v28;
	v54 =	vld [tilespmem:$0x1DE80]  }
0x162: {  	v14 =	vld [tilespmem:$0x1DEA0]  }
0x163: {  	v0 =	vadd.f32 v30, v0;
	v30 =	vld [tilespmem:$0x9B80]  }
0x164: {  	v22 =	vld [tilespmem:$0x1DEC0]  }
0x165: {  	v28 =	vld [tilespmem:$0x7C20]  }
0x166: {  	v36 =	vmul.f32 v35, v33;
	v33 =	vld [tilespmem:$0x1DED0]  }
0x167: {  	v35 =	vld [tilespmem:$0x1DEE0]  }
0x168: {  	v6 =	vadd.f32 v39, v6;
	v39 =	vmul.f32 v38, v37;
	v37 =	vld [tilespmem:$0x9C00]  }
0x169: {  	v38 =	vld [tilespmem:$0x1DEF0]  }
0x16a: {  	v50 =	vmul.f32 v40, v47;
	v47 =	vld [tilespmem:$0x1DF10]  }
0x16b: {  	v16 =	vmul.f32 v55, v58;
	v58 =	vld [tilespmem:$0x1DF50]  }
0x16c: {  	v8 =	vld [tilespmem:$0x1E040]  }
0x16d: {  	v27 =	vmul.f32 v27, v29;
	v4 =	vld [tilespmem:$0x1E150]  }
0x16e: {  	v7 =	vld [tilespmem:$0x1E170]  }
0x16f: {  	v27 =	vadd.f32 v27, v51;
	v51 =	vld [tilespmem:$0x1E220]  }
0x170: {  	v6 =	vadd.f32 v49, v6;
	v49 =	vmul.f32 v46, v45;
	v46 =	vld [tilespmem:$0x7CA0]  }
0x171: {  	v45 =	vmul.f32 v43, v48;
	v48 =	vld [tilespmem:$0x1DF20]  }
0x172: {  	v0 =	vadd.f32 v50, v0;
	v50 =	vld [tilespmem:$0x1DF30]  }
0x173: {  	v43 =	vld [tilespmem:$0x9D80]  }
0x174: {  	v13 =	vmul.f32 v12, v11;
	v12 =	vld [tilespmem:$0x6FA0]  }
0x175: {  	[tilespmem:$0x1E9B0] =	vst v52;
	v52 =	vld [tilespmem:$0x1DF40]  }
0x176: {  	v3 =	vadd.f32 v10, v3;
	v6 =	vadd.f32 v59, v6;
	v59 =	vmul.f32 v54, v53;
	v54 =	vld [tilespmem:$0x9C80]  }
0x177: {  	v20 =	vmul.f32 v18, v17;
	[tilespmem:$0x1EA30] =	vst v28;
	v28 =	vld [tilespmem:$0x1DF80]  }
0x178: {  	v17 =	vadd.f32 v49, v3;
	v11 =	vld [tilespmem:$0x1E060]  }
0x179: {  	v2 =	vadd.f32 v1, v2;
	v6 =	vadd.f32 v20, v6;
	v20 =	vld [tilespmem:$0x1DEB0]  }
0x17a: {  	[tilespmem:$0x1EAB0] =	vst v17;
	v17 =	vld [tilespmem:$0x7D20]  }
0x17b: {  	v2 =	vadd.f32 v13, v2;
	v13 =	vld [tilespmem:$0x1DE90]  }
0x17c: {  	[tilespmem:$0x1EA50] =	vst v46;
	v46 =	vld [tilespmem:$0x1DFE0]  }
0x17d: {  	v49 =	vmul.f32 v48, v47;
	v47 =	vld [tilespmem:$0x1DFF0]  }
0x17e: {  	[tilespmem:$0x1EAA0] =	vst v43;
	v43 =	vld [tilespmem:$0x1E100]  }
0x17f: {  	v6 =	vadd.f32 v39, v6;
	v39 =	vld [tilespmem:$0x1DF00]  }
0x180: {  	v2 =	vadd.f32 v36, v2;
	v36 =	vmul.f32 v35, v33;
	v35 =	vld [tilespmem:$0x1DFA0]  }
0x181: {  	v53 =	vmul.f32 v52, v50;
	v50 =	vld [tilespmem:$0x1E000]  }
0x182: {  	v52 =	vld [tilespmem:$0x1E010]  }
0x183: {  	v18 =	vadd.f32 v59, v6;
	v59 =	vadd.f32 v45, v58;
	v58 =	vld [tilespmem:$0x1E020]  }
0x184: {  	[tilespmem:$0x1EA60] =	vst v54;
	v54 =	vmul.f32 v41, v44;
	v41 =	vld [tilespmem:$0x1E0F0]  }
0x185: {  	v44 =	vld [tilespmem:$0x1E110]  }
0x186: {  	v0 =	vadd.f32 v16, v0;
	v6 =	vld [tilespmem:$0x1E160]  }
0x187: {  	v16 =	vmul.f32 v61, v63;
	v26 =	vmul.f32 v22, v20;
	v20 =	vld [tilespmem:$0x1DF70]  }
0x188: {  	v0 =	vadd.f32 v36, v0;
	v36 =	vld [tilespmem:$0x1DFB0]  }
0x189: {  	v9 =	vadd.f32 v16, v59;
	v59 =	vld [tilespmem:$0x1E030]  }
0x18a: {  	v48 =	vmul.f32 v47, v46;
	v46 =	vld [tilespmem:$0x6C30]  }
0x18b: {  	v16 =	vld [tilespmem:$0x1E090]  }
0x18c: {  	v47 =	vld [tilespmem:$0x6CB0]  }
0x18d: {  	v27 =	vadd.f32 v54, v27;
	v54 =	vld [tilespmem:$0x9900]  }
0x18e: {  	v42 =	vadd.f32 v26, v18;
	v18 =	vld [tilespmem:$0x1DF60]  }
0x18f: {  	v26 =	vld [tilespmem:$0x9D00]  }
0x190: {  	v15 =	vmul.f32 v14, v13;
	v40 =	vmul.f32 v39, v38;
	v38 =	vld [tilespmem:$0x7DA0]  }
0x191: {  	v63 =	vmul.f32 v56, v57;
	v39 =	vld [tilespmem:$0x1DFC0]  }
0x192: {  	v32 =	vadd.f32 v15, v2;
	v15 =	vld [tilespmem:$0x1E080]  }
0x193: {  	v27 =	vadd.f32 v63, v27;
	v63 =	vld [tilespmem:$0x1E140]  }
0x194: {  	[tilespmem:$0x1E9E0] =	vst v12;
	v12 =	vadd.f32 v49, v42;
	v49 =	vld [tilespmem:$0x7E20]  }
0x195: {  	v0 =	vadd.f32 v53, v0;
	v53 =	vmul.f32 v52, v50;
	v52 =	vld [tilespmem:$0x9800]  }
0x196: {  	v50 =	vld [tilespmem:$0x6E30]  }
0x197: {  	v55 =	vadd.f32 v40, v32;
	v32 =	vld [tilespmem:$0x1DF90]  }
0x198: {  	v40 =	vld [tilespmem:$0x1DFD0]  }
0x199: {  	[tilespmem:$0x1EA40] =	vst v37;
	v37 =	vmul.f32 v36, v35;
	v36 =	vld [tilespmem:$0x1E0C0]  }
0x19a: {  	v35 =	vld [tilespmem:$0x7CB0]  }
0x19b: {  	v61 =	vmul.f32 v59, v58;
	v58 =	vld [tilespmem:$0x1E120]  }
0x19c: {  	v59 =	vld [tilespmem:$0x1E130]  }
0x19d: {  	[tilespmem:$0x1EAC0] =	vst v55;
	v55 =	vld [tilespmem:$0x9E00]  }
0x19e: {  	[tilespmem:$0x1EA90] =	vst v38;
	v38 =	vld [tilespmem:$0xA000]  }
0x19f: {  	v45 =	vadd.f32 v37, v9;
	v9 =	vld [tilespmem:$0x1E050]  }
0x1a0: {  	v22 =	vmul.f32 v20, v18;
	v18 =	vld [tilespmem:$0x1E0A0]  }
0x1a1: {  	v20 =	vld [tilespmem:$0x1E0B0]  }
0x1a2: {  	v37 =	vld [tilespmem:$0x1E0D0]  }
0x1a3: {  	[tilespmem:$0x1EA70] =	vst v17;
	v17 =	vmul.f32 v16, v15;
	v15 =	vld [tilespmem:$0x1E1A0]  }
0x1a4: {  	v16 =	vld [tilespmem:$0x1E1B0]  }
0x1a5: {  	v14 =	vadd.f32 v22, v12;
	v12 =	vld [tilespmem:$0x1E070]  }
0x1a6: {  	v5 =	vadd.f32 v48, v45;
	v48 =	vld [tilespmem:$0x6D30]  }
0x1a7: {  	[tilespmem:$0x1EAF0] =	vst v49;
	v49 =	vld [tilespmem:$0x6DB0]  }
0x1a8: {  	v45 =	vmul.f32 v44, v43;
	v44 =	vld [tilespmem:$0x6EB0]  }
0x1a9: {  	v43 =	vld [tilespmem:$0x1E300]  }
0x1aa: {  	v52 =	vmul.f32 v52, v46;
	v46 =	vld [tilespmem:$0x9D80]  }
0x1ab: {  	v42 =	vmul.f32 v40, v39;
	v40 =	vld [tilespmem:$0x1E0E0]  }
0x1ac: {  	v33 =	vmul.f32 v32, v28;
	v32 =	vld [tilespmem:$0x7D30]  }
0x1ad: {  	v5 =	vadd.f32 v61, v5;
	v61 =	vmul.f32 v59, v58;
	v58 =	vld [tilespmem:$0x1E230]  }
0x1ae: {  	v59 =	vld [tilespmem:$0x1E240]  }
0x1af: {  	v10 =	vmul.f32 v9, v8;
	v9 =	vld [tilespmem:$0x1E180]  }
0x1b0: {  	[tilespmem:$0x1EB00] =	vst v55;
	v55 =	vld [tilespmem:$0x9980]  }
0x1b1: {  	v22 =	vmul.f32 v20, v18;
	v18 =	vld [tilespmem:$0x1E1C0]  }
0x1b2: {  	v20 =	vld [tilespmem:$0x1E1D0]  }
0x1b3: {  	v39 =	vmul.f32 v37, v36;
	v36 =	vld [tilespmem:$0x1E1E0]  }
0x1b4: {  	v8 =	vmul.f32 v7, v6;
	v6 =	vld [tilespmem:$0x1E270]  }
0x1b5: {  	v0 =	vadd.f32 v33, v0;
	v7 =	vld [tilespmem:$0x1E280]  }
0x1b6: {  	v14 =	vadd.f32 v42, v14;
	v52 =	vadd.f32 v52, v38;
	v38 =	vld [tilespmem:$0x9E00]  }
0x1b7: {  	v0 =	vadd.f32 v53, v0;
	v53 =	vld [tilespmem:$0x9880]  }
0x1b8: {  	v56 =	vadd.f32 v17, v14;
	v17 =	vmul.f32 v16, v15;
	v15 =	vld [tilespmem:$0x1E2B0]  }
0x1b9: {  	v16 =	vld [tilespmem:$0x1E2C0]  }
0x1ba: {  	v42 =	vmul.f32 v41, v40;
	v40 =	vld [tilespmem:$0x1E200]  }
0x1bb: {  	v27 =	vadd.f32 v22, v27;
	v0 =	vadd.f32 v10, v0;
	v10 =	vld [tilespmem:$0x1E190]  }
0x1bc: {  	v13 =	vmul.f32 v12, v11;
	[tilespmem:$0x1EAD0] =	vst v56;
	v56 =	vld [tilespmem:$0x9A00]  }
0x1bd: {  	v27 =	vadd.f32 v45, v27;
	v45 =	vld [tilespmem:$0x1E210]  }
0x1be: {  	[tilespmem:$0x1EA80] =	vst v26;
	v26 =	vadd.f32 v13, v5;
	v5 =	vmul.f32 v4, v63;
	v63 =	vld [tilespmem:$0x1E250]  }
0x1bf: {  	v4 =	vld [tilespmem:$0x1E260]  }
0x1c0: {  	v22 =	vmul.f32 v20, v18;
	v18 =	vld [tilespmem:$0x1E2D0]  }
0x1c1: {  	v20 =	vld [tilespmem:$0x1E2E0]  }
0x1c2: {  	v57 =	vadd.f32 v39, v26;
	v39 =	vld [tilespmem:$0x1E1F0]  }
0x1c3: {  	v0 =	vadd.f32 v42, v0;
	v42 =	vld [tilespmem:$0x6F30]  }
0x1c4: {  	v47 =	vmul.f32 v53, v47;
	v53 =	vld [tilespmem:$0x1E9B0]  }
0x1c5: {  	v14 =	vadd.f32 v61, v57;
	v61 =	vmul.f32 v59, v58;
	v58 =	vld [tilespmem:$0x1E310]  }
0x1c6: {  	v59 =	vld [tilespmem:$0x1E320]  }
0x1c7: {  	v0 =	vadd.f32 v17, v0;
	v17 =	vmul.f32 v16, v15;
	v15 =	vld [tilespmem:$0x1E3A0]  }
0x1c8: {  	v16 =	vld [tilespmem:$0x1E3B0]  }
0x1c9: {  	v57 =	vmul.f32 v51, v45;
	v51 =	vld [tilespmem:$0x9A80]  }
0x1ca: {  	v11 =	vmul.f32 v10, v9;
	v9 =	vld [tilespmem:$0x1E290]  }
0x1cb: {  	v10 =	vld [tilespmem:$0x1E2A0]  }
0x1cc: {  	v45 =	vld [tilespmem:$0x9B00]  }
0x1cd: {  	v27 =	vadd.f32 v5, v27;
	v5 =	vmul.f32 v4, v63;
	v63 =	vld [tilespmem:$0x1E330]  }
0x1ce: {  	v4 =	vld [tilespmem:$0x1E340]  }
0x1cf: {  	v14 =	vadd.f32 v8, v14;
	v8 =	vmul.f32 v7, v6;
	v6 =	vld [tilespmem:$0x1E350]  }
0x1d0: {  	v7 =	vld [tilespmem:$0x1E360]  }
0x1d1: {  	v27 =	vadd.f32 v22, v27;
	v22 =	vmul.f32 v20, v18;
	v18 =	vld [tilespmem:$0x1E3C0]  }
0x1d2: {  	v20 =	vld [tilespmem:$0x1E3D0]  }
0x1d3: {  	v41 =	vmul.f32 v40, v39;
	v40 =	vld [tilespmem:$0x6FB0]  }
0x1d4: {  	v37 =	vadd.f32 v11, v36;
	v36 =	vld [tilespmem:$0x7C30]  }
0x1d5: {  	v39 =	vld [tilespmem:$0x1E4A0]  }
0x1d6: {  	v26 =	vadd.f32 v41, v37;
	v41 =	vld [tilespmem:$0x1E2F0]  }
0x1d7: {  	v27 =	vadd.f32 v61, v27;
	v61 =	vmul.f32 v59, v58;
	v59 =	vld [tilespmem:$0x1E3E0]  }
0x1d8: {  	v14 =	vadd.f32 v57, v14;
	v37 =	vld [tilespmem:$0x9C80]  }
0x1d9: {  	v58 =	vld [tilespmem:$0xA000]  }
0x1da: {  	v14 =	vadd.f32 v8, v14;
	v8 =	vld [tilespmem:$0x1E370]  }
0x1db: {  	v11 =	vmul.f32 v10, v9;
	v10 =	vld [tilespmem:$0x1E380]  }
0x1dc: {  	v42 =	vmul.f32 v45, v42;
	v45 =	vld [tilespmem:$0x7CD0]  }
0x1dd: {  	v44 =	vmul.f32 v51, v44;
	v51 =	vld [tilespmem:$0x7D50]  }
0x1de: {  	v26 =	vadd.f32 v5, v26;
	v5 =	vmul.f32 v4, v63;
	v4 =	vld [tilespmem:$0x1E400]  }
0x1df: {  	v27 =	vadd.f32 v11, v27;
	v11 =	vld [tilespmem:$0x1E390]  }
0x1e0: {  	v14 =	vadd.f32 v22, v14;
	v22 =	vmul.f32 v20, v18;
	v18 =	vld [tilespmem:$0x1E480]  }
0x1e1: {  	v20 =	vld [tilespmem:$0x1E490]  }
0x1e2: {  	v26 =	vadd.f32 v17, v26;
	v17 =	vmul.f32 v16, v15;
	v15 =	vld [tilespmem:$0x1E460]  }
0x1e3: {  	v16 =	vld [tilespmem:$0x1E470]  }
0x1e4: {  	v27 =	vadd.f32 v5, v27;
	v5 =	vld [tilespmem:$0x1E410]  }
0x1e5: {  	v26 =	vadd.f32 v61, v26;
	v61 =	vld [tilespmem:$0x1E3F0]  }
0x1e6: {  	v9 =	vmul.f32 v8, v7;
	v7 =	vld [tilespmem:$0x1E420]  }
0x1e7: {  	v8 =	vld [tilespmem:$0x1E430]  }
0x1e8: {  	v12 =	vmul.f32 v11, v10;
	v11 =	vld [tilespmem:$0x1E440]  }
0x1e9: {  	v57 =	vmul.f32 v43, v41;
	v10 =	vadd.f32 v22, v27;
	v22 =	vmul.f32 v20, v18;
	v18 =	vld [tilespmem:$0x1E550]  }
0x1ea: {  	v20 =	vld [tilespmem:$0x1E560]  }
0x1eb: {  	v33 =	vadd.f32 v57, v6;
	v26 =	vadd.f32 v12, v26;
	v12 =	vld [tilespmem:$0x1E450]  }
0x1ec: {  	v6 =	vmul.f32 v5, v4;
	v5 =	vld [tilespmem:$0x1E4C0]  }
0x1ed: {  	v13 =	vadd.f32 v9, v33;
	v63 =	vmul.f32 v61, v59;
	v59 =	vld [tilespmem:$0x1E4B0]  }
0x1ee: {  	v9 =	vmul.f32 v8, v7;
	v8 =	vld [tilespmem:$0x1E4E0]  }
0x1ef: {  	v29 =	vadd.f32 v17, v13;
	v17 =	vmul.f32 v16, v15;
	v15 =	vld [tilespmem:$0x1E530]  }
0x1f0: {  	v28 =	vadd.f32 v6, v14;
	v6 =	vld [tilespmem:$0x1E4D0]  }
0x1f1: {  	v14 =	vld [tilespmem:$0x1E520]  }
0x1f2: {  	v57 =	vadd.f32 v9, v29;
	v9 =	vld [tilespmem:$0x1E4F0]  }
0x1f3: {  	v13 =	vmul.f32 v12, v11;
	v11 =	vld [tilespmem:$0x1E500]  }
0x1f4: {  	v12 =	vld [tilespmem:$0x1E510]  }
0x1f5: {  	v4 =	vmul.f32 v59, v39;
	v59 =	vadd.f32 v17, v10;
	v17 =	vld [tilespmem:$0x1E540]  }
0x1f6: {  	v7 =	vmul.f32 v6, v5;
	v6 =	vld [tilespmem:$0x1E580]  }
0x1f7: {  	v26 =	vadd.f32 v63, v26;
	v16 =	vmul.f32 v15, v14;
	v14 =	vld [tilespmem:$0x1E5B0]  }
0x1f8: {  	v15 =	vld [tilespmem:$0x1E5C0]  }
0x1f9: {  	v26 =	vadd.f32 v13, v26;
	v10 =	vmul.f32 v9, v8;
	v8 =	vld [tilespmem:$0x1E620]  }
0x1fa: {  	v9 =	vld [tilespmem:$0x1E630]  }
0x1fb: {  	v39 =	vadd.f32 v4, v26;
	v13 =	vmul.f32 v12, v11;
	v11 =	vld [tilespmem:$0x1E590]  }
0x1fc: {  	v12 =	vld [tilespmem:$0x1E5A0]  }
0x1fd: {  	v57 =	vadd.f32 v22, v57;
	v61 =	vadd.f32 v10, v39;
	v39 =	vld [tilespmem:$0x1E570]  }
0x1fe: {  	[tilespmem:$0x1EAE0] =	vst v0;
	v0 =	vmul.f32 v18, v17;
	v18 =	vadd.f32 v16, v59;
	v16 =	vld [tilespmem:$0x1E5D0]  }
0x1ff: {  	v57 =	vadd.f32 v7, v57;
	v17 =	vld [tilespmem:$0x1E5E0]  }
0x200: {  	v4 =	vld [tilespmem:$0x1E600]  }
0x201: {  	v57 =	vadd.f32 v0, v57;
	v0 =	vmul.f32 v15, v14;
	v15 =	vld [tilespmem:$0x1E660]  }
0x202: {  	v1 =	vmul.f32 v12, v11;
	v11 =	vld [tilespmem:$0x1E640]  }
0x203: {  	v12 =	vld [tilespmem:$0x1E650]  }
0x204: {  	v63 =	vadd.f32 v13, v20;
	v7 =	vmul.f32 v6, v39;
	v20 =	vmul.f32 v17, v16;
	v16 =	vld [tilespmem:$0x1E670]  }
0x205: {  	v5 =	vadd.f32 v1, v61;
	v61 =	vld [tilespmem:$0x1E5F0]  }
0x206: {  	v39 =	vadd.f32 v7, v63;
	v7 =	vld [tilespmem:$0x1E610]  }
0x207: {  	v17 =	vld [tilespmem:$0x1E680]  }
0x208: {  	v39 =	vadd.f32 v20, v39;
	v20 =	vld [tilespmem:$0x1E690]  }
0x209: {  	v59 =	vmul.f32 v11, v9;
	v11 =	vld [tilespmem:$0x1E6B0]  }
0x20a: {  	v3 =	vmul.f32 v15, v12;
	v12 =	vld [tilespmem:$0x1E6C0];
	v6 =	vmul.f32 v4, v61  }
0x20b: {  	v2 =	vadd.f32 v0, v57;
	v15 =	vld [tilespmem:$0x1E6D0];
	v1 =	vmul.f32 v8, v7  }
0x20c: {  	v57 =	vadd.f32 v6, v16;
	v16 =	vld [tilespmem:$0x1E6E0]  }
0x20d: {  	v4 =	vadd.f32 v1, v2;
	v2 =	vadd.f32 v59, v39;
	v59 =	vld [tilespmem:$0x1E6A0]  }
0x20e: {  	v0 =	vmul.f32 v20, v17;
	v17 =	vld [tilespmem:$0x1E6F0]  }
0x20f: {  	v43 =	vld [tilespmem:$0x9B80]  }
0x210: {  	v41 =	vld [tilespmem:$0x9C00]  }
0x211: {  	v1 =	vmul.f32 v15, v12;
	v15 =	vld [tilespmem:$0x1E720]  }
0x212: {  	v39 =	vmul.f32 v11, v59;
	v11 =	vld [tilespmem:$0x1E710]  }
0x213: {  	v20 =	vmul.f32 v17, v16;
	v16 =	vld [tilespmem:$0x1E730]  }
0x214: {  	v0 =	vadd.f32 v0, v57;
	v17 =	vld [tilespmem:$0x1E740]  }
0x215: {  	v2 =	vadd.f32 v39, v2;
	v39 =	vld [tilespmem:$0x1E700]  }
0x216: {  	v0 =	vadd.f32 v20, v0;
	v20 =	vld [tilespmem:$0x1E750]  }
0x217: {  	v27 =	vld [tilespmem:$0x7DB0]  }
0x218: {  	v8 =	vadd.f32 v3, v5;
	v3 =	vadd.f32 v1, v4;
	v4 =	vmul.f32 v16, v15;
	v15 =	vld [tilespmem:$0x1E770]  }
0x219: {  	v16 =	vld [tilespmem:$0x1E780]  }
0x21a: {  	v5 =	vmul.f32 v11, v39;
	v11 =	vld [tilespmem:$0x1E760]  }
0x21b: {  	v1 =	vmul.f32 v20, v17;
	v17 =	vld [tilespmem:$0x1E790]  }
0x21c: {  	v33 =	vld [tilespmem:$0x9D00]  }
0x21d: {  	v29 =	vld [tilespmem:$0x9D80]  }
0x21e: {  	v20 =	vld [tilespmem:$0x1E7A0]  }
0x21f: {  	v2 =	vadd.f32 v5, v2;
	v5 =	vmul.f32 v15, v11;
	v11 =	vld [tilespmem:$0x1E7B0]  }
0x220: {  	v7 =	vmul.f32 v17, v16;
	v16 =	vld [tilespmem:$0x1E7C0]  }
0x221: {  	v17 =	vld [tilespmem:$0x1E7D0]  }
0x222: {  	[tilespmem:$0xA2C0] =	vst v28;
	v28 =	vld [tilespmem:$0x1EB00]  }
0x223: {  	v22 =	vld [tilespmem:$0x7E30]  }
0x224: {  	v26 =	vld [tilespmem:$0x9E00]  }
0x225: {  	v0 =	vadd.f32 v4, v0;
	v4 =	vmul.f32 v11, v20;
	v20 =	vld [tilespmem:$0x1E7E0]  }
0x226: {  	v6 =	vadd.f32 v1, v3;
	v3 =	vmul.f32 v17, v16;
	v17 =	vld [tilespmem:$0x1E7F0]  }
0x227: {  	v10 =	vld [tilespmem:$0x9800]  }
0x228: {  	v13 =	vld [tilespmem:$0x6C40]  }
0x229: {  	v14 =	vld [tilespmem:$0x6D40]  }
0x22a: {  	[tilespmem:$0xA2D0] =	vst v18;
	v18 =	vld [tilespmem:$0x6E70]  }
0x22b: {  	v1 =	vmul.f32 v17, v20;
	v20 =	vld [tilespmem:$0x1E800]  }
0x22c: {  	v17 =	vld [tilespmem:$0x1E810]  }
0x22d: {  	v10 =	vmul.f32 v10, v13;
	v13 =	vld [tilespmem:$0x9900]  }
0x22e: {  	v63 =	vld [tilespmem:$0x6CC0]  }
0x22f: {  	v10 =	vadd.f32 v10, v58;
	v58 =	vld [tilespmem:$0x9980]  }
0x230: {  	v3 =	vadd.f32 v3, v6;
	v6 =	vmul.f32 v19, v31;
	v19 =	vld [tilespmem:$0x1E820]  }
0x231: {  	v0 =	vadd.f32 v4, v0;
	v4 =	vmul.f32 v17, v20;
	v20 =	vld [tilespmem:$0x1E830]  }
0x232: {  	v9 =	vld [tilespmem:$0x9900]  }
0x233: {  	v61 =	vld [tilespmem:$0x9880]  }
0x234: {  	v57 =	vld [tilespmem:$0x9A00]  }
0x235: {  	v6 =	vadd.f32 v6, v25;
	v25 =	vld [tilespmem:$0x1E860]  }
0x236: {  	v0 =	vadd.f32 v4, v0;
	v4 =	vmul.f32 v20, v19;
	v20 =	vld [tilespmem:$0x1E870]  }
0x237: {  	v39 =	vld [tilespmem:$0x6E40]  }
0x238: {  	v31 =	vld [tilespmem:$0x1E850]  }
0x239: {  	v17 =	vadd.f32 v7, v8;
	v7 =	vld [tilespmem:$0x1E840]  }
0x23a: {  	v12 =	vld [tilespmem:$0x9980]  }
0x23b: {  	v21 =	vmul.f32 v34, v21;
	v34 =	vmul.f32 v20, v25;
	v25 =	vld [tilespmem:$0x1E880]  }
0x23c: {  	v5 =	vadd.f32 v5, v2;
	v20 =	vld [tilespmem:$0x1E890]  }
0x23d: {  	v59 =	vld [tilespmem:$0x6DC0]  }
0x23e: {  	v57 =	vmul.f32 v57, v39;
	v39 =	vld [tilespmem:$0x9B80];
	v1 =	vadd.f32 v1, v5;
	v19 =	vmul.f32 v31, v7  }
0x23f: {  	v15 =	vld [tilespmem:$0x6EC0]  }
0x240: {  	v1 =	vadd.f32 v19, v1;
	v19 =	vmul.f32 v62, v24;
	v62 =	vld [tilespmem:$0x1E8B0]  }
0x241: {  	v0 =	vadd.f32 v4, v0;
	v4 =	vmul.f32 v20, v25;
	v25 =	vld [tilespmem:$0x1E8A0]  }
0x242: {  	v2 =	vld [tilespmem:$0x9B00]  }
0x243: {  	[tilespmem:$0x1EB40] =	vst v39;
	v39 =	vld [tilespmem:$0x8000]  }
0x244: {  	v11 =	vld [tilespmem:$0x9A80]  }
0x245: {  	v16 =	vld [tilespmem:$0x6F40]  }
0x246: {  	v6 =	vadd.f32 v21, v6;
	v21 =	vmul.f32 v62, v25;
	v25 =	vld [tilespmem:$0x1E8C0]  }
0x247: {  	v62 =	vld [tilespmem:$0x1E8D0]  }
0x248: {  	[tilespmem:$0x1ED10] =	vst v39;
	v39 =	vld [tilespmem:$0x7390]  }
0x249: {  	v5 =	vld [tilespmem:$0x9B80]  }
0x24a: {  	v20 =	vld [tilespmem:$0x1E8E0]  }
0x24b: {  	v21 =	vadd.f32 v21, v1;
	v1 =	vld [tilespmem:$0x1E8F0]  }
0x24c: {  	v62 =	vmul.f32 v62, v25;
	v25 =	vld [tilespmem:$0x1E900]  }
0x24d: {  	v8 =	vld [tilespmem:$0x6FC0]  }
0x24e: {  	[tilespmem:$0x1ED90] =	vst v39;
	v39 =	vld [tilespmem:$0x7120]  }
0x24f: {  	v24 =	vld [tilespmem:$0x7CC0]  }
0x250: {  	v34 =	vadd.f32 v34, v3;
	v3 =	vadd.f32 v19, v6;
	v19 =	vld [tilespmem:$0x7D40]  }
0x251: {  	v6 =	vmul.f32 v23, v20;
	v23 =	vmul.f32 v25, v1;
	v1 =	vld [tilespmem:$0x1E910]  }
0x252: {  	v25 =	vld [tilespmem:$0x1E920]  }
0x253: {  	v4 =	vadd.f32 v4, v0;
	v0 =	vld [tilespmem:$0x9C80]  }
0x254: {  	v20 =	vld [tilespmem:$0x1E930]  }
0x255: {  	v4 =	vadd.f32 v62, v4;
	v62 =	vld [tilespmem:$0x9D00]  }
0x256: {  	v23 =	vadd.f32 v23, v21;
	v21 =	vld [tilespmem:$0x1E940]  }
0x257: {  	v1 =	vmul.f32 v25, v1;
	v25 =	vld [tilespmem:$0x1E950]  }
0x258: {  	[tilespmem:$0xA2E0] =	vst v17;
	v17 =	vld [tilespmem:$0x9A00]  }
0x259: {  	v31 =	vld [tilespmem:$0x7C40];
	v3 =	vadd.f32 v6, v3;
	v60 =	vmul.f32 v60, v20  }
0x25a: {  	v0 =	vmul.f32 v0, v24;
	v24 =	vmul.f32 v62, v19;
	v62 =	vld [tilespmem:$0x7D70]  }
0x25b: {  	v1 =	vadd.f32 v1, v4;
	v4 =	vadd.f32 v60, v3;
	v60 =	vld [tilespmem:$0x1E960]  }
0x25c: {  	v21 =	vmul.f32 v25, v21;
	v25 =	vld [tilespmem:$0x1E970]  }
0x25d: {  	v7 =	vld [tilespmem:$0x9C00]  }
0x25e: {  	[tilespmem:$0x1EC20] =	vst v17;
	v17 =	vld [tilespmem:$0x9900]  }
0x25f: {  	v20 =	vld [tilespmem:$0x1E980]  }
0x260: {  	[tilespmem:$0x1EC30] =	vst v62;
	v62 =	vld [tilespmem:$0x9A80]  }
0x261: {  	v60 =	vmul.f32 v25, v60;
	v25 =	vld [tilespmem:$0x1E990]  }
0x262: {  	v6 =	vld [tilespmem:$0x7DC0]  }
0x263: {  	v19 =	vld [tilespmem:$0x9880]  }
0x264: {  	v3 =	vld [tilespmem:$0x7E40]  }
0x265: {  	v4 =	vadd.f32 v60, v4;
	v60 =	vld [tilespmem:$0x1E9A0]  }
0x266: {  	[tilespmem:$0x1ED00] =	vst v62;
	v62 =	vld [tilespmem:$0x9D80];
	v20 =	vmul.f32 v25, v20  }
0x267: {  	v25 =	vld [tilespmem:$0xA000]  }
0x268: {  	v1 =	vadd.f32 v20, v1;
	v20 =	vadd.f32 v47, v52;
	v47 =	vmul.f32 v54, v48;
	v48 =	vld [tilespmem:$0x6C50]  }
0x269: {  	v52 =	vld [tilespmem:$0x1E9C0]  }
0x26a: {  	v21 =	vadd.f32 v21, v23;
	v23 =	vmul.f32 v53, v60;
	v60 =	vld [tilespmem:$0x1E9D0]  }
0x26b: {  	v54 =	vld [tilespmem:$0x1E9E0]  }
0x26c: {  	v53 =	vld [tilespmem:$0x1E9F0]  }
0x26d: {  	v20 =	vadd.f32 v47, v20;
	v47 =	vmul.f32 v55, v49;
	v49 =	vld [tilespmem:$0x6CD0]  }
0x26e: {  	v55 =	vmul.f32 v56, v50;
	v50 =	vld [tilespmem:$0x6D50]  }
0x26f: {  	v56 =	vmul.f32 v61, v63;
	v61 =	vld [tilespmem:$0x1EA60]  }
0x270: {  	v63 =	vld [tilespmem:$0x6E50]  }
0x271: {  	v20 =	vadd.f32 v47, v20;
	v47 =	vld [tilespmem:$0x6DD0]  }
0x272: {  	v10 =	vadd.f32 v56, v10;
	v56 =	vld [tilespmem:$0x6F50]  }
0x273: {  	v4 =	vadd.f32 v23, v4;
	v23 =	vmul.f32 v30, v54;
	v30 =	vld [tilespmem:$0x9800]  }
0x274: {  	v52 =	vmul.f32 v60, v52;
	v60 =	vld [tilespmem:$0x1EA00]  }
0x275: {  	v54 =	vld [tilespmem:$0x1EA30]  }
0x276: {  	v1 =	vadd.f32 v52, v1;
	v52 =	vld [tilespmem:$0x1EA10]  }
0x277: {  	v4 =	vadd.f32 v23, v4;
	v23 =	vld [tilespmem:$0x9880]  }
0x278: {  	v13 =	vmul.f32 v13, v50;
	v50 =	vld [tilespmem:$0x6ED0]  }
0x279: {  	v20 =	vadd.f32 v55, v20;
	v55 =	vmul.f32 v58, v47;
	v58 =	vld [tilespmem:$0x9B00]  }
0x27a: {  	v47 =	vmul.f32 v37, v35;
	v37 =	vld [tilespmem:$0x9B00]  }
0x27b: {  	v20 =	vadd.f32 v44, v20;
	v53 =	vmul.f32 v60, v53;
	v60 =	vld [tilespmem:$0x1EA20]  }
0x27c: {  	v30 =	vmul.f32 v30, v48;
	v48 =	vld [tilespmem:$0x9C80]  }
0x27d: {  	v20 =	vadd.f32 v42, v20;
	v42 =	vld [tilespmem:$0x6DE0]  }
0x27e: {  	v23 =	vmul.f32 v23, v49;
	v49 =	vld [tilespmem:$0x9A00]  }
0x27f: {  	v40 =	vmul.f32 v43, v40;
	v21 =	vadd.f32 v53, v21;
	v53 =	vmul.f32 v12, v59;
	v59 =	vld [tilespmem:$0x1EA70]  }
0x280: {  	v25 =	vadd.f32 v30, v25;
	v30 =	vld [tilespmem:$0x9B80]  }
0x281: {  	v20 =	vadd.f32 v40, v20;
	v40 =	vmul.f32 v41, v36;
	v41 =	vld [tilespmem:$0x7C50]  }
0x282: {  	v9 =	vmul.f32 v9, v14;
	v36 =	vld [tilespmem:$0x6F60]  }
0x283: {  	v44 =	vmul.f32 v58, v56;
	v58 =	vld [tilespmem:$0x1EAD0]  }
0x284: {  	v9 =	vadd.f32 v9, v10;
	v23 =	vadd.f32 v23, v25;
	v25 =	vld [tilespmem:$0x9E00]  }
0x285: {  	[tilespmem:$0xA300] =	vst v21;
	v21 =	vld [tilespmem:$0x9800]  }
0x286: {  	v9 =	vadd.f32 v53, v9;
	v53 =	vmul.f32 v7, v31;
	v31 =	vmul.f32 v38, v3;
	v38 =	vld [tilespmem:$0x6FE0]  }
0x287: {  	[tilespmem:$0x1EB20] =	vst v37;
	v37 =	vld [tilespmem:$0x9B00]  }
0x288: {  	v3 =	vld [tilespmem:$0x9800]  }
0x289: {  	v52 =	vmul.f32 v60, v52;
	v60 =	vld [tilespmem:$0x1EA40]  }
0x28a: {  	v5 =	vmul.f32 v5, v8;
	v8 =	vmul.f32 v48, v45;
	v45 =	vld [tilespmem:$0x7CE0]  }
0x28b: {  	v48 =	vld [tilespmem:$0x7D60]  }
0x28c: {  	v9 =	vadd.f32 v57, v9;
	v57 =	vld [tilespmem:$0x7DD0]  }
0x28d: {  	v13 =	vadd.f32 v13, v23;
	v23 =	vmul.f32 v29, v27;
	v27 =	vld [tilespmem:$0x1EAF0]  }
0x28e: {  	v29 =	vmul.f32 v46, v6;
	v46 =	vld [tilespmem:$0x9C80]  }
0x28f: {  	v6 =	vld [tilespmem:$0xA000]  }
0x290: {  	v14 =	vmul.f32 v49, v63;
	v49 =	vld [tilespmem:$0x1EA90]  }
0x291: {  	v63 =	vmul.f32 v11, v15;
	v15 =	vadd.f32 v40, v20;
	v40 =	vld [tilespmem:$0x9980]  }
0x292: {  	[tilespmem:$0x1EB10] =	vst v36;
	v36 =	vld [tilespmem:$0x7100]  }
0x293: {  	v20 =	vld [tilespmem:$0x7280]  }
0x294: {  	v13 =	vadd.f32 v55, v13;
	v55 =	vld [tilespmem:$0x1EAC0]  }
0x295: {  	v9 =	vadd.f32 v63, v9;
	v63 =	vld [tilespmem:$0x7E50]  }
0x296: {  	v1 =	vadd.f32 v52, v1;
	v15 =	vadd.f32 v47, v15;
	v47 =	vld [tilespmem:$0x9A00]  }
0x297: {  	[tilespmem:$0xA2A0] =	vst v58;
	v58 =	vld [tilespmem:$0x9A80]  }
0x298: {  	[tilespmem:$0xA310] =	vst v1;
	v1 =	vld [tilespmem:$0x6C70]  }
0x299: {  	[tilespmem:$0x1EB30] =	vst v38;
	v38 =	vld [tilespmem:$0x9B80]  }
0x29a: {  	v54 =	vmul.f32 v60, v54;
	v60 =	vld [tilespmem:$0x1EA50]  }
0x29b: {  	v13 =	vadd.f32 v14, v13;
	v14 =	vld [tilespmem:$0x7200]  }
0x29c: {  	[tilespmem:$0x1EB70] =	vst v45;
	v45 =	vld [tilespmem:$0x8080]  }
0x29d: {  	[tilespmem:$0x1EB90] =	vst v48;
	v48 =	vld [tilespmem:$0x8100]  }
0x29e: {  	v2 =	vmul.f32 v2, v16;
	v16 =	vmul.f32 v28, v27;
	v27 =	vld [tilespmem:$0x6C60]  }
0x29f: {  	v28 =	vld [tilespmem:$0x6EF0]  }
0x2a0: {  	[tilespmem:$0x1EB80] =	vst v46;
	v46 =	vld [tilespmem:$0x9C80]  }
0x2a1: {  	v4 =	vadd.f32 v54, v4;
	v54 =	vld [tilespmem:$0x9A80]  }
0x2a2: {  	[tilespmem:$0x1EC50] =	vst v20;
	v20 =	vld [tilespmem:$0x7110]  }
0x2a3: {  	[tilespmem:$0xA290] =	vst v55;
	v55 =	vld [tilespmem:$0x7C70]  }
0x2a4: {  	[tilespmem:$0xA2F0] =	vst v34;
	v34 =	vmul.f32 v25, v63;
	v25 =	vld [tilespmem:$0x9A80]  }
0x2a5: {  	v2 =	vadd.f32 v2, v9;
	v63 =	vld [tilespmem:$0x9D00]  }
0x2a6: {  	[tilespmem:$0x1ECE0] =	vst v38;
	v38 =	vld [tilespmem:$0x7190]  }
0x2a7: {  	v2 =	vadd.f32 v5, v2;
	v52 =	vmul.f32 v61, v60;
	v60 =	vld [tilespmem:$0x1EA80]  }
0x2a8: {  	v61 =	vld [tilespmem:$0x6FD0]  }
0x2a9: {  	v2 =	vadd.f32 v53, v2;
	v53 =	vld [tilespmem:$0x7E60]  }
0x2aa: {  	[tilespmem:$0x1EC10] =	vst v14;
	v14 =	vld [tilespmem:$0xA000]  }
0x2ab: {  	[tilespmem:$0x1ED70] =	vst v45;
	v45 =	vld [tilespmem:$0x9A00]  }
0x2ac: {  	[tilespmem:$0x1EDC0] =	vst v48;
	v48 =	vld [tilespmem:$0x9C00]  }
0x2ad: {  	[tilespmem:$0x1ED80] =	vst v46;
	v46 =	vld [tilespmem:$0x8010]  }
0x2ae: {  	v12 =	vmul.f32 v54, v50;
	v50 =	vld [tilespmem:$0x1EAA0]  }
0x2af: {  	v4 =	vadd.f32 v52, v4;
	v52 =	vld [tilespmem:$0x1EAB0]  }
0x2b0: {  	v54 =	vld [tilespmem:$0x9D00]  }
0x2b1: {  	v0 =	vadd.f32 v0, v2;
	v2 =	vld [tilespmem:$0x9880]  }
0x2b2: {  	[tilespmem:$0x1EBB0] =	vst v55;
	v55 =	vld [tilespmem:$0x7180]  }
0x2b3: {  	v0 =	vadd.f32 v24, v0;
	v24 =	vld [tilespmem:$0x6CE0]  }
0x2b4: {  	v12 =	vadd.f32 v12, v13;
	v13 =	vld [tilespmem:$0x9E00]  }
0x2b5: {  	[tilespmem:$0x1EC40] =	vst v63;
	v63 =	vld [tilespmem:$0x7310]  }
0x2b6: {  	v43 =	vmul.f32 v60, v59;
	v59 =	vld [tilespmem:$0x9D80]  }
0x2b7: {  	v56 =	vmul.f32 v33, v32;
	v60 =	vld [tilespmem:$0x1EAE0]  }
0x2b8: {  	v11 =	vmul.f32 v30, v61;
	v30 =	vmul.f32 v26, v22;
	v22 =	vld [tilespmem:$0x9880]  }
0x2b9: {  	v61 =	vadd.f32 v56, v15;
	v15 =	vld [tilespmem:$0x6DF0]  }
0x2ba: {  	v56 =	vld [tilespmem:$0x6FF0]  }
0x2bb: {  	v26 =	vld [tilespmem:$0xA000]  }
0x2bc: {  	[tilespmem:$0x1EC70] =	vst v53;
	v53 =	vld [tilespmem:$0x8180]  }
0x2bd: {  	v12 =	vadd.f32 v44, v12;
	v44 =	vld [tilespmem:$0xA000]  }
0x2be: {  	v0 =	vadd.f32 v29, v0;
	v29 =	vld [tilespmem:$0x9A80]  }
0x2bf: {  	[tilespmem:$0x1EDE0] =	vst v46;
	v46 =	vld [tilespmem:$0x70A0]  }
0x2c0: {  	v4 =	vadd.f32 v43, v4;
	v43 =	vld [tilespmem:$0x9C00]  }
0x2c1: {  	v9 =	vmul.f32 v50, v49;
	v50 =	vld [tilespmem:$0x6E60]  }
0x2c2: {  	v49 =	vld [tilespmem:$0x9D00]  }
0x2c3: {  	v7 =	vmul.f32 v54, v51;
	v51 =	vld [tilespmem:$0x7DE0]  }
0x2c4: {  	[tilespmem:$0xA280] =	vst v52;
	v52 =	vld [tilespmem:$0x9D80]  }
0x2c5: {  	v54 =	vld [tilespmem:$0x9E00]  }
0x2c6: {  	v11 =	vadd.f32 v11, v12;
	v12 =	vld [tilespmem:$0x9980]  }
0x2c7: {  	v0 =	vadd.f32 v31, v0;
	v31 =	vld [tilespmem:$0x7300]  }
0x2c8: {  	v4 =	vadd.f32 v9, v4;
	v9 =	vadd.f32 v23, v61;
	v61 =	vld [tilespmem:$0x6EE0]  }
0x2c9: {  	[tilespmem:$0x1ED40] =	vst v13;
	v13 =	vld [tilespmem:$0x7000]  }
0x2ca: {  	v23 =	vld [tilespmem:$0x7080]  }
0x2cb: {  	[tilespmem:$0x1ED50] =	vst v63;
	v63 =	vld [tilespmem:$0x8210]  }
0x2cc: {  	[tilespmem:$0xA340] =	vst v0;
	v0 =	vld [tilespmem:$0x9800]  }
0x2cd: {  	v5 =	vmul.f32 v59, v57;
	v57 =	vld [tilespmem:$0x9C00]  }
0x2ce: {  	v59 =	vld [tilespmem:$0x7CF0]  }
0x2cf: {  	[tilespmem:$0xA2B0] =	vst v60;
	v60 =	vld [tilespmem:$0x9C80]  }
0x2d0: {  	[tilespmem:$0x1EE20] =	vst v53;
	v53 =	vld [tilespmem:$0x8090]  }
0x2d1: {  	v32 =	vadd.f32 v30, v9;
	v30 =	vld [tilespmem:$0x9900]  }
0x2d2: {  	v4 =	vadd.f32 v16, v4;
	v16 =	vld [tilespmem:$0x9A00]  }
0x2d3: {  	v9 =	vld [tilespmem:$0x7DF0]  }
0x2d4: {  	[tilespmem:$0x1EC60] =	vst v29;
	v29 =	vld [tilespmem:$0x9800]  }
0x2d5: {  	v10 =	vmul.f32 v43, v41;
	v41 =	vld [tilespmem:$0x7C60]  }
0x2d6: {  	[tilespmem:$0x1EDB0] =	vst v39;
	v43 =	vld [tilespmem:$0x9C00]  }
0x2d7: {  	[tilespmem:$0x1EBA0] =	vst v49;
	v49 =	vld [tilespmem:$0x9B80]  }
0x2d8: {  	[tilespmem:$0x1EBE0] =	vst v52;
	v52 =	vld [tilespmem:$0x9980]  }
0x2d9: {  	[tilespmem:$0x1EBD0] =	vst v51;
	v51 =	vld [tilespmem:$0x9D00]  }
0x2da: {  	[tilespmem:$0x1EC80] =	vst v54;
	v54 =	vld [tilespmem:$0x9D80]  }
0x2db: {  	[tilespmem:$0xA330] =	vst v32;
	v32 =	vld [tilespmem:$0x6D60]  }
0x2dc: {  	[tilespmem:$0xA320] =	vst v4;
	v4 =	vld [tilespmem:$0x6CF0]  }
0x2dd: {  	[tilespmem:$0x1EF70] =	vst v62;
	v10 =	vadd.f32 v10, v11;
	v11 =	vld [tilespmem:$0x7E70]  }
0x2de: {  	[tilespmem:$0x1EBC0] =	vst v57;
	v57 =	vld [tilespmem:$0x8200]  }
0x2df: {  	[tilespmem:$0x1EBF0] =	vst v59;
	v59 =	vld [tilespmem:$0x9E00]  }
0x2e0: {  	[tilespmem:$0x1EC00] =	vst v60;
	v60 =	vld [tilespmem:$0x7290]  }
0x2e1: {  	[tilespmem:$0x1EDF0] =	vst v48;
	v8 =	vadd.f32 v8, v10;
	v10 =	vld [tilespmem:$0x9D80]  }
0x2e2: {  	[tilespmem:$0x1ECB0] =	vst v9;
	v9 =	vld [tilespmem:$0x9880]  }
0x2e3: {  	[tilespmem:$0x1EB50] =	vst v41;
	v41 =	vld [tilespmem:$0x6F70]  }
0x2e4: {  	[tilespmem:$0x1EB60] =	vst v43;
	v43 =	vld [tilespmem:$0x9C00]  }
0x2e5: {  	[tilespmem:$0x1EDD0] =	vst v51;
	v51 =	vld [tilespmem:$0x7210]  }
0x2e6: {  	[tilespmem:$0x1EE30] =	vst v54;
	v54 =	vld [tilespmem:$0x9C80];
	v7 =	vadd.f32 v7, v8  }
0x2e7: {  	[tilespmem:$0x1EC90] =	vst v31;
	v8 =	vld [tilespmem:$0x6D70]  }
0x2e8: {  	[tilespmem:$0x1ED30] =	vst v11;
	v11 =	vld [tilespmem:$0x9800];
	v33 =	vadd.f32 v5, v7  }
0x2e9: {  	[tilespmem:$0x1F020] =	vst v63;
	v7 =	vld [tilespmem:$0x9900]  }
0x2ea: {  	[tilespmem:$0x1EE60] =	vst v53;
	v35 =	vadd.f32 v34, v33;
	v34 =	vld [tilespmem:$0x7380]  }
0x2eb: {  	[tilespmem:$0x1EF00] =	vst v57;
	v5 =	vld [tilespmem:$0x7010]  }
0x2ec: {  	[tilespmem:$0x1EF10] =	vst v59;
	v57 =	vld [tilespmem:$0x8110]  }
0x2ed: {  	[tilespmem:$0x1ECF0] =	vst v60;
	v59 =	vld [tilespmem:$0x9D00]  }
0x2ee: {  	v60 =	vld [tilespmem:$0x8190];
	[tilespmem:$0x1ECC0] =	vst v10  }
0x2ef: {  	[tilespmem:$0x1ECD0] =	vst v34;
	v34 =	vld [tilespmem:$0x9B00]  }
0x2f0: {  	v10 =	vld [tilespmem:$0x7090];
	[tilespmem:$0x1ED20] =	vst v43  }
0x2f1: {  	v33 =	vld [tilespmem:$0x9B00];
	[tilespmem:$0x1EE70] =	vst v54  }
0x2f2: {  	v43 =	vld [tilespmem:$0x9B80];
	[tilespmem:$0xA350] =	vst v35  }
0x2f3: {  	v54 =	vld [tilespmem:$0xA000];
	[tilespmem:$0x1EEC0] =	vst v57  }
0x2f4: {  	[tilespmem:$0x1ED60] =	vst v34;
	v34 =	vld [tilespmem:$0x9E00]  }
0x2f5: {  	v35 =	vld [tilespmem:$0x9900];
	[tilespmem:$0x1EED0] =	vst v59  }
0x2f6: {  	[tilespmem:$0x1EF60] =	vst v60;
	v60 =	vld [tilespmem:$0x9900]  }
0x2f7: {  	[tilespmem:$0x1ECA0] =	vst v33;
	v33 =	vld [tilespmem:$0x9980]  }
0x2f8: {  	[tilespmem:$0x1EDA0] =	vst v43;
	v43 =	vld [tilespmem:$0x9880]  }
0x2f9: {  	[tilespmem:$0x1F030] =	vst v34;
	v34 =	vld [tilespmem:$0x7020]  }
0x2fa: {  	v31 =	vld [tilespmem:$0x71A0]  }
0x2fb: {  	v63 =	vld [tilespmem:$0x7320];
	_ =	sdelay $0x4  }
0x2fc: {  	[tilespmem:$0x1EEE0] =	vst v63;
	v63 =	vld [tilespmem:$0x9C80];
	_ =	sdelay $0x4  }
0x2fd: {  	[tilespmem:$0x1EFF0] =	vst v63;
	v63 =	vld [tilespmem:$0x7130];
	_ =	sdelay $0x4  }
0x2fe: {  	[tilespmem:$0x1EEA0] =	vst v63;
	v63 =	vld [tilespmem:$0x71B0];
	_ =	sdelay $0x4  }
0x2ff: {  	[tilespmem:$0x1EF20] =	vst v63;
	v63 =	vld [tilespmem:$0x7230];
	_ =	sdelay $0x4  }
0x300: {  	[tilespmem:$0x1EF80] =	vst v63;
	v63 =	vld [tilespmem:$0x72B0];
	_ =	sdelay $0x4  }
0x301: {  	[tilespmem:$0x1EFC0] =	vst v63;
	v63 =	vld [tilespmem:$0x7330];
	_ =	sdelay $0x4  }
0x302: {  	[tilespmem:$0x1F040] =	vst v63;
	v63 =	vld [tilespmem:$0x73B0];
	_ =	sdelay $0x4  }
0x303: {  	[tilespmem:$0x1F0B0] =	vst v63;
	v63 =	vld [tilespmem:$0x8030];
	_ =	sdelay $0x4  }
0x304: {  	[tilespmem:$0x1F0F0] =	vst v63;
	v63 =	vld [tilespmem:$0x80B0];
	_ =	sdelay $0x4  }
0x305: {  	[tilespmem:$0x1F1A0] =	vst v63;
	v63 =	vld [tilespmem:$0x8130];
	_ =	sdelay $0x4  }
0x306: {  	[tilespmem:$0x1F220] =	vst v63;
	v63 =	vld [tilespmem:$0x81B0];
	_ =	sdelay $0x4  }
0x307: {  	[tilespmem:$0x1F2C0] =	vst v63;
	v63 =	vld [tilespmem:$0x8230];
	_ =	sdelay $0x4  }
0x308: {  	[tilespmem:$0x1F340] =	vst v63;
	v63 =	vld [tilespmem:$0xA000];
	_ =	sdelay $0x4  }
0x309: {  	[tilespmem:$0x1F060] =	vst v63;
	v63 =	vld [tilespmem:$0x9800];
	_ =	sdelay $0x4  }
0x30a: {  	[tilespmem:$0x1F010] =	vst v63;
	v63 =	vld [tilespmem:$0x9880];
	_ =	sdelay $0x4  }
0x30b: {  	[tilespmem:$0x1F080] =	vst v63;
	v63 =	vld [tilespmem:$0x9900];
	_ =	sdelay $0x4  }
0x30c: {  	[tilespmem:$0x1F0E0] =	vst v63;
	v63 =	vld [tilespmem:$0x9980];
	_ =	sdelay $0x4  }
0x30d: {  	[tilespmem:$0x1F120] =	vst v63;
	v63 =	vld [tilespmem:$0x9A00];
	_ =	sdelay $0x4  }
0x30e: {  	[tilespmem:$0x1F190] =	vst v63;
	v63 =	vld [tilespmem:$0x9A80];
	_ =	sdelay $0x4  }
0x30f: {  	[tilespmem:$0x1F1F0] =	vst v63;
	v63 =	vld [tilespmem:$0x9B00];
	_ =	sdelay $0x4  }
0x310: {  	[tilespmem:$0x1F250] =	vst v63;
	v63 =	vld [tilespmem:$0x9B80];
	_ =	sdelay $0x4  }
0x311: {  	[tilespmem:$0x1F2B0] =	vst v63;
	v63 =	vld [tilespmem:$0x9C00];
	_ =	sdelay $0x4  }
0x312: {  	[tilespmem:$0x1F310] =	vst v63;
	v63 =	vld [tilespmem:$0x9C80];
	_ =	sdelay $0x4  }
0x313: {  	[tilespmem:$0x1F390] =	vst v63;
	v63 =	vld [tilespmem:$0x9D00];
	_ =	sdelay $0x4  }
0x314: {  	[tilespmem:$0x1F400] =	vst v63;
	v63 =	vld [tilespmem:$0x9D80];
	_ =	sdelay $0x4  }
0x315: {  	[tilespmem:$0x1F460] =	vst v63;
	v63 =	vld [tilespmem:$0x9E00];
	_ =	sdelay $0x4  }
0x316: {  	[tilespmem:$0x1F590] =	vst v63;
	v63 =	vld [tilespmem:$0x70D0];
	_ =	sdelay $0x4  }
0x317: {  	[tilespmem:$0x1F160] =	vst v63;
	v63 =	vld [tilespmem:$0x9880];
	_ =	sdelay $0x4  }
0x318: {  	[tilespmem:$0x1F170] =	vst v63;
	v63 =	vld [tilespmem:$0x7150];
	_ =	sdelay $0x4  }
0x319: {  	[tilespmem:$0x1F1C0] =	vst v63;
	v63 =	vld [tilespmem:$0x9900];
	_ =	sdelay $0x4  }
0x31a: {  	[tilespmem:$0x1F1D0] =	vst v63;
	v63 =	vld [tilespmem:$0x71D0];
	_ =	sdelay $0x4  }
0x31b: {  	[tilespmem:$0x1F200] =	vst v63;
	v63 =	vld [tilespmem:$0x9980];
	_ =	sdelay $0x4  }
0x31c: {  	[tilespmem:$0x1F210] =	vst v63;
	v63 =	vld [tilespmem:$0x7250];
	_ =	sdelay $0x4  }
0x31d: {  	[tilespmem:$0x1F280] =	vst v63;
	v63 =	vld [tilespmem:$0x9A00];
	_ =	sdelay $0x4  }
0x31e: {  	[tilespmem:$0x1F290] =	vst v63;
	v63 =	vld [tilespmem:$0x72D0];
	_ =	sdelay $0x4  }
0x31f: {  	[tilespmem:$0x1F2E0] =	vst v63;
	v63 =	vld [tilespmem:$0x9A80];
	_ =	sdelay $0x4  }
0x320: {  	[tilespmem:$0x1F2F0] =	vst v63;
	v63 =	vld [tilespmem:$0x7350];
	_ =	sdelay $0x4  }
0x321: {  	[tilespmem:$0x1F320] =	vst v63;
	v63 =	vld [tilespmem:$0x9B00];
	_ =	sdelay $0x4  }
0x322: {  	[tilespmem:$0x1F330] =	vst v63;
	v63 =	vld [tilespmem:$0x73D0];
	_ =	sdelay $0x4  }
0x323: {  	[tilespmem:$0x1F3A0] =	vst v63;
	v63 =	vld [tilespmem:$0x9B80];
	_ =	sdelay $0x4  }
0x324: {  	[tilespmem:$0x1F3B0] =	vst v63;
	v63 =	vld [tilespmem:$0x8050];
	_ =	sdelay $0x4  }
0x325: {  	[tilespmem:$0x1F410] =	vst v63;
	v63 =	vld [tilespmem:$0x9C00];
	_ =	sdelay $0x4  }
0x326: {  	[tilespmem:$0x1F420] =	vst v63;
	v63 =	vld [tilespmem:$0x80D0];
	_ =	sdelay $0x4  }
0x327: {  	[tilespmem:$0x1F4B0] =	vst v63;
	v63 =	vld [tilespmem:$0x9C80];
	_ =	sdelay $0x4  }
0x328: {  	[tilespmem:$0x1F4C0] =	vst v63;
	v63 =	vld [tilespmem:$0x8150];
	_ =	sdelay $0x4  }
0x329: {  	[tilespmem:$0x1F540] =	vst v63;
	v63 =	vld [tilespmem:$0x9D00];
	_ =	sdelay $0x4  }
0x32a: {  	[tilespmem:$0x1F550] =	vst v63;
	v63 =	vld [tilespmem:$0x81D0];
	_ =	sdelay $0x4  }
0x32b: {  	[tilespmem:$0x1F5E0] =	vst v63;
	v63 =	vld [tilespmem:$0x9D80];
	_ =	sdelay $0x4  }
0x32c: {  	[tilespmem:$0x1F5F0] =	vst v63;
	v63 =	vld [tilespmem:$0x8250];
	_ =	sdelay $0x4  }
0x32d: {  	[tilespmem:$0x1F6A0] =	vst v63;
	v63 =	vld [tilespmem:$0x9E00];
	_ =	sdelay $0x4  }
0x32e: {  	[tilespmem:$0x1F6B0] =	vst v63;
	v63 =	vld [tilespmem:$0xA000];
	_ =	sdelay $0x4  }
0x32f: {  	[tilespmem:$0x1F3C0] =	vst v63;
	v63 =	vld [tilespmem:$0x7060];
	_ =	sdelay $0x4  }
0x330: {  	[tilespmem:$0x1F360] =	vst v63;
	v63 =	vld [tilespmem:$0x9800];
	_ =	sdelay $0x4  }
0x331: {  	[tilespmem:$0x1F370] =	vst v63;
	v63 =	vld [tilespmem:$0x70E0];
	_ =	sdelay $0x4  }
0x332: {  	[tilespmem:$0x1F3D0] =	vst v63;
	v63 =	vld [tilespmem:$0x9880];
	_ =	sdelay $0x4  }
0x333: {  	[tilespmem:$0x1F3E0] =	vst v63;
	v63 =	vld [tilespmem:$0x7160];
	_ =	sdelay $0x4  }
0x334: {  	[tilespmem:$0x1F430] =	vst v63;
	v63 =	vld [tilespmem:$0x9900];
	_ =	sdelay $0x4  }
0x335: {  	[tilespmem:$0x1F440] =	vst v63;
	v63 =	vld [tilespmem:$0x71E0];
	_ =	sdelay $0x4  }
0x336: {  	[tilespmem:$0x1F490] =	vst v63;
	v63 =	vld [tilespmem:$0x9980];
	_ =	sdelay $0x4  }
0x337: {  	[tilespmem:$0x1F4A0] =	vst v63;
	v63 =	vld [tilespmem:$0x7260];
	_ =	sdelay $0x4  }
0x338: {  	[tilespmem:$0x1F500] =	vst v63;
	v63 =	vld [tilespmem:$0x9A00];
	_ =	sdelay $0x4  }
0x339: {  	[tilespmem:$0x1F510] =	vst v63;
	v63 =	vld [tilespmem:$0x72E0];
	_ =	sdelay $0x4  }
0x33a: {  	[tilespmem:$0x1F560] =	vst v63;
	v63 =	vld [tilespmem:$0x9A80];
	_ =	sdelay $0x4  }
0x33b: {  	[tilespmem:$0x1F570] =	vst v63;
	v63 =	vld [tilespmem:$0x7360];
	_ =	sdelay $0x4  }
0x33c: {  	[tilespmem:$0x1F5C0] =	vst v63;
	v63 =	vld [tilespmem:$0x9B00];
	_ =	sdelay $0x4  }
0x33d: {  	[tilespmem:$0x1F5D0] =	vst v63;
	v63 =	vld [tilespmem:$0x73E0];
	_ =	sdelay $0x4  }
0x33e: {  	[tilespmem:$0x1F620] =	vst v63;
	v63 =	vld [tilespmem:$0x9B80];
	_ =	sdelay $0x4  }
0x33f: {  	[tilespmem:$0x1F630] =	vst v63;
	v63 =	vld [tilespmem:$0x8060];
	_ =	sdelay $0x4  }
0x340: {  	[tilespmem:$0x1F660] =	vst v63;
	v63 =	vld [tilespmem:$0x9C00];
	_ =	sdelay $0x4  }
0x341: {  	[tilespmem:$0x1F670] =	vst v63;
	v63 =	vld [tilespmem:$0x80E0];
	_ =	sdelay $0x4  }
0x342: {  	[tilespmem:$0x1F710] =	vst v63;
	v63 =	vld [tilespmem:$0x9C80];
	_ =	sdelay $0x4  }
0x343: {  	[tilespmem:$0x1F720] =	vst v63;
	v63 =	vld [tilespmem:$0x8160];
	_ =	sdelay $0x4  }
0x344: {  	[tilespmem:$0x1F770] =	vst v63;
	v63 =	vld [tilespmem:$0x9D00];
	_ =	sdelay $0x4  }
0x345: {  	[tilespmem:$0x1F780] =	vst v63;
	v63 =	vld [tilespmem:$0x81E0];
	_ =	sdelay $0x4  }
0x346: {  	[tilespmem:$0x1F7D0] =	vst v63;
	v63 =	vld [tilespmem:$0x9D80];
	_ =	sdelay $0x4  }
0x347: {  	[tilespmem:$0x1F7E0] =	vst v63;
	v63 =	vld [tilespmem:$0x8260];
	_ =	sdelay $0x4  }
0x348: {  	[tilespmem:$0x1F900] =	vst v63;
	v63 =	vld [tilespmem:$0x9E00];
	_ =	sdelay $0x4  }
0x349: {  	[tilespmem:$0x1F910] =	vst v63;
	v63 =	vld [tilespmem:$0xA000];
	_ =	sdelay $0x4  }
0x34a: {  	[tilespmem:$0x1F4D0] =	vst v63;
	v63 =	vld [tilespmem:$0x7070];
	_ =	sdelay $0x4  }
0x34b: {  	[tilespmem:$0x1F470] =	vst v63;
	v63 =	vld [tilespmem:$0x9800];
	_ =	sdelay $0x4  }
0x34c: {  	[tilespmem:$0x1F480] =	vst v63;
	v63 =	vld [tilespmem:$0x70F0];
	_ =	sdelay $0x4  }
0x34d: {  	[tilespmem:$0x1F4E0] =	vst v63;
	v63 =	vld [tilespmem:$0x9880];
	_ =	sdelay $0x4  }
0x34e: {  	[tilespmem:$0x1F4F0] =	vst v63;
	v63 =	vld [tilespmem:$0x7170];
	_ =	sdelay $0x4  }
0x34f: {  	[tilespmem:$0x1F520] =	vst v63;
	v63 =	vld [tilespmem:$0x9900];
	_ =	sdelay $0x4  }
0x350: {  	[tilespmem:$0x1F530] =	vst v63;
	v63 =	vld [tilespmem:$0x71F0];
	_ =	sdelay $0x4  }
0x351: {  	[tilespmem:$0x1F5A0] =	vst v63;
	v63 =	vld [tilespmem:$0x9980];
	_ =	sdelay $0x4  }
0x352: {  	[tilespmem:$0x1F5B0] =	vst v63;
	v63 =	vld [tilespmem:$0x7270];
	_ =	sdelay $0x4  }
0x353: {  	[tilespmem:$0x1F600] =	vst v63;
	v63 =	vld [tilespmem:$0x9A00];
	_ =	sdelay $0x4  }
0x354: {  	[tilespmem:$0x1F610] =	vst v63;
	v63 =	vld [tilespmem:$0x72F0];
	_ =	sdelay $0x4  }
0x355: {  	[tilespmem:$0x1F640] =	vst v63;
	v63 =	vld [tilespmem:$0x9A80];
	_ =	sdelay $0x4  }
0x356: {  	[tilespmem:$0x1F650] =	vst v63;
	v63 =	vld [tilespmem:$0x7370];
	_ =	sdelay $0x4  }
0x357: {  	[tilespmem:$0x1F6C0] =	vst v63;
	v63 =	vld [tilespmem:$0x9B00];
	_ =	sdelay $0x4  }
0x358: {  	[tilespmem:$0x1F6D0] =	vst v63;
	v63 =	vld [tilespmem:$0x73F0];
	_ =	sdelay $0x4  }
0x359: {  	[tilespmem:$0x1F730] =	vst v63;
	v63 =	vld [tilespmem:$0x9B80];
	_ =	sdelay $0x4  }
0x35a: {  	[tilespmem:$0x1F740] =	vst v63;
	v63 =	vld [tilespmem:$0x8070];
	_ =	sdelay $0x4  }
0x35b: {  	[tilespmem:$0x1F790] =	vst v63;
	v63 =	vld [tilespmem:$0x9C00];
	_ =	sdelay $0x4  }
0x35c: {  	[tilespmem:$0x1F7A0] =	vst v63;
	v63 =	vld [tilespmem:$0x80F0];
	_ =	sdelay $0x4  }
0x35d: {  	[tilespmem:$0x1F830] =	vst v63;
	v63 =	vld [tilespmem:$0x9C80];
	_ =	sdelay $0x4  }
0x35e: {  	[tilespmem:$0x1F840] =	vst v63;
	v63 =	vld [tilespmem:$0x8170];
	_ =	sdelay $0x4  }
0x35f: {  	[tilespmem:$0x1F8C0] =	vst v63;
	v63 =	vld [tilespmem:$0x9D00];
	_ =	sdelay $0x4  }
0x360: {  	[tilespmem:$0x1F8D0] =	vst v63;
	v63 =	vld [tilespmem:$0x81F0];
	_ =	sdelay $0x4  }
0x361: {  	[tilespmem:$0x1F960] =	vst v63;
	v63 =	vld [tilespmem:$0x9D80];
	_ =	sdelay $0x4  }
0x362: {  	[tilespmem:$0x1F970] =	vst v63;
	v63 =	vld [tilespmem:$0x8270];
	_ =	sdelay $0x4  }
0x363: {  	[tilespmem:$0x1FA20] =	vst v63;
	v63 =	vld [tilespmem:$0x9E00];
	_ =	sdelay $0x4  }
0x364: {  	[tilespmem:$0x1FA30] =	vst v63;
	v63 =	vld [tilespmem:$0x9880];
	_ =	sdelay $0x4  }
0x365: {  	[tilespmem:$0x1F860] =	vst v63;
	v63 =	vld [tilespmem:$0xA000];
	_ =	sdelay $0x4  }
0x366: {  	[tilespmem:$0x1F6E0] =	vst v63;
	v63 =	vld [tilespmem:$0x7400];
	_ =	sdelay $0x4  }
0x367: {  	[tilespmem:$0x1F680] =	vst v63;
	v63 =	vld [tilespmem:$0x9800];
	_ =	sdelay $0x4  }
0x368: {  	[tilespmem:$0x1F690] =	vst v63;
	v63 =	vld [tilespmem:$0x7480];
	_ =	sdelay $0x4  }
0x369: {  	[tilespmem:$0x1F6F0] =	vst v63;
	v63 =	vld [tilespmem:$0x9880];
	_ =	sdelay $0x4  }
0x36a: {  	[tilespmem:$0x1F700] =	vst v63;
	v63 =	vld [tilespmem:$0x7790];
	_ =	sdelay $0x4  }
0x36b: {  	[tilespmem:$0x1FAB0] =	vst v63;
	v63 =	vld [tilespmem:$0x7600];
	_ =	sdelay $0x4  }
0x36c: {  	[tilespmem:$0x1F810] =	vst v63;
	v63 =	vld [tilespmem:$0x7500];
	_ =	sdelay $0x4  }
0x36d: {  	[tilespmem:$0x1F750] =	vst v63;
	v63 =	vld [tilespmem:$0x9900];
	_ =	sdelay $0x4  }
0x36e: {  	[tilespmem:$0x1F760] =	vst v63;
	v63 =	vld [tilespmem:$0x7580];
	_ =	sdelay $0x4  }
0x36f: {  	[tilespmem:$0x1F7B0] =	vst v63;
	v63 =	vld [tilespmem:$0x9980];
	_ =	sdelay $0x4  }
0x370: {  	[tilespmem:$0x1F7C0] =	vst v63;
	v63 =	vld [tilespmem:$0x9A00];
	_ =	sdelay $0x4  }
0x371: {  	[tilespmem:$0x1F820] =	vst v63;
	v63 =	vld [tilespmem:$0x9D80];
	_ =	sdelay $0x4  }
0x372: {  	[tilespmem:$0x1FDF0] =	vst v63;
	v63 =	vld [tilespmem:$0x7680];
	_ =	sdelay $0x4  }
0x373: {  	[tilespmem:$0x1F880] =	vst v63;
	v63 =	vld [tilespmem:$0x9A80];
	_ =	sdelay $0x4  }
0x374: {  	[tilespmem:$0x1F890] =	vst v63;
	v63 =	vld [tilespmem:$0x7700];
	_ =	sdelay $0x4  }
0x375: {  	[tilespmem:$0x1F8E0] =	vst v63;
	v63 =	vld [tilespmem:$0x8500];
	_ =	sdelay $0x4  }
0x376: {  	[tilespmem:$0x1FA90] =	vst v63;
	v63 =	vld [tilespmem:$0x9B00];
	_ =	sdelay $0x4  }
0x377: {  	[tilespmem:$0x1F8F0] =	vst v63;
	v63 =	vld [tilespmem:$0x9D80];
	_ =	sdelay $0x4  }
0x378: {  	[tilespmem:$0x1FC70] =	vst v63;
	v63 =	vld [tilespmem:$0x7780];
	_ =	sdelay $0x4  }
0x379: {  	[tilespmem:$0x1F940] =	vst v63;
	v63 =	vld [tilespmem:$0x7720];
	_ =	sdelay $0x4  }
0x37a: {  	[tilespmem:$0x1FC10] =	vst v63;
	v63 =	vld [tilespmem:$0x9B80];
	_ =	sdelay $0x4  }
0x37b: {  	[tilespmem:$0x1F950] =	vst v63;
	v63 =	vld [tilespmem:$0x8510];
	_ =	sdelay $0x4  }
0x37c: {  	[tilespmem:$0x1FBF0] =	vst v63;
	v63 =	vld [tilespmem:$0x8400];
	_ =	sdelay $0x4  }
0x37d: {  	[tilespmem:$0x1F9A0] =	vst v63;
	v63 =	vld [tilespmem:$0x8610];
	_ =	sdelay $0x4  }
0x37e: {  	[tilespmem:$0x1FD10] =	vst v63;
	v63 =	vld [tilespmem:$0x8600];
	_ =	sdelay $0x4  }
0x37f: {  	[tilespmem:$0x1FC30] =	vst v63;
	v63 =	vld [tilespmem:$0x9A80];
	_ =	sdelay $0x4  }
0x380: {  	[tilespmem:$0x1FBB0] =	vst v63;
	v63 =	vld [tilespmem:$0x9C00];
	_ =	sdelay $0x4  }
0x381: {  	[tilespmem:$0x1F9B0] =	vst v63;
	v63 =	vld [tilespmem:$0x9D00];
	_ =	sdelay $0x4  }
0x382: {  	[tilespmem:$0x1FC00] =	vst v63;
	v63 =	vld [tilespmem:$0x8480];
	_ =	sdelay $0x4  }
0x383: {  	[tilespmem:$0x1F9E0] =	vst v63;
	v63 =	vld [tilespmem:$0x9A00];
	_ =	sdelay $0x4  }
0x384: {  	[tilespmem:$0x1FB60] =	vst v63;
	v63 =	vld [tilespmem:$0x9C80];
	_ =	sdelay $0x4  }
0x385: {  	[tilespmem:$0x1F9F0] =	vst v63;
	v63 =	vld [tilespmem:$0x8580];
	_ =	sdelay $0x4  }
0x386: {  	[tilespmem:$0x1FB30] =	vst v63;
	v63 =	vld [tilespmem:$0x9D00];
	_ =	sdelay $0x3  }
0x387: {  	v62 =	vld [tilespmem:$0x9A80]  }
0x388: {  	[tilespmem:$0x1FAA0] =	vst v63;
	v63 =	vld [tilespmem:$0x9C00];
	_ =	sdelay $0x3  }
0x389: {  	[tilespmem:$0x1EE90] =	vst v62;
	v62 =	vld [tilespmem:$0x80A0]  }
0x38a: {  	[tilespmem:$0x1FAF0] =	vst v63;
	v63 =	vld [tilespmem:$0x9D80];
	_ =	sdelay $0x3  }
0x38b: {  	[tilespmem:$0x1EFE0] =	vst v62;
	v62 =	vld [tilespmem:$0x9E00]  }
0x38c: {  	[tilespmem:$0x1FB40] =	vst v63;
	v63 =	vld [tilespmem:$0x9E00];
	_ =	sdelay $0x3  }
0x38d: {  	[tilespmem:$0x1F270] =	vst v62;
	v62 =	vld [tilespmem:$0x9900]  }
0x38e: {  	[tilespmem:$0x1FC40] =	vst v63;
	v63 =	vld [tilespmem:$0xA000];
	_ =	sdelay $0x3  }
0x38f: {  	[tilespmem:$0x1EEB0] =	vst v62;
	v62 =	vld [tilespmem:$0x9980]  }
0x390: {  	[tilespmem:$0x1F850] =	vst v63;
	v63 =	vld [tilespmem:$0x9980];
	_ =	sdelay $0x2  }
0x391: {  	v48 =	vld [tilespmem:$0x9980]  }
0x392: {  	[tilespmem:$0x1EF30] =	vst v62;
	v62 =	vld [tilespmem:$0x9A00]  }
0x393: {  	[tilespmem:$0x1FB10] =	vst v63;
	v63 =	vld [tilespmem:$0x7410]  }
0x394: {  	v53 =	vld [tilespmem:$0x7220]  }
0x395: {  	v57 =	vld [tilespmem:$0x9A00]  }
0x396: {  	v59 =	vld [tilespmem:$0x72A0]  }
0x397: {  	[tilespmem:$0x1EF90] =	vst v62;
	v62 =	vld [tilespmem:$0x9A80]  }
0x398: {  	v21 =	vmul.f32 v21, v27;
	[tilespmem:$0x1F7F0] =	vst v63;
	v63 =	vld [tilespmem:$0x9800]  }
0x399: {  	v39 =	vld [tilespmem:$0x9B00]  }
0x39a: {  	v21 =	vadd.f32 v21, v44;
	v44 =	vld [tilespmem:$0x9E00]  }
0x39b: {  	v22 =	vmul.f32 v22, v24;
	v24 =	vld [tilespmem:$0x9800]  }
0x39c: {  	[tilespmem:$0x1EFD0] =	vst v62;
	v62 =	vld [tilespmem:$0x9B00]  }
0x39d: {  	[tilespmem:$0x1F800] =	vst v63;
	v63 =	vld [tilespmem:$0x7490]  }
0x39e: {  	v21 =	vadd.f32 v22, v21;
	v22 =	vld [tilespmem:$0x1EB10]  }
0x39f: {  	v61 =	vmul.f32 v58, v61;
	v58 =	vld [tilespmem:$0x1EB50]  }
0x3a0: {  	v15 =	vmul.f32 v12, v15;
	v12 =	vmul.f32 v37, v41;
	v37 =	vld [tilespmem:$0x1EBB0]  }
0x3a1: {  	[tilespmem:$0x1F050] =	vst v62;
	v62 =	vld [tilespmem:$0x9B80]  }
0x3a2: {  	v3 =	vmul.f32 v3, v5;
	[tilespmem:$0x1F870] =	vst v63;
	v63 =	vld [tilespmem:$0x9880]  }
0x3a3: {  	v41 =	vmul.f32 v35, v36;
	v36 =	vld [tilespmem:$0x9800]  }
0x3a4: {  	v3 =	vadd.f32 v3, v14;
	v14 =	vmul.f32 v17, v20;
	v17 =	vld [tilespmem:$0x1EC50]  }
0x3a5: {  	v20 =	vld [tilespmem:$0x1EC80]  }
0x3a6: {  	[tilespmem:$0x1F0C0] =	vst v62;
	v62 =	vld [tilespmem:$0x9C00]  }
0x3a7: {  	[tilespmem:$0x1FA70] =	vst v63;
	v63 =	vld [tilespmem:$0x7510]  }
0x3a8: {  	[tilespmem:$0x1EE10] =	vst v48;
	v48 =	vld [tilespmem:$0x73A0]  }
0x3a9: {  	[tilespmem:$0x1EE40] =	vst v53;
	v53 =	vld [tilespmem:$0x9B80]  }
0x3aa: {  	[tilespmem:$0x1EE50] =	vst v57;
	v57 =	vld [tilespmem:$0x8020]  }
0x3ab: {  	[tilespmem:$0x1F100] =	vst v62;
	v62 =	vld [tilespmem:$0x9C80]  }
0x3ac: {  	[tilespmem:$0x1F8A0] =	vst v63;
	v63 =	vld [tilespmem:$0x9900]  }
0x3ad: {  	[tilespmem:$0x1EE80] =	vst v59;
	v59 =	vld [tilespmem:$0x9C00]  }
0x3ae: {  	[tilespmem:$0x1EEF0] =	vst v39;
	v39 =	vld [tilespmem:$0x8120]  }
0x3af: {  	[tilespmem:$0x1EE00] =	vst v31;
	v31 =	vld [tilespmem:$0x9800]  }
0x3b0: {  	[tilespmem:$0x1F1B0] =	vst v62;
	v62 =	vld [tilespmem:$0x9D00]  }
0x3b1: {  	[tilespmem:$0x1F8B0] =	vst v63;
	v63 =	vld [tilespmem:$0x7590]  }
0x3b2: {  	[tilespmem:$0x1FD20] =	vst v44;
	v44 =	vmul.f32 v30, v32;
	v32 =	vld [tilespmem:$0x74A0]  }
0x3b3: {  	v30 =	vmul.f32 v40, v42;
	v40 =	vld [tilespmem:$0x7520]  }
0x3b4: {  	v42 =	vmul.f32 v47, v50;
	v50 =	vld [tilespmem:$0x75A0]  }
0x3b5: {  	[tilespmem:$0x1F230] =	vst v62;
	v62 =	vld [tilespmem:$0x9D80]  }
0x3b6: {  	v0 =	vmul.f32 v0, v1;
	[tilespmem:$0x1F920] =	vst v63;
	v63 =	vld [tilespmem:$0x9980]  }
0x3b7: {  	[tilespmem:$0x1FA10] =	vst v24;
	v24 =	vld [tilespmem:$0x1EB20]  }
0x3b8: {  	v0 =	vadd.f32 v0, v6;
	v2 =	vmul.f32 v2, v4;
	v27 =	vadd.f32 v44, v21;
	v44 =	vld [tilespmem:$0x9900]  }
0x3b9: {  	v21 =	vld [tilespmem:$0x76A0]  }
0x3ba: {  	v0 =	vadd.f32 v2, v0;
	v47 =	vmul.f32 v7, v8;
	[tilespmem:$0x1F2D0] =	vst v62;
	v62 =	vld [tilespmem:$0x9E00]  }
0x3bb: {  	[tilespmem:$0x1F930] =	vst v63;
	v63 =	vld [tilespmem:$0x7610]  }
0x3bc: {  	v0 =	vadd.f32 v47, v0;
	v47 =	vmul.f32 v25, v28;
	v25 =	vld [tilespmem:$0x8520]  }
0x3bd: {  	v28 =	vld [tilespmem:$0x1EB90]  }
0x3be: {  	v1 =	vadd.f32 v30, v27;
	v27 =	vld [tilespmem:$0x9B00]  }
0x3bf: {  	[tilespmem:$0x1F350] =	vst v62;
	v62 =	vld [tilespmem:$0x7040]  }
0x3c0: {  	[tilespmem:$0x1F980] =	vst v63;
	v63 =	vld [tilespmem:$0x9A00]  }
0x3c1: {  	v0 =	vadd.f32 v15, v0;
	v15 =	vld [tilespmem:$0x84A0]  }
0x3c2: {  	v30 =	vmul.f32 v16, v18;
	v18 =	vld [tilespmem:$0x9C80]  }
0x3c3: {  	v16 =	vmul.f32 v11, v13;
	v13 =	vld [tilespmem:$0x1EC20]  }
0x3c4: {  	[tilespmem:$0x1F000] =	vst v62;
	v62 =	vld [tilespmem:$0x70C0]  }
0x3c5: {  	[tilespmem:$0x1F990] =	vst v63;
	v63 =	vld [tilespmem:$0x7690]  }
0x3c6: {  	[tilespmem:$0x1EF40] =	vst v48;
	v48 =	vld [tilespmem:$0x9D00]  }
0x3c7: {  	[tilespmem:$0x1EF50] =	vst v53;
	v53 =	vld [tilespmem:$0x81A0]  }
0x3c8: {  	[tilespmem:$0x1EFA0] =	vst v57;
	v57 =	vld [tilespmem:$0x9D80]  }
0x3c9: {  	[tilespmem:$0x1F070] =	vst v62;
	v62 =	vld [tilespmem:$0x7140]  }
0x3ca: {  	[tilespmem:$0x1F9C0] =	vst v63;
	v63 =	vld [tilespmem:$0x9A80]  }
0x3cb: {  	[tilespmem:$0x1EFB0] =	vst v59;
	v59 =	vld [tilespmem:$0x8220]  }
0x3cc: {  	[tilespmem:$0x1F090] =	vst v39;
	v39 =	vld [tilespmem:$0x7030]  }
0x3cd: {  	[tilespmem:$0x1FA80] =	vst v32;
	v32 =	vld [tilespmem:$0x77A0]  }
0x3ce: {  	[tilespmem:$0x1F0D0] =	vst v62;
	v62 =	vld [tilespmem:$0x71C0]  }
0x3cf: {  	[tilespmem:$0x1F9D0] =	vst v63;
	v63 =	vld [tilespmem:$0x7710]  }
0x3d0: {  	[tilespmem:$0x1FAD0] =	vst v40;
	v40 =	vld [tilespmem:$0x1EB30]  }
0x3d1: {  	[tilespmem:$0x1FB20] =	vst v50;
	v50 =	vld [tilespmem:$0x8420]  }
0x3d2: {  	v4 =	vmul.f32 v24, v22;
	v22 =	vld [tilespmem:$0x1EB80]  }
0x3d3: {  	[tilespmem:$0x1F110] =	vst v62;
	v62 =	vld [tilespmem:$0x7240]  }
0x3d4: {  	[tilespmem:$0x1FA40] =	vst v63;
	v63 =	vld [tilespmem:$0x9B00]  }
0x3d5: {  	v24 =	vmul.f32 v49, v56;
	v49 =	vld [tilespmem:$0x9E00]  }
0x3d6: {  	v56 =	vld [tilespmem:$0xA000]  }
0x3d7: {  	v1 =	vadd.f32 v42, v1;
	v42 =	vld [tilespmem:$0x1EB40]  }
0x3d8: {  	[tilespmem:$0x1F180] =	vst v62;
	v62 =	vld [tilespmem:$0x72C0]  }
0x3d9: {  	[tilespmem:$0x1FA50] =	vst v63;
	v63 =	vld [tilespmem:$0x9B80]  }
0x3da: {  	v0 =	vadd.f32 v30, v0;
	v30 =	vld [tilespmem:$0x1EBA0]  }
0x3db: {  	[tilespmem:$0x1FAE0] =	vst v44;
	v44 =	vld [tilespmem:$0x9B80]  }
0x3dc: {  	[tilespmem:$0x1FBC0] =	vst v21;
	v21 =	vld [tilespmem:$0x1EB70]  }
0x3dd: {  	[tilespmem:$0x1F1E0] =	vst v62;
	v62 =	vld [tilespmem:$0x7340]  }
0x3de: {  	[tilespmem:$0x1FAC0] =	vst v63;
	v63 =	vld [tilespmem:$0x8410]  }
0x3df: {  	v1 =	vadd.f32 v61, v1;
	v61 =	vld [tilespmem:$0x1EB60]  }
0x3e0: {  	v0 =	vadd.f32 v47, v0;
	v47 =	vld [tilespmem:$0x1EBE0]  }
0x3e1: {  	[tilespmem:$0x1FC20] =	vst v27;
	v27 =	vld [tilespmem:$0x9D00]  }
0x3e2: {  	[tilespmem:$0x1F240] =	vst v62;
	v62 =	vld [tilespmem:$0x73C0]  }
0x3e3: {  	[tilespmem:$0x1FB00] =	vst v63;
	v63 =	vld [tilespmem:$0x8490]  }
0x3e4: {  	[tilespmem:$0x1FD60] =	vst v15;
	v15 =	vld [tilespmem:$0x1EC30]  }
0x3e5: {  	[tilespmem:$0x1FD70] =	vst v18;
	v18 =	vld [tilespmem:$0x1EC60]  }
0x3e6: {  	[tilespmem:$0x1F140] =	vst v57;
	v57 =	vld [tilespmem:$0xA000]  }
0x3e7: {  	[tilespmem:$0x1F2A0] =	vst v62;
	v62 =	vld [tilespmem:$0x8040]  }
0x3e8: {  	[tilespmem:$0x1FB80] =	vst v63;
	v63 =	vld [tilespmem:$0x9C80]  }
0x3e9: {  	[tilespmem:$0x1F130] =	vst v53;
	v53 =	vld [tilespmem:$0x70B0]  }
0x3ea: {  	[tilespmem:$0x1F0A0] =	vst v48;
	v48 =	vld [tilespmem:$0x9880]  }
0x3eb: {  	[tilespmem:$0x1F260] =	vst v59;
	v59 =	vld [tilespmem:$0x9800]  }
0x3ec: {  	[tilespmem:$0x1F300] =	vst v62;
	v62 =	vld [tilespmem:$0x80C0]  }
0x3ed: {  	[tilespmem:$0x1FB90] =	vst v63;
	v63 =	vld [tilespmem:$0x8590]  }
0x3ee: {  	[tilespmem:$0x1FC90] =	vst v32;
	v32 =	vld [tilespmem:$0x85A0]  }
0x3ef: {  	v0 =	vadd.f32 v12, v0;
	v12 =	vld [tilespmem:$0x1EC10]  }
0x3f0: {  	v1 =	vadd.f32 v4, v1;
	v4 =	vmul.f32 v42, v40;
	v40 =	vld [tilespmem:$0x1EBC0]  }
0x3f1: {  	[tilespmem:$0x1F380] =	vst v62;
	v62 =	vld [tilespmem:$0x8140]  }
0x3f2: {  	[tilespmem:$0x1FC80] =	vst v63;
	v63 =	vld [tilespmem:$0xA000]  }
0x3f3: {  	v42 =	vld [tilespmem:$0x8620]  }
0x3f4: {  	[tilespmem:$0x1FCA0] =	vst v44;
	v44 =	vld [tilespmem:$0x1EBD0]  }
0x3f5: {  	v6 =	vmul.f32 v22, v21;
	v22 =	vld [tilespmem:$0x7530]  }
0x3f6: {  	[tilespmem:$0x1F3F0] =	vst v62;
	v62 =	vld [tilespmem:$0x81C0]  }
0x3f7: {  	[tilespmem:$0x1FA60] =	vst v63;
	v63 =	vld [tilespmem:$0x7420]  }
0x3f8: {  	v0 =	vadd.f32 v24, v0;
	v24 =	vld [tilespmem:$0x1ECA0]  }
0x3f9: {  	[tilespmem:$0x1FDB0] =	vst v25;
	v21 =	vmul.f32 v33, v38;
	v38 =	vld [tilespmem:$0x9900]  }
0x3fa: {  	[tilespmem:$0x1FCE0] =	vst v50;
	v1 =	vadd.f32 v4, v1;
	v4 =	vmul.f32 v61, v58;
	v58 =	vld [tilespmem:$0x1EBF0]  }
0x3fb: {  	[tilespmem:$0x1F450] =	vst v62;
	v62 =	vld [tilespmem:$0x8240]  }
0x3fc: {  	[tilespmem:$0x1FA00] =	vst v63;
	v63 =	vld [tilespmem:$0x7620]  }
0x3fd: {  	[tilespmem:$0x1FEB0] =	vst v49;
	v61 =	vld [tilespmem:$0x1EC00]  }
0x3fe: {  	[tilespmem:$0x1FB50] =	vst v56;
	v1 =	vadd.f32 v4, v1;
	v4 =	vadd.f32 v16, v26;
	v16 =	vld [tilespmem:$0x1EC40]  }
0x3ff: {  	[tilespmem:$0x1FDC0] =	vst v27;
	v26 =	vmul.f32 v19, v23;
	v19 =	vld [tilespmem:$0x1EC70]  }
0x400: {  	[tilespmem:$0x1F580] =	vst v62;
	v62 =	vld [tilespmem:$0xA000]  }
0x401: {  	[tilespmem:$0x1FB70] =	vst v63;
	v63 =	vld [tilespmem:$0x9C00]  }
0x402: {  	[tilespmem:$0x1FE00] =	vst v32;
	v23 =	vld [tilespmem:$0x1EC90]  }
0x403: {  	v2 =	vmul.f32 v40, v37;
	[tilespmem:$0x1FEA0] =	vst v42;
	v37 =	vld [tilespmem:$0x9880]  }
0x404: {  	[tilespmem:$0x1FBA0] =	vst v22;
	v5 =	vmul.f32 v61, v58;
	v58 =	vld [tilespmem:$0x74B0]  }
0x405: {  	[tilespmem:$0x1F150] =	vst v62;
	v62 =	vld [tilespmem:$0x7050]  }
0x406: {  	[tilespmem:$0x1FCF0] =	vst v63;
	v63 =	vmul.f32 v9, v10;
	v10 =	vld [tilespmem:$0x7430]  }
0x407: {  	v25 =	vld [tilespmem:$0x1ECB0]  }
0x408: {  	v4 =	vadd.f32 v26, v4;
	v26 =	vld [tilespmem:$0x1ECC0]  }
0x409: {  	v1 =	vadd.f32 v6, v1;
	v6 =	vmul.f32 v30, v28;
	v28 =	vld [tilespmem:$0x75B0]  }
0x40a: {  	v32 =	vld [tilespmem:$0x1ECD0]  }
0x40b: {  	v33 =	vld [tilespmem:$0x1ECE0]  }
0x40c: {  	v35 =	vld [tilespmem:$0x9980]  }
0x40d: {  	v40 =	vld [tilespmem:$0x1ECF0]  }
0x40e: {  	v50 =	vadd.f32 v41, v4;
	v41 =	vld [tilespmem:$0x1ED00]  }
0x40f: {  	v42 =	vld [tilespmem:$0x7630]  }
0x410: {  	v1 =	vadd.f32 v6, v1;
	v6 =	vmul.f32 v47, v44;
	v44 =	vld [tilespmem:$0x1ED10]  }
0x411: {  	v55 =	vmul.f32 v52, v55;
	v27 =	vmul.f32 v45, v51;
	v45 =	vld [tilespmem:$0x1ED20]  }
0x412: {  	v49 =	vld [tilespmem:$0x9A00]  }
0x413: {  	v0 =	vadd.f32 v2, v0;
	v2 =	vadd.f32 v55, v50;
	v50 =	vld [tilespmem:$0x1ED30]  }
0x414: {  	v51 =	vld [tilespmem:$0x1ED40]  }
0x415: {  	v52 =	vld [tilespmem:$0x1ED50]  }
0x416: {  	v55 =	vld [tilespmem:$0x1ED60]  }
0x417: {  	v56 =	vld [tilespmem:$0x76B0]  }
0x418: {  	v4 =	vmul.f32 v13, v12;
	v12 =	vld [tilespmem:$0x1ED70]  }
0x419: {  	v13 =	vld [tilespmem:$0x1ED80]  }
0x41a: {  	v1 =	vadd.f32 v6, v1;
	v6 =	vmul.f32 v16, v15;
	v15 =	vld [tilespmem:$0x1EDA0]  }
0x41b: {  	v16 =	vld [tilespmem:$0x7730]  }
0x41c: {  	v2 =	vadd.f32 v4, v2;
	v4 =	vmul.f32 v18, v17;
	v18 =	vld [tilespmem:$0x1EDB0]  }
0x41d: {  	v7 =	vmul.f32 v20, v19;
	v19 =	vld [tilespmem:$0x9B00]  }
0x41e: {  	v20 =	vld [tilespmem:$0x1EDC0]  }
0x41f: {  	v22 =	vld [tilespmem:$0x77B0]  }
0x420: {  	v2 =	vadd.f32 v4, v2;
	v4 =	vmul.f32 v24, v23;
	v23 =	vld [tilespmem:$0x1EDE0]  }
0x421: {  	v24 =	vld [tilespmem:$0x1EDF0]  }
0x422: {  	v47 =	vmul.f32 v29, v34;
	v29 =	vld [tilespmem:$0x1EE20]  }
0x423: {  	v34 =	vld [tilespmem:$0x1EE40]  }
0x424: {  	v61 =	vadd.f32 v47, v54;
	v47 =	vld [tilespmem:$0x1EEA0]  }
0x425: {  	v54 =	vld [tilespmem:$0x9D00]  }
0x426: {  	v11 =	vld [tilespmem:$0x1EF40]  }
0x427: {  	v9 =	vld [tilespmem:$0x1F180]  }
0x428: {  	v37 =	vmul.f32 v37, v58;
	v58 =	vld [tilespmem:$0x1FBA0];
	v3 =	vadd.f32 v63, v3  }
0x429: {  	v63 =	vmul.f32 v43, v46;
	v43 =	vld [tilespmem:$0x1EE80]  }
0x42a: {  	v3 =	vadd.f32 v14, v3;
	v14 =	vld [tilespmem:$0x1ED90]  }
0x42b: {  	v17 =	vadd.f32 v63, v61;
	v61 =	vld [tilespmem:$0x1EF30]  }
0x42c: {  	v63 =	vld [tilespmem:$0x85B0]  }
0x42d: {  	v0 =	vadd.f32 v5, v0;
	[tilespmem:$0x1FBD0] =	vst v28;
	v28 =	vld [tilespmem:$0x9A80]  }
0x42e: {  	v3 =	vadd.f32 v21, v3;
	v21 =	vld [tilespmem:$0x1EDD0]  }
0x42f: {  	v0 =	vadd.f32 v6, v0;
	v6 =	vmul.f32 v26, v25;
	v25 =	vld [tilespmem:$0x1EE00]  }
0x430: {  	v26 =	vld [tilespmem:$0x1EE10]  }
0x431: {  	v30 =	vadd.f32 v4, v2;
	v2 =	vmul.f32 v33, v32;
	v33 =	vld [tilespmem:$0x8430]  }
0x432: {  	[tilespmem:$0x1FBE0] =	vst v35;
	v35 =	vld [tilespmem:$0x1EE50]  }
0x433: {  	v32 =	vmul.f32 v31, v39;
	v39 =	vld [tilespmem:$0x9C00]  }
0x434: {  	v4 =	vmul.f32 v41, v40;
	v40 =	vld [tilespmem:$0x1EE60]  }
0x435: {  	v41 =	vld [tilespmem:$0x1EE70]  }
0x436: {  	[tilespmem:$0x1FC50] =	vst v42;
	v42 =	vmul.f32 v48, v53;
	v48 =	vld [tilespmem:$0x1EEB0]  }
0x437: {  	[tilespmem:$0x1FC60] =	vst v49;
	v49 =	vld [tilespmem:$0x8530]  }
0x438: {  	v53 =	vld [tilespmem:$0x1EEF0]  }
0x439: {  	[tilespmem:$0x1FCB0] =	vst v56;
	v56 =	vld [tilespmem:$0x1EF10]  }
0x43a: {  	v1 =	vadd.f32 v7, v1;
	v7 =	vmul.f32 v13, v12;
	v12 =	vld [tilespmem:$0x1EF50]  }
0x43b: {  	v13 =	vld [tilespmem:$0x9D80]  }
0x43c: {  	[tilespmem:$0x1FCC0] =	vst v16;
	v16 =	vld [tilespmem:$0x1EF80]  }
0x43d: {  	[tilespmem:$0x1FCD0] =	vst v19;
	v19 =	vld [tilespmem:$0x1EFA0]  }
0x43e: {  	v31 =	vld [tilespmem:$0x1F010]  }
0x43f: {  	[tilespmem:$0x1FE40] =	vst v54;
	v54 =	vld [tilespmem:$0x1F110]  }
0x440: {  	v3 =	vadd.f32 v27, v3;
	v27 =	vld [tilespmem:$0x9B80]  }
0x441: {  	[tilespmem:$0x1FF40] =	vst v1;
	v1 =	vadd.f32 v2, v30;
	v30 =	vld [tilespmem:$0x1EE30]  }
0x442: {  	v2 =	vmul.f32 v45, v44;
	v44 =	vld [tilespmem:$0x1EE90]  }
0x443: {  	v45 =	vld [tilespmem:$0x9C80]  }
0x444: {  	v0 =	vadd.f32 v6, v0;
	v6 =	vmul.f32 v51, v50;
	v50 =	vld [tilespmem:$0x1EEC0]  }
0x445: {  	v51 =	vld [tilespmem:$0x1EED0]  }
0x446: {  	[tilespmem:$0x1FE70] =	vst v63;
	v63 =	vld [tilespmem:$0x1F170]  }
0x447: {  	v0 =	vadd.f32 v6, v0;
	v6 =	vadd.f32 v32, v57;
	v57 =	vld [tilespmem:$0x84B0]  }
0x448: {  	v3 =	vadd.f32 v4, v3;
	v4 =	vmul.f32 v55, v52;
	v52 =	vld [tilespmem:$0x1EEE0]  }
0x449: {  	v55 =	vld [tilespmem:$0x1EF00]  }
0x44a: {  	v1 =	vadd.f32 v2, v1;
	v2 =	vmul.f32 v60, v18;
	v60 =	vld [tilespmem:$0x1EF20]  }
0x44b: {  	v18 =	vld [tilespmem:$0x8630]  }
0x44c: {  	v32 =	vld [tilespmem:$0x1F020]  }
0x44d: {  	v5 =	vmul.f32 v21, v20;
	v20 =	vld [tilespmem:$0x1EFB0]  }
0x44e: {  	v21 =	vld [tilespmem:$0x9E00]  }
0x44f: {  	[tilespmem:$0x1FD80] =	vst v33;
	v33 =	vld [tilespmem:$0x1F030]  }
0x450: {  	[tilespmem:$0x1FD90] =	vst v39;
	v39 =	vld [tilespmem:$0x1F060]  }
0x451: {  	[tilespmem:$0x1FE30] =	vst v49;
	v49 =	vld [tilespmem:$0x7540]  }
0x452: {  	[tilespmem:$0x1FE80] =	vst v13;
	v13 =	vld [tilespmem:$0x1F1A0]  }
0x453: {  	v3 =	vadd.f32 v4, v3;
	v4 =	vmul.f32 v15, v14;
	v14 =	vld [tilespmem:$0x1EF60]  }
0x454: {  	v15 =	vld [tilespmem:$0x1EF70]  }
0x455: {  	[tilespmem:$0x1FF50] =	vst v0;
	v0 =	vadd.f32 v2, v17;
	v17 =	vld [tilespmem:$0x1EF90]  }
0x456: {  	v2 =	vmul.f32 v26, v25;
	v25 =	vld [tilespmem:$0x1EFD0]  }
0x457: {  	v26 =	vld [tilespmem:$0xA000]  }
0x458: {  	v46 =	vadd.f32 v42, v6;
	v42 =	vld [tilespmem:$0x1F090]  }
0x459: {  	[tilespmem:$0x1FD40] =	vst v27;
	v27 =	vld [tilespmem:$0x1EFE0]  }
0x45a: {  	[tilespmem:$0x1FDD0] =	vst v45;
	v45 =	vld [tilespmem:$0x1F0B0]  }
0x45b: {  	v6 =	vmul.f32 v51, v50;
	v51 =	vld [tilespmem:$0x1F0F0]  }
0x45c: {  	v50 =	vmul.f32 v59, v62;
	v59 =	vld [tilespmem:$0x1F130]  }
0x45d: {  	v1 =	vadd.f32 v7, v1;
	v62 =	vld [tilespmem:$0x1F160]  }
0x45e: {  	v3 =	vadd.f32 v4, v3;
	v4 =	vmul.f32 v24, v23;
	v24 =	vld [tilespmem:$0x1EFC0]  }
0x45f: {  	v1 =	vadd.f32 v5, v1;
	v5 =	vmul.f32 v30, v29;
	v29 =	vld [tilespmem:$0x1EFF0]  }
0x460: {  	v30 =	vld [tilespmem:$0x1F000]  }
0x461: {  	v0 =	vadd.f32 v2, v0;
	v2 =	vmul.f32 v35, v34;
	v34 =	vld [tilespmem:$0x1F040]  }
0x462: {  	v35 =	vld [tilespmem:$0x1F050]  }
0x463: {  	v7 =	vmul.f32 v56, v55;
	v55 =	vld [tilespmem:$0x1F120]  }
0x464: {  	v56 =	vld [tilespmem:$0x75C0]  }
0x465: {  	[tilespmem:$0x1FEC0] =	vst v18;
	v18 =	vld [tilespmem:$0x1F1F0]  }
0x466: {  	v0 =	vadd.f32 v2, v0;
	v2 =	vmul.f32 v44, v43;
	v43 =	vld [tilespmem:$0x7440]  }
0x467: {  	v3 =	vadd.f32 v4, v3;
	v4 =	vmul.f32 v41, v40;
	v40 =	vld [tilespmem:$0x1F070]  }
0x468: {  	v41 =	vld [tilespmem:$0x1F080]  }
0x469: {  	v44 =	vld [tilespmem:$0x1F0A0]  }
0x46a: {  	v1 =	vadd.f32 v5, v1;
	v5 =	vmul.f32 v48, v47;
	v47 =	vld [tilespmem:$0x1F0D0]  }
0x46b: {  	v48 =	vld [tilespmem:$0x1F0E0]  }
0x46c: {  	[tilespmem:$0x1FED0] =	vst v21;
	v21 =	vld [tilespmem:$0x1F210]  }
0x46d: {  	[tilespmem:$0x1FD00] =	vst v26;
	v26 =	vld [tilespmem:$0x1F250]  }
0x46e: {  	v3 =	vadd.f32 v4, v3;
	v4 =	vadd.f32 v5, v46;
	v46 =	vld [tilespmem:$0x1F0C0]  }
0x46f: {  	v0 =	vadd.f32 v2, v0;
	v2 =	vmul.f32 v53, v52;
	v53 =	vld [tilespmem:$0x9880]  }
0x470: {  	v52 =	vld [tilespmem:$0x1F100]  }
0x471: {  	v5 =	vmul.f32 v61, v60;
	v60 =	vld [tilespmem:$0x1F140]  }
0x472: {  	v61 =	vld [tilespmem:$0x1F150]  }
0x473: {  	v0 =	vadd.f32 v2, v0;
	v2 =	vmul.f32 v12, v11;
	v11 =	vld [tilespmem:$0x1F190]  }
0x474: {  	v12 =	vld [tilespmem:$0x7640]  }
0x475: {  	v3 =	vadd.f32 v6, v3;
	v6 =	vmul.f32 v15, v14;
	v14 =	vld [tilespmem:$0x1F1B0]  }
0x476: {  	v15 =	vld [tilespmem:$0x1F1C0]  }
0x477: {  	v4 =	vadd.f32 v5, v4;
	v5 =	vmul.f32 v17, v16;
	v16 =	vld [tilespmem:$0x1F1D0]  }
0x478: {  	v1 =	vadd.f32 v7, v1;
	[tilespmem:$0x1FDA0] =	vst v56;
	v56 =	vld [tilespmem:$0x9A00]  }
0x479: {  	v17 =	vld [tilespmem:$0x1F1E0]  }
0x47a: {  	[tilespmem:$0x1FF60] =	vst v1;
	v1 =	vmul.f32 v20, v19;
	v19 =	vld [tilespmem:$0x76C0]  }
0x47b: {  	v20 =	vld [tilespmem:$0x1F200]  }
0x47c: {  	v7 =	vmul.f32 v44, v42;
	v42 =	vld [tilespmem:$0x1F2B0]  }
0x47d: {  	v44 =	vld [tilespmem:$0x77C0]  }
0x47e: {  	[tilespmem:$0x1FD30] =	vst v22;
	v22 =	vadd.f32 v6, v3;
	v6 =	vmul.f32 v33, v32;
	v33 =	vld [tilespmem:$0x9900]  }
0x47f: {  	v23 =	vadd.f32 v5, v4;
	v4 =	vmul.f32 v25, v24;
	v24 =	vld [tilespmem:$0x1F230]  }
0x480: {  	v25 =	vld [tilespmem:$0x1F240]  }
0x481: {  	v5 =	vmul.f32 v31, v30;
	v30 =	vld [tilespmem:$0x1F260]  }
0x482: {  	v0 =	vadd.f32 v2, v0;
	v31 =	vld [tilespmem:$0x1F270]  }
0x483: {  	v32 =	vld [tilespmem:$0x1F280]  }
0x484: {  	v0 =	vadd.f32 v1, v0;
	v1 =	vmul.f32 v29, v27;
	v29 =	vld [tilespmem:$0x9800]  }
0x485: {  	v3 =	vadd.f32 v4, v23;
	v4 =	vmul.f32 v35, v34;
	v35 =	vld [tilespmem:$0x74C0]  }
0x486: {  	v34 =	vld [tilespmem:$0x9980]  }
0x487: {  	v2 =	vadd.f32 v6, v22;
	v22 =	vld [tilespmem:$0x9A80]  }
0x488: {  	v23 =	vld [tilespmem:$0x1F220]  }
0x489: {  	v27 =	vld [tilespmem:$0x7740]  }
0x48a: {  	v6 =	vmul.f32 v60, v59;
	v59 =	vld [tilespmem:$0x9B80]  }
0x48b: {  	v60 =	vld [tilespmem:$0x1F320]  }
0x48c: {  	[tilespmem:$0x1FDE0] =	vst v12;
	v12 =	vld [tilespmem:$0x1F370]  }
0x48d: {  	[tilespmem:$0x1FE10] =	vst v19;
	v19 =	vld [tilespmem:$0x1F3C0]  }
0x48e: {  	v0 =	vadd.f32 v1, v0;
	v1 =	vadd.f32 v5, v39;
	v39 =	vld [tilespmem:$0x1F290]  }
0x48f: {  	v5 =	vmul.f32 v41, v40;
	v40 =	vld [tilespmem:$0x9B00]  }
0x490: {  	v41 =	vld [tilespmem:$0x1F2A0]  }
0x491: {  	v3 =	vadd.f32 v4, v3;
	v4 =	vmul.f32 v46, v45;
	v45 =	vld [tilespmem:$0x1F2C0]  }
0x492: {  	v46 =	vld [tilespmem:$0x1F2D0]  }
0x493: {  	[tilespmem:$0x1FF70] =	vst v2;
	v2 =	vmul.f32 v48, v47;
	v47 =	vld [tilespmem:$0x1F2E0]  }
0x494: {  	v48 =	vld [tilespmem:$0x1F2F0]  }
0x495: {  	[tilespmem:$0x1FE90] =	vst v44;
	v44 =	vld [tilespmem:$0x9D80]  }
0x496: {  	v3 =	vadd.f32 v4, v3;
	v4 =	vadd.f32 v50, v61;
	v50 =	vld [tilespmem:$0x1F300]  }
0x497: {  	v1 =	vadd.f32 v5, v1;
	v5 =	vmul.f32 v52, v51;
	v51 =	vld [tilespmem:$0x1F310]  }
0x498: {  	v52 =	vld [tilespmem:$0x8440]  }
0x499: {  	v61 =	vld [tilespmem:$0x1F330]  }
0x49a: {  	v0 =	vadd.f32 v7, v0;
	v7 =	vmul.f32 v63, v62;
	v62 =	vld [tilespmem:$0x9C00]  }
0x49b: {  	v63 =	vld [tilespmem:$0x1F340]  }
0x49c: {  	[tilespmem:$0x1FE20] =	vst v22;
	v22 =	vld [tilespmem:$0x8540]  }
0x49d: {  	[tilespmem:$0x1FE50] =	vst v27;
	v27 =	vld [tilespmem:$0x1F420]  }
0x49e: {  	v35 =	vmul.f32 v53, v35;
	v53 =	vld [tilespmem:$0x1FD20]  }
0x49f: {  	v3 =	vadd.f32 v5, v3;
	v5 =	vmul.f32 v14, v13;
	v13 =	vld [tilespmem:$0x84C0]  }
0x4a0: {  	v14 =	vld [tilespmem:$0x1F380]  }
0x4a1: {  	v4 =	vadd.f32 v7, v4;
	v7 =	vmul.f32 v16, v15;
	v15 =	vld [tilespmem:$0x1F390]  }
0x4a2: {  	v16 =	vld [tilespmem:$0x1F3A0]  }
0x4a3: {  	v0 =	vadd.f32 v6, v0;
	v6 =	vmul.f32 v24, v23;
	v23 =	vld [tilespmem:$0x1F3F0]  }
0x4a4: {  	v24 =	vld [tilespmem:$0x1F400]  }
0x4a5: {  	v1 =	vadd.f32 v2, v1;
	v2 =	vmul.f32 v55, v54;
	[tilespmem:$0x1FE60] =	vst v40;
	v40 =	vld [tilespmem:$0x1F460]  }
0x4a6: {  	[tilespmem:$0x1FF90] =	vst v44;
	v44 =	vld [tilespmem:$0x7550]  }
0x4a7: {  	v1 =	vadd.f32 v2, v1;
	v2 =	vmul.f32 v11, v9;
	v9 =	vld [tilespmem:$0x1F350]  }
0x4a8: {  	v11 =	vld [tilespmem:$0x1F360]  }
0x4a9: {  	v3 =	vadd.f32 v5, v3;
	v5 =	vmul.f32 v21, v20;
	v20 =	vld [tilespmem:$0x1F3D0]  }
0x4aa: {  	v21 =	vld [tilespmem:$0x1F3E0]  }
0x4ab: {  	v4 =	vadd.f32 v7, v4;
	v7 =	vmul.f32 v31, v30;
	v30 =	vld [tilespmem:$0x1F430]  }
0x4ac: {  	v31 =	vld [tilespmem:$0x1F440]  }
0x4ad: {  	[tilespmem:$0x1FEE0] =	vst v52;
	v52 =	vld [tilespmem:$0x1F4F0]  }
0x4ae: {  	[tilespmem:$0x1FEF0] =	vst v62;
	v62 =	vld [tilespmem:$0x1F520]  }
0x4af: {  	v1 =	vadd.f32 v2, v1;
	v2 =	vmul.f32 v18, v17;
	v17 =	vld [tilespmem:$0x1F3B0]  }
0x4b0: {  	v18 =	vld [tilespmem:$0x9C80]  }
0x4b1: {  	v4 =	vadd.f32 v5, v4;
	v5 =	vmul.f32 v39, v32;
	v32 =	vld [tilespmem:$0x85C0]  }
0x4b2: {  	v39 =	vld [tilespmem:$0x1F450]  }
0x4b3: {  	v3 =	vadd.f32 v6, v3;
	v6 =	vmul.f32 v46, v45;
	v45 =	vld [tilespmem:$0x1F490]  }
0x4b4: {  	v46 =	vld [tilespmem:$0x1F4A0]  }
0x4b5: {  	[tilespmem:$0x1FF20] =	vst v22;
	v22 =	vld [tilespmem:$0x1F5F0]  }
0x4b6: {  	[tilespmem:$0x1FF00] =	vst v13;
	v13 =	vld [tilespmem:$0x1F570]  }
0x4b7: {  	v1 =	vadd.f32 v2, v1;
	v2 =	vmul.f32 v26, v25;
	v25 =	vld [tilespmem:$0x9D00]  }
0x4b8: {  	v26 =	vld [tilespmem:$0x1F410]  }
0x4b9: {  	v4 =	vadd.f32 v5, v4;
	v5 =	vmul.f32 v48, v47;
	v47 =	vld [tilespmem:$0x8640]  }
0x4ba: {  	v48 =	vld [tilespmem:$0x1F4B0]  }
0x4bb: {  	v54 =	vadd.f32 v6, v3;
	v6 =	vmul.f32 v15, v14;
	v14 =	vld [tilespmem:$0x1F580]  }
0x4bc: {  	v15 =	vld [tilespmem:$0x1F590]  }
0x4bd: {  	v1 =	vadd.f32 v2, v1;
	v2 =	vmul.f32 v42, v41;
	v41 =	vld [tilespmem:$0x1F470]  }
0x4be: {  	v42 =	vld [tilespmem:$0x1F480]  }
0x4bf: {  	v55 =	vadd.f32 v5, v4;
	v4 =	vmul.f32 v61, v60;
	v60 =	vld [tilespmem:$0x1F510]  }
0x4c0: {  	v5 =	vmul.f32 v9, v63;
	v63 =	vld [tilespmem:$0x1F530]  }
0x4c1: {  	v9 =	vld [tilespmem:$0x1F540]  }
0x4c2: {  	[tilespmem:$0x1FF10] =	vst v18;
	v18 =	vld [tilespmem:$0x1F5C0]  }
0x4c3: {  	[tilespmem:$0x1FF80] =	vst v32;
	v32 =	vld [tilespmem:$0x9880]  }
0x4c4: {  	[tilespmem:$0x1FD50] =	vst v49;
	v49 =	vadd.f32 v2, v1;
	v1 =	vmul.f32 v51, v50;
	v50 =	vld [tilespmem:$0x1F4D0]  }
0x4c5: {  	v51 =	vld [tilespmem:$0x1F4E0]  }
0x4c6: {  	v2 =	vadd.f32 v5, v54;
	v54 =	vld [tilespmem:$0x9E00]  }
0x4c7: {  	v3 =	vadd.f32 v4, v55;
	v55 =	vld [tilespmem:$0x1F500]  }
0x4c8: {  	v4 =	vmul.f32 v17, v16;
	v16 =	vld [tilespmem:$0x1F5A0]  }
0x4c9: {  	v17 =	vld [tilespmem:$0x1F5B0]  }
0x4ca: {  	v5 =	vmul.f32 v24, v23;
	v24 =	vld [tilespmem:$0x1F6E0]  }
0x4cb: {  	v0 =	vadd.f32 v7, v0;
	[tilespmem:$0x1FFE0] =	vst v47;
	v47 =	vld [tilespmem:$0x1F630]  }
0x4cc: {  	[tilespmem:$0x1FF30] =	vst v25;
	v25 =	vld [tilespmem:$0x1F6F0]  }
0x4cd: {  	[tilespmem:$0x1FFA0] =	vst v0;
	v0 =	vadd.f32 v1, v49;
	v49 =	vld [tilespmem:$0x1F4C0]  }
0x4ce: {  	v1 =	vmul.f32 v12, v11;
	v11 =	vld [tilespmem:$0x1F550]  }
0x4cf: {  	v12 =	vld [tilespmem:$0x1F560]  }
0x4d0: {  	[tilespmem:$0x1FFB0] =	vst v2;
	v2 =	vmul.f32 v21, v20;
	v21 =	vld [tilespmem:$0x1F5E0]  }
0x4d1: {  	v3 =	vadd.f32 v4, v3;
	v4 =	vmul.f32 v27, v26;
	v27 =	vld [tilespmem:$0x1F600]  }
0x4d2: {  	v26 =	vld [tilespmem:$0x9900]  }
0x4d3: {  	v0 =	vadd.f32 v6, v0;
	v6 =	vmul.f32 v42, v41;
	v42 =	vld [tilespmem:$0x7450]  }
0x4d4: {  	v41 =	vld [tilespmem:$0x74D0]  }
0x4d5: {  	v1 =	vadd.f32 v1, v19;
	v19 =	vld [tilespmem:$0x1F5D0]  }
0x4d6: {  	v7 =	vmul.f32 v52, v51;
	v52 =	vld [tilespmem:$0xA000]  }
0x4d7: {  	[tilespmem:$0x1FFF0] =	vst v54;
	v54 =	vld [tilespmem:$0x1F660]  }
0x4d8: {  	v1 =	vadd.f32 v2, v1;
	v2 =	vmul.f32 v31, v30;
	v30 =	vld [tilespmem:$0x9800]  }
0x4d9: {  	v31 =	vld [tilespmem:$0x1F610]  }
0x4da: {  	v6 =	vadd.f32 v6, v50;
	v50 =	vld [tilespmem:$0x1F650]  }
0x4db: {  	v3 =	vadd.f32 v4, v3;
	v4 =	vmul.f32 v49, v48;
	v49 =	vld [tilespmem:$0x1F640]  }
0x4dc: {  	v23 =	vmul.f32 v22, v21;
	v21 =	vld [tilespmem:$0x1F6C0]  }
0x4dd: {  	v22 =	vld [tilespmem:$0x1F6D0]  }
0x4de: {  	v1 =	vadd.f32 v2, v1;
	v2 =	vmul.f32 v46, v45;
	v46 =	vld [tilespmem:$0x1F620]  }
0x4df: {  	v0 =	vadd.f32 v5, v0;
	v45 =	vld [tilespmem:$0x75D0]  }
0x4e0: {  	v5 =	vmul.f32 v40, v39;
	v61 =	vadd.f32 v7, v6;
	v6 =	vmul.f32 v63, v62;
	v62 =	vld [tilespmem:$0x1F690]  }
0x4e1: {  	v7 =	vmul.f32 v11, v9;
	v9 =	vld [tilespmem:$0x1F6B0]  }
0x4e2: {  	v0 =	vadd.f32 v5, v0;
	v5 =	vld [tilespmem:$0x1F780]  }
0x4e3: {  	v20 =	vmul.f32 v19, v18;
	v18 =	vld [tilespmem:$0x1F9E0]  }
0x4e4: {  	v19 =	vld [tilespmem:$0x1F9F0]  }
0x4e5: {  	v41 =	vmul.f32 v32, v41;
	v32 =	vld [tilespmem:$0x9E00]  }
0x4e6: {  	v8 =	vmul.f32 v15, v14;
	v1 =	vadd.f32 v2, v1;
	v2 =	vmul.f32 v60, v55;
	v55 =	vld [tilespmem:$0x1F670]  }
0x4e7: {  	v3 =	vadd.f32 v4, v3;
	v4 =	vadd.f32 v6, v61;
	v61 =	vld [tilespmem:$0x1F680]  }
0x4e8: {  	v0 =	vadd.f32 v8, v0;
	v8 =	vld [tilespmem:$0x1F6A0]  }
0x4e9: {  	v39 =	vmul.f32 v31, v27;
	v27 =	vld [tilespmem:$0x9980]  }
0x4ea: {  	v31 =	vld [tilespmem:$0x1F700]  }
0x4eb: {  	v42 =	vmul.f32 v30, v42;
	v30 =	vld [tilespmem:$0x9D80]  }
0x4ec: {  	v51 =	vmul.f32 v50, v49;
	v50 =	vld [tilespmem:$0x1F730]  }
0x4ed: {  	v1 =	vadd.f32 v2, v1;
	v2 =	vmul.f32 v13, v12;
	v12 =	vld [tilespmem:$0x1F860]  }
0x4ee: {  	v48 =	vmul.f32 v47, v46;
	v47 =	vld [tilespmem:$0x1F710]  }
0x4ef: {  	v46 =	vld [tilespmem:$0x9B00]  }
0x4f0: {  	v6 =	vmul.f32 v17, v16;
	v42 =	vadd.f32 v42, v52;
	v52 =	vld [tilespmem:$0x1FE50]  }
0x4f1: {  	v63 =	vmul.f32 v62, v61;
	v61 =	vld [tilespmem:$0x1F750]  }
0x4f2: {  	v4 =	vadd.f32 v6, v4;
	v62 =	vld [tilespmem:$0x1F760]  }
0x4f3: {  	v11 =	vmul.f32 v9, v8;
	v8 =	vld [tilespmem:$0x1F790]  }
0x4f4: {  	v4 =	vadd.f32 v39, v4;
	v9 =	vld [tilespmem:$0x1F7A0]  }
0x4f5: {  	v3 =	vadd.f32 v7, v3;
	v39 =	vmul.f32 v31, v25;
	v31 =	vld [tilespmem:$0x9A00]  }
0x4f6: {  	v2 =	vadd.f32 v2, v1;
	v6 =	vadd.f32 v51, v4;
	v51 =	vld [tilespmem:$0x1F740]  }
0x4f7: {  	v13 =	vadd.f32 v23, v3;
	v4 =	vld [tilespmem:$0x1F770]  }
0x4f8: {  	v40 =	vadd.f32 v20, v2;
	v14 =	vadd.f32 v63, v24;
	v24 =	vld [tilespmem:$0x1F7C0]  }
0x4f9: {  	v23 =	vmul.f32 v22, v21;
	v60 =	vmul.f32 v55, v54;
	v55 =	vadd.f32 v11, v13;
	v13 =	vld [tilespmem:$0x1F870]  }
0x4fa: {  	[tilespmem:$0x1FFC0] =	vst v0;
	v0 =	vadd.f32 v48, v40;
	v48 =	vld [tilespmem:$0x1F720]  }
0x4fb: {  	v16 =	vadd.f32 v23, v6;
	v23 =	vld [tilespmem:$0x1F7B0]  }
0x4fc: {  	[tilespmem:$0x1FFD0] =	vst v55;
	v55 =	vld [tilespmem:$0x1F7E0]  }
0x4fd: {  	v63 =	vmul.f32 v62, v61;
	v61 =	vld [tilespmem:$0x1F7F0]  }
0x4fe: {  	v62 =	vld [tilespmem:$0x1F800]  }
0x4ff: {  	v11 =	vmul.f32 v9, v8;
	v8 =	vld [tilespmem:$0x1F840]  }
0x500: {  	v6 =	vmul.f32 v5, v4;
	v4 =	vld [tilespmem:$0x1F810]  }
0x501: {  	v54 =	vmul.f32 v51, v50;
	v5 =	vld [tilespmem:$0x1F820]  }
0x502: {  	v0 =	vadd.f32 v60, v0;
	v60 =	vadd.f32 v39, v14;
	v14 =	vmul.f32 v12, v13;
	v13 =	vld [tilespmem:$0x1F900]  }
0x503: {  	v49 =	vmul.f32 v48, v47;
	v7 =	vadd.f32 v54, v16;
	v54 =	vld [tilespmem:$0x1F7D0]  }
0x504: {  	v15 =	vadd.f32 v63, v60;
	v16 =	vld [tilespmem:$0x1F890]  }
0x505: {  	v25 =	vmul.f32 v24, v23;
	v0 =	vadd.f32 v49, v0;
	v20 =	vadd.f32 v11, v7;
	v11 =	vld [tilespmem:$0x1F850]  }
0x506: {  	v7 =	vld [tilespmem:$0x1F830]  }
0x507: {  	v21 =	vadd.f32 v25, v15;
	v15 =	vld [tilespmem:$0x1F880];
	v0 =	vadd.f32 v6, v0;
	v6 =	vmul.f32 v5, v4  }
0x508: {  	v63 =	vmul.f32 v62, v61;
	v4 =	vld [tilespmem:$0x1F8B0]  }
0x509: {  	v21 =	vadd.f32 v6, v21;
	v6 =	vld [tilespmem:$0x1F8C0]  }
0x50a: {  	v22 =	vadd.f32 v63, v11;
	v63 =	vld [tilespmem:$0x1F8A0]  }
0x50b: {  	v9 =	vmul.f32 v8, v7;
	v7 =	vld [tilespmem:$0x1F8D0]  }
0x50c: {  	v17 =	vmul.f32 v16, v15;
	v15 =	vld [tilespmem:$0x1F920]  }
0x50d: {  	v16 =	vld [tilespmem:$0x1F930]  }
0x50e: {  	v11 =	vld [tilespmem:$0x1F8F0]  }
0x50f: {  	v60 =	vmul.f32 v55, v54;
	v55 =	vadd.f32 v14, v22;
	v14 =	vld [tilespmem:$0x1F910]  }
0x510: {  	v20 =	vadd.f32 v9, v20;
	v9 =	vld [tilespmem:$0x1F8E0]  }
0x511: {  	v27 =	vmul.f32 v27, v45;
	v45 =	vld [tilespmem:$0x1FEE0]  }
0x512: {  	v23 =	vadd.f32 v17, v21;
	v17 =	vmul.f32 v16, v15;
	v15 =	vld [tilespmem:$0x1F960]  }
0x513: {  	v8 =	vmul.f32 v7, v6;
	v16 =	vld [tilespmem:$0x1F970]  }
0x514: {  	v5 =	vmul.f32 v4, v63;
	v63 =	vmul.f32 v14, v13;
	v13 =	vld [tilespmem:$0x1F950]  }
0x515: {  	v12 =	vmul.f32 v11, v9;
	v20 =	vadd.f32 v8, v20;
	v8 =	vld [tilespmem:$0x1F980]  }
0x516: {  	v9 =	vld [tilespmem:$0x1F990]  }
0x517: {  	v25 =	vadd.f32 v5, v55;
	v55 =	vadd.f32 v12, v23;
	v12 =	vld [tilespmem:$0x1F940]  }
0x518: {  	v40 =	vld [tilespmem:$0x7650]  }
0x519: {  	v39 =	vld [tilespmem:$0x9A80]  }
0x51a: {  	v2 =	vadd.f32 v60, v0;
	v0 =	vmul.f32 v16, v15;
	v16 =	vld [tilespmem:$0x1F9C0]  }
0x51b: {  	v11 =	vmul.f32 v9, v8;
	v8 =	vld [tilespmem:$0x1FA10]  }
0x51c: {  	v14 =	vmul.f32 v13, v12;
	v12 =	vld [tilespmem:$0x1F9A0]  }
0x51d: {  	v17 =	vadd.f32 v17, v25;
	v13 =	vld [tilespmem:$0x1F9B0]  }
0x51e: {  	v9 =	vld [tilespmem:$0x1FA20]  }
0x51f: {  	v15 =	vadd.f32 v11, v17;
	v17 =	vld [tilespmem:$0x1F9D0]  }
0x520: {  	v11 =	vld [tilespmem:$0x1FA30]  }
0x521: {  	v20 =	vadd.f32 v0, v20;
	v0 =	vmul.f32 v19, v18;
	v19 =	vld [tilespmem:$0x1FA90]  }
0x522: {  	v61 =	vadd.f32 v14, v55;
	v14 =	vmul.f32 v13, v12;
	v12 =	vld [tilespmem:$0x1FA40]  }
0x523: {  	v13 =	vld [tilespmem:$0x1FA50]  }
0x524: {  	v1 =	vmul.f32 v17, v16;
	v16 =	vld [tilespmem:$0x1FA80]  }
0x525: {  	v4 =	vmul.f32 v11, v9;
	v9 =	vld [tilespmem:$0x1FAA0]  }
0x526: {  	v11 =	vld [tilespmem:$0x1FAB0]  }
0x527: {  	v60 =	vadd.f32 v14, v61;
	v61 =	vld [tilespmem:$0x1FA00]  }
0x528: {  	v3 =	vadd.f32 v1, v15;
	v15 =	vld [tilespmem:$0x1FA70]  }
0x529: {  	v14 =	vld [tilespmem:$0x1FA60]  }
0x52a: {  	v1 =	vmul.f32 v13, v12;
	v12 =	vld [tilespmem:$0x1FAC0]  }
0x52b: {  	v63 =	vadd.f32 v63, v2;
	v13 =	vld [tilespmem:$0x1FAD0]  }
0x52c: {  	v5 =	vadd.f32 v0, v60;
	v0 =	vmul.f32 v9, v19;
	v19 =	vld [tilespmem:$0x1FB10];
	v2 =	vmul.f32 v8, v61  }
0x52d: {  	v17 =	vmul.f32 v15, v16;
	v15 =	vld [tilespmem:$0x1FAE0]  }
0x52e: {  	v16 =	vld [tilespmem:$0x1FAF0];
	v2 =	vadd.f32 v2, v14  }
0x52f: {  	v8 =	vld [tilespmem:$0x1FB20]  }
0x530: {  	v1 =	vadd.f32 v1, v3;
	v3 =	vmul.f32 v12, v11;
	v2 =	vadd.f32 v17, v2;
	v17 =	vld [tilespmem:$0x1FB00]  }
0x531: {  	v20 =	vadd.f32 v4, v20;
	v12 =	vld [tilespmem:$0x1FB40]  }
0x532: {  	v4 =	vmul.f32 v15, v13;
	v1 =	vadd.f32 v3, v1;
	v3 =	vmul.f32 v36, v10;
	v10 =	vld [tilespmem:$0x1FB30]  }
0x533: {  	v13 =	vld [tilespmem:$0x1FB50]  }
0x534: {  	v2 =	vadd.f32 v4, v2;
	v4 =	vmul.f32 v19, v8;
	v19 =	vld [tilespmem:$0x1FB80]  }
0x535: {  	v36 =	vmul.f32 v16, v17;
	v16 =	vld [tilespmem:$0x1FB60]  }
0x536: {  	v17 =	vld [tilespmem:$0x1FB70]  }
0x537: {  	v1 =	vadd.f32 v36, v1;
	v36 =	vld [tilespmem:$0x1FB90]  }
0x538: {  	v50 =	vld [tilespmem:$0x77D0]  }
0x539: {  	v51 =	vld [tilespmem:$0x9C00]  }
0x53a: {  	v47 =	vld [tilespmem:$0x76D0];
	v5 =	vadd.f32 v0, v5;
	v3 =	vadd.f32 v3, v13  }
0x53b: {  	v2 =	vadd.f32 v4, v2;
	v0 =	vmul.f32 v12, v10;
	v4 =	vmul.f32 v16, v17;
	v17 =	vld [tilespmem:$0x1FBB0]  }
0x53c: {  	v10 =	vmul.f32 v38, v58;
	v3 =	vadd.f32 v37, v3;
	v36 =	vmul.f32 v36, v19;
	v19 =	vld [tilespmem:$0x1FBC0]  }
0x53d: {  	v58 =	vld [tilespmem:$0x1FBD0]  }
0x53e: {  	v3 =	vadd.f32 v10, v3;
	v10 =	vld [tilespmem:$0x1FBE0]  }
0x53f: {  	v48 =	vld [tilespmem:$0x7750]  }
0x540: {  	v13 =	vld [tilespmem:$0x1FBF0]  }
0x541: {  	v2 =	vadd.f32 v4, v2;
	v4 =	vmul.f32 v17, v19;
	v17 =	vld [tilespmem:$0x1FC00]  }
0x542: {  	v24 =	vld [tilespmem:$0x8550]  }
0x543: {  	v1 =	vadd.f32 v36, v1;
	v36 =	vmul.f32 v10, v58;
	v58 =	vld [tilespmem:$0x1FC20]  }
0x544: {  	v19 =	vld [tilespmem:$0x1FC10]  }
0x545: {  	v10 =	vld [tilespmem:$0x1FC30]  }
0x546: {  	v7 =	vadd.f32 v0, v5;
	v0 =	vmul.f32 v17, v13;
	v17 =	vld [tilespmem:$0x1FC40]  }
0x547: {  	v40 =	vmul.f32 v31, v40;
	v31 =	vld [tilespmem:$0x7570]  }
0x548: {  	v3 =	vadd.f32 v36, v3;
	v36 =	vld [tilespmem:$0x1FC60]  }
0x549: {  	v2 =	vadd.f32 v4, v2;
	v4 =	vmul.f32 v58, v19;
	v19 =	vld [tilespmem:$0x1FC50]  }
0x54a: {  	v58 =	vld [tilespmem:$0x1FC70]  }
0x54b: {  	v6 =	vmul.f32 v17, v10;
	v17 =	vld [tilespmem:$0x1FC80]  }
0x54c: {  	v49 =	vld [tilespmem:$0x9B80]  }
0x54d: {  	v62 =	vld [tilespmem:$0x85D0]  }
0x54e: {  	v54 =	vld [tilespmem:$0x8450]  }
0x54f: {  	v36 =	vmul.f32 v36, v19;
	v19 =	vld [tilespmem:$0x1FC90]  }
0x550: {  	v5 =	vadd.f32 v0, v1;
	v1 =	vmul.f32 v58, v17;
	v58 =	vld [tilespmem:$0x1FCA0]  }
0x551: {  	v39 =	vmul.f32 v39, v47;
	v47 =	vld [tilespmem:$0x7670]  }
0x552: {  	v22 =	vld [tilespmem:$0x84D0]  }
0x553: {  	v21 =	vld [tilespmem:$0x9C80]  }
0x554: {  	v23 =	vld [tilespmem:$0x9D00]  }
0x555: {  	v0 =	vmul.f32 v58, v19;
	v19 =	vld [tilespmem:$0x1FCB0]  }
0x556: {  	v25 =	vld [tilespmem:$0x8650]  }
0x557: {  	v36 =	vadd.f32 v36, v3;
	v3 =	vadd.f32 v1, v5;
	v5 =	vmul.f32 v29, v43;
	v43 =	vld [tilespmem:$0x1FCE0]  }
0x558: {  	v58 =	vld [tilespmem:$0x1FCF0]  }
0x559: {  	v18 =	vld [tilespmem:$0xA000]  }
0x55a: {  	v55 =	vld [tilespmem:$0x9D80];
	v2 =	vadd.f32 v4, v2;
	v28 =	vmul.f32 v28, v19  }
0x55b: {  	v29 =	vld [tilespmem:$0x1FCC0]  }
0x55c: {  	v0 =	vadd.f32 v0, v2;
	v2 =	vadd.f32 v28, v36;
	v36 =	vld [tilespmem:$0x1FCD0]  }
0x55d: {  	v43 =	vmul.f32 v58, v43;
	v58 =	vld [tilespmem:$0x1FD10]  }
0x55e: {  	v60 =	vld [tilespmem:$0x74E0]  }
0x55f: {  	v9 =	vld [tilespmem:$0x9800]  }
0x560: {  	v61 =	vld [tilespmem:$0x9E00]  }
0x561: {  	v14 =	vld [tilespmem:$0x7460];
	v28 =	vmul.f32 v36, v29  }
0x562: {  	v53 =	vmul.f32 v53, v58;
	v58 =	vld [tilespmem:$0x1FD30]  }
0x563: {  	v2 =	vadd.f32 v28, v2;
	v28 =	vld [tilespmem:$0x1FD40]  }
0x564: {  	v11 =	vld [tilespmem:$0x9880]  }
0x565: {  	v15 =	vld [tilespmem:$0x7560]  }
0x566: {  	v8 =	vld [tilespmem:$0x9900]  }
0x567: {  	v1 =	vadd.f32 v43, v0;
	v0 =	vld [tilespmem:$0x1FD60]  }
0x568: {  	v9 =	vmul.f32 v9, v14;
	v28 =	vmul.f32 v28, v58;
	v58 =	vld [tilespmem:$0x1FD70]  }
0x569: {  	v11 =	vmul.f32 v11, v60;
	v60 =	vld [tilespmem:$0x1FF00]  }
0x56a: {  	v9 =	vadd.f32 v9, v18;
	v18 =	vld [tilespmem:$0x9980]  }
0x56b: {  	v38 =	vld [tilespmem:$0x9980]  }
0x56c: {  	v2 =	vadd.f32 v28, v2;
	v28 =	vld [tilespmem:$0x1FD80]  }
0x56d: {  	v0 =	vmul.f32 v58, v0;
	v58 =	vld [tilespmem:$0x1FD90]  }
0x56e: {  	v12 =	vld [tilespmem:$0x7660]  }
0x56f: {  	v37 =	vld [tilespmem:$0x9A00]  }
0x570: {  	v16 =	vld [tilespmem:$0x75E0]  }
0x571: {  	v0 =	vadd.f32 v0, v1;
	v1 =	vld [tilespmem:$0x1FDB0]  }
0x572: {  	v28 =	vmul.f32 v58, v28;
	v58 =	vld [tilespmem:$0x1FDC0]  }
0x573: {  	v13 =	vld [tilespmem:$0x76E0]  }
0x574: {  	v4 =	vld [tilespmem:$0x9B00]  }
0x575: {  	v10 =	vld [tilespmem:$0x9A80]  }
0x576: {  	v17 =	vld [tilespmem:$0x7760]  }
0x577: {  	v1 =	vmul.f32 v58, v1;
	v58 =	vld [tilespmem:$0x1FDD0]  }
0x578: {  	v19 =	vadd.f32 v6, v7;
	v7 =	vld [tilespmem:$0x77E0]  }
0x579: {  	v43 =	vld [tilespmem:$0x1FD50]  }
0x57a: {  	v36 =	vld [tilespmem:$0x1FD00]  }
0x57b: {  	v0 =	vadd.f32 v1, v0;
	v1 =	vld [tilespmem:$0x1FDF0]  }
0x57c: {  	v28 =	vadd.f32 v28, v2;
	v2 =	vmul.f32 v58, v57;
	v57 =	vld [tilespmem:$0x1FE00]  }
0x57d: {  	v58 =	vld [tilespmem:$0x1FDE0]  }
0x57e: {  	v6 =	vld [tilespmem:$0x9C00]  }
0x57f: {  	v3 =	vadd.f32 v53, v3;
	v53 =	vld [tilespmem:$0x1FDA0]  }
0x580: {  	v29 =	vld [tilespmem:$0x9B80];
	v5 =	vadd.f32 v5, v36  }
0x581: {  	v1 =	vmul.f32 v1, v57;
	v57 =	vld [tilespmem:$0x1FE10]  }
0x582: {  	v33 =	vmul.f32 v33, v43;
	v5 =	vadd.f32 v35, v5;
	v56 =	vmul.f32 v56, v58;
	v58 =	vld [tilespmem:$0x1FE20]  }
0x583: {  	v43 =	vld [tilespmem:$0x9C80]  }
0x584: {  	v36 =	vld [tilespmem:$0x8460];
	v53 =	vmul.f32 v34, v53;
	v33 =	vadd.f32 v33, v5  }
0x585: {  	v34 =	vld [tilespmem:$0x8560]  }
0x586: {  	v53 =	vadd.f32 v53, v33;
	v2 =	vadd.f32 v2, v28;
	v28 =	vld [tilespmem:$0x1FE30]  }
0x587: {  	v57 =	vmul.f32 v58, v57;
	v58 =	vld [tilespmem:$0x1FE40]  }
0x588: {  	v7 =	vmul.f32 v29, v7;
	v29 =	vld [tilespmem:$0x1FF90];
	v56 =	vadd.f32 v56, v53  }
0x589: {  	v35 =	vld [tilespmem:$0x84E0]  }
0x58a: {  	v0 =	vadd.f32 v1, v0;
	v1 =	vadd.f32 v57, v56;
	v56 =	vld [tilespmem:$0x1FE60]  }
0x58b: {  	v57 =	vld [tilespmem:$0x1FE70]  }
0x58c: {  	v28 =	vmul.f32 v58, v28;
	v58 =	vld [tilespmem:$0x1FE80]  }
0x58d: {  	v5 =	vld [tilespmem:$0x9D00]  }
0x58e: {  	v33 =	vld [tilespmem:$0x85E0]  }
0x58f: {  	v53 =	vld [tilespmem:$0x8660]  }
0x590: {  	v26 =	vmul.f32 v26, v44;
	v52 =	vmul.f32 v56, v52;
	v56 =	vld [tilespmem:$0xA000]  }
0x591: {  	v2 =	vadd.f32 v28, v2;
	v28 =	vadd.f32 v41, v42;
	v42 =	vmul.f32 v58, v57;
	v57 =	vld [tilespmem:$0x1FE90]  }
0x592: {  	v41 =	vld [tilespmem:$0x7470]  }
0x593: {  	v1 =	vadd.f32 v52, v1;
	v52 =	vld [tilespmem:$0x9800];
	v26 =	vadd.f32 v26, v28  }
0x594: {  	v28 =	vld [tilespmem:$0x74F0]  }
0x595: {  	v58 =	vld [tilespmem:$0x1FEB0];
	v26 =	vadd.f32 v27, v26  }
0x596: {  	v44 =	vmul.f32 v59, v57;
	v57 =	vld [tilespmem:$0x1FEA0]  }
0x597: {  	v26 =	vadd.f32 v40, v26;
	v40 =	vld [tilespmem:$0x75F0]  }
0x598: {  	v59 =	vld [tilespmem:$0x1FED0]  }
0x599: {  	v26 =	vadd.f32 v39, v26;
	v39 =	vld [tilespmem:$0x1FFB0]  }
0x59a: {  	v1 =	vadd.f32 v44, v1;
	v44 =	vld [tilespmem:$0x9880]  }
0x59b: {  	v57 =	vmul.f32 v58, v57;
	v58 =	vld [tilespmem:$0x1FEC0]  }
0x59c: {  	v18 =	vmul.f32 v18, v40;
	v40 =	vmul.f32 v49, v50;
	v49 =	vld [tilespmem:$0x9B80]  }
0x59d: {  	v50 =	vmul.f32 v51, v54;
	v54 =	vld [tilespmem:$0x1FF40]  }
0x59e: {  	v0 =	vadd.f32 v57, v0;
	v57 =	vld [tilespmem:$0x76F0]  }
0x59f: {  	v28 =	vmul.f32 v44, v28;
	v44 =	vld [tilespmem:$0x9B00]  }
0x5a0: {  	v2 =	vadd.f32 v42, v2;
	v42 =	vmul.f32 v59, v58;
	v58 =	vld [tilespmem:$0x1FEF0];
	v59 =	vmul.f32 v52, v41  }
0x5a1: {  	v52 =	vld [tilespmem:$0x9A00]  }
0x5a2: {  	v27 =	vadd.f32 v59, v56;
	v59 =	vld [tilespmem:$0x9A80]  }
0x5a3: {  	v56 =	vmul.f32 v46, v48;
	v46 =	vld [tilespmem:$0x1FF30]  }
0x5a4: {  	v2 =	vadd.f32 v42, v2;
	v42 =	vld [tilespmem:$0x1FFC0]  }
0x5a5: {  	v8 =	vmul.f32 v8, v15;
	v15 =	vadd.f32 v56, v26;
	v56 =	vld [tilespmem:$0x9C00]  }
0x5a6: {  	v26 =	vld [tilespmem:$0x9C80];
	v45 =	vmul.f32 v58, v45  }
0x5a7: {  	v58 =	vld [tilespmem:$0x9900]  }
0x5a8: {  	v1 =	vadd.f32 v45, v1;
	v45 =	vld [tilespmem:$0x1FF10]  }
0x5a9: {  	v27 =	vadd.f32 v28, v27;
	v28 =	vld [tilespmem:$0x1FF80]  }
0x5aa: {  	v9 =	vadd.f32 v11, v9;
	v11 =	vmul.f32 v52, v47;
	v47 =	vld [tilespmem:$0x77F0]  }
0x5ab: {  	v52 =	vld [tilespmem:$0x8470]  }
0x5ac: {  	v15 =	vadd.f32 v40, v15;
	v51 =	vmul.f32 v59, v57;
	v57 =	vld [tilespmem:$0x1FF50];
	v14 =	vmul.f32 v58, v31  }
0x5ad: {  	v8 =	vadd.f32 v8, v9;
	v59 =	vld [tilespmem:$0x1FF60];
	v58 =	vmul.f32 v38, v16;
	v41 =	vmul.f32 v45, v60  }
0x5ae: {  	v48 =	vmul.f32 v10, v13;
	v13 =	vadd.f32 v50, v15;
	v50 =	vld [tilespmem:$0x1FFF0];
	v14 =	vadd.f32 v14, v27  }
0x5af: {  	v60 =	vld [tilespmem:$0x7770];
	v8 =	vadd.f32 v58, v8;
	v1 =	vadd.f32 v41, v1;
	v41 =	vmul.f32 v37, v12  }
0x5b0: {  	v45 =	vld [tilespmem:$0x1FF20];
	v14 =	vadd.f32 v18, v14  }
0x5b1: {  	v38 =	vld [tilespmem:$0x9D00];
	v8 =	vadd.f32 v41, v8  }
0x5b2: {  	v10 =	vmul.f32 v49, v47;
	v49 =	vld [tilespmem:$0x1FFE0];
	v11 =	vadd.f32 v11, v14  }
0x5b3: {  	[tilespmem:$0xA3E0] =	vst v63;
	v4 =	vmul.f32 v4, v17;
	v58 =	vld [tilespmem:$0x84F0];
	v8 =	vadd.f32 v48, v8  }
0x5b4: {  	[tilespmem:$0xA3F0] =	vst v20;
	v27 =	vld [tilespmem:$0x1FF70];
	v12 =	vmul.f32 v44, v60;
	v11 =	vadd.f32 v51, v11  }
0x5b5: {  	[tilespmem:$0xA400] =	vst v19;
	v6 =	vmul.f32 v6, v36;
	v37 =	vld [tilespmem:$0x1FFA0];
	v31 =	vmul.f32 v46, v45;
	v4 =	vadd.f32 v4, v8  }
0x5b6: {  	[tilespmem:$0xA410] =	vst v3;
	v43 =	vmul.f32 v43, v35;
	v5 =	vmul.f32 v5, v34;
	v41 =	vld [tilespmem:$0x85F0];
	v11 =	vadd.f32 v12, v11  }
0x5b7: {  	[tilespmem:$0xA360] =	vst v54;
	v54 =	vmul.f32 v61, v25;
	v1 =	vadd.f32 v31, v1;
	v31 =	vld [tilespmem:$0x8570];
	v4 =	vadd.f32 v7, v4  }
0x5b8: {  	[tilespmem:$0xA3B0] =	vst v39;
	v9 =	vmul.f32 v56, v52;
	v60 =	vmul.f32 v21, v22;
	v44 =	vld [tilespmem:$0x9D80];
	v10 =	vadd.f32 v10, v11  }
0x5b9: {  	[tilespmem:$0xA420] =	vst v0;
	v40 =	vmul.f32 v23, v24;
	v17 =	vmul.f32 v29, v28;
	v45 =	vld [tilespmem:$0x1FFD0];
	v4 =	vadd.f32 v6, v4  }
0x5ba: {  	[tilespmem:$0xA430] =	vst v2;
	v46 =	vld [tilespmem:$0x8670];
	v13 =	vadd.f32 v60, v13;
	v8 =	vmul.f32 v26, v58;
	v9 =	vadd.f32 v9, v10  }
0x5bb: {  	[tilespmem:$0xA3C0] =	vst v42;
	v47 =	vmul.f32 v55, v62;
	v52 =	vmul.f32 v30, v33;
	v48 =	vld [tilespmem:$0x9E00];
	v4 =	vadd.f32 v43, v4  }
0x5bc: {  	[tilespmem:$0xA370] =	vst v57;
	v13 =	vadd.f32 v40, v13;
	v7 =	vmul.f32 v38, v31;
	v8 =	vadd.f32 v8, v9  }
0x5bd: {  	[tilespmem:$0xA380] =	vst v59;
	v15 =	vmul.f32 v50, v49;
	v1 =	vadd.f32 v17, v1;
	v4 =	vadd.f32 v5, v4  }
0x5be: {  	[tilespmem:$0xA390] =	vst v27;
	v55 =	vmul.f32 v44, v41;
	v51 =	vadd.f32 v47, v13;
	v7 =	vadd.f32 v7, v8  }
0x5bf: {  	[tilespmem:$0xA3A0] =	vst v37;
	v58 =	vmul.f32 v32, v53;
	v56 =	vadd.f32 v15, v1;
	v57 =	vadd.f32 v52, v4  }
0x5c0: {  	[tilespmem:$0xA3D0] =	vst v45;
	v61 =	vmul.f32 v48, v46;
	v59 =	vadd.f32 v54, v51;
	v60 =	vadd.f32 v55, v7  }
0x5c1: {  	[tilespmem:$0xA440] =	vst v56;
	v62 =	vadd.f32 v58, v57  }
0x5c2: {  	[tilespmem:$0xA450] =	vst v59;
	v63 =	vadd.f32 v61, v60  }
0x5c3: {  	[tilespmem:$0xA460] =	vst v62  }
0x5c4: {  	s20 =	simm.s32 $0x0;
	s21 =	simm.s32 $0x3500;
	[tilespmem:$0xA470] =	vst v63  }
.LBB2_4:
0x5c5: {  	_ =	swait.ge [sflag:s17], $0x80  }
0x5c6: {  	[sflag:s17] =	ssyncset.done $0x0  }
0x5c7: {  	[sflag:s17] =	ssyncadd.s32 $0xFFFFFF80  }
0x5c8: {  	_ =	swait.ge [sflag:s17], $0x80  }
0x5c9: {  	[sflag:s17] =	ssyncset.done $0x0  }
0x5ca: {  	[sflag:s17] =	ssyncadd.s32 $0xFFFFFF80  }
0x5cb: {  	_ =	swait.ge [sflag:s17], $0x80  }
0x5cc: {  	[sflag:s17] =	ssyncset.done $0x0  }
0x5cd: {  	[sflag:s17] =	ssyncadd.s32 $0xFFFFFF80  }
0x5ce: {  	_ =	swait.ge [sflag:s17], $0x80  }
0x5cf: {  	[sflag:s17] =	ssyncset.done $0x0  }
0x5d0: {  	s22 =	sshra.s32 s20, $0x2;
	[sflag:s17] =	ssyncadd.s32 $0xFFFFFF80  }
0x5d1: {  	v0 =	vld [tilespmem:s22+$0x8800]  }
0x5d2: {  	v1 =	vld [tilespmem:s21+$0xFFFFFF00];
	_ =	sdelay $0x1  }
0x5d3: {  	v2 =	vld [tilespmem:$0xA280];
	_ =	sdelay $0x2  }
0x5d4: {  	v1 =	vmul.f32 v1, v0;
	_ =	sdelay $0x1  }
0x5d5: {  	v1 =	vadd.f32 v1, v2;
	_ =	sdelay $0x1  }
0x5d6: {  	[tilespmem:$0xA280] =	vst v1  }
0x5d7: {  	v1 =	vld [tilespmem:s21+$0xFFFFFF10];
	_ =	sdelay $0x1  }
0x5d8: {  	v33 =	vld [tilespmem:$0xA290];
	_ =	sdelay $0x2  }
0x5d9: {  	v1 =	vmul.f32 v1, v0;
	_ =	sdelay $0x1  }
0x5da: {  	v1 =	vadd.f32 v1, v33;
	_ =	sdelay $0x1  }
0x5db: {  	[tilespmem:$0xA290] =	vst v1  }
0x5dc: {  	v1 =	vld [tilespmem:s21+$0xFFFFFF20];
	_ =	sdelay $0x1  }
0x5dd: {  	v34 =	vld [tilespmem:$0xA2A0];
	_ =	sdelay $0x2  }
0x5de: {  	v1 =	vmul.f32 v1, v0;
	_ =	sdelay $0x1  }
0x5df: {  	v1 =	vadd.f32 v1, v34;
	_ =	sdelay $0x1  }
0x5e0: {  	[tilespmem:$0xA2A0] =	vst v1  }
0x5e1: {  	v1 =	vld [tilespmem:s21+$0xFFFFFF30];
	_ =	sdelay $0x1  }
0x5e2: {  	v35 =	vld [tilespmem:$0xA2B0];
	_ =	sdelay $0x2  }
0x5e3: {  	v1 =	vmul.f32 v1, v0;
	_ =	sdelay $0x1  }
0x5e4: {  	v1 =	vadd.f32 v1, v35;
	_ =	sdelay $0x1  }
0x5e5: {  	[tilespmem:$0xA2B0] =	vst v1  }
0x5e6: {  	v1 =	vld [tilespmem:s21+$0xFFFFFF40];
	_ =	sdelay $0x1  }
0x5e7: {  	v36 =	vld [tilespmem:$0xA2C0];
	_ =	sdelay $0x2  }
0x5e8: {  	v1 =	vmul.f32 v1, v0;
	_ =	sdelay $0x1  }
0x5e9: {  	v1 =	vadd.f32 v1, v36;
	_ =	sdelay $0x1  }
0x5ea: {  	[tilespmem:$0xA2C0] =	vst v1  }
0x5eb: {  	v1 =	vld [tilespmem:s21+$0xFFFFFF50];
	_ =	sdelay $0x1  }
0x5ec: {  	v37 =	vld [tilespmem:$0xA2D0];
	_ =	sdelay $0x2  }
0x5ed: {  	v1 =	vmul.f32 v1, v0;
	_ =	sdelay $0x1  }
0x5ee: {  	v1 =	vadd.f32 v1, v37;
	_ =	sdelay $0x1  }
0x5ef: {  	[tilespmem:$0xA2D0] =	vst v1  }
0x5f0: {  	v1 =	vld [tilespmem:s21+$0xFFFFFF60];
	_ =	sdelay $0x1  }
0x5f1: {  	v38 =	vld [tilespmem:$0xA2E0];
	_ =	sdelay $0x2  }
0x5f2: {  	v1 =	vmul.f32 v1, v0;
	_ =	sdelay $0x1  }
0x5f3: {  	v1 =	vadd.f32 v1, v38;
	_ =	sdelay $0x1  }
0x5f4: {  	[tilespmem:$0xA2E0] =	vst v1  }
0x5f5: {  	v1 =	vld [tilespmem:s21+$0xFFFFFF70];
	_ =	sdelay $0x1  }
0x5f6: {  	v39 =	vld [tilespmem:$0xA2F0];
	_ =	sdelay $0x2  }
0x5f7: {  	v1 =	vmul.f32 v1, v0;
	_ =	sdelay $0x1  }
0x5f8: {  	v1 =	vadd.f32 v1, v39;
	_ =	sdelay $0x1  }
0x5f9: {  	[tilespmem:$0xA2F0] =	vst v1  }
0x5fa: {  	v1 =	vld [tilespmem:s21+$0xFFFFFF80];
	_ =	sdelay $0x1  }
0x5fb: {  	v40 =	vld [tilespmem:$0xA300];
	_ =	sdelay $0x2  }
0x5fc: {  	v1 =	vmul.f32 v1, v0;
	_ =	sdelay $0x1  }
0x5fd: {  	v1 =	vadd.f32 v1, v40;
	_ =	sdelay $0x1  }
0x5fe: {  	[tilespmem:$0xA300] =	vst v1  }
0x5ff: {  	v1 =	vld [tilespmem:s21+$0xFFFFFF90];
	_ =	sdelay $0x1  }
0x600: {  	v41 =	vld [tilespmem:$0xA310];
	_ =	sdelay $0x2  }
0x601: {  	v1 =	vmul.f32 v1, v0;
	_ =	sdelay $0x1  }
0x602: {  	v1 =	vadd.f32 v1, v41;
	_ =	sdelay $0x1  }
0x603: {  	[tilespmem:$0xA310] =	vst v1  }
0x604: {  	v1 =	vld [tilespmem:s21+$0xFFFFFFA0];
	_ =	sdelay $0x1  }
0x605: {  	v42 =	vld [tilespmem:$0xA320];
	_ =	sdelay $0x2  }
0x606: {  	v1 =	vmul.f32 v1, v0;
	_ =	sdelay $0x1  }
0x607: {  	v1 =	vadd.f32 v1, v42;
	_ =	sdelay $0x1  }
0x608: {  	[tilespmem:$0xA320] =	vst v1  }
0x609: {  	v1 =	vld [tilespmem:s21+$0xFFFFFFB0];
	_ =	sdelay $0x1  }
0x60a: {  	v43 =	vld [tilespmem:$0xA330];
	_ =	sdelay $0x2  }
0x60b: {  	v1 =	vmul.f32 v1, v0;
	_ =	sdelay $0x1  }
0x60c: {  	v1 =	vadd.f32 v1, v43;
	_ =	sdelay $0x1  }
0x60d: {  	[tilespmem:$0xA330] =	vst v1  }
0x60e: {  	v1 =	vld [tilespmem:s21+$0xFFFFFFC0];
	_ =	sdelay $0x1  }
0x60f: {  	v44 =	vld [tilespmem:$0xA340];
	_ =	sdelay $0x2  }
0x610: {  	v1 =	vmul.f32 v1, v0;
	_ =	sdelay $0x1  }
0x611: {  	v1 =	vadd.f32 v1, v44;
	_ =	sdelay $0x1  }
0x612: {  	[tilespmem:$0xA340] =	vst v1  }
0x613: {  	v1 =	vld [tilespmem:s21+$0xFFFFFFD0];
	_ =	sdelay $0x1  }
0x614: {  	v45 =	vld [tilespmem:$0xA350];
	_ =	sdelay $0x2  }
0x615: {  	v1 =	vmul.f32 v1, v0;
	_ =	sdelay $0x1  }
0x616: {  	v1 =	vadd.f32 v1, v45;
	_ =	sdelay $0x1  }
0x617: {  	[tilespmem:$0xA350] =	vst v1  }
0x618: {  	v1 =	vld [tilespmem:s21+$0xFFFFFFE0];
	_ =	sdelay $0x1  }
0x619: {  	v46 =	vld [tilespmem:$0xA360];
	_ =	sdelay $0x2  }
0x61a: {  	v1 =	vmul.f32 v1, v0;
	_ =	sdelay $0x1  }
0x61b: {  	v1 =	vadd.f32 v1, v46;
	_ =	sdelay $0x1  }
0x61c: {  	[tilespmem:$0xA360] =	vst v1  }
0x61d: {  	v1 =	vld [tilespmem:s21+$0xFFFFFFF0];
	_ =	sdelay $0x1  }
0x61e: {  	v47 =	vld [tilespmem:$0xA370];
	_ =	sdelay $0x2  }
0x61f: {  	v1 =	vmul.f32 v1, v0;
	_ =	sdelay $0x1  }
0x620: {  	v1 =	vadd.f32 v1, v47;
	_ =	sdelay $0x1  }
0x621: {  	[tilespmem:$0xA370] =	vst v1  }
0x622: {  	v1 =	vld [tilespmem:s21+$0x0];
	_ =	sdelay $0x1  }
0x623: {  	v48 =	vld [tilespmem:$0xA380];
	_ =	sdelay $0x2  }
0x624: {  	v1 =	vmul.f32 v1, v0;
	_ =	sdelay $0x1  }
0x625: {  	v1 =	vadd.f32 v1, v48;
	_ =	sdelay $0x1  }
0x626: {  	[tilespmem:$0xA380] =	vst v1  }
0x627: {  	v1 =	vld [tilespmem:s21+$0x10];
	_ =	sdelay $0x1  }
0x628: {  	v49 =	vld [tilespmem:$0xA390];
	_ =	sdelay $0x2  }
0x629: {  	v1 =	vmul.f32 v1, v0;
	_ =	sdelay $0x1  }
0x62a: {  	v1 =	vadd.f32 v1, v49;
	_ =	sdelay $0x1  }
0x62b: {  	[tilespmem:$0xA390] =	vst v1  }
0x62c: {  	v1 =	vld [tilespmem:s21+$0x20];
	_ =	sdelay $0x1  }
0x62d: {  	v50 =	vld [tilespmem:$0xA3A0];
	_ =	sdelay $0x2  }
0x62e: {  	v1 =	vmul.f32 v1, v0;
	_ =	sdelay $0x1  }
0x62f: {  	v1 =	vadd.f32 v1, v50;
	_ =	sdelay $0x1  }
0x630: {  	[tilespmem:$0xA3A0] =	vst v1  }
0x631: {  	v1 =	vld [tilespmem:s21+$0x30];
	_ =	sdelay $0x1  }
0x632: {  	v51 =	vld [tilespmem:$0xA3B0];
	_ =	sdelay $0x2  }
0x633: {  	v1 =	vmul.f32 v1, v0;
	_ =	sdelay $0x1  }
0x634: {  	v1 =	vadd.f32 v1, v51;
	_ =	sdelay $0x1  }
0x635: {  	[tilespmem:$0xA3B0] =	vst v1  }
0x636: {  	v1 =	vld [tilespmem:s21+$0x40];
	_ =	sdelay $0x1  }
0x637: {  	v52 =	vld [tilespmem:$0xA3C0];
	_ =	sdelay $0x2  }
0x638: {  	v1 =	vmul.f32 v1, v0;
	_ =	sdelay $0x1  }
0x639: {  	v1 =	vadd.f32 v1, v52;
	_ =	sdelay $0x1  }
0x63a: {  	[tilespmem:$0xA3C0] =	vst v1  }
0x63b: {  	v1 =	vld [tilespmem:s21+$0x50];
	_ =	sdelay $0x1  }
0x63c: {  	v53 =	vld [tilespmem:$0xA3D0];
	_ =	sdelay $0x2  }
0x63d: {  	v1 =	vmul.f32 v1, v0;
	_ =	sdelay $0x1  }
0x63e: {  	v1 =	vadd.f32 v1, v53;
	_ =	sdelay $0x1  }
0x63f: {  	[tilespmem:$0xA3D0] =	vst v1  }
0x640: {  	v1 =	vld [tilespmem:s21+$0x60];
	_ =	sdelay $0x1  }
0x641: {  	v54 =	vld [tilespmem:$0xA3E0];
	_ =	sdelay $0x2  }
0x642: {  	v1 =	vmul.f32 v1, v0;
	_ =	sdelay $0x1  }
0x643: {  	v1 =	vadd.f32 v1, v54;
	_ =	sdelay $0x1  }
0x644: {  	[tilespmem:$0xA3E0] =	vst v1  }
0x645: {  	v1 =	vld [tilespmem:s21+$0x70];
	_ =	sdelay $0x1  }
0x646: {  	v55 =	vld [tilespmem:$0xA3F0];
	_ =	sdelay $0x2  }
0x647: {  	v1 =	vmul.f32 v1, v0;
	_ =	sdelay $0x1  }
0x648: {  	v1 =	vadd.f32 v1, v55;
	_ =	sdelay $0x1  }
0x649: {  	[tilespmem:$0xA3F0] =	vst v1  }
0x64a: {  	v1 =	vld [tilespmem:s21+$0x80];
	_ =	sdelay $0x1  }
0x64b: {  	v56 =	vld [tilespmem:$0xA400];
	_ =	sdelay $0x2  }
0x64c: {  	v1 =	vmul.f32 v1, v0;
	_ =	sdelay $0x1  }
0x64d: {  	v1 =	vadd.f32 v1, v56;
	_ =	sdelay $0x1  }
0x64e: {  	[tilespmem:$0xA400] =	vst v1  }
0x64f: {  	v1 =	vld [tilespmem:s21+$0x90];
	_ =	sdelay $0x1  }
0x650: {  	v57 =	vld [tilespmem:$0xA410];
	_ =	sdelay $0x2  }
0x651: {  	v1 =	vmul.f32 v1, v0;
	_ =	sdelay $0x1  }
0x652: {  	v1 =	vadd.f32 v1, v57;
	_ =	sdelay $0x1  }
0x653: {  	[tilespmem:$0xA410] =	vst v1  }
0x654: {  	v1 =	vld [tilespmem:s21+$0xA0];
	_ =	sdelay $0x1  }
0x655: {  	v58 =	vld [tilespmem:$0xA420];
	_ =	sdelay $0x2  }
0x656: {  	v1 =	vmul.f32 v1, v0;
	_ =	sdelay $0x1  }
0x657: {  	v1 =	vadd.f32 v1, v58;
	_ =	sdelay $0x1  }
0x658: {  	[tilespmem:$0xA420] =	vst v1  }
0x659: {  	v1 =	vld [tilespmem:s21+$0xB0];
	_ =	sdelay $0x1  }
0x65a: {  	v59 =	vld [tilespmem:$0xA430];
	_ =	sdelay $0x2  }
0x65b: {  	v1 =	vmul.f32 v1, v0;
	_ =	sdelay $0x1  }
0x65c: {  	v1 =	vadd.f32 v1, v59;
	_ =	sdelay $0x1  }
0x65d: {  	[tilespmem:$0xA430] =	vst v1  }
0x65e: {  	v1 =	vld [tilespmem:s21+$0xC0];
	_ =	sdelay $0x1  }
0x65f: {  	v60 =	vld [tilespmem:$0xA440];
	_ =	sdelay $0x2  }
0x660: {  	v1 =	vmul.f32 v1, v0;
	_ =	sdelay $0x1  }
0x661: {  	v1 =	vadd.f32 v1, v60;
	_ =	sdelay $0x1  }
0x662: {  	[tilespmem:$0xA440] =	vst v1  }
0x663: {  	v1 =	vld [tilespmem:s21+$0xD0];
	_ =	sdelay $0x1  }
0x664: {  	v61 =	vld [tilespmem:$0xA450];
	_ =	sdelay $0x2  }
0x665: {  	v1 =	vmul.f32 v1, v0;
	_ =	sdelay $0x1  }
0x666: {  	v1 =	vadd.f32 v1, v61;
	_ =	sdelay $0x1  }
0x667: {  	[tilespmem:$0xA450] =	vst v1  }
0x668: {  	v1 =	vld [tilespmem:s21+$0xE0];
	_ =	sdelay $0x1  }
0x669: {  	v62 =	vld [tilespmem:$0xA460];
	_ =	sdelay $0x2  }
0x66a: {  	v1 =	vmul.f32 v1, v0;
	_ =	sdelay $0x1  }
0x66b: {  	v1 =	vadd.f32 v1, v62;
	_ =	sdelay $0x1  }
0x66c: {  	[tilespmem:$0xA460] =	vst v1  }
0x66d: {  	v1 =	vld [tilespmem:s21+$0xF0];
	_ =	sdelay $0x1  }
0x66e: {  	v63 =	vld [tilespmem:$0xA470];
	_ =	sdelay $0x1  }
0x66f: {  	p0 =	sne.s32 s20, $0x3200  }
.Ltmp1:
0x670: {  	v0 =	vmul.f32 v1, v0;
	(pc) =	sbr.rel @p0 .LBB2_4-.Ltmp1, $3  }
0x671: {  	_ = 	snop  }
0x672: {  	v0 =	vadd.f32 v0, v63;
	_ =	sdelay $0x1  }
0x673: {  	s20 =	sadd.s32 $0x200, s20;
	s21 =	sadd.s32 $0x200, s21;
	[tilespmem:$0xA470] =	vst v0  }
0x674: {  	v0 =	vld [tilespmem:$0xA280];
	_ =	sdelay $0x4  }
0x675: {  	v0 =	vsub.f32 $0.0e+00, v0;
	_ =	sdelay $0x1  }
0x676: {  	v0 =	vmul.f32 $1.442695020e+00, v0;
	_ =	sdelay $0x1  }
0x677: {  	(erf) = vpow2.f32 v0;
	_ =	sdelay $0x3  }
0x678: {  	v51 =	vld [tilespmem:$0xA290];
	_ =	sdelay $0x4  }
0x679: {  	v0 =	vsub.f32 $0.0e+00, v51;
	v1 =	vpop (erf)  }
0x67a: {  	v1 =	vadd.f32 $1.000000000e+00, v1  }
0x67b: {  	v0 =	vmul.f32 $1.442695020e+00, v0  }
0x67c: {  	(erf) = vrcp.f32 v1  }
0x67d: {  	(erf) = vpow2.f32 v0;
	_ =	sdelay $0x3  }
0x67e: {  	v52 =	vld [tilespmem:$0xA2A0];
	_ =	sdelay $0x3  }
0x67f: {  	v0 =	vpop (erf)  }
0x680: {  	v1 =	vsub.f32 $0.0e+00, v52;
	v2 =	vpop (erf)  }
0x681: {  	v2 =	vadd.f32 $1.000000000e+00, v2  }
0x682: {  	v1 =	vmul.f32 $1.442695020e+00, v1  }
0x683: {  	(erf) = vrcp.f32 v2  }
0x684: {  	(erf) = vpow2.f32 v1;
	_ =	sdelay $0x3  }
0x685: {  	v53 =	vld [tilespmem:$0xA2B0];
	_ =	sdelay $0x3  }
0x686: {  	v1 =	vpop (erf)  }
0x687: {  	v2 =	vsub.f32 $0.0e+00, v53;
	v3 =	vpop (erf)  }
0x688: {  	v3 =	vadd.f32 $1.000000000e+00, v3  }
0x689: {  	v2 =	vmul.f32 $1.442695020e+00, v2  }
0x68a: {  	(erf) = vrcp.f32 v3  }
0x68b: {  	(erf) = vpow2.f32 v2;
	_ =	sdelay $0x3  }
0x68c: {  	v54 =	vld [tilespmem:$0xA2C0];
	_ =	sdelay $0x3  }
0x68d: {  	v2 =	vpop (erf)  }
0x68e: {  	v3 =	vsub.f32 $0.0e+00, v54;
	v4 =	vpop (erf)  }
0x68f: {  	v4 =	vadd.f32 $1.000000000e+00, v4  }
0x690: {  	v3 =	vmul.f32 $1.442695020e+00, v3  }
0x691: {  	(erf) = vrcp.f32 v4  }
0x692: {  	(erf) = vpow2.f32 v3;
	_ =	sdelay $0x3  }
0x693: {  	v55 =	vld [tilespmem:$0xA2D0];
	_ =	sdelay $0x3  }
0x694: {  	v3 =	vpop (erf)  }
0x695: {  	v4 =	vsub.f32 $0.0e+00, v55;
	v5 =	vpop (erf)  }
0x696: {  	v5 =	vadd.f32 $1.000000000e+00, v5  }
0x697: {  	v4 =	vmul.f32 $1.442695020e+00, v4  }
0x698: {  	(erf) = vrcp.f32 v5  }
0x699: {  	(erf) = vpow2.f32 v4;
	_ =	sdelay $0x3  }
0x69a: {  	v56 =	vld [tilespmem:$0xA2E0];
	_ =	sdelay $0x3  }
0x69b: {  	v4 =	vpop (erf)  }
0x69c: {  	v5 =	vsub.f32 $0.0e+00, v56;
	v6 =	vpop (erf)  }
0x69d: {  	v6 =	vadd.f32 $1.000000000e+00, v6  }
0x69e: {  	v5 =	vmul.f32 $1.442695020e+00, v5  }
0x69f: {  	(erf) = vrcp.f32 v6  }
0x6a0: {  	(erf) = vpow2.f32 v5;
	_ =	sdelay $0x3  }
0x6a1: {  	v57 =	vld [tilespmem:$0xA2F0];
	_ =	sdelay $0x3  }
0x6a2: {  	v5 =	vpop (erf)  }
0x6a3: {  	v6 =	vsub.f32 $0.0e+00, v57;
	v7 =	vpop (erf)  }
0x6a4: {  	v7 =	vadd.f32 $1.000000000e+00, v7  }
0x6a5: {  	v6 =	vmul.f32 $1.442695020e+00, v6  }
0x6a6: {  	(erf) = vrcp.f32 v7  }
0x6a7: {  	(erf) = vpow2.f32 v6;
	_ =	sdelay $0x3  }
0x6a8: {  	v58 =	vld [tilespmem:$0xA300];
	_ =	sdelay $0x3  }
0x6a9: {  	v6 =	vpop (erf)  }
0x6aa: {  	v7 =	vsub.f32 $0.0e+00, v58;
	v8 =	vpop (erf)  }
0x6ab: {  	v8 =	vadd.f32 $1.000000000e+00, v8  }
0x6ac: {  	v7 =	vmul.f32 $1.442695020e+00, v7  }
0x6ad: {  	(erf) = vrcp.f32 v8  }
0x6ae: {  	(erf) = vpow2.f32 v7;
	_ =	sdelay $0x3  }
0x6af: {  	v59 =	vld [tilespmem:$0xA310];
	_ =	sdelay $0x3  }
0x6b0: {  	v7 =	vpop (erf)  }
0x6b1: {  	v8 =	vsub.f32 $0.0e+00, v59;
	v9 =	vpop (erf)  }
0x6b2: {  	v9 =	vadd.f32 $1.000000000e+00, v9  }
0x6b3: {  	v8 =	vmul.f32 $1.442695020e+00, v8  }
0x6b4: {  	(erf) = vrcp.f32 v9  }
0x6b5: {  	(erf) = vpow2.f32 v8;
	_ =	sdelay $0x3  }
0x6b6: {  	v60 =	vld [tilespmem:$0xA320];
	_ =	sdelay $0x3  }
0x6b7: {  	v61 =	vpop (erf)  }
0x6b8: {  	v9 =	vsub.f32 $0.0e+00, v60;
	v10 =	vpop (erf)  }
0x6b9: {  	v10 =	vadd.f32 $1.000000000e+00, v10  }
0x6ba: {  	v9 =	vmul.f32 $1.442695020e+00, v9  }
0x6bb: {  	(erf) = vrcp.f32 v10  }
0x6bc: {  	(erf) = vpow2.f32 v9;
	_ =	sdelay $0x3  }
0x6bd: {  	v62 =	vld [tilespmem:$0xA330];
	_ =	sdelay $0x3  }
0x6be: {  	v63 =	vpop (erf)  }
0x6bf: {  	v10 =	vsub.f32 $0.0e+00, v62;
	v11 =	vpop (erf)  }
0x6c0: {  	v11 =	vadd.f32 $1.000000000e+00, v11  }
0x6c1: {  	v10 =	vmul.f32 $1.442695020e+00, v10  }
0x6c2: {  	(erf) = vrcp.f32 v11  }
0x6c3: {  	(erf) = vpow2.f32 v10;
	_ =	sdelay $0x3  }
0x6c4: {  	v33 =	vld [tilespmem:$0xA340];
	_ =	sdelay $0x3  }
0x6c5: {  	v34 =	vpop (erf)  }
0x6c6: {  	v11 =	vsub.f32 $0.0e+00, v33;
	v12 =	vpop (erf)  }
0x6c7: {  	v12 =	vadd.f32 $1.000000000e+00, v12  }
0x6c8: {  	v11 =	vmul.f32 $1.442695020e+00, v11  }
0x6c9: {  	(erf) = vrcp.f32 v12  }
0x6ca: {  	(erf) = vpow2.f32 v11;
	_ =	sdelay $0x3  }
0x6cb: {  	v35 =	vld [tilespmem:$0xA350];
	_ =	sdelay $0x3  }
0x6cc: {  	v36 =	vpop (erf)  }
0x6cd: {  	v12 =	vsub.f32 $0.0e+00, v35;
	v13 =	vpop (erf)  }
0x6ce: {  	v13 =	vadd.f32 $1.000000000e+00, v13  }
0x6cf: {  	v12 =	vmul.f32 $1.442695020e+00, v12  }
0x6d0: {  	(erf) = vrcp.f32 v13  }
0x6d1: {  	(erf) = vpow2.f32 v12;
	_ =	sdelay $0x3  }
0x6d2: {  	v37 =	vld [tilespmem:$0xA360];
	_ =	sdelay $0x3  }
0x6d3: {  	v38 =	vpop (erf)  }
0x6d4: {  	v13 =	vsub.f32 $0.0e+00, v37;
	v14 =	vpop (erf)  }
0x6d5: {  	v14 =	vadd.f32 $1.000000000e+00, v14  }
0x6d6: {  	v13 =	vmul.f32 $1.442695020e+00, v13  }
0x6d7: {  	(erf) = vrcp.f32 v14  }
0x6d8: {  	(erf) = vpow2.f32 v13;
	_ =	sdelay $0x3  }
0x6d9: {  	v39 =	vld [tilespmem:$0xA370];
	_ =	sdelay $0x3  }
0x6da: {  	v40 =	vpop (erf)  }
0x6db: {  	v14 =	vsub.f32 $0.0e+00, v39;
	v15 =	vpop (erf)  }
0x6dc: {  	v15 =	vadd.f32 $1.000000000e+00, v15  }
0x6dd: {  	v14 =	vmul.f32 $1.442695020e+00, v14  }
0x6de: {  	(erf) = vrcp.f32 v15  }
0x6df: {  	(erf) = vpow2.f32 v14;
	_ =	sdelay $0x3  }
0x6e0: {  	v41 =	vld [tilespmem:$0xA380];
	_ =	sdelay $0x3  }
0x6e1: {  	v42 =	vpop (erf)  }
0x6e2: {  	v15 =	vsub.f32 $0.0e+00, v41;
	v16 =	vpop (erf)  }
0x6e3: {  	v16 =	vadd.f32 $1.000000000e+00, v16  }
0x6e4: {  	v15 =	vmul.f32 $1.442695020e+00, v15  }
0x6e5: {  	(erf) = vrcp.f32 v16  }
0x6e6: {  	(erf) = vpow2.f32 v15;
	_ =	sdelay $0x3  }
0x6e7: {  	v43 =	vld [tilespmem:$0xA390];
	_ =	sdelay $0x3  }
0x6e8: {  	v44 =	vpop (erf)  }
0x6e9: {  	v16 =	vsub.f32 $0.0e+00, v43;
	v17 =	vpop (erf)  }
0x6ea: {  	v17 =	vadd.f32 $1.000000000e+00, v17  }
0x6eb: {  	v16 =	vmul.f32 $1.442695020e+00, v16  }
0x6ec: {  	(erf) = vrcp.f32 v17  }
0x6ed: {  	(erf) = vpow2.f32 v16;
	_ =	sdelay $0x3  }
0x6ee: {  	v45 =	vld [tilespmem:$0xA3A0];
	_ =	sdelay $0x3  }
0x6ef: {  	v17 =	vpop (erf)  }
0x6f0: {  	v16 =	vsub.f32 $0.0e+00, v45;
	v18 =	vpop (erf)  }
0x6f1: {  	v18 =	vadd.f32 $1.000000000e+00, v18  }
0x6f2: {  	v16 =	vmul.f32 $1.442695020e+00, v16  }
0x6f3: {  	(erf) = vrcp.f32 v18  }
0x6f4: {  	(erf) = vpow2.f32 v16;
	_ =	sdelay $0x3  }
0x6f5: {  	v46 =	vld [tilespmem:$0xA3B0];
	_ =	sdelay $0x3  }
0x6f6: {  	v18 =	vpop (erf)  }
0x6f7: {  	v16 =	vsub.f32 $0.0e+00, v46;
	v19 =	vpop (erf)  }
0x6f8: {  	v19 =	vadd.f32 $1.000000000e+00, v19  }
0x6f9: {  	v16 =	vmul.f32 $1.442695020e+00, v16  }
0x6fa: {  	(erf) = vrcp.f32 v19  }
0x6fb: {  	(erf) = vpow2.f32 v16;
	_ =	sdelay $0x3  }
0x6fc: {  	v47 =	vld [tilespmem:$0xA3C0];
	_ =	sdelay $0x3  }
0x6fd: {  	v19 =	vpop (erf)  }
0x6fe: {  	v16 =	vsub.f32 $0.0e+00, v47;
	v20 =	vpop (erf)  }
0x6ff: {  	v20 =	vadd.f32 $1.000000000e+00, v20  }
0x700: {  	v16 =	vmul.f32 $1.442695020e+00, v16  }
0x701: {  	(erf) = vrcp.f32 v20  }
0x702: {  	(erf) = vpow2.f32 v16;
	_ =	sdelay $0x3  }
0x703: {  	v48 =	vld [tilespmem:$0xA3D0];
	_ =	sdelay $0x3  }
0x704: {  	v20 =	vpop (erf)  }
0x705: {  	v16 =	vsub.f32 $0.0e+00, v48;
	v21 =	vpop (erf)  }
0x706: {  	v21 =	vadd.f32 $1.000000000e+00, v21  }
0x707: {  	v16 =	vmul.f32 $1.442695020e+00, v16  }
0x708: {  	(erf) = vrcp.f32 v21  }
0x709: {  	(erf) = vpow2.f32 v16;
	_ =	sdelay $0x3  }
0x70a: {  	v49 =	vld [tilespmem:$0xA3E0];
	_ =	sdelay $0x3  }
0x70b: {  	v21 =	vpop (erf)  }
0x70c: {  	v16 =	vsub.f32 $0.0e+00, v49;
	v22 =	vpop (erf)  }
0x70d: {  	v22 =	vadd.f32 $1.000000000e+00, v22  }
0x70e: {  	v16 =	vmul.f32 $1.442695020e+00, v16  }
0x70f: {  	(erf) = vrcp.f32 v22  }
0x710: {  	(erf) = vpow2.f32 v16;
	_ =	sdelay $0x3  }
0x711: {  	v50 =	vld [tilespmem:$0xA3F0];
	_ =	sdelay $0x3  }
0x712: {  	v22 =	vpop (erf)  }
0x713: {  	v16 =	vsub.f32 $0.0e+00, v50;
	v23 =	vpop (erf)  }
0x714: {  	v23 =	vadd.f32 $1.000000000e+00, v23  }
0x715: {  	v16 =	vmul.f32 $1.442695020e+00, v16  }
0x716: {  	(erf) = vrcp.f32 v23  }
0x717: {  	(erf) = vpow2.f32 v16;
	_ =	sdelay $0x3  }
0x718: {  	v51 =	vld [tilespmem:$0xA400];
	_ =	sdelay $0x3  }
0x719: {  	v23 =	vpop (erf)  }
0x71a: {  	v16 =	vsub.f32 $0.0e+00, v51;
	v24 =	vpop (erf)  }
0x71b: {  	v24 =	vadd.f32 $1.000000000e+00, v24  }
0x71c: {  	v16 =	vmul.f32 $1.442695020e+00, v16  }
0x71d: {  	(erf) = vrcp.f32 v24  }
0x71e: {  	(erf) = vpow2.f32 v16;
	_ =	sdelay $0x3  }
0x71f: {  	v52 =	vld [tilespmem:$0xA410];
	_ =	sdelay $0x3  }
0x720: {  	v24 =	vpop (erf)  }
0x721: {  	v16 =	vsub.f32 $0.0e+00, v52;
	v25 =	vpop (erf)  }
0x722: {  	v25 =	vadd.f32 $1.000000000e+00, v25  }
0x723: {  	v16 =	vmul.f32 $1.442695020e+00, v16  }
0x724: {  	(erf) = vrcp.f32 v25  }
0x725: {  	(erf) = vpow2.f32 v16;
	_ =	sdelay $0x3  }
0x726: {  	v53 =	vld [tilespmem:$0xA420];
	_ =	sdelay $0x3  }
0x727: {  	v25 =	vpop (erf)  }
0x728: {  	v16 =	vsub.f32 $0.0e+00, v53;
	v26 =	vpop (erf)  }
0x729: {  	v26 =	vadd.f32 $1.000000000e+00, v26  }
0x72a: {  	v16 =	vmul.f32 $1.442695020e+00, v16  }
0x72b: {  	(erf) = vrcp.f32 v26  }
0x72c: {  	(erf) = vpow2.f32 v16;
	_ =	sdelay $0x3  }
0x72d: {  	v54 =	vld [tilespmem:$0xA430];
	_ =	sdelay $0x3  }
0x72e: {  	v26 =	vpop (erf)  }
0x72f: {  	v16 =	vsub.f32 $0.0e+00, v54;
	v27 =	vpop (erf)  }
0x730: {  	v27 =	vadd.f32 $1.000000000e+00, v27  }
0x731: {  	v16 =	vmul.f32 $1.442695020e+00, v16  }
0x732: {  	(erf) = vrcp.f32 v27  }
0x733: {  	(erf) = vpow2.f32 v16;
	_ =	sdelay $0x3  }
0x734: {  	v55 =	vld [tilespmem:$0xA440];
	_ =	sdelay $0x3  }
0x735: {  	v27 =	vpop (erf)  }
0x736: {  	v16 =	vsub.f32 $0.0e+00, v55;
	v28 =	vpop (erf)  }
0x737: {  	v28 =	vadd.f32 $1.000000000e+00, v28  }
0x738: {  	v16 =	vmul.f32 $1.442695020e+00, v16  }
0x739: {  	(erf) = vrcp.f32 v28  }
0x73a: {  	(erf) = vpow2.f32 v16;
	_ =	sdelay $0x3  }
0x73b: {  	v56 =	vld [tilespmem:$0xA450];
	_ =	sdelay $0x3  }
0x73c: {  	v28 =	vpop (erf)  }
0x73d: {  	v16 =	vsub.f32 $0.0e+00, v56;
	v29 =	vpop (erf)  }
0x73e: {  	v29 =	vadd.f32 $1.000000000e+00, v29  }
0x73f: {  	v16 =	vmul.f32 $1.442695020e+00, v16  }
0x740: {  	(erf) = vrcp.f32 v29  }
0x741: {  	(erf) = vpow2.f32 v16;
	_ =	sdelay $0x3  }
0x742: {  	v57 =	vld [tilespmem:$0xA460];
	_ =	sdelay $0x3  }
0x743: {  	v29 =	vpop (erf)  }
0x744: {  	v16 =	vsub.f32 $0.0e+00, v57;
	v30 =	vpop (erf)  }
0x745: {  	v30 =	vadd.f32 $1.000000000e+00, v30  }
0x746: {  	v16 =	vmul.f32 $1.442695020e+00, v16  }
0x747: {  	(erf) = vrcp.f32 v30  }
0x748: {  	(erf) = vpow2.f32 v16;
	_ =	sdelay $0x3  }
0x749: {  	[tilespmem:$0xA080] =	vst v0;
	v58 =	vld [tilespmem:$0xA470]  }
0x74a: {  	[tilespmem:$0xA090] =	vst v1  }
0x74b: {  	[tilespmem:$0xA0A0] =	vst v2  }
0x74c: {  	[tilespmem:$0xA0B0] =	vst v3  }
0x74d: {  	[tilespmem:$0xA0C0] =	vst v4;
	v59 =	vpop (erf)  }
0x74e: {  	[tilespmem:$0xA0D0] =	vst v5;
	v0 =	vsub.f32 $0.0e+00, v58;
	v60 =	vpop (erf)  }
0x74f: {  	[tilespmem:$0xA0E0] =	vst v6;
	v2 =	vadd.f32 $1.000000000e+00, v60  }
0x750: {  	v0 =	vmul.f32 $1.442695020e+00, v0;
	[tilespmem:$0xA0F0] =	vst v7  }
0x751: {  	[tilespmem:$0xA100] =	vst v61;
	(erf) = vrcp.f32 v2  }
0x752: {  	[tilespmem:$0xA110] =	vst v63;
	(erf) = vpow2.f32 v0  }
0x753: {  	[tilespmem:$0xA120] =	vst v34  }
0x754: {  	[tilespmem:$0xA130] =	vst v36  }
0x755: {  	[tilespmem:$0xA140] =	vst v38  }
0x756: {  	[tilespmem:$0xA150] =	vst v40  }
0x757: {  	[tilespmem:$0xA160] =	vst v42  }
0x758: {  	[tilespmem:$0xA170] =	vst v44  }
0x759: {  	[tilespmem:$0xA180] =	vst v17  }
0x75a: {  	[tilespmem:$0xA190] =	vst v18;
	v61 =	vpop (erf)  }
0x75b: {  	[tilespmem:$0xA1A0] =	vst v19;
	v62 =	vpop (erf)  }
0x75c: {  	[tilespmem:$0xA1B0] =	vst v20;
	v2 =	vadd.f32 $1.000000000e+00, v62  }
0x75d: {  	[tilespmem:$0xA1C0] =	vst v21  }
0x75e: {  	[tilespmem:$0xA1D0] =	vst v22;
	(erf) = vrcp.f32 v2  }
0x75f: {  	[tilespmem:$0xA1E0] =	vst v23  }
0x760: {  	[tilespmem:$0xA1F0] =	vst v24  }
0x761: {  	[tilespmem:$0xA200] =	vst v25  }
0x762: {  	[tilespmem:$0xA210] =	vst v26  }
0x763: {  	[tilespmem:$0xA220] =	vst v27  }
0x764: {  	[tilespmem:$0xA230] =	vst v28  }
0x765: {  	[tilespmem:$0xA240] =	vst v29  }
0x766: {  	s19 =	sadd.s32 $0x1, s19;
	[tilespmem:$0xA250] =	vst v59  }
0x767: {  	p0 =	sne.s32 s19, s10;
	[tilespmem:$0xA260] =	vst v61;
	v63 =	vpop (erf)  }
.Ltmp2:
0x768: {  	[tilespmem:$0xA270] =	vst v63;
	(pc) =	sbr.rel @p0 .LBB2_1-.Ltmp2, $4  }
0x769: {  	[hbm4b:s9+s2] =	stream.linear.scatter [tilespmem:s18], [sflag:$0x2], $0x200, $0x38;
	[tilespmem:$0xA480] =	vst v63  }
0x76a: {  	_ =	swait.ge [sflag:s11], $0x200  }
0x76b: {  	[sflag:s11] =	ssyncset.done $0x0  }
0x76c: {  	[sflag:s11] =	ssyncadd.s32 $0xFFFFFE00  }
0x76d: {  	_ =	sfence.sel $0x180000  }
0x76e: {  	[bflag:$0x0] =	sbarrier.arrive $0xFFFF  }
0x76f: {  	p0 =	sne.s32 s0, $0x0;
	_ =	strace $0x90000047  }
0x770: {  	s0 =	sadd.s32 @!p0 $0x100000, s1;
	[bflag:$0x2] =	sbarrier.arrive $0xFFFF  }
0x771: {  	[sflag:s0] =	ssyncadd.tile.s32 @!p0 $0x1;
	_ =	shalt  }
.Lfunc_end2:
_tile_overlayer_lowered:
.L_overlay_start_2:
0x772: {  	(tag) =	ssettag $0x2  }
0x773: {  	s0 =	rddreg [dreg:$0x0];
	s2 =	stileid.u32  }
0x774: {  	s1 =	rddreg [dreg:$0x1];
	p0 =	sne.s32 s2, $0x0  }
0x775: {  	s3 =	rddreg [dreg:$0x2];
	[bflag:$0x3] =	sbarrier.arrive $0xFFFF;
	s2 =	simm.s32 @!p0 $0x1C02  }
0x776: {  	[timem:s3], [sflag:s2] =	dma.local @!p0 [hbm:s0], s1  }
0x777: {  	s0 =	simm.s32 @!p0 $0x2  }
0x778: {  	_ =	swait.ge @!p0 [sflag:s0], s1  }
0x779: {  	s1 =	ssub.s32 @!p0 $0x0, s1;
	[sflag:s0] =	ssyncset.done @!p0 $0x0  }
0x77a: {  	[sflag:s0] =	ssyncadd.s32 @!p0 s1  }
0x77b: {  	[bflag:$0x3] =	sbarrier.arrive $0xFFFF  }
0x77c: {  	_ =	shalt  }

</sc_bundles>
